<compile_context>
chip_gen: v7x
topology: tpu7x:2x2x1
jax: 0.10.2.dev20260603
libtpu: 0.0.44.dev20260713+nightly
codegen_flags: <defaults>
</compile_context>

<pallas_src>
import jax
import jax.numpy as jnp
from jax import lax
from jax.experimental import pallas as pl
from jax.experimental.pallas import tpu as pltpu
from jax.experimental.pallas import tpu_sc as plsc

N = 10000
E = 320000
F_IN = 128
H = 128
C = 16

NTILE = 32
NSUB = 16
NP = 10240
RPT = NP // NSUB
B = 80
EP = 327680
BPT = EP // (NTILE * B)
KC = 32
NCHUNK = BPT // KC
BLK = 512

_mesh = plsc.VectorSubcoreMesh(core_axis_name="c", subcore_axis_name="s")


def _deg_body(dst2d, ones_hbm, zvec_hbm, out, idx_v, ones_v, deg_sh, ssem):
    c = lax.axis_index("c")
    s = lax.axis_index("s")
    pltpu.sync_copy(zvec_hbm, deg_sh.at[pl.ds(s * RPT, RPT)])
    pltpu.sync_copy(ones_hbm, ones_v)
    plsc.subcore_barrier()
    rbase = (c * NSUB + s) * BPT

    def wait_s1():
        pltpu.make_async_copy(ones_v, deg_sh.at[pl.ds(0, B)], ssem).wait()

    for h in range(NCHUNK):
        pltpu.sync_copy(dst2d.at[pl.ds(rbase + h * KC, KC)], idx_v)

        def inner(j, carry2):
            pltpu.async_copy(ones_v, deg_sh.at[idx_v.at[j]], ssem, add=True)

            @pl.when(j >= 8)
            def _drain():
                wait_s1()

            return carry2

        lax.fori_loop(0, KC, inner, 0)
        for _ in range(8):
            wait_s1()

    plsc.subcore_barrier()
    pltpu.sync_copy(deg_sh.at[pl.ds(s * RPT, RPT)],
                    out.at[pl.ds(c * NP + s * RPT, RPT)])


_deg_call = pl.kernel(
    _deg_body,
    out_type=jax.ShapeDtypeStruct((2 * NP,), jnp.float32),
    mesh=_mesh,
    scratch_types=[
        pltpu.VMEM((KC, B), jnp.int32),
        pltpu.VMEM((B,), jnp.float32),
        pltpu.VMEM_SHARED((NP,), jnp.float32),
        pltpu.SemaphoreType.DMA,
    ],
)




def _mp_body(p_hbm, src2d, dst2d, zrows_hbm, out, src_ch, dst_ch,
             r0, r1, r2, r3, acc_sh, gsem, ssem):
    c = lax.axis_index("c")
    s = lax.axis_index("s")
    pltpu.sync_copy(zrows_hbm, acc_sh.at[pl.ds(s * RPT, RPT)])
    rbase = (c * NSUB + s) * BPT
    plsc.subcore_barrier()
    bufs = (r0, r1, r2, r3)

    def gather(j, buf):
        pltpu.async_copy(p_hbm.at[src_ch.at[j]], buf, gsem)

    def scat(j, buf):
        pltpu.async_copy(buf, acc_sh.at[dst_ch.at[j]], ssem, add=True)

    def wait_g():
        pltpu.make_async_copy(p_hbm.at[pl.ds(0, B)], r0, gsem).wait()

    def wait_s():
        pltpu.make_async_copy(r0, acc_sh.at[pl.ds(0, B)], ssem).wait()

    for h in range(NCHUNK):
        pltpu.sync_copy(src2d.at[pl.ds(rbase + h * KC, KC)], src_ch)
        pltpu.sync_copy(dst2d.at[pl.ds(rbase + h * KC, KC)], dst_ch)
        gather(0, r0)
        gather(1, r1)
        gather(2, r2)

        def grp(g, carry):
            for k in range(4):
                i = g * 4 + k
                wait_g()
                scat(i, bufs[k])

                @pl.when(i >= 1)
                def _drain():
                    wait_s()

                @pl.when(i <= KC - 4)
                def _refill():
                    gather(i + 3, bufs[(k + 3) % 4])
            return carry

        lax.fori_loop(0, KC // 4, grp, 0)
        wait_s()

    plsc.subcore_barrier()
    pltpu.sync_copy(acc_sh.at[pl.ds(s * RPT, RPT)],
                    out.at[pl.ds(c * NP + s * RPT, RPT)])


_mp_call = pl.kernel(
    _mp_body,
    out_type=jax.ShapeDtypeStruct((2 * NP, H), jnp.float32),
    mesh=_mesh,
    scratch_types=[
        pltpu.VMEM((KC, B), jnp.int32),
        pltpu.VMEM((KC, B), jnp.int32),
        pltpu.VMEM((B, H), jnp.float32),
        pltpu.VMEM((B, H), jnp.float32),
        pltpu.VMEM((B, H), jnp.float32),
        pltpu.VMEM((B, H), jnp.float32),
        pltpu.VMEM_SHARED((NP, H), jnp.float32),
        pltpu.SemaphoreType.DMA,
        pltpu.SemaphoreType.DMA,
    ],
)


def _lin1_body(xp_ref, degt_ref, w1_ref, p_ref, dis_ref):
    i = pl.program_id(0)
    deg = degt_ref[:, 0:1] + degt_ref[:, 1:2] + 1.0
    row = i * BLK + lax.broadcasted_iota(jnp.int32, (BLK, 1), 0)
    dis = jnp.where(row < N, lax.rsqrt(deg), 0.0)
    dis_ref[...] = dis
    h = jnp.dot(xp_ref[...], w1_ref[...], preferred_element_type=jnp.float32)
    p_ref[...] = h * dis


_lin1 = pl.pallas_call(
    _lin1_body,
    grid=(NP // BLK,),
    in_specs=[
        pl.BlockSpec((BLK, F_IN), lambda i: (i, 0)),
        pl.BlockSpec((BLK, 2), lambda i: (i, 0)),
        pl.BlockSpec((F_IN, H), lambda i: (0, 0)),
    ],
    out_specs=[
        pl.BlockSpec((BLK, H), lambda i: (i, 0)),
        pl.BlockSpec((BLK, 1), lambda i: (i, 0)),
    ],
    out_shape=[
        jax.ShapeDtypeStruct((NP, H), jnp.float32),
        jax.ShapeDtypeStruct((NP, 1), jnp.float32),
    ],
)


def _lin2_body(s_ref, p_ref, dis_ref, b1_ref, w2_ref, out_ref):
    t = dis_ref[...] * (s_ref[0] + s_ref[1] + p_ref[...]) + b1_ref[...]
    h1 = jnp.maximum(t, 0.0)
    out_ref[...] = jnp.dot(
        h1, w2_ref[...], preferred_element_type=jnp.float32) * dis_ref[...]


_lin2 = pl.pallas_call(
    _lin2_body,
    grid=(NP // BLK,),
    in_specs=[
        pl.BlockSpec((2, BLK, H), lambda i: (0, i, 0)),
        pl.BlockSpec((BLK, H), lambda i: (i, 0)),
        pl.BlockSpec((BLK, 1), lambda i: (i, 0)),
        pl.BlockSpec((1, H), lambda i: (0, 0)),
        pl.BlockSpec((H, H), lambda i: (0, 0)),
    ],
    out_specs=pl.BlockSpec((BLK, H), lambda i: (i, 0)),
    out_shape=jax.ShapeDtypeStruct((NP, H), jnp.float32),
)


def _head_body(s_ref, p_ref, dis_ref, b2_ref, wl_ref, bl_ref, out_ref,
               acc_ref):
    i = pl.program_id(0)

    @pl.when(i == 0)
    def _init():
        acc_ref[...] = jnp.zeros_like(acc_ref)

    t = dis_ref[...] * (s_ref[0] + s_ref[1] + p_ref[...]) + b2_ref[...]
    acc_ref[...] += jnp.sum(t, axis=0, keepdims=True)

    @pl.when(i == NP // BLK - 1)
    def _fin():
        g = (acc_ref[...] - float(NP - N) * b2_ref[...]) / float(N)
        o = jnp.dot(g, wl_ref[...], preferred_element_type=jnp.float32)
        out_ref[...] = jax.nn.sigmoid(o + bl_ref[...])


_head = pl.pallas_call(
    _head_body,
    grid=(NP // BLK,),
    in_specs=[
        pl.BlockSpec((2, BLK, H), lambda i: (0, i, 0)),
        pl.BlockSpec((BLK, H), lambda i: (i, 0)),
        pl.BlockSpec((BLK, 1), lambda i: (i, 0)),
        pl.BlockSpec((1, H), lambda i: (0, 0)),
        pl.BlockSpec((H, C), lambda i: (0, 0)),
        pl.BlockSpec((1, C), lambda i: (0, 0)),
    ],
    out_specs=pl.BlockSpec((1, C), lambda i: (0, 0)),
    out_shape=jax.ShapeDtypeStruct((1, C), jnp.float32),
    scratch_shapes=[pltpu.VMEM((1, H), jnp.float32)],
)


def kernel(x, edge_index, W1, b1, W2, b2, Wl, bl):
    x_pad = jnp.pad(x, ((0, NP - N), (0, 0)))
    pad_idx = N + jnp.arange(EP - E, dtype=jnp.int32) % (NP - N)
    pad = jnp.stack([pad_idx, pad_idx])
    eip = jnp.concatenate([edge_index.astype(jnp.int32), pad], axis=1)
    src2d = eip[0].reshape(EP // B, B)
    dst2d = eip[1].reshape(EP // B, B)
    ones_vec = jnp.ones((B,), jnp.float32)
    zvec = jnp.zeros((RPT,), jnp.float32)
    zrows = jnp.zeros((RPT, H), jnp.float32)

    degp = _deg_call(dst2d, ones_vec, zvec)
    degt = degp.reshape(2, NP).T

    P1, dis = _lin1(x_pad, degt, W1)
    S1 = _mp_call(P1, src2d, dst2d, zrows).reshape(2, NP, H)
    P2 = _lin2(S1, P1, dis, b1.reshape(1, H), W2)
    S2 = _mp_call(P2, src2d, dst2d, zrows).reshape(2, NP, H)
    return _head(S2, P2, dis, b2.reshape(1, H), Wl, bl.reshape(1, C))

# --- scband reference (transcript-rebuilt; emitter-appended) ---
"""Pipeline reference for scband-gcn-11458972745815 (READ-ONLY COPY).

The authoritative reference and input builder live on the scoring server;
editing this copy changes nothing except your own understanding.
"""

import jax, jax.numpy as jnp
import numpy as np

N = 10000
E = 320000
F_IN = 128
H = 128
C = 16


def gcn_conv(x, edge_index, W, b):
    n = x.shape[0]
    loop = jnp.arange(n, dtype=edge_index.dtype)
    src = jnp.concatenate([edge_index[0], loop])
    dst = jnp.concatenate([edge_index[1], loop])
    deg = jnp.zeros((n,), jnp.float32).at[dst].add(1.0)
    dis = jnp.where(deg > 0, 1.0 / jnp.sqrt(deg), 0.0)
    norm = dis[src] * dis[dst]
    h = x @ W
    msg = h[src] * norm[:, None]
    out = jnp.zeros((n, W.shape[1]), jnp.float32).at[dst].add(msg)
    return out + b


def setup_inputs(seed: int = 0) -> dict:
    key = jax.random.key(seed)
    ks = jax.random.split(key, 8)
    x = jax.random.normal(ks[0], (N, F_IN), dtype=jnp.float32)
    edge_index = jax.random.randint(ks[1], (2, E), 0, N, dtype=jnp.int32)
    W1 = jax.random.normal(ks[2], (F_IN, H), dtype=jnp.float32) * 0.05
    b1 = jnp.zeros((H,), jnp.float32)
    W2 = jax.random.normal(ks[3], (H, H), dtype=jnp.float32) * 0.05
    b2 = jnp.zeros((H,), jnp.float32)
    Wl = jax.random.normal(ks[4], (H, C), dtype=jnp.float32) * 0.05
    bl = jnp.zeros((C,), jnp.float32)
    return {"x": x, "edge_index": edge_index, "W1": W1, "b1": b1, "W2": W2, "b2": b2, "Wl": Wl, "bl": bl}


def reference(x, edge_index, W1, b1, W2, b2, Wl, bl):
    h = gcn_conv(x, edge_index, W1, b1)
    h = jax.nn.relu(h)
    # dropout is identity in eval mode
    h = gcn_conv(h, edge_index, W2, b2)
    g = jnp.mean(h, axis=0, keepdims=True)  # global_mean_pool with batch=None
    out = g @ Wl + bl
    return jax.nn.sigmoid(out)

if __name__ == "__main__":
    import jax
    _d = setup_inputs()
    print(jax.jit(kernel)(*tuple(_d.values())))

</pallas_src>

<mosaic_0001>
#map = affine_map<(d0, d1) -> (0, 0)>
module attributes {stable_mosaic.version = 14 : i64} {
  func.func @_mp_body(%arg0: i32, %arg1: i32, %arg2: memref<10240x128xf32, #tpu.memory_space<hbm>>, %arg3: memref<4096x80xi32, #tpu.memory_space<hbm>>, %arg4: memref<4096x80xi32, #tpu.memory_space<hbm>>, %arg5: memref<640x128xf32, #tpu.memory_space<hbm>>, %arg6: memref<20480x128xf32, #tpu.memory_space<hbm>>, %arg7: memref<32x80xi32, #tpu.memory_space<vmem>>, %arg8: memref<32x80xi32, #tpu.memory_space<vmem>>, %arg9: memref<80x128xf32, #tpu.memory_space<vmem>>, %arg10: memref<80x128xf32, #tpu.memory_space<vmem>>, %arg11: memref<80x128xf32, #tpu.memory_space<vmem>>, %arg12: memref<80x128xf32, #tpu.memory_space<vmem>>, %arg13: memref<10240x128xf32, #tpu.memory_space<vmem_shared>>, %arg14: memref<!tpu.dma_semaphore, #tpu.memory_space<semaphore_mem>>, %arg15: memref<!tpu.dma_semaphore, #tpu.memory_space<semaphore_mem>>) attributes {dimension_semantics = [#tpu.dimension_semantics<core_parallel>, #tpu.dimension_semantics<subcore_parallel>], iteration_bounds = array<i64: 2, 16>, scalar_prefetch = 0 : i64, scratch_operands = 9 : i64, tpu.core_type = #tpu.core_type<sc_vector_subcore>, window_params = [{transform_indices = #map}, {transform_indices = #map}, {transform_indices = #map}, {transform_indices = #map}, {transform_indices = #map}]} {
    %mul3A = arith.constant 640 : i32
    %mul3A_0 = arith.muli %arg1, %mul3A : i32
    "tpu.region"() ({
      %run_scoped3A = tpu.sem_alloc : memref<!tpu.dma_semaphore, #tpu.memory_space<semaphore_mem>>
      %dma_start3A_158 = arith.constant 0 : i32
      %dma_start3A_159 = tpu.memref_slice %arg13[%mul3A_0, %dma_start3A_158] : memref<10240x128xf32, #tpu.memory_space<vmem_shared>> -> memref<640x128xf32, #tpu.memory_space<vmem_shared>>
      tpu.enqueue_dma source(%arg5 : memref<640x128xf32, #tpu.memory_space<hbm>>) target(%dma_start3A_159 : memref<640x128xf32, #tpu.memory_space<vmem_shared>>) target_semaphore(%run_scoped3A : memref<!tpu.dma_semaphore, #tpu.memory_space<semaphore_mem>>)
      %dma_wait3A_160 = arith.constant 0 : i32
      %dma_wait3A_161 = tpu.memref_slice %arg13[%mul3A_0, %dma_wait3A_160] : memref<10240x128xf32, #tpu.memory_space<vmem_shared>> -> memref<640x128xf32, #tpu.memory_space<vmem_shared>>
      tpu.wait_dma2 semaphore(%run_scoped3A : memref<!tpu.dma_semaphore, #tpu.memory_space<semaphore_mem>>) src(%arg5 : memref<640x128xf32, #tpu.memory_space<hbm>>) dst(%dma_wait3A_161 : memref<640x128xf32, #tpu.memory_space<vmem_shared>>)
      tpu.yield
    }) : () -> ()
    %mul3A_1 = arith.constant 16 : i32
    %mul3A_2 = arith.muli %arg0, %mul3A_1 : i32
    %add3A = arith.addi %mul3A_2, %arg1 : i32
    %mul3A_3 = arith.constant 128 : i32
    %mul3A_4 = arith.muli %add3A, %mul3A_3 : i32
    %barrier3A = arith.constant 0 : index
    tpu.barrier barrier_id(%barrier3A)
    %add3A_5 = arith.constant 0 : i32
    %add3A_6 = arith.addi %mul3A_4, %add3A_5 : i32
    "tpu.region"() ({
      %run_scoped3A = tpu.sem_alloc : memref<!tpu.dma_semaphore, #tpu.memory_space<semaphore_mem>>
      %dma_start3A_158 = arith.constant 0 : i32
      %dma_start3A_159 = tpu.memref_slice %arg3[%add3A_6, %dma_start3A_158] : memref<4096x80xi32, #tpu.memory_space<hbm>> -> memref<32x80xi32, #tpu.memory_space<hbm>>
      %dma_start3A_160 = arith.constant 0 : i32
      %dma_start3A_161 = tpu.memref_slice %arg3[%add3A_6, %dma_start3A_160] : memref<4096x80xi32, #tpu.memory_space<hbm>> -> memref<32x80xi32, #tpu.memory_space<hbm>>
      tpu.enqueue_dma source(%dma_start3A_161 : memref<32x80xi32, #tpu.memory_space<hbm>>) target(%arg7 : memref<32x80xi32, #tpu.memory_space<vmem>>) target_semaphore(%run_scoped3A : memref<!tpu.dma_semaphore, #tpu.memory_space<semaphore_mem>>)
      %dma_wait3A_162 = arith.constant 0 : i32
      %dma_wait3A_163 = tpu.memref_slice %arg3[%add3A_6, %dma_wait3A_162] : memref<4096x80xi32, #tpu.memory_space<hbm>> -> memref<32x80xi32, #tpu.memory_space<hbm>>
      %dma_wait3A_164 = arith.constant 0 : i32
      %dma_wait3A_165 = tpu.memref_slice %arg3[%add3A_6, %dma_wait3A_164] : memref<4096x80xi32, #tpu.memory_space<hbm>> -> memref<32x80xi32, #tpu.memory_space<hbm>>
      tpu.wait_dma2 semaphore(%run_scoped3A : memref<!tpu.dma_semaphore, #tpu.memory_space<semaphore_mem>>) src(%dma_wait3A_165 : memref<32x80xi32, #tpu.memory_space<hbm>>) dst(%arg7 : memref<32x80xi32, #tpu.memory_space<vmem>>)
      tpu.yield
    }) : () -> ()
    %add3A_7 = arith.constant 0 : i32
    %add3A_8 = arith.addi %mul3A_4, %add3A_7 : i32
    "tpu.region"() ({
      %run_scoped3A = tpu.sem_alloc : memref<!tpu.dma_semaphore, #tpu.memory_space<semaphore_mem>>
      %dma_start3A_158 = arith.constant 0 : i32
      %dma_start3A_159 = tpu.memref_slice %arg4[%add3A_8, %dma_start3A_158] : memref<4096x80xi32, #tpu.memory_space<hbm>> -> memref<32x80xi32, #tpu.memory_space<hbm>>
      %dma_start3A_160 = arith.constant 0 : i32
      %dma_start3A_161 = tpu.memref_slice %arg4[%add3A_8, %dma_start3A_160] : memref<4096x80xi32, #tpu.memory_space<hbm>> -> memref<32x80xi32, #tpu.memory_space<hbm>>
      tpu.enqueue_dma source(%dma_start3A_161 : memref<32x80xi32, #tpu.memory_space<hbm>>) target(%arg8 : memref<32x80xi32, #tpu.memory_space<vmem>>) target_semaphore(%run_scoped3A : memref<!tpu.dma_semaphore, #tpu.memory_space<semaphore_mem>>)
      %dma_wait3A_162 = arith.constant 0 : i32
      %dma_wait3A_163 = tpu.memref_slice %arg4[%add3A_8, %dma_wait3A_162] : memref<4096x80xi32, #tpu.memory_space<hbm>> -> memref<32x80xi32, #tpu.memory_space<hbm>>
      %dma_wait3A_164 = arith.constant 0 : i32
      %dma_wait3A_165 = tpu.memref_slice %arg4[%add3A_8, %dma_wait3A_164] : memref<4096x80xi32, #tpu.memory_space<hbm>> -> memref<32x80xi32, #tpu.memory_space<hbm>>
      tpu.wait_dma2 semaphore(%run_scoped3A : memref<!tpu.dma_semaphore, #tpu.memory_space<semaphore_mem>>) src(%dma_wait3A_165 : memref<32x80xi32, #tpu.memory_space<hbm>>) dst(%arg8 : memref<32x80xi32, #tpu.memory_space<vmem>>)
      tpu.yield
    }) : () -> ()
    %dma_start3A = arith.constant 0 : i32
    %dma_start3A_9 = arith.constant 0 : i32
    %dma_start3A_10 = tpu.memref_slice %arg7[%dma_start3A, %dma_start3A_9] : memref<32x80xi32, #tpu.memory_space<vmem>> -> memref<1x80xi32, #tpu.memory_space<vmem>>
    %dma_start3A_11 = tpu.memref_squeeze %dma_start3A_10 : memref<1x80xi32, #tpu.memory_space<vmem>> -> memref<80xi32, #tpu.memory_space<vmem>>
    %dma_start3A_12 = arith.constant 0 : i32
    %dma_start3A_13 = arith.constant 0 : i32
    %dma_start3A_14 = tpu.memref_slice %arg2[%dma_start3A_12, %dma_start3A_13] : memref<10240x128xf32, #tpu.memory_space<hbm>> -> memref<10240x128xf32, #tpu.memory_space<hbm>>
    tpu.enqueue_indirect_dma source(%dma_start3A_14 : memref<10240x128xf32, #tpu.memory_space<hbm>>) target(%arg9 : memref<80x128xf32, #tpu.memory_space<vmem>>) offsets(%dma_start3A_11 : memref<80xi32, #tpu.memory_space<vmem>>) semaphore(%arg14 : memref<!tpu.dma_semaphore, #tpu.memory_space<semaphore_mem>>)
    %dma_start3A_15 = arith.constant 1 : i32
    %dma_start3A_16 = arith.constant 0 : i32
    %dma_start3A_17 = tpu.memref_slice %arg7[%dma_start3A_15, %dma_start3A_16] : memref<32x80xi32, #tpu.memory_space<vmem>> -> memref<1x80xi32, #tpu.memory_space<vmem>>
    %dma_start3A_18 = tpu.memref_squeeze %dma_start3A_17 : memref<1x80xi32, #tpu.memory_space<vmem>> -> memref<80xi32, #tpu.memory_space<vmem>>
    %dma_start3A_19 = arith.constant 0 : i32
    %dma_start3A_20 = arith.constant 0 : i32
    %dma_start3A_21 = tpu.memref_slice %arg2[%dma_start3A_19, %dma_start3A_20] : memref<10240x128xf32, #tpu.memory_space<hbm>> -> memref<10240x128xf32, #tpu.memory_space<hbm>>
    tpu.enqueue_indirect_dma source(%dma_start3A_21 : memref<10240x128xf32, #tpu.memory_space<hbm>>) target(%arg10 : memref<80x128xf32, #tpu.memory_space<vmem>>) offsets(%dma_start3A_18 : memref<80xi32, #tpu.memory_space<vmem>>) semaphore(%arg14 : memref<!tpu.dma_semaphore, #tpu.memory_space<semaphore_mem>>)
    %dma_start3A_22 = arith.constant 2 : i32
    %dma_start3A_23 = arith.constant 0 : i32
    %dma_start3A_24 = tpu.memref_slice %arg7[%dma_start3A_22, %dma_start3A_23] : memref<32x80xi32, #tpu.memory_space<vmem>> -> memref<1x80xi32, #tpu.memory_space<vmem>>
    %dma_start3A_25 = tpu.memref_squeeze %dma_start3A_24 : memref<1x80xi32, #tpu.memory_space<vmem>> -> memref<80xi32, #tpu.memory_space<vmem>>
    %dma_start3A_26 = arith.constant 0 : i32
    %dma_start3A_27 = arith.constant 0 : i32
    %dma_start3A_28 = tpu.memref_slice %arg2[%dma_start3A_26, %dma_start3A_27] : memref<10240x128xf32, #tpu.memory_space<hbm>> -> memref<10240x128xf32, #tpu.memory_space<hbm>>
    tpu.enqueue_indirect_dma source(%dma_start3A_28 : memref<10240x128xf32, #tpu.memory_space<hbm>>) target(%arg11 : memref<80x128xf32, #tpu.memory_space<vmem>>) offsets(%dma_start3A_25 : memref<80xi32, #tpu.memory_space<vmem>>) semaphore(%arg14 : memref<!tpu.dma_semaphore, #tpu.memory_space<semaphore_mem>>)
    %scan3A = arith.constant 0 : i32
    %scan3A_29 = arith.constant 0 : i32
    %scan3A_30 = arith.constant 8 : i32
    %scan3A_31 = arith.addi %scan3A_29, %scan3A_30 : i32
    %scan3A_32 = arith.constant 1 : i32
    scf.for %scan3A_158 = %scan3A_29 to %scan3A_31 step %scan3A_32  : i32 {
      %mul3A_159 = arith.constant 4 : i32
      %mul3A_160 = arith.muli %scan3A_158, %mul3A_159 : i32
      %add3A_161 = arith.constant 0 : i32
      %add3A_162 = arith.addi %mul3A_160, %add3A_161 : i32
      %dma_wait3A_163 = arith.constant 0 : i32
      %dma_wait3A_164 = arith.constant 0 : i32
      %dma_wait3A_165 = tpu.memref_slice %arg2[%dma_wait3A_163, %dma_wait3A_164] : memref<10240x128xf32, #tpu.memory_space<hbm>> -> memref<80x128xf32, #tpu.memory_space<hbm>>
      %dma_wait3A_166 = arith.constant 0 : i32
      %dma_wait3A_167 = arith.constant 0 : i32
      %dma_wait3A_168 = tpu.memref_slice %arg2[%dma_wait3A_166, %dma_wait3A_167] : memref<10240x128xf32, #tpu.memory_space<hbm>> -> memref<80x128xf32, #tpu.memory_space<hbm>>
      tpu.wait_dma2 semaphore(%arg14 : memref<!tpu.dma_semaphore, #tpu.memory_space<semaphore_mem>>) src(%dma_wait3A_168 : memref<80x128xf32, #tpu.memory_space<hbm>>) dst(%arg9 : memref<80x128xf32, #tpu.memory_space<vmem>>)
      %dma_start3A_169 = arith.constant 0 : i32
      %dma_start3A_170 = tpu.memref_slice %arg8[%add3A_162, %dma_start3A_169] : memref<32x80xi32, #tpu.memory_space<vmem>> -> memref<1x80xi32, #tpu.memory_space<vmem>>
      %dma_start3A_171 = tpu.memref_squeeze %dma_start3A_170 : memref<1x80xi32, #tpu.memory_space<vmem>> -> memref<80xi32, #tpu.memory_space<vmem>>
      %dma_start3A_172 = arith.constant 0 : i32
      %dma_start3A_173 = arith.constant 0 : i32
      %dma_start3A_174 = tpu.memref_slice %arg13[%dma_start3A_172, %dma_start3A_173] : memref<10240x128xf32, #tpu.memory_space<vmem_shared>> -> memref<10240x128xf32, #tpu.memory_space<vmem_shared>>
      tpu.enqueue_indirect_dma source(%arg9 : memref<80x128xf32, #tpu.memory_space<vmem>>) target(%dma_start3A_174 : memref<10240x128xf32, #tpu.memory_space<vmem_shared>>) offsets(%dma_start3A_171 : memref<80xi32, #tpu.memory_space<vmem>>) semaphore(%arg15 : memref<!tpu.dma_semaphore, #tpu.memory_space<semaphore_mem>>) {add = true}
      %ge3A = arith.constant 1 : i32
      %ge3A_175 = arith.cmpi sge, %add3A_162, %ge3A : i32
      %convert_element_type3A = arith.extui %ge3A_175 : i1 to i32
      %cond3A = arith.constant 0 : i32
      %cond3A_176 = arith.cmpi ne, %convert_element_type3A, %cond3A : i32
      scf.if %cond3A_176 {
        %dma_wait3A_259 = arith.constant 0 : i32
        %dma_wait3A_260 = arith.constant 0 : i32
        %dma_wait3A_261 = tpu.memref_slice %arg13[%dma_wait3A_259, %dma_wait3A_260] : memref<10240x128xf32, #tpu.memory_space<vmem_shared>> -> memref<80x128xf32, #tpu.memory_space<vmem_shared>>
        %dma_wait3A_262 = arith.constant 0 : i32
        %dma_wait3A_263 = arith.constant 0 : i32
        %dma_wait3A_264 = tpu.memref_slice %arg13[%dma_wait3A_262, %dma_wait3A_263] : memref<10240x128xf32, #tpu.memory_space<vmem_shared>> -> memref<80x128xf32, #tpu.memory_space<vmem_shared>>
        tpu.wait_dma2 semaphore(%arg15 : memref<!tpu.dma_semaphore, #tpu.memory_space<semaphore_mem>>) src(%arg9 : memref<80x128xf32, #tpu.memory_space<vmem>>) dst(%dma_wait3A_264 : memref<80x128xf32, #tpu.memory_space<vmem_shared>>)
      } else {
      }
      %le3A = arith.constant 28 : i32
      %le3A_177 = arith.cmpi sle, %add3A_162, %le3A : i32
      %convert_element_type3A_178 = arith.extui %le3A_177 : i1 to i32
      %cond3A_179 = arith.constant 0 : i32
      %cond3A_180 = arith.cmpi ne, %convert_element_type3A_178, %cond3A_179 : i32
      scf.if %cond3A_180 {
        %add3A_259 = arith.constant 3 : i32
        %add3A_260 = arith.addi %add3A_162, %add3A_259 : i32
        %dma_start3A_261 = arith.constant 0 : i32
        %dma_start3A_262 = tpu.memref_slice %arg7[%add3A_260, %dma_start3A_261] : memref<32x80xi32, #tpu.memory_space<vmem>> -> memref<1x80xi32, #tpu.memory_space<vmem>>
        %dma_start3A_263 = tpu.memref_squeeze %dma_start3A_262 : memref<1x80xi32, #tpu.memory_space<vmem>> -> memref<80xi32, #tpu.memory_space<vmem>>
        %dma_start3A_264 = arith.constant 0 : i32
        %dma_start3A_265 = arith.constant 0 : i32
        %dma_start3A_266 = tpu.memref_slice %arg2[%dma_start3A_264, %dma_start3A_265] : memref<10240x128xf32, #tpu.memory_space<hbm>> -> memref<10240x128xf32, #tpu.memory_space<hbm>>
        tpu.enqueue_indirect_dma source(%dma_start3A_266 : memref<10240x128xf32, #tpu.memory_space<hbm>>) target(%arg12 : memref<80x128xf32, #tpu.memory_space<vmem>>) offsets(%dma_start3A_263 : memref<80xi32, #tpu.memory_space<vmem>>) semaphore(%arg14 : memref<!tpu.dma_semaphore, #tpu.memory_space<semaphore_mem>>)
      } else {
      }
      %mul3A_181 = arith.constant 4 : i32
      %mul3A_182 = arith.muli %scan3A_158, %mul3A_181 : i32
      %add3A_183 = arith.constant 1 : i32
      %add3A_184 = arith.addi %mul3A_182, %add3A_183 : i32
      %dma_wait3A_185 = arith.constant 0 : i32
      %dma_wait3A_186 = arith.constant 0 : i32
      %dma_wait3A_187 = tpu.memref_slice %arg2[%dma_wait3A_185, %dma_wait3A_186] : memref<10240x128xf32, #tpu.memory_space<hbm>> -> memref<80x128xf32, #tpu.memory_space<hbm>>
      %dma_wait3A_188 = arith.constant 0 : i32
      %dma_wait3A_189 = arith.constant 0 : i32
      %dma_wait3A_190 = tpu.memref_slice %arg2[%dma_wait3A_188, %dma_wait3A_189] : memref<10240x128xf32, #tpu.memory_space<hbm>> -> memref<80x128xf32, #tpu.memory_space<hbm>>
      tpu.wait_dma2 semaphore(%arg14 : memref<!tpu.dma_semaphore, #tpu.memory_space<semaphore_mem>>) src(%dma_wait3A_190 : memref<80x128xf32, #tpu.memory_space<hbm>>) dst(%arg9 : memref<80x128xf32, #tpu.memory_space<vmem>>)
      %dma_start3A_191 = arith.constant 0 : i32
      %dma_start3A_192 = tpu.memref_slice %arg8[%add3A_184, %dma_start3A_191] : memref<32x80xi32, #tpu.memory_space<vmem>> -> memref<1x80xi32, #tpu.memory_space<vmem>>
      %dma_start3A_193 = tpu.memref_squeeze %dma_start3A_192 : memref<1x80xi32, #tpu.memory_space<vmem>> -> memref<80xi32, #tpu.memory_space<vmem>>
      %dma_start3A_194 = arith.constant 0 : i32
      %dma_start3A_195 = arith.constant 0 : i32
      %dma_start3A_196 = tpu.memref_slice %arg13[%dma_start3A_194, %dma_start3A_195] : memref<10240x128xf32, #tpu.memory_space<vmem_shared>> -> memref<10240x128xf32, #tpu.memory_space<vmem_shared>>
      tpu.enqueue_indirect_dma source(%arg10 : memref<80x128xf32, #tpu.memory_space<vmem>>) target(%dma_start3A_196 : memref<10240x128xf32, #tpu.memory_space<vmem_shared>>) offsets(%dma_start3A_193 : memref<80xi32, #tpu.memory_space<vmem>>) semaphore(%arg15 : memref<!tpu.dma_semaphore, #tpu.memory_space<semaphore_mem>>) {add = true}
      %ge3A_197 = arith.constant 1 : i32
      %ge3A_198 = arith.cmpi sge, %add3A_184, %ge3A_197 : i32
      %convert_element_type3A_199 = arith.extui %ge3A_198 : i1 to i32
      %cond3A_200 = arith.constant 0 : i32
      %cond3A_201 = arith.cmpi ne, %convert_element_type3A_199, %cond3A_200 : i32
      scf.if %cond3A_201 {
        %dma_wait3A_259 = arith.constant 0 : i32
        %dma_wait3A_260 = arith.constant 0 : i32
        %dma_wait3A_261 = tpu.memref_slice %arg13[%dma_wait3A_259, %dma_wait3A_260] : memref<10240x128xf32, #tpu.memory_space<vmem_shared>> -> memref<80x128xf32, #tpu.memory_space<vmem_shared>>
        %dma_wait3A_262 = arith.constant 0 : i32
        %dma_wait3A_263 = arith.constant 0 : i32
        %dma_wait3A_264 = tpu.memref_slice %arg13[%dma_wait3A_262, %dma_wait3A_263] : memref<10240x128xf32, #tpu.memory_space<vmem_shared>> -> memref<80x128xf32, #tpu.memory_space<vmem_shared>>
        tpu.wait_dma2 semaphore(%arg15 : memref<!tpu.dma_semaphore, #tpu.memory_space<semaphore_mem>>) src(%arg9 : memref<80x128xf32, #tpu.memory_space<vmem>>) dst(%dma_wait3A_264 : memref<80x128xf32, #tpu.memory_space<vmem_shared>>)
      } else {
      }
      %le3A_202 = arith.constant 28 : i32
      %le3A_203 = arith.cmpi sle, %add3A_184, %le3A_202 : i32
      %convert_element_type3A_204 = arith.extui %le3A_203 : i1 to i32
      %cond3A_205 = arith.constant 0 : i32
      %cond3A_206 = arith.cmpi ne, %convert_element_type3A_204, %cond3A_205 : i32
      scf.if %cond3A_206 {
        %add3A_259 = arith.constant 3 : i32
        %add3A_260 = arith.addi %add3A_184, %add3A_259 : i32
        %dma_start3A_261 = arith.constant 0 : i32
        %dma_start3A_262 = tpu.memref_slice %arg7[%add3A_260, %dma_start3A_261] : memref<32x80xi32, #tpu.memory_space<vmem>> -> memref<1x80xi32, #tpu.memory_space<vmem>>
        %dma_start3A_263 = tpu.memref_squeeze %dma_start3A_262 : memref<1x80xi32, #tpu.memory_space<vmem>> -> memref<80xi32, #tpu.memory_space<vmem>>
        %dma_start3A_264 = arith.constant 0 : i32
        %dma_start3A_265 = arith.constant 0 : i32
        %dma_start3A_266 = tpu.memref_slice %arg2[%dma_start3A_264, %dma_start3A_265] : memref<10240x128xf32, #tpu.memory_space<hbm>> -> memref<10240x128xf32, #tpu.memory_space<hbm>>
        tpu.enqueue_indirect_dma source(%dma_start3A_266 : memref<10240x128xf32, #tpu.memory_space<hbm>>) target(%arg9 : memref<80x128xf32, #tpu.memory_space<vmem>>) offsets(%dma_start3A_263 : memref<80xi32, #tpu.memory_space<vmem>>) semaphore(%arg14 : memref<!tpu.dma_semaphore, #tpu.memory_space<semaphore_mem>>)
      } else {
      }
      %mul3A_207 = arith.constant 4 : i32
      %mul3A_208 = arith.muli %scan3A_158, %mul3A_207 : i32
      %add3A_209 = arith.constant 2 : i32
      %add3A_210 = arith.addi %mul3A_208, %add3A_209 : i32
      %dma_wait3A_211 = arith.constant 0 : i32
      %dma_wait3A_212 = arith.constant 0 : i32
      %dma_wait3A_213 = tpu.memref_slice %arg2[%dma_wait3A_211, %dma_wait3A_212] : memref<10240x128xf32, #tpu.memory_space<hbm>> -> memref<80x128xf32, #tpu.memory_space<hbm>>
      %dma_wait3A_214 = arith.constant 0 : i32
      %dma_wait3A_215 = arith.constant 0 : i32
      %dma_wait3A_216 = tpu.memref_slice %arg2[%dma_wait3A_214, %dma_wait3A_215] : memref<10240x128xf32, #tpu.memory_space<hbm>> -> memref<80x128xf32, #tpu.memory_space<hbm>>
      tpu.wait_dma2 semaphore(%arg14 : memref<!tpu.dma_semaphore, #tpu.memory_space<semaphore_mem>>) src(%dma_wait3A_216 : memref<80x128xf32, #tpu.memory_space<hbm>>) dst(%arg9 : memref<80x128xf32, #tpu.memory_space<vmem>>)
      %dma_start3A_217 = arith.constant 0 : i32
      %dma_start3A_218 = tpu.memref_slice %arg8[%add3A_210, %dma_start3A_217] : memref<32x80xi32, #tpu.memory_space<vmem>> -> memref<1x80xi32, #tpu.memory_space<vmem>>
      %dma_start3A_219 = tpu.memref_squeeze %dma_start3A_218 : memref<1x80xi32, #tpu.memory_space<vmem>> -> memref<80xi32, #tpu.memory_space<vmem>>
      %dma_start3A_220 = arith.constant 0 : i32
      %dma_start3A_221 = arith.constant 0 : i32
      %dma_start3A_222 = tpu.memref_slice %arg13[%dma_start3A_220, %dma_start3A_221] : memref<10240x128xf32, #tpu.memory_space<vmem_shared>> -> memref<10240x128xf32, #tpu.memory_space<vmem_shared>>
      tpu.enqueue_indirect_dma source(%arg11 : memref<80x128xf32, #tpu.memory_space<vmem>>) target(%dma_start3A_222 : memref<10240x128xf32, #tpu.memory_space<vmem_shared>>) offsets(%dma_start3A_219 : memref<80xi32, #tpu.memory_space<vmem>>) semaphore(%arg15 : memref<!tpu.dma_semaphore, #tpu.memory_space<semaphore_mem>>) {add = true}
      %ge3A_223 = arith.constant 1 : i32
      %ge3A_224 = arith.cmpi sge, %add3A_210, %ge3A_223 : i32
      %convert_element_type3A_225 = arith.extui %ge3A_224 : i1 to i32
      %cond3A_226 = arith.constant 0 : i32
      %cond3A_227 = arith.cmpi ne, %convert_element_type3A_225, %cond3A_226 : i32
      scf.if %cond3A_227 {
        %dma_wait3A_259 = arith.constant 0 : i32
        %dma_wait3A_260 = arith.constant 0 : i32
        %dma_wait3A_261 = tpu.memref_slice %arg13[%dma_wait3A_259, %dma_wait3A_260] : memref<10240x128xf32, #tpu.memory_space<vmem_shared>> -> memref<80x128xf32, #tpu.memory_space<vmem_shared>>
        %dma_wait3A_262 = arith.constant 0 : i32
        %dma_wait3A_263 = arith.constant 0 : i32
        %dma_wait3A_264 = tpu.memref_slice %arg13[%dma_wait3A_262, %dma_wait3A_263] : memref<10240x128xf32, #tpu.memory_space<vmem_shared>> -> memref<80x128xf32, #tpu.memory_space<vmem_shared>>
        tpu.wait_dma2 semaphore(%arg15 : memref<!tpu.dma_semaphore, #tpu.memory_space<semaphore_mem>>) src(%arg9 : memref<80x128xf32, #tpu.memory_space<vmem>>) dst(%dma_wait3A_264 : memref<80x128xf32, #tpu.memory_space<vmem_shared>>)
      } else {
      }
      %le3A_228 = arith.constant 28 : i32
      %le3A_229 = arith.cmpi sle, %add3A_210, %le3A_228 : i32
      %convert_element_type3A_230 = arith.extui %le3A_229 : i1 to i32
      %cond3A_231 = arith.constant 0 : i32
      %cond3A_232 = arith.cmpi ne, %convert_element_type3A_230, %cond3A_231 : i32
      scf.if %cond3A_232 {
        %add3A_259 = arith.constant 3 : i32
        %add3A_260 = arith.addi %add3A_210, %add3A_259 : i32
        %dma_start3A_261 = arith.constant 0 : i32
        %dma_start3A_262 = tpu.memref_slice %arg7[%add3A_260, %dma_start3A_261] : memref<32x80xi32, #tpu.memory_space<vmem>> -> memref<1x80xi32, #tpu.memory_space<vmem>>
        %dma_start3A_263 = tpu.memref_squeeze %dma_start3A_262 : memref<1x80xi32, #tpu.memory_space<vmem>> -> memref<80xi32, #tpu.memory_space<vmem>>
        %dma_start3A_264 = arith.constant 0 : i32
        %dma_start3A_265 = arith.constant 0 : i32
        %dma_start3A_266 = tpu.memref_slice %arg2[%dma_start3A_264, %dma_start3A_265] : memref<10240x128xf32, #tpu.memory_space<hbm>> -> memref<10240x128xf32, #tpu.memory_space<hbm>>
        tpu.enqueue_indirect_dma source(%dma_start3A_266 : memref<10240x128xf32, #tpu.memory_space<hbm>>) target(%arg10 : memref<80x128xf32, #tpu.memory_space<vmem>>) offsets(%dma_start3A_263 : memref<80xi32, #tpu.memory_space<vmem>>) semaphore(%arg14 : memref<!tpu.dma_semaphore, #tpu.memory_space<semaphore_mem>>)
      } else {
      }
      %mul3A_233 = arith.constant 4 : i32
      %mul3A_234 = arith.muli %scan3A_158, %mul3A_233 : i32
      %add3A_235 = arith.constant 3 : i32
      %add3A_236 = arith.addi %mul3A_234, %add3A_235 : i32
      %dma_wait3A_237 = arith.constant 0 : i32
      %dma_wait3A_238 = arith.constant 0 : i32
      %dma_wait3A_239 = tpu.memref_slice %arg2[%dma_wait3A_237, %dma_wait3A_238] : memref<10240x128xf32, #tpu.memory_space<hbm>> -> memref<80x128xf32, #tpu.memory_space<hbm>>
      %dma_wait3A_240 = arith.constant 0 : i32
      %dma_wait3A_241 = arith.constant 0 : i32
      %dma_wait3A_242 = tpu.memref_slice %arg2[%dma_wait3A_240, %dma_wait3A_241] : memref<10240x128xf32, #tpu.memory_space<hbm>> -> memref<80x128xf32, #tpu.memory_space<hbm>>
      tpu.wait_dma2 semaphore(%arg14 : memref<!tpu.dma_semaphore, #tpu.memory_space<semaphore_mem>>) src(%dma_wait3A_242 : memref<80x128xf32, #tpu.memory_space<hbm>>) dst(%arg9 : memref<80x128xf32, #tpu.memory_space<vmem>>)
      %dma_start3A_243 = arith.constant 0 : i32
      %dma_start3A_244 = tpu.memref_slice %arg8[%add3A_236, %dma_start3A_243] : memref<32x80xi32, #tpu.memory_space<vmem>> -> memref<1x80xi32, #tpu.memory_space<vmem>>
      %dma_start3A_245 = tpu.memref_squeeze %dma_start3A_244 : memref<1x80xi32, #tpu.memory_space<vmem>> -> memref<80xi32, #tpu.memory_space<vmem>>
      %dma_start3A_246 = arith.constant 0 : i32
      %dma_start3A_247 = arith.constant 0 : i32
      %dma_start3A_248 = tpu.memref_slice %arg13[%dma_start3A_246, %dma_start3A_247] : memref<10240x128xf32, #tpu.memory_space<vmem_shared>> -> memref<10240x128xf32, #tpu.memory_space<vmem_shared>>
      tpu.enqueue_indirect_dma source(%arg12 : memref<80x128xf32, #tpu.memory_space<vmem>>) target(%dma_start3A_248 : memref<10240x128xf32, #tpu.memory_space<vmem_shared>>) offsets(%dma_start3A_245 : memref<80xi32, #tpu.memory_space<vmem>>) semaphore(%arg15 : memref<!tpu.dma_semaphore, #tpu.memory_space<semaphore_mem>>) {add = true}
      %ge3A_249 = arith.constant 1 : i32
      %ge3A_250 = arith.cmpi sge, %add3A_236, %ge3A_249 : i32
      %convert_element_type3A_251 = arith.extui %ge3A_250 : i1 to i32
      %cond3A_252 = arith.constant 0 : i32
      %cond3A_253 = arith.cmpi ne, %convert_element_type3A_251, %cond3A_252 : i32
      scf.if %cond3A_253 {
        %dma_wait3A_259 = arith.constant 0 : i32
        %dma_wait3A_260 = arith.constant 0 : i32
        %dma_wait3A_261 = tpu.memref_slice %arg13[%dma_wait3A_259, %dma_wait3A_260] : memref<10240x128xf32, #tpu.memory_space<vmem_shared>> -> memref<80x128xf32, #tpu.memory_space<vmem_shared>>
        %dma_wait3A_262 = arith.constant 0 : i32
        %dma_wait3A_263 = arith.constant 0 : i32
        %dma_wait3A_264 = tpu.memref_slice %arg13[%dma_wait3A_262, %dma_wait3A_263] : memref<10240x128xf32, #tpu.memory_space<vmem_shared>> -> memref<80x128xf32, #tpu.memory_space<vmem_shared>>
        tpu.wait_dma2 semaphore(%arg15 : memref<!tpu.dma_semaphore, #tpu.memory_space<semaphore_mem>>) src(%arg9 : memref<80x128xf32, #tpu.memory_space<vmem>>) dst(%dma_wait3A_264 : memref<80x128xf32, #tpu.memory_space<vmem_shared>>)
      } else {
      }
      %le3A_254 = arith.constant 28 : i32
      %le3A_255 = arith.cmpi sle, %add3A_236, %le3A_254 : i32
      %convert_element_type3A_256 = arith.extui %le3A_255 : i1 to i32
      %cond3A_257 = arith.constant 0 : i32
      %cond3A_258 = arith.cmpi ne, %convert_element_type3A_256, %cond3A_257 : i32
      scf.if %cond3A_258 {
        %add3A_259 = arith.constant 3 : i32
        %add3A_260 = arith.addi %add3A_236, %add3A_259 : i32
        %dma_start3A_261 = arith.constant 0 : i32
        %dma_start3A_262 = tpu.memref_slice %arg7[%add3A_260, %dma_start3A_261] : memref<32x80xi32, #tpu.memory_space<vmem>> -> memref<1x80xi32, #tpu.memory_space<vmem>>
        %dma_start3A_263 = tpu.memref_squeeze %dma_start3A_262 : memref<1x80xi32, #tpu.memory_space<vmem>> -> memref<80xi32, #tpu.memory_space<vmem>>
        %dma_start3A_264 = arith.constant 0 : i32
        %dma_start3A_265 = arith.constant 0 : i32
        %dma_start3A_266 = tpu.memref_slice %arg2[%dma_start3A_264, %dma_start3A_265] : memref<10240x128xf32, #tpu.memory_space<hbm>> -> memref<10240x128xf32, #tpu.memory_space<hbm>>
        tpu.enqueue_indirect_dma source(%dma_start3A_266 : memref<10240x128xf32, #tpu.memory_space<hbm>>) target(%arg11 : memref<80x128xf32, #tpu.memory_space<vmem>>) offsets(%dma_start3A_263 : memref<80xi32, #tpu.memory_space<vmem>>) semaphore(%arg14 : memref<!tpu.dma_semaphore, #tpu.memory_space<semaphore_mem>>)
      } else {
      }
    }
    %scan3A_33 = arith.constant 8 : i32
    %dma_wait3A = arith.constant 0 : i32
    %dma_wait3A_34 = arith.constant 0 : i32
    %dma_wait3A_35 = tpu.memref_slice %arg13[%dma_wait3A, %dma_wait3A_34] : memref<10240x128xf32, #tpu.memory_space<vmem_shared>> -> memref<80x128xf32, #tpu.memory_space<vmem_shared>>
    %dma_wait3A_36 = arith.constant 0 : i32
    %dma_wait3A_37 = arith.constant 0 : i32
    %dma_wait3A_38 = tpu.memref_slice %arg13[%dma_wait3A_36, %dma_wait3A_37] : memref<10240x128xf32, #tpu.memory_space<vmem_shared>> -> memref<80x128xf32, #tpu.memory_space<vmem_shared>>
    tpu.wait_dma2 semaphore(%arg15 : memref<!tpu.dma_semaphore, #tpu.memory_space<semaphore_mem>>) src(%arg9 : memref<80x128xf32, #tpu.memory_space<vmem>>) dst(%dma_wait3A_38 : memref<80x128xf32, #tpu.memory_space<vmem_shared>>)
    %add3A_39 = arith.constant 32 : i32
    %add3A_40 = arith.addi %mul3A_4, %add3A_39 : i32
    "tpu.region"() ({
      %run_scoped3A = tpu.sem_alloc : memref<!tpu.dma_semaphore, #tpu.memory_space<semaphore_mem>>
      %dma_start3A_158 = arith.constant 0 : i32
      %dma_start3A_159 = tpu.memref_slice %arg3[%add3A_40, %dma_start3A_158] : memref<4096x80xi32, #tpu.memory_space<hbm>> -> memref<32x80xi32, #tpu.memory_space<hbm>>
      %dma_start3A_160 = arith.constant 0 : i32
      %dma_start3A_161 = tpu.memref_slice %arg3[%add3A_40, %dma_start3A_160] : memref<4096x80xi32, #tpu.memory_space<hbm>> -> memref<32x80xi32, #tpu.memory_space<hbm>>
      tpu.enqueue_dma source(%dma_start3A_161 : memref<32x80xi32, #tpu.memory_space<hbm>>) target(%arg7 : memref<32x80xi32, #tpu.memory_space<vmem>>) target_semaphore(%run_scoped3A : memref<!tpu.dma_semaphore, #tpu.memory_space<semaphore_mem>>)
      %dma_wait3A_162 = arith.constant 0 : i32
      %dma_wait3A_163 = tpu.memref_slice %arg3[%add3A_40, %dma_wait3A_162] : memref<4096x80xi32, #tpu.memory_space<hbm>> -> memref<32x80xi32, #tpu.memory_space<hbm>>
      %dma_wait3A_164 = arith.constant 0 : i32
      %dma_wait3A_165 = tpu.memref_slice %arg3[%add3A_40, %dma_wait3A_164] : memref<4096x80xi32, #tpu.memory_space<hbm>> -> memref<32x80xi32, #tpu.memory_space<hbm>>
      tpu.wait_dma2 semaphore(%run_scoped3A : memref<!tpu.dma_semaphore, #tpu.memory_space<semaphore_mem>>) src(%dma_wait3A_165 : memref<32x80xi32, #tpu.memory_space<hbm>>) dst(%arg7 : memref<32x80xi32, #tpu.memory_space<vmem>>)
      tpu.yield
    }) : () -> ()
    %add3A_41 = arith.constant 32 : i32
    %add3A_42 = arith.addi %mul3A_4, %add3A_41 : i32
    "tpu.region"() ({
      %run_scoped3A = tpu.sem_alloc : memref<!tpu.dma_semaphore, #tpu.memory_space<semaphore_mem>>
      %dma_start3A_158 = arith.constant 0 : i32
      %dma_start3A_159 = tpu.memref_slice %arg4[%add3A_42, %dma_start3A_158] : memref<4096x80xi32, #tpu.memory_space<hbm>> -> memref<32x80xi32, #tpu.memory_space<hbm>>
      %dma_start3A_160 = arith.constant 0 : i32
      %dma_start3A_161 = tpu.memref_slice %arg4[%add3A_42, %dma_start3A_160] : memref<4096x80xi32, #tpu.memory_space<hbm>> -> memref<32x80xi32, #tpu.memory_space<hbm>>
      tpu.enqueue_dma source(%dma_start3A_161 : memref<32x80xi32, #tpu.memory_space<hbm>>) target(%arg8 : memref<32x80xi32, #tpu.memory_space<vmem>>) target_semaphore(%run_scoped3A : memref<!tpu.dma_semaphore, #tpu.memory_space<semaphore_mem>>)
      %dma_wait3A_162 = arith.constant 0 : i32
      %dma_wait3A_163 = tpu.memref_slice %arg4[%add3A_42, %dma_wait3A_162] : memref<4096x80xi32, #tpu.memory_space<hbm>> -> memref<32x80xi32, #tpu.memory_space<hbm>>
      %dma_wait3A_164 = arith.constant 0 : i32
      %dma_wait3A_165 = tpu.memref_slice %arg4[%add3A_42, %dma_wait3A_164] : memref<4096x80xi32, #tpu.memory_space<hbm>> -> memref<32x80xi32, #tpu.memory_space<hbm>>
      tpu.wait_dma2 semaphore(%run_scoped3A : memref<!tpu.dma_semaphore, #tpu.memory_space<semaphore_mem>>) src(%dma_wait3A_165 : memref<32x80xi32, #tpu.memory_space<hbm>>) dst(%arg8 : memref<32x80xi32, #tpu.memory_space<vmem>>)
      tpu.yield
    }) : () -> ()
    %dma_start3A_43 = arith.constant 0 : i32
    %dma_start3A_44 = arith.constant 0 : i32
    %dma_start3A_45 = tpu.memref_slice %arg7[%dma_start3A_43, %dma_start3A_44] : memref<32x80xi32, #tpu.memory_space<vmem>> -> memref<1x80xi32, #tpu.memory_space<vmem>>
    %dma_start3A_46 = tpu.memref_squeeze %dma_start3A_45 : memref<1x80xi32, #tpu.memory_space<vmem>> -> memref<80xi32, #tpu.memory_space<vmem>>
    %dma_start3A_47 = arith.constant 0 : i32
    %dma_start3A_48 = arith.constant 0 : i32
    %dma_start3A_49 = tpu.memref_slice %arg2[%dma_start3A_47, %dma_start3A_48] : memref<10240x128xf32, #tpu.memory_space<hbm>> -> memref<10240x128xf32, #tpu.memory_space<hbm>>
    tpu.enqueue_indirect_dma source(%dma_start3A_49 : memref<10240x128xf32, #tpu.memory_space<hbm>>) target(%arg9 : memref<80x128xf32, #tpu.memory_space<vmem>>) offsets(%dma_start3A_46 : memref<80xi32, #tpu.memory_space<vmem>>) semaphore(%arg14 : memref<!tpu.dma_semaphore, #tpu.memory_space<semaphore_mem>>)
    %dma_start3A_50 = arith.constant 1 : i32
    %dma_start3A_51 = arith.constant 0 : i32
    %dma_start3A_52 = tpu.memref_slice %arg7[%dma_start3A_50, %dma_start3A_51] : memref<32x80xi32, #tpu.memory_space<vmem>> -> memref<1x80xi32, #tpu.memory_space<vmem>>
    %dma_start3A_53 = tpu.memref_squeeze %dma_start3A_52 : memref<1x80xi32, #tpu.memory_space<vmem>> -> memref<80xi32, #tpu.memory_space<vmem>>
    %dma_start3A_54 = arith.constant 0 : i32
    %dma_start3A_55 = arith.constant 0 : i32
    %dma_start3A_56 = tpu.memref_slice %arg2[%dma_start3A_54, %dma_start3A_55] : memref<10240x128xf32, #tpu.memory_space<hbm>> -> memref<10240x128xf32, #tpu.memory_space<hbm>>
    tpu.enqueue_indirect_dma source(%dma_start3A_56 : memref<10240x128xf32, #tpu.memory_space<hbm>>) target(%arg10 : memref<80x128xf32, #tpu.memory_space<vmem>>) offsets(%dma_start3A_53 : memref<80xi32, #tpu.memory_space<vmem>>) semaphore(%arg14 : memref<!tpu.dma_semaphore, #tpu.memory_space<semaphore_mem>>)
    %dma_start3A_57 = arith.constant 2 : i32
    %dma_start3A_58 = arith.constant 0 : i32
    %dma_start3A_59 = tpu.memref_slice %arg7[%dma_start3A_57, %dma_start3A_58] : memref<32x80xi32, #tpu.memory_space<vmem>> -> memref<1x80xi32, #tpu.memory_space<vmem>>
    %dma_start3A_60 = tpu.memref_squeeze %dma_start3A_59 : memref<1x80xi32, #tpu.memory_space<vmem>> -> memref<80xi32, #tpu.memory_space<vmem>>
    %dma_start3A_61 = arith.constant 0 : i32
    %dma_start3A_62 = arith.constant 0 : i32
    %dma_start3A_63 = tpu.memref_slice %arg2[%dma_start3A_61, %dma_start3A_62] : memref<10240x128xf32, #tpu.memory_space<hbm>> -> memref<10240x128xf32, #tpu.memory_space<hbm>>
    tpu.enqueue_indirect_dma source(%dma_start3A_63 : memref<10240x128xf32, #tpu.memory_space<hbm>>) target(%arg11 : memref<80x128xf32, #tpu.memory_space<vmem>>) offsets(%dma_start3A_60 : memref<80xi32, #tpu.memory_space<vmem>>) semaphore(%arg14 : memref<!tpu.dma_semaphore, #tpu.memory_space<semaphore_mem>>)
    %scan3A_64 = arith.constant 0 : i32
    %scan3A_65 = arith.constant 0 : i32
    %scan3A_66 = arith.constant 8 : i32
    %scan3A_67 = arith.addi %scan3A_65, %scan3A_66 : i32
    %scan3A_68 = arith.constant 1 : i32
    scf.for %scan3A_158 = %scan3A_65 to %scan3A_67 step %scan3A_68  : i32 {
      %mul3A_159 = arith.constant 4 : i32
      %mul3A_160 = arith.muli %scan3A_158, %mul3A_159 : i32
      %add3A_161 = arith.constant 0 : i32
      %add3A_162 = arith.addi %mul3A_160, %add3A_161 : i32
      %dma_wait3A_163 = arith.constant 0 : i32
      %dma_wait3A_164 = arith.constant 0 : i32
      %dma_wait3A_165 = tpu.memref_slice %arg2[%dma_wait3A_163, %dma_wait3A_164] : memref<10240x128xf32, #tpu.memory_space<hbm>> -> memref<80x128xf32, #tpu.memory_space<hbm>>
      %dma_wait3A_166 = arith.constant 0 : i32
      %dma_wait3A_167 = arith.constant 0 : i32
      %dma_wait3A_168 = tpu.memref_slice %arg2[%dma_wait3A_166, %dma_wait3A_167] : memref<10240x128xf32, #tpu.memory_space<hbm>> -> memref<80x128xf32, #tpu.memory_space<hbm>>
      tpu.wait_dma2 semaphore(%arg14 : memref<!tpu.dma_semaphore, #tpu.memory_space<semaphore_mem>>) src(%dma_wait3A_168 : memref<80x128xf32, #tpu.memory_space<hbm>>) dst(%arg9 : memref<80x128xf32, #tpu.memory_space<vmem>>)
      %dma_start3A_169 = arith.constant 0 : i32
      %dma_start3A_170 = tpu.memref_slice %arg8[%add3A_162, %dma_start3A_169] : memref<32x80xi32, #tpu.memory_space<vmem>> -> memref<1x80xi32, #tpu.memory_space<vmem>>
      %dma_start3A_171 = tpu.memref_squeeze %dma_start3A_170 : memref<1x80xi32, #tpu.memory_space<vmem>> -> memref<80xi32, #tpu.memory_space<vmem>>
      %dma_start3A_172 = arith.constant 0 : i32
      %dma_start3A_173 = arith.constant 0 : i32
      %dma_start3A_174 = tpu.memref_slice %arg13[%dma_start3A_172, %dma_start3A_173] : memref<10240x128xf32, #tpu.memory_space<vmem_shared>> -> memref<10240x128xf32, #tpu.memory_space<vmem_shared>>
      tpu.enqueue_indirect_dma source(%arg9 : memref<80x128xf32, #tpu.memory_space<vmem>>) target(%dma_start3A_174 : memref<10240x128xf32, #tpu.memory_space<vmem_shared>>) offsets(%dma_start3A_171 : memref<80xi32, #tpu.memory_space<vmem>>) semaphore(%arg15 : memref<!tpu.dma_semaphore, #tpu.memory_space<semaphore_mem>>) {add = true}
      %ge3A = arith.constant 1 : i32
      %ge3A_175 = arith.cmpi sge, %add3A_162, %ge3A : i32
      %convert_element_type3A = arith.extui %ge3A_175 : i1 to i32
      %cond3A = arith.constant 0 : i32
      %cond3A_176 = arith.cmpi ne, %convert_element_type3A, %cond3A : i32
      scf.if %cond3A_176 {
        %dma_wait3A_259 = arith.constant 0 : i32
        %dma_wait3A_260 = arith.constant 0 : i32
        %dma_wait3A_261 = tpu.memref_slice %arg13[%dma_wait3A_259, %dma_wait3A_260] : memref<10240x128xf32, #tpu.memory_space<vmem_shared>> -> memref<80x128xf32, #tpu.memory_space<vmem_shared>>
        %dma_wait3A_262 = arith.constant 0 : i32
        %dma_wait3A_263 = arith.constant 0 : i32
        %dma_wait3A_264 = tpu.memref_slice %arg13[%dma_wait3A_262, %dma_wait3A_263] : memref<10240x128xf32, #tpu.memory_space<vmem_shared>> -> memref<80x128xf32, #tpu.memory_space<vmem_shared>>
        tpu.wait_dma2 semaphore(%arg15 : memref<!tpu.dma_semaphore, #tpu.memory_space<semaphore_mem>>) src(%arg9 : memref<80x128xf32, #tpu.memory_space<vmem>>) dst(%dma_wait3A_264 : memref<80x128xf32, #tpu.memory_space<vmem_shared>>)
      } else {
      }
      %le3A = arith.constant 28 : i32
      %le3A_177 = arith.cmpi sle, %add3A_162, %le3A : i32
      %convert_element_type3A_178 = arith.extui %le3A_177 : i1 to i32
      %cond3A_179 = arith.constant 0 : i32
      %cond3A_180 = arith.cmpi ne, %convert_element_type3A_178, %cond3A_179 : i32
      scf.if %cond3A_180 {
        %add3A_259 = arith.constant 3 : i32
        %add3A_260 = arith.addi %add3A_162, %add3A_259 : i32
        %dma_start3A_261 = arith.constant 0 : i32
        %dma_start3A_262 = tpu.memref_slice %arg7[%add3A_260, %dma_start3A_261] : memref<32x80xi32, #tpu.memory_space<vmem>> -> memref<1x80xi32, #tpu.memory_space<vmem>>
        %dma_start3A_263 = tpu.memref_squeeze %dma_start3A_262 : memref<1x80xi32, #tpu.memory_space<vmem>> -> memref<80xi32, #tpu.memory_space<vmem>>
        %dma_start3A_264 = arith.constant 0 : i32
        %dma_start3A_265 = arith.constant 0 : i32
        %dma_start3A_266 = tpu.memref_slice %arg2[%dma_start3A_264, %dma_start3A_265] : memref<10240x128xf32, #tpu.memory_space<hbm>> -> memref<10240x128xf32, #tpu.memory_space<hbm>>
        tpu.enqueue_indirect_dma source(%dma_start3A_266 : memref<10240x128xf32, #tpu.memory_space<hbm>>) target(%arg12 : memref<80x128xf32, #tpu.memory_space<vmem>>) offsets(%dma_start3A_263 : memref<80xi32, #tpu.memory_space<vmem>>) semaphore(%arg14 : memref<!tpu.dma_semaphore, #tpu.memory_space<semaphore_mem>>)
      } else {
      }
      %mul3A_181 = arith.constant 4 : i32
      %mul3A_182 = arith.muli %scan3A_158, %mul3A_181 : i32
      %add3A_183 = arith.constant 1 : i32
      %add3A_184 = arith.addi %mul3A_182, %add3A_183 : i32
      %dma_wait3A_185 = arith.constant 0 : i32
      %dma_wait3A_186 = arith.constant 0 : i32
      %dma_wait3A_187 = tpu.memref_slice %arg2[%dma_wait3A_185, %dma_wait3A_186] : memref<10240x128xf32, #tpu.memory_space<hbm>> -> memref<80x128xf32, #tpu.memory_space<hbm>>
      %dma_wait3A_188 = arith.constant 0 : i32
      %dma_wait3A_189 = arith.constant 0 : i32
      %dma_wait3A_190 = tpu.memref_slice %arg2[%dma_wait3A_188, %dma_wait3A_189] : memref<10240x128xf32, #tpu.memory_space<hbm>> -> memref<80x128xf32, #tpu.memory_space<hbm>>
      tpu.wait_dma2 semaphore(%arg14 : memref<!tpu.dma_semaphore, #tpu.memory_space<semaphore_mem>>) src(%dma_wait3A_190 : memref<80x128xf32, #tpu.memory_space<hbm>>) dst(%arg9 : memref<80x128xf32, #tpu.memory_space<vmem>>)
      %dma_start3A_191 = arith.constant 0 : i32
      %dma_start3A_192 = tpu.memref_slice %arg8[%add3A_184, %dma_start3A_191] : memref<32x80xi32, #tpu.memory_space<vmem>> -> memref<1x80xi32, #tpu.memory_space<vmem>>
      %dma_start3A_193 = tpu.memref_squeeze %dma_start3A_192 : memref<1x80xi32, #tpu.memory_space<vmem>> -> memref<80xi32, #tpu.memory_space<vmem>>
      %dma_start3A_194 = arith.constant 0 : i32
      %dma_start3A_195 = arith.constant 0 : i32
      %dma_start3A_196 = tpu.memref_slice %arg13[%dma_start3A_194, %dma_start3A_195] : memref<10240x128xf32, #tpu.memory_space<vmem_shared>> -> memref<10240x128xf32, #tpu.memory_space<vmem_shared>>
      tpu.enqueue_indirect_dma source(%arg10 : memref<80x128xf32, #tpu.memory_space<vmem>>) target(%dma_start3A_196 : memref<10240x128xf32, #tpu.memory_space<vmem_shared>>) offsets(%dma_start3A_193 : memref<80xi32, #tpu.memory_space<vmem>>) semaphore(%arg15 : memref<!tpu.dma_semaphore, #tpu.memory_space<semaphore_mem>>) {add = true}
      %ge3A_197 = arith.constant 1 : i32
      %ge3A_198 = arith.cmpi sge, %add3A_184, %ge3A_197 : i32
      %convert_element_type3A_199 = arith.extui %ge3A_198 : i1 to i32
      %cond3A_200 = arith.constant 0 : i32
      %cond3A_201 = arith.cmpi ne, %convert_element_type3A_199, %cond3A_200 : i32
      scf.if %cond3A_201 {
        %dma_wait3A_259 = arith.constant 0 : i32
        %dma_wait3A_260 = arith.constant 0 : i32
        %dma_wait3A_261 = tpu.memref_slice %arg13[%dma_wait3A_259, %dma_wait3A_260] : memref<10240x128xf32, #tpu.memory_space<vmem_shared>> -> memref<80x128xf32, #tpu.memory_space<vmem_shared>>
        %dma_wait3A_262 = arith.constant 0 : i32
        %dma_wait3A_263 = arith.constant 0 : i32
        %dma_wait3A_264 = tpu.memref_slice %arg13[%dma_wait3A_262, %dma_wait3A_263] : memref<10240x128xf32, #tpu.memory_space<vmem_shared>> -> memref<80x128xf32, #tpu.memory_space<vmem_shared>>
        tpu.wait_dma2 semaphore(%arg15 : memref<!tpu.dma_semaphore, #tpu.memory_space<semaphore_mem>>) src(%arg9 : memref<80x128xf32, #tpu.memory_space<vmem>>) dst(%dma_wait3A_264 : memref<80x128xf32, #tpu.memory_space<vmem_shared>>)
      } else {
      }
      %le3A_202 = arith.constant 28 : i32
      %le3A_203 = arith.cmpi sle, %add3A_184, %le3A_202 : i32
      %convert_element_type3A_204 = arith.extui %le3A_203 : i1 to i32
      %cond3A_205 = arith.constant 0 : i32
      %cond3A_206 = arith.cmpi ne, %convert_element_type3A_204, %cond3A_205 : i32
      scf.if %cond3A_206 {
        %add3A_259 = arith.constant 3 : i32
        %add3A_260 = arith.addi %add3A_184, %add3A_259 : i32
        %dma_start3A_261 = arith.constant 0 : i32
        %dma_start3A_262 = tpu.memref_slice %arg7[%add3A_260, %dma_start3A_261] : memref<32x80xi32, #tpu.memory_space<vmem>> -> memref<1x80xi32, #tpu.memory_space<vmem>>
        %dma_start3A_263 = tpu.memref_squeeze %dma_start3A_262 : memref<1x80xi32, #tpu.memory_space<vmem>> -> memref<80xi32, #tpu.memory_space<vmem>>
        %dma_start3A_264 = arith.constant 0 : i32
        %dma_start3A_265 = arith.constant 0 : i32
        %dma_start3A_266 = tpu.memref_slice %arg2[%dma_start3A_264, %dma_start3A_265] : memref<10240x128xf32, #tpu.memory_space<hbm>> -> memref<10240x128xf32, #tpu.memory_space<hbm>>
        tpu.enqueue_indirect_dma source(%dma_start3A_266 : memref<10240x128xf32, #tpu.memory_space<hbm>>) target(%arg9 : memref<80x128xf32, #tpu.memory_space<vmem>>) offsets(%dma_start3A_263 : memref<80xi32, #tpu.memory_space<vmem>>) semaphore(%arg14 : memref<!tpu.dma_semaphore, #tpu.memory_space<semaphore_mem>>)
      } else {
      }
      %mul3A_207 = arith.constant 4 : i32
      %mul3A_208 = arith.muli %scan3A_158, %mul3A_207 : i32
      %add3A_209 = arith.constant 2 : i32
      %add3A_210 = arith.addi %mul3A_208, %add3A_209 : i32
      %dma_wait3A_211 = arith.constant 0 : i32
      %dma_wait3A_212 = arith.constant 0 : i32
      %dma_wait3A_213 = tpu.memref_slice %arg2[%dma_wait3A_211, %dma_wait3A_212] : memref<10240x128xf32, #tpu.memory_space<hbm>> -> memref<80x128xf32, #tpu.memory_space<hbm>>
      %dma_wait3A_214 = arith.constant 0 : i32
      %dma_wait3A_215 = arith.constant 0 : i32
      %dma_wait3A_216 = tpu.memref_slice %arg2[%dma_wait3A_214, %dma_wait3A_215] : memref<10240x128xf32, #tpu.memory_space<hbm>> -> memref<80x128xf32, #tpu.memory_space<hbm>>
      tpu.wait_dma2 semaphore(%arg14 : memref<!tpu.dma_semaphore, #tpu.memory_space<semaphore_mem>>) src(%dma_wait3A_216 : memref<80x128xf32, #tpu.memory_space<hbm>>) dst(%arg9 : memref<80x128xf32, #tpu.memory_space<vmem>>)
      %dma_start3A_217 = arith.constant 0 : i32
      %dma_start3A_218 = tpu.memref_slice %arg8[%add3A_210, %dma_start3A_217] : memref<32x80xi32, #tpu.memory_space<vmem>> -> memref<1x80xi32, #tpu.memory_space<vmem>>
      %dma_start3A_219 = tpu.memref_squeeze %dma_start3A_218 : memref<1x80xi32, #tpu.memory_space<vmem>> -> memref<80xi32, #tpu.memory_space<vmem>>
      %dma_start3A_220 = arith.constant 0 : i32
      %dma_start3A_221 = arith.constant 0 : i32
      %dma_start3A_222 = tpu.memref_slice %arg13[%dma_start3A_220, %dma_start3A_221] : memref<10240x128xf32, #tpu.memory_space<vmem_shared>> -> memref<10240x128xf32, #tpu.memory_space<vmem_shared>>
      tpu.enqueue_indirect_dma source(%arg11 : memref<80x128xf32, #tpu.memory_space<vmem>>) target(%dma_start3A_222 : memref<10240x128xf32, #tpu.memory_space<vmem_shared>>) offsets(%dma_start3A_219 : memref<80xi32, #tpu.memory_space<vmem>>) semaphore(%arg15 : memref<!tpu.dma_semaphore, #tpu.memory_space<semaphore_mem>>) {add = true}
      %ge3A_223 = arith.constant 1 : i32
      %ge3A_224 = arith.cmpi sge, %add3A_210, %ge3A_223 : i32
      %convert_element_type3A_225 = arith.extui %ge3A_224 : i1 to i32
      %cond3A_226 = arith.constant 0 : i32
      %cond3A_227 = arith.cmpi ne, %convert_element_type3A_225, %cond3A_226 : i32
      scf.if %cond3A_227 {
        %dma_wait3A_259 = arith.constant 0 : i32
        %dma_wait3A_260 = arith.constant 0 : i32
        %dma_wait3A_261 = tpu.memref_slice %arg13[%dma_wait3A_259, %dma_wait3A_260] : memref<10240x128xf32, #tpu.memory_space<vmem_shared>> -> memref<80x128xf32, #tpu.memory_space<vmem_shared>>
        %dma_wait3A_262 = arith.constant 0 : i32
        %dma_wait3A_263 = arith.constant 0 : i32
        %dma_wait3A_264 = tpu.memref_slice %arg13[%dma_wait3A_262, %dma_wait3A_263] : memref<10240x128xf32, #tpu.memory_space<vmem_shared>> -> memref<80x128xf32, #tpu.memory_space<vmem_shared>>
        tpu.wait_dma2 semaphore(%arg15 : memref<!tpu.dma_semaphore, #tpu.memory_space<semaphore_mem>>) src(%arg9 : memref<80x128xf32, #tpu.memory_space<vmem>>) dst(%dma_wait3A_264 : memref<80x128xf32, #tpu.memory_space<vmem_shared>>)
      } else {
      }
      %le3A_228 = arith.constant 28 : i32
      %le3A_229 = arith.cmpi sle, %add3A_210, %le3A_228 : i32
      %convert_element_type3A_230 = arith.extui %le3A_229 : i1 to i32
      %cond3A_231 = arith.constant 0 : i32
      %cond3A_232 = arith.cmpi ne, %convert_element_type3A_230, %cond3A_231 : i32
      scf.if %cond3A_232 {
        %add3A_259 = arith.constant 3 : i32
        %add3A_260 = arith.addi %add3A_210, %add3A_259 : i32
        %dma_start3A_261 = arith.constant 0 : i32
        %dma_start3A_262 = tpu.memref_slice %arg7[%add3A_260, %dma_start3A_261] : memref<32x80xi32, #tpu.memory_space<vmem>> -> memref<1x80xi32, #tpu.memory_space<vmem>>
        %dma_start3A_263 = tpu.memref_squeeze %dma_start3A_262 : memref<1x80xi32, #tpu.memory_space<vmem>> -> memref<80xi32, #tpu.memory_space<vmem>>
        %dma_start3A_264 = arith.constant 0 : i32
        %dma_start3A_265 = arith.constant 0 : i32
        %dma_start3A_266 = tpu.memref_slice %arg2[%dma_start3A_264, %dma_start3A_265] : memref<10240x128xf32, #tpu.memory_space<hbm>> -> memref<10240x128xf32, #tpu.memory_space<hbm>>
        tpu.enqueue_indirect_dma source(%dma_start3A_266 : memref<10240x128xf32, #tpu.memory_space<hbm>>) target(%arg10 : memref<80x128xf32, #tpu.memory_space<vmem>>) offsets(%dma_start3A_263 : memref<80xi32, #tpu.memory_space<vmem>>) semaphore(%arg14 : memref<!tpu.dma_semaphore, #tpu.memory_space<semaphore_mem>>)
      } else {
      }
      %mul3A_233 = arith.constant 4 : i32
      %mul3A_234 = arith.muli %scan3A_158, %mul3A_233 : i32
      %add3A_235 = arith.constant 3 : i32
      %add3A_236 = arith.addi %mul3A_234, %add3A_235 : i32
      %dma_wait3A_237 = arith.constant 0 : i32
      %dma_wait3A_238 = arith.constant 0 : i32
      %dma_wait3A_239 = tpu.memref_slice %arg2[%dma_wait3A_237, %dma_wait3A_238] : memref<10240x128xf32, #tpu.memory_space<hbm>> -> memref<80x128xf32, #tpu.memory_space<hbm>>
      %dma_wait3A_240 = arith.constant 0 : i32
      %dma_wait3A_241 = arith.constant 0 : i32
      %dma_wait3A_242 = tpu.memref_slice %arg2[%dma_wait3A_240, %dma_wait3A_241] : memref<10240x128xf32, #tpu.memory_space<hbm>> -> memref<80x128xf32, #tpu.memory_space<hbm>>
      tpu.wait_dma2 semaphore(%arg14 : memref<!tpu.dma_semaphore, #tpu.memory_space<semaphore_mem>>) src(%dma_wait3A_242 : memref<80x128xf32, #tpu.memory_space<hbm>>) dst(%arg9 : memref<80x128xf32, #tpu.memory_space<vmem>>)
      %dma_start3A_243 = arith.constant 0 : i32
      %dma_start3A_244 = tpu.memref_slice %arg8[%add3A_236, %dma_start3A_243] : memref<32x80xi32, #tpu.memory_space<vmem>> -> memref<1x80xi32, #tpu.memory_space<vmem>>
      %dma_start3A_245 = tpu.memref_squeeze %dma_start3A_244 : memref<1x80xi32, #tpu.memory_space<vmem>> -> memref<80xi32, #tpu.memory_space<vmem>>
      %dma_start3A_246 = arith.constant 0 : i32
      %dma_start3A_247 = arith.constant 0 : i32
      %dma_start3A_248 = tpu.memref_slice %arg13[%dma_start3A_246, %dma_start3A_247] : memref<10240x128xf32, #tpu.memory_space<vmem_shared>> -> memref<10240x128xf32, #tpu.memory_space<vmem_shared>>
      tpu.enqueue_indirect_dma source(%arg12 : memref<80x128xf32, #tpu.memory_space<vmem>>) target(%dma_start3A_248 : memref<10240x128xf32, #tpu.memory_space<vmem_shared>>) offsets(%dma_start3A_245 : memref<80xi32, #tpu.memory_space<vmem>>) semaphore(%arg15 : memref<!tpu.dma_semaphore, #tpu.memory_space<semaphore_mem>>) {add = true}
      %ge3A_249 = arith.constant 1 : i32
      %ge3A_250 = arith.cmpi sge, %add3A_236, %ge3A_249 : i32
      %convert_element_type3A_251 = arith.extui %ge3A_250 : i1 to i32
      %cond3A_252 = arith.constant 0 : i32
      %cond3A_253 = arith.cmpi ne, %convert_element_type3A_251, %cond3A_252 : i32
      scf.if %cond3A_253 {
        %dma_wait3A_259 = arith.constant 0 : i32
        %dma_wait3A_260 = arith.constant 0 : i32
        %dma_wait3A_261 = tpu.memref_slice %arg13[%dma_wait3A_259, %dma_wait3A_260] : memref<10240x128xf32, #tpu.memory_space<vmem_shared>> -> memref<80x128xf32, #tpu.memory_space<vmem_shared>>
        %dma_wait3A_262 = arith.constant 0 : i32
        %dma_wait3A_263 = arith.constant 0 : i32
        %dma_wait3A_264 = tpu.memref_slice %arg13[%dma_wait3A_262, %dma_wait3A_263] : memref<10240x128xf32, #tpu.memory_space<vmem_shared>> -> memref<80x128xf32, #tpu.memory_space<vmem_shared>>
        tpu.wait_dma2 semaphore(%arg15 : memref<!tpu.dma_semaphore, #tpu.memory_space<semaphore_mem>>) src(%arg9 : memref<80x128xf32, #tpu.memory_space<vmem>>) dst(%dma_wait3A_264 : memref<80x128xf32, #tpu.memory_space<vmem_shared>>)
      } else {
      }
      %le3A_254 = arith.constant 28 : i32
      %le3A_255 = arith.cmpi sle, %add3A_236, %le3A_254 : i32
      %convert_element_type3A_256 = arith.extui %le3A_255 : i1 to i32
      %cond3A_257 = arith.constant 0 : i32
      %cond3A_258 = arith.cmpi ne, %convert_element_type3A_256, %cond3A_257 : i32
      scf.if %cond3A_258 {
        %add3A_259 = arith.constant 3 : i32
        %add3A_260 = arith.addi %add3A_236, %add3A_259 : i32
        %dma_start3A_261 = arith.constant 0 : i32
        %dma_start3A_262 = tpu.memref_slice %arg7[%add3A_260, %dma_start3A_261] : memref<32x80xi32, #tpu.memory_space<vmem>> -> memref<1x80xi32, #tpu.memory_space<vmem>>
        %dma_start3A_263 = tpu.memref_squeeze %dma_start3A_262 : memref<1x80xi32, #tpu.memory_space<vmem>> -> memref<80xi32, #tpu.memory_space<vmem>>
        %dma_start3A_264 = arith.constant 0 : i32
        %dma_start3A_265 = arith.constant 0 : i32
        %dma_start3A_266 = tpu.memref_slice %arg2[%dma_start3A_264, %dma_start3A_265] : memref<10240x128xf32, #tpu.memory_space<hbm>> -> memref<10240x128xf32, #tpu.memory_space<hbm>>
        tpu.enqueue_indirect_dma source(%dma_start3A_266 : memref<10240x128xf32, #tpu.memory_space<hbm>>) target(%arg11 : memref<80x128xf32, #tpu.memory_space<vmem>>) offsets(%dma_start3A_263 : memref<80xi32, #tpu.memory_space<vmem>>) semaphore(%arg14 : memref<!tpu.dma_semaphore, #tpu.memory_space<semaphore_mem>>)
      } else {
      }
    }
    %scan3A_69 = arith.constant 8 : i32
    %dma_wait3A_70 = arith.constant 0 : i32
    %dma_wait3A_71 = arith.constant 0 : i32
    %dma_wait3A_72 = tpu.memref_slice %arg13[%dma_wait3A_70, %dma_wait3A_71] : memref<10240x128xf32, #tpu.memory_space<vmem_shared>> -> memref<80x128xf32, #tpu.memory_space<vmem_shared>>
    %dma_wait3A_73 = arith.constant 0 : i32
    %dma_wait3A_74 = arith.constant 0 : i32
    %dma_wait3A_75 = tpu.memref_slice %arg13[%dma_wait3A_73, %dma_wait3A_74] : memref<10240x128xf32, #tpu.memory_space<vmem_shared>> -> memref<80x128xf32, #tpu.memory_space<vmem_shared>>
    tpu.wait_dma2 semaphore(%arg15 : memref<!tpu.dma_semaphore, #tpu.memory_space<semaphore_mem>>) src(%arg9 : memref<80x128xf32, #tpu.memory_space<vmem>>) dst(%dma_wait3A_75 : memref<80x128xf32, #tpu.memory_space<vmem_shared>>)
    %add3A_76 = arith.constant 64 : i32
    %add3A_77 = arith.addi %mul3A_4, %add3A_76 : i32
    "tpu.region"() ({
      %run_scoped3A = tpu.sem_alloc : memref<!tpu.dma_semaphore, #tpu.memory_space<semaphore_mem>>
      %dma_start3A_158 = arith.constant 0 : i32
      %dma_start3A_159 = tpu.memref_slice %arg3[%add3A_77, %dma_start3A_158] : memref<4096x80xi32, #tpu.memory_space<hbm>> -> memref<32x80xi32, #tpu.memory_space<hbm>>
      %dma_start3A_160 = arith.constant 0 : i32
      %dma_start3A_161 = tpu.memref_slice %arg3[%add3A_77, %dma_start3A_160] : memref<4096x80xi32, #tpu.memory_space<hbm>> -> memref<32x80xi32, #tpu.memory_space<hbm>>
      tpu.enqueue_dma source(%dma_start3A_161 : memref<32x80xi32, #tpu.memory_space<hbm>>) target(%arg7 : memref<32x80xi32, #tpu.memory_space<vmem>>) target_semaphore(%run_scoped3A : memref<!tpu.dma_semaphore, #tpu.memory_space<semaphore_mem>>)
      %dma_wait3A_162 = arith.constant 0 : i32
      %dma_wait3A_163 = tpu.memref_slice %arg3[%add3A_77, %dma_wait3A_162] : memref<4096x80xi32, #tpu.memory_space<hbm>> -> memref<32x80xi32, #tpu.memory_space<hbm>>
      %dma_wait3A_164 = arith.constant 0 : i32
      %dma_wait3A_165 = tpu.memref_slice %arg3[%add3A_77, %dma_wait3A_164] : memref<4096x80xi32, #tpu.memory_space<hbm>> -> memref<32x80xi32, #tpu.memory_space<hbm>>
      tpu.wait_dma2 semaphore(%run_scoped3A : memref<!tpu.dma_semaphore, #tpu.memory_space<semaphore_mem>>) src(%dma_wait3A_165 : memref<32x80xi32, #tpu.memory_space<hbm>>) dst(%arg7 : memref<32x80xi32, #tpu.memory_space<vmem>>)
      tpu.yield
    }) : () -> ()
    %add3A_78 = arith.constant 64 : i32
    %add3A_79 = arith.addi %mul3A_4, %add3A_78 : i32
    "tpu.region"() ({
      %run_scoped3A = tpu.sem_alloc : memref<!tpu.dma_semaphore, #tpu.memory_space<semaphore_mem>>
      %dma_start3A_158 = arith.constant 0 : i32
      %dma_start3A_159 = tpu.memref_slice %arg4[%add3A_79, %dma_start3A_158] : memref<4096x80xi32, #tpu.memory_space<hbm>> -> memref<32x80xi32, #tpu.memory_space<hbm>>
      %dma_start3A_160 = arith.constant 0 : i32
      %dma_start3A_161 = tpu.memref_slice %arg4[%add3A_79, %dma_start3A_160] : memref<4096x80xi32, #tpu.memory_space<hbm>> -> memref<32x80xi32, #tpu.memory_space<hbm>>
      tpu.enqueue_dma source(%dma_start3A_161 : memref<32x80xi32, #tpu.memory_space<hbm>>) target(%arg8 : memref<32x80xi32, #tpu.memory_space<vmem>>) target_semaphore(%run_scoped3A : memref<!tpu.dma_semaphore, #tpu.memory_space<semaphore_mem>>)
      %dma_wait3A_162 = arith.constant 0 : i32
      %dma_wait3A_163 = tpu.memref_slice %arg4[%add3A_79, %dma_wait3A_162] : memref<4096x80xi32, #tpu.memory_space<hbm>> -> memref<32x80xi32, #tpu.memory_space<hbm>>
      %dma_wait3A_164 = arith.constant 0 : i32
      %dma_wait3A_165 = tpu.memref_slice %arg4[%add3A_79, %dma_wait3A_164] : memref<4096x80xi32, #tpu.memory_space<hbm>> -> memref<32x80xi32, #tpu.memory_space<hbm>>
      tpu.wait_dma2 semaphore(%run_scoped3A : memref<!tpu.dma_semaphore, #tpu.memory_space<semaphore_mem>>) src(%dma_wait3A_165 : memref<32x80xi32, #tpu.memory_space<hbm>>) dst(%arg8 : memref<32x80xi32, #tpu.memory_space<vmem>>)
      tpu.yield
    }) : () -> ()
    %dma_start3A_80 = arith.constant 0 : i32
    %dma_start3A_81 = arith.constant 0 : i32
    %dma_start3A_82 = tpu.memref_slice %arg7[%dma_start3A_80, %dma_start3A_81] : memref<32x80xi32, #tpu.memory_space<vmem>> -> memref<1x80xi32, #tpu.memory_space<vmem>>
    %dma_start3A_83 = tpu.memref_squeeze %dma_start3A_82 : memref<1x80xi32, #tpu.memory_space<vmem>> -> memref<80xi32, #tpu.memory_space<vmem>>
    %dma_start3A_84 = arith.constant 0 : i32
    %dma_start3A_85 = arith.constant 0 : i32
    %dma_start3A_86 = tpu.memref_slice %arg2[%dma_start3A_84, %dma_start3A_85] : memref<10240x128xf32, #tpu.memory_space<hbm>> -> memref<10240x128xf32, #tpu.memory_space<hbm>>
    tpu.enqueue_indirect_dma source(%dma_start3A_86 : memref<10240x128xf32, #tpu.memory_space<hbm>>) target(%arg9 : memref<80x128xf32, #tpu.memory_space<vmem>>) offsets(%dma_start3A_83 : memref<80xi32, #tpu.memory_space<vmem>>) semaphore(%arg14 : memref<!tpu.dma_semaphore, #tpu.memory_space<semaphore_mem>>)
    %dma_start3A_87 = arith.constant 1 : i32
    %dma_start3A_88 = arith.constant 0 : i32
    %dma_start3A_89 = tpu.memref_slice %arg7[%dma_start3A_87, %dma_start3A_88] : memref<32x80xi32, #tpu.memory_space<vmem>> -> memref<1x80xi32, #tpu.memory_space<vmem>>
    %dma_start3A_90 = tpu.memref_squeeze %dma_start3A_89 : memref<1x80xi32, #tpu.memory_space<vmem>> -> memref<80xi32, #tpu.memory_space<vmem>>
    %dma_start3A_91 = arith.constant 0 : i32
    %dma_start3A_92 = arith.constant 0 : i32
    %dma_start3A_93 = tpu.memref_slice %arg2[%dma_start3A_91, %dma_start3A_92] : memref<10240x128xf32, #tpu.memory_space<hbm>> -> memref<10240x128xf32, #tpu.memory_space<hbm>>
    tpu.enqueue_indirect_dma source(%dma_start3A_93 : memref<10240x128xf32, #tpu.memory_space<hbm>>) target(%arg10 : memref<80x128xf32, #tpu.memory_space<vmem>>) offsets(%dma_start3A_90 : memref<80xi32, #tpu.memory_space<vmem>>) semaphore(%arg14 : memref<!tpu.dma_semaphore, #tpu.memory_space<semaphore_mem>>)
    %dma_start3A_94 = arith.constant 2 : i32
    %dma_start3A_95 = arith.constant 0 : i32
    %dma_start3A_96 = tpu.memref_slice %arg7[%dma_start3A_94, %dma_start3A_95] : memref<32x80xi32, #tpu.memory_space<vmem>> -> memref<1x80xi32, #tpu.memory_space<vmem>>
    %dma_start3A_97 = tpu.memref_squeeze %dma_start3A_96 : memref<1x80xi32, #tpu.memory_space<vmem>> -> memref<80xi32, #tpu.memory_space<vmem>>
    %dma_start3A_98 = arith.constant 0 : i32
    %dma_start3A_99 = arith.constant 0 : i32
    %dma_start3A_100 = tpu.memref_slice %arg2[%dma_start3A_98, %dma_start3A_99] : memref<10240x128xf32, #tpu.memory_space<hbm>> -> memref<10240x128xf32, #tpu.memory_space<hbm>>
    tpu.enqueue_indirect_dma source(%dma_start3A_100 : memref<10240x128xf32, #tpu.memory_space<hbm>>) target(%arg11 : memref<80x128xf32, #tpu.memory_space<vmem>>) offsets(%dma_start3A_97 : memref<80xi32, #tpu.memory_space<vmem>>) semaphore(%arg14 : memref<!tpu.dma_semaphore, #tpu.memory_space<semaphore_mem>>)
    %scan3A_101 = arith.constant 0 : i32
    %scan3A_102 = arith.constant 0 : i32
    %scan3A_103 = arith.constant 8 : i32
    %scan3A_104 = arith.addi %scan3A_102, %scan3A_103 : i32
    %scan3A_105 = arith.constant 1 : i32
    scf.for %scan3A_158 = %scan3A_102 to %scan3A_104 step %scan3A_105  : i32 {
      %mul3A_159 = arith.constant 4 : i32
      %mul3A_160 = arith.muli %scan3A_158, %mul3A_159 : i32
      %add3A_161 = arith.constant 0 : i32
      %add3A_162 = arith.addi %mul3A_160, %add3A_161 : i32
      %dma_wait3A_163 = arith.constant 0 : i32
      %dma_wait3A_164 = arith.constant 0 : i32
      %dma_wait3A_165 = tpu.memref_slice %arg2[%dma_wait3A_163, %dma_wait3A_164] : memref<10240x128xf32, #tpu.memory_space<hbm>> -> memref<80x128xf32, #tpu.memory_space<hbm>>
      %dma_wait3A_166 = arith.constant 0 : i32
      %dma_wait3A_167 = arith.constant 0 : i32
      %dma_wait3A_168 = tpu.memref_slice %arg2[%dma_wait3A_166, %dma_wait3A_167] : memref<10240x128xf32, #tpu.memory_space<hbm>> -> memref<80x128xf32, #tpu.memory_space<hbm>>
      tpu.wait_dma2 semaphore(%arg14 : memref<!tpu.dma_semaphore, #tpu.memory_space<semaphore_mem>>) src(%dma_wait3A_168 : memref<80x128xf32, #tpu.memory_space<hbm>>) dst(%arg9 : memref<80x128xf32, #tpu.memory_space<vmem>>)
      %dma_start3A_169 = arith.constant 0 : i32
      %dma_start3A_170 = tpu.memref_slice %arg8[%add3A_162, %dma_start3A_169] : memref<32x80xi32, #tpu.memory_space<vmem>> -> memref<1x80xi32, #tpu.memory_space<vmem>>
      %dma_start3A_171 = tpu.memref_squeeze %dma_start3A_170 : memref<1x80xi32, #tpu.memory_space<vmem>> -> memref<80xi32, #tpu.memory_space<vmem>>
      %dma_start3A_172 = arith.constant 0 : i32
      %dma_start3A_173 = arith.constant 0 : i32
      %dma_start3A_174 = tpu.memref_slice %arg13[%dma_start3A_172, %dma_start3A_173] : memref<10240x128xf32, #tpu.memory_space<vmem_shared>> -> memref<10240x128xf32, #tpu.memory_space<vmem_shared>>
      tpu.enqueue_indirect_dma source(%arg9 : memref<80x128xf32, #tpu.memory_space<vmem>>) target(%dma_start3A_174 : memref<10240x128xf32, #tpu.memory_space<vmem_shared>>) offsets(%dma_start3A_171 : memref<80xi32, #tpu.memory_space<vmem>>) semaphore(%arg15 : memref<!tpu.dma_semaphore, #tpu.memory_space<semaphore_mem>>) {add = true}
      %ge3A = arith.constant 1 : i32
      %ge3A_175 = arith.cmpi sge, %add3A_162, %ge3A : i32
      %convert_element_type3A = arith.extui %ge3A_175 : i1 to i32
      %cond3A = arith.constant 0 : i32
      %cond3A_176 = arith.cmpi ne, %convert_element_type3A, %cond3A : i32
      scf.if %cond3A_176 {
        %dma_wait3A_259 = arith.constant 0 : i32
        %dma_wait3A_260 = arith.constant 0 : i32
        %dma_wait3A_261 = tpu.memref_slice %arg13[%dma_wait3A_259, %dma_wait3A_260] : memref<10240x128xf32, #tpu.memory_space<vmem_shared>> -> memref<80x128xf32, #tpu.memory_space<vmem_shared>>
        %dma_wait3A_262 = arith.constant 0 : i32
        %dma_wait3A_263 = arith.constant 0 : i32
        %dma_wait3A_264 = tpu.memref_slice %arg13[%dma_wait3A_262, %dma_wait3A_263] : memref<10240x128xf32, #tpu.memory_space<vmem_shared>> -> memref<80x128xf32, #tpu.memory_space<vmem_shared>>
        tpu.wait_dma2 semaphore(%arg15 : memref<!tpu.dma_semaphore, #tpu.memory_space<semaphore_mem>>) src(%arg9 : memref<80x128xf32, #tpu.memory_space<vmem>>) dst(%dma_wait3A_264 : memref<80x128xf32, #tpu.memory_space<vmem_shared>>)
      } else {
      }
      %le3A = arith.constant 28 : i32
      %le3A_177 = arith.cmpi sle, %add3A_162, %le3A : i32
      %convert_element_type3A_178 = arith.extui %le3A_177 : i1 to i32
      %cond3A_179 = arith.constant 0 : i32
      %cond3A_180 = arith.cmpi ne, %convert_element_type3A_178, %cond3A_179 : i32
      scf.if %cond3A_180 {
        %add3A_259 = arith.constant 3 : i32
        %add3A_260 = arith.addi %add3A_162, %add3A_259 : i32
        %dma_start3A_261 = arith.constant 0 : i32
        %dma_start3A_262 = tpu.memref_slice %arg7[%add3A_260, %dma_start3A_261] : memref<32x80xi32, #tpu.memory_space<vmem>> -> memref<1x80xi32, #tpu.memory_space<vmem>>
        %dma_start3A_263 = tpu.memref_squeeze %dma_start3A_262 : memref<1x80xi32, #tpu.memory_space<vmem>> -> memref<80xi32, #tpu.memory_space<vmem>>
        %dma_start3A_264 = arith.constant 0 : i32
        %dma_start3A_265 = arith.constant 0 : i32
        %dma_start3A_266 = tpu.memref_slice %arg2[%dma_start3A_264, %dma_start3A_265] : memref<10240x128xf32, #tpu.memory_space<hbm>> -> memref<10240x128xf32, #tpu.memory_space<hbm>>
        tpu.enqueue_indirect_dma source(%dma_start3A_266 : memref<10240x128xf32, #tpu.memory_space<hbm>>) target(%arg12 : memref<80x128xf32, #tpu.memory_space<vmem>>) offsets(%dma_start3A_263 : memref<80xi32, #tpu.memory_space<vmem>>) semaphore(%arg14 : memref<!tpu.dma_semaphore, #tpu.memory_space<semaphore_mem>>)
      } else {
      }
      %mul3A_181 = arith.constant 4 : i32
      %mul3A_182 = arith.muli %scan3A_158, %mul3A_181 : i32
      %add3A_183 = arith.constant 1 : i32
      %add3A_184 = arith.addi %mul3A_182, %add3A_183 : i32
      %dma_wait3A_185 = arith.constant 0 : i32
      %dma_wait3A_186 = arith.constant 0 : i32
      %dma_wait3A_187 = tpu.memref_slice %arg2[%dma_wait3A_185, %dma_wait3A_186] : memref<10240x128xf32, #tpu.memory_space<hbm>> -> memref<80x128xf32, #tpu.memory_space<hbm>>
      %dma_wait3A_188 = arith.constant 0 : i32
      %dma_wait3A_189 = arith.constant 0 : i32
      %dma_wait3A_190 = tpu.memref_slice %arg2[%dma_wait3A_188, %dma_wait3A_189] : memref<10240x128xf32, #tpu.memory_space<hbm>> -> memref<80x128xf32, #tpu.memory_space<hbm>>
      tpu.wait_dma2 semaphore(%arg14 : memref<!tpu.dma_semaphore, #tpu.memory_space<semaphore_mem>>) src(%dma_wait3A_190 : memref<80x128xf32, #tpu.memory_space<hbm>>) dst(%arg9 : memref<80x128xf32, #tpu.memory_space<vmem>>)
      %dma_start3A_191 = arith.constant 0 : i32
      %dma_start3A_192 = tpu.memref_slice %arg8[%add3A_184, %dma_start3A_191] : memref<32x80xi32, #tpu.memory_space<vmem>> -> memref<1x80xi32, #tpu.memory_space<vmem>>
      %dma_start3A_193 = tpu.memref_squeeze %dma_start3A_192 : memref<1x80xi32, #tpu.memory_space<vmem>> -> memref<80xi32, #tpu.memory_space<vmem>>
      %dma_start3A_194 = arith.constant 0 : i32
      %dma_start3A_195 = arith.constant 0 : i32
      %dma_start3A_196 = tpu.memref_slice %arg13[%dma_start3A_194, %dma_start3A_195] : memref<10240x128xf32, #tpu.memory_space<vmem_shared>> -> memref<10240x128xf32, #tpu.memory_space<vmem_shared>>
      tpu.enqueue_indirect_dma source(%arg10 : memref<80x128xf32, #tpu.memory_space<vmem>>) target(%dma_start3A_196 : memref<10240x128xf32, #tpu.memory_space<vmem_shared>>) offsets(%dma_start3A_193 : memref<80xi32, #tpu.memory_space<vmem>>) semaphore(%arg15 : memref<!tpu.dma_semaphore, #tpu.memory_space<semaphore_mem>>) {add = true}
      %ge3A_197 = arith.constant 1 : i32
      %ge3A_198 = arith.cmpi sge, %add3A_184, %ge3A_197 : i32
      %convert_element_type3A_199 = arith.extui %ge3A_198 : i1 to i32
      %cond3A_200 = arith.constant 0 : i32
      %cond3A_201 = arith.cmpi ne, %convert_element_type3A_199, %cond3A_200 : i32
      scf.if %cond3A_201 {
        %dma_wait3A_259 = arith.constant 0 : i32
        %dma_wait3A_260 = arith.constant 0 : i32
        %dma_wait3A_261 = tpu.memref_slice %arg13[%dma_wait3A_259, %dma_wait3A_260] : memref<10240x128xf32, #tpu.memory_space<vmem_shared>> -> memref<80x128xf32, #tpu.memory_space<vmem_shared>>
        %dma_wait3A_262 = arith.constant 0 : i32
        %dma_wait3A_263 = arith.constant 0 : i32
        %dma_wait3A_264 = tpu.memref_slice %arg13[%dma_wait3A_262, %dma_wait3A_263] : memref<10240x128xf32, #tpu.memory_space<vmem_shared>> -> memref<80x128xf32, #tpu.memory_space<vmem_shared>>
        tpu.wait_dma2 semaphore(%arg15 : memref<!tpu.dma_semaphore, #tpu.memory_space<semaphore_mem>>) src(%arg9 : memref<80x128xf32, #tpu.memory_space<vmem>>) dst(%dma_wait3A_264 : memref<80x128xf32, #tpu.memory_space<vmem_shared>>)
      } else {
      }
      %le3A_202 = arith.constant 28 : i32
      %le3A_203 = arith.cmpi sle, %add3A_184, %le3A_202 : i32
      %convert_element_type3A_204 = arith.extui %le3A_203 : i1 to i32
      %cond3A_205 = arith.constant 0 : i32
      %cond3A_206 = arith.cmpi ne, %convert_element_type3A_204, %cond3A_205 : i32
      scf.if %cond3A_206 {
        %add3A_259 = arith.constant 3 : i32
        %add3A_260 = arith.addi %add3A_184, %add3A_259 : i32
        %dma_start3A_261 = arith.constant 0 : i32
        %dma_start3A_262 = tpu.memref_slice %arg7[%add3A_260, %dma_start3A_261] : memref<32x80xi32, #tpu.memory_space<vmem>> -> memref<1x80xi32, #tpu.memory_space<vmem>>
        %dma_start3A_263 = tpu.memref_squeeze %dma_start3A_262 : memref<1x80xi32, #tpu.memory_space<vmem>> -> memref<80xi32, #tpu.memory_space<vmem>>
        %dma_start3A_264 = arith.constant 0 : i32
        %dma_start3A_265 = arith.constant 0 : i32
        %dma_start3A_266 = tpu.memref_slice %arg2[%dma_start3A_264, %dma_start3A_265] : memref<10240x128xf32, #tpu.memory_space<hbm>> -> memref<10240x128xf32, #tpu.memory_space<hbm>>
        tpu.enqueue_indirect_dma source(%dma_start3A_266 : memref<10240x128xf32, #tpu.memory_space<hbm>>) target(%arg9 : memref<80x128xf32, #tpu.memory_space<vmem>>) offsets(%dma_start3A_263 : memref<80xi32, #tpu.memory_space<vmem>>) semaphore(%arg14 : memref<!tpu.dma_semaphore, #tpu.memory_space<semaphore_mem>>)
      } else {
      }
      %mul3A_207 = arith.constant 4 : i32
      %mul3A_208 = arith.muli %scan3A_158, %mul3A_207 : i32
      %add3A_209 = arith.constant 2 : i32
      %add3A_210 = arith.addi %mul3A_208, %add3A_209 : i32
      %dma_wait3A_211 = arith.constant 0 : i32
      %dma_wait3A_212 = arith.constant 0 : i32
      %dma_wait3A_213 = tpu.memref_slice %arg2[%dma_wait3A_211, %dma_wait3A_212] : memref<10240x128xf32, #tpu.memory_space<hbm>> -> memref<80x128xf32, #tpu.memory_space<hbm>>
      %dma_wait3A_214 = arith.constant 0 : i32
      %dma_wait3A_215 = arith.constant 0 : i32
      %dma_wait3A_216 = tpu.memref_slice %arg2[%dma_wait3A_214, %dma_wait3A_215] : memref<10240x128xf32, #tpu.memory_space<hbm>> -> memref<80x128xf32, #tpu.memory_space<hbm>>
      tpu.wait_dma2 semaphore(%arg14 : memref<!tpu.dma_semaphore, #tpu.memory_space<semaphore_mem>>) src(%dma_wait3A_216 : memref<80x128xf32, #tpu.memory_space<hbm>>) dst(%arg9 : memref<80x128xf32, #tpu.memory_space<vmem>>)
      %dma_start3A_217 = arith.constant 0 : i32
      %dma_start3A_218 = tpu.memref_slice %arg8[%add3A_210, %dma_start3A_217] : memref<32x80xi32, #tpu.memory_space<vmem>> -> memref<1x80xi32, #tpu.memory_space<vmem>>
      %dma_start3A_219 = tpu.memref_squeeze %dma_start3A_218 : memref<1x80xi32, #tpu.memory_space<vmem>> -> memref<80xi32, #tpu.memory_space<vmem>>
      %dma_start3A_220 = arith.constant 0 : i32
      %dma_start3A_221 = arith.constant 0 : i32
      %dma_start3A_222 = tpu.memref_slice %arg13[%dma_start3A_220, %dma_start3A_221] : memref<10240x128xf32, #tpu.memory_space<vmem_shared>> -> memref<10240x128xf32, #tpu.memory_space<vmem_shared>>
      tpu.enqueue_indirect_dma source(%arg11 : memref<80x128xf32, #tpu.memory_space<vmem>>) target(%dma_start3A_222 : memref<10240x128xf32, #tpu.memory_space<vmem_shared>>) offsets(%dma_start3A_219 : memref<80xi32, #tpu.memory_space<vmem>>) semaphore(%arg15 : memref<!tpu.dma_semaphore, #tpu.memory_space<semaphore_mem>>) {add = true}
      %ge3A_223 = arith.constant 1 : i32
      %ge3A_224 = arith.cmpi sge, %add3A_210, %ge3A_223 : i32
      %convert_element_type3A_225 = arith.extui %ge3A_224 : i1 to i32
      %cond3A_226 = arith.constant 0 : i32
      %cond3A_227 = arith.cmpi ne, %convert_element_type3A_225, %cond3A_226 : i32
      scf.if %cond3A_227 {
        %dma_wait3A_259 = arith.constant 0 : i32
        %dma_wait3A_260 = arith.constant 0 : i32
        %dma_wait3A_261 = tpu.memref_slice %arg13[%dma_wait3A_259, %dma_wait3A_260] : memref<10240x128xf32, #tpu.memory_space<vmem_shared>> -> memref<80x128xf32, #tpu.memory_space<vmem_shared>>
        %dma_wait3A_262 = arith.constant 0 : i32
        %dma_wait3A_263 = arith.constant 0 : i32
        %dma_wait3A_264 = tpu.memref_slice %arg13[%dma_wait3A_262, %dma_wait3A_263] : memref<10240x128xf32, #tpu.memory_space<vmem_shared>> -> memref<80x128xf32, #tpu.memory_space<vmem_shared>>
        tpu.wait_dma2 semaphore(%arg15 : memref<!tpu.dma_semaphore, #tpu.memory_space<semaphore_mem>>) src(%arg9 : memref<80x128xf32, #tpu.memory_space<vmem>>) dst(%dma_wait3A_264 : memref<80x128xf32, #tpu.memory_space<vmem_shared>>)
      } else {
      }
      %le3A_228 = arith.constant 28 : i32
      %le3A_229 = arith.cmpi sle, %add3A_210, %le3A_228 : i32
      %convert_element_type3A_230 = arith.extui %le3A_229 : i1 to i32
      %cond3A_231 = arith.constant 0 : i32
      %cond3A_232 = arith.cmpi ne, %convert_element_type3A_230, %cond3A_231 : i32
      scf.if %cond3A_232 {
        %add3A_259 = arith.constant 3 : i32
        %add3A_260 = arith.addi %add3A_210, %add3A_259 : i32
        %dma_start3A_261 = arith.constant 0 : i32
        %dma_start3A_262 = tpu.memref_slice %arg7[%add3A_260, %dma_start3A_261] : memref<32x80xi32, #tpu.memory_space<vmem>> -> memref<1x80xi32, #tpu.memory_space<vmem>>
        %dma_start3A_263 = tpu.memref_squeeze %dma_start3A_262 : memref<1x80xi32, #tpu.memory_space<vmem>> -> memref<80xi32, #tpu.memory_space<vmem>>
        %dma_start3A_264 = arith.constant 0 : i32
        %dma_start3A_265 = arith.constant 0 : i32
        %dma_start3A_266 = tpu.memref_slice %arg2[%dma_start3A_264, %dma_start3A_265] : memref<10240x128xf32, #tpu.memory_space<hbm>> -> memref<10240x128xf32, #tpu.memory_space<hbm>>
        tpu.enqueue_indirect_dma source(%dma_start3A_266 : memref<10240x128xf32, #tpu.memory_space<hbm>>) target(%arg10 : memref<80x128xf32, #tpu.memory_space<vmem>>) offsets(%dma_start3A_263 : memref<80xi32, #tpu.memory_space<vmem>>) semaphore(%arg14 : memref<!tpu.dma_semaphore, #tpu.memory_space<semaphore_mem>>)
      } else {
      }
      %mul3A_233 = arith.constant 4 : i32
      %mul3A_234 = arith.muli %scan3A_158, %mul3A_233 : i32
      %add3A_235 = arith.constant 3 : i32
      %add3A_236 = arith.addi %mul3A_234, %add3A_235 : i32
      %dma_wait3A_237 = arith.constant 0 : i32
      %dma_wait3A_238 = arith.constant 0 : i32
      %dma_wait3A_239 = tpu.memref_slice %arg2[%dma_wait3A_237, %dma_wait3A_238] : memref<10240x128xf32, #tpu.memory_space<hbm>> -> memref<80x128xf32, #tpu.memory_space<hbm>>
      %dma_wait3A_240 = arith.constant 0 : i32
      %dma_wait3A_241 = arith.constant 0 : i32
      %dma_wait3A_242 = tpu.memref_slice %arg2[%dma_wait3A_240, %dma_wait3A_241] : memref<10240x128xf32, #tpu.memory_space<hbm>> -> memref<80x128xf32, #tpu.memory_space<hbm>>
      tpu.wait_dma2 semaphore(%arg14 : memref<!tpu.dma_semaphore, #tpu.memory_space<semaphore_mem>>) src(%dma_wait3A_242 : memref<80x128xf32, #tpu.memory_space<hbm>>) dst(%arg9 : memref<80x128xf32, #tpu.memory_space<vmem>>)
      %dma_start3A_243 = arith.constant 0 : i32
      %dma_start3A_244 = tpu.memref_slice %arg8[%add3A_236, %dma_start3A_243] : memref<32x80xi32, #tpu.memory_space<vmem>> -> memref<1x80xi32, #tpu.memory_space<vmem>>
      %dma_start3A_245 = tpu.memref_squeeze %dma_start3A_244 : memref<1x80xi32, #tpu.memory_space<vmem>> -> memref<80xi32, #tpu.memory_space<vmem>>
      %dma_start3A_246 = arith.constant 0 : i32
      %dma_start3A_247 = arith.constant 0 : i32
      %dma_start3A_248 = tpu.memref_slice %arg13[%dma_start3A_246, %dma_start3A_247] : memref<10240x128xf32, #tpu.memory_space<vmem_shared>> -> memref<10240x128xf32, #tpu.memory_space<vmem_shared>>
      tpu.enqueue_indirect_dma source(%arg12 : memref<80x128xf32, #tpu.memory_space<vmem>>) target(%dma_start3A_248 : memref<10240x128xf32, #tpu.memory_space<vmem_shared>>) offsets(%dma_start3A_245 : memref<80xi32, #tpu.memory_space<vmem>>) semaphore(%arg15 : memref<!tpu.dma_semaphore, #tpu.memory_space<semaphore_mem>>) {add = true}
      %ge3A_249 = arith.constant 1 : i32
      %ge3A_250 = arith.cmpi sge, %add3A_236, %ge3A_249 : i32
      %convert_element_type3A_251 = arith.extui %ge3A_250 : i1 to i32
      %cond3A_252 = arith.constant 0 : i32
      %cond3A_253 = arith.cmpi ne, %convert_element_type3A_251, %cond3A_252 : i32
      scf.if %cond3A_253 {
        %dma_wait3A_259 = arith.constant 0 : i32
        %dma_wait3A_260 = arith.constant 0 : i32
        %dma_wait3A_261 = tpu.memref_slice %arg13[%dma_wait3A_259, %dma_wait3A_260] : memref<10240x128xf32, #tpu.memory_space<vmem_shared>> -> memref<80x128xf32, #tpu.memory_space<vmem_shared>>
        %dma_wait3A_262 = arith.constant 0 : i32
        %dma_wait3A_263 = arith.constant 0 : i32
        %dma_wait3A_264 = tpu.memref_slice %arg13[%dma_wait3A_262, %dma_wait3A_263] : memref<10240x128xf32, #tpu.memory_space<vmem_shared>> -> memref<80x128xf32, #tpu.memory_space<vmem_shared>>
        tpu.wait_dma2 semaphore(%arg15 : memref<!tpu.dma_semaphore, #tpu.memory_space<semaphore_mem>>) src(%arg9 : memref<80x128xf32, #tpu.memory_space<vmem>>) dst(%dma_wait3A_264 : memref<80x128xf32, #tpu.memory_space<vmem_shared>>)
      } else {
      }
      %le3A_254 = arith.constant 28 : i32
      %le3A_255 = arith.cmpi sle, %add3A_236, %le3A_254 : i32
      %convert_element_type3A_256 = arith.extui %le3A_255 : i1 to i32
      %cond3A_257 = arith.constant 0 : i32
      %cond3A_258 = arith.cmpi ne, %convert_element_type3A_256, %cond3A_257 : i32
      scf.if %cond3A_258 {
        %add3A_259 = arith.constant 3 : i32
        %add3A_260 = arith.addi %add3A_236, %add3A_259 : i32
        %dma_start3A_261 = arith.constant 0 : i32
        %dma_start3A_262 = tpu.memref_slice %arg7[%add3A_260, %dma_start3A_261] : memref<32x80xi32, #tpu.memory_space<vmem>> -> memref<1x80xi32, #tpu.memory_space<vmem>>
        %dma_start3A_263 = tpu.memref_squeeze %dma_start3A_262 : memref<1x80xi32, #tpu.memory_space<vmem>> -> memref<80xi32, #tpu.memory_space<vmem>>
        %dma_start3A_264 = arith.constant 0 : i32
        %dma_start3A_265 = arith.constant 0 : i32
        %dma_start3A_266 = tpu.memref_slice %arg2[%dma_start3A_264, %dma_start3A_265] : memref<10240x128xf32, #tpu.memory_space<hbm>> -> memref<10240x128xf32, #tpu.memory_space<hbm>>
        tpu.enqueue_indirect_dma source(%dma_start3A_266 : memref<10240x128xf32, #tpu.memory_space<hbm>>) target(%arg11 : memref<80x128xf32, #tpu.memory_space<vmem>>) offsets(%dma_start3A_263 : memref<80xi32, #tpu.memory_space<vmem>>) semaphore(%arg14 : memref<!tpu.dma_semaphore, #tpu.memory_space<semaphore_mem>>)
      } else {
      }
    }
    %scan3A_106 = arith.constant 8 : i32
    %dma_wait3A_107 = arith.constant 0 : i32
    %dma_wait3A_108 = arith.constant 0 : i32
    %dma_wait3A_109 = tpu.memref_slice %arg13[%dma_wait3A_107, %dma_wait3A_108] : memref<10240x128xf32, #tpu.memory_space<vmem_shared>> -> memref<80x128xf32, #tpu.memory_space<vmem_shared>>
    %dma_wait3A_110 = arith.constant 0 : i32
    %dma_wait3A_111 = arith.constant 0 : i32
    %dma_wait3A_112 = tpu.memref_slice %arg13[%dma_wait3A_110, %dma_wait3A_111] : memref<10240x128xf32, #tpu.memory_space<vmem_shared>> -> memref<80x128xf32, #tpu.memory_space<vmem_shared>>
    tpu.wait_dma2 semaphore(%arg15 : memref<!tpu.dma_semaphore, #tpu.memory_space<semaphore_mem>>) src(%arg9 : memref<80x128xf32, #tpu.memory_space<vmem>>) dst(%dma_wait3A_112 : memref<80x128xf32, #tpu.memory_space<vmem_shared>>)
    %add3A_113 = arith.constant 96 : i32
    %add3A_114 = arith.addi %mul3A_4, %add3A_113 : i32
    "tpu.region"() ({
      %run_scoped3A = tpu.sem_alloc : memref<!tpu.dma_semaphore, #tpu.memory_space<semaphore_mem>>
      %dma_start3A_158 = arith.constant 0 : i32
      %dma_start3A_159 = tpu.memref_slice %arg3[%add3A_114, %dma_start3A_158] : memref<4096x80xi32, #tpu.memory_space<hbm>> -> memref<32x80xi32, #tpu.memory_space<hbm>>
      %dma_start3A_160 = arith.constant 0 : i32
      %dma_start3A_161 = tpu.memref_slice %arg3[%add3A_114, %dma_start3A_160] : memref<4096x80xi32, #tpu.memory_space<hbm>> -> memref<32x80xi32, #tpu.memory_space<hbm>>
      tpu.enqueue_dma source(%dma_start3A_161 : memref<32x80xi32, #tpu.memory_space<hbm>>) target(%arg7 : memref<32x80xi32, #tpu.memory_space<vmem>>) target_semaphore(%run_scoped3A : memref<!tpu.dma_semaphore, #tpu.memory_space<semaphore_mem>>)
      %dma_wait3A_162 = arith.constant 0 : i32
      %dma_wait3A_163 = tpu.memref_slice %arg3[%add3A_114, %dma_wait3A_162] : memref<4096x80xi32, #tpu.memory_space<hbm>> -> memref<32x80xi32, #tpu.memory_space<hbm>>
      %dma_wait3A_164 = arith.constant 0 : i32
      %dma_wait3A_165 = tpu.memref_slice %arg3[%add3A_114, %dma_wait3A_164] : memref<4096x80xi32, #tpu.memory_space<hbm>> -> memref<32x80xi32, #tpu.memory_space<hbm>>
      tpu.wait_dma2 semaphore(%run_scoped3A : memref<!tpu.dma_semaphore, #tpu.memory_space<semaphore_mem>>) src(%dma_wait3A_165 : memref<32x80xi32, #tpu.memory_space<hbm>>) dst(%arg7 : memref<32x80xi32, #tpu.memory_space<vmem>>)
      tpu.yield
    }) : () -> ()
    %add3A_115 = arith.constant 96 : i32
    %add3A_116 = arith.addi %mul3A_4, %add3A_115 : i32
    "tpu.region"() ({
      %run_scoped3A = tpu.sem_alloc : memref<!tpu.dma_semaphore, #tpu.memory_space<semaphore_mem>>
      %dma_start3A_158 = arith.constant 0 : i32
      %dma_start3A_159 = tpu.memref_slice %arg4[%add3A_116, %dma_start3A_158] : memref<4096x80xi32, #tpu.memory_space<hbm>> -> memref<32x80xi32, #tpu.memory_space<hbm>>
      %dma_start3A_160 = arith.constant 0 : i32
      %dma_start3A_161 = tpu.memref_slice %arg4[%add3A_116, %dma_start3A_160] : memref<4096x80xi32, #tpu.memory_space<hbm>> -> memref<32x80xi32, #tpu.memory_space<hbm>>
      tpu.enqueue_dma source(%dma_start3A_161 : memref<32x80xi32, #tpu.memory_space<hbm>>) target(%arg8 : memref<32x80xi32, #tpu.memory_space<vmem>>) target_semaphore(%run_scoped3A : memref<!tpu.dma_semaphore, #tpu.memory_space<semaphore_mem>>)
      %dma_wait3A_162 = arith.constant 0 : i32
      %dma_wait3A_163 = tpu.memref_slice %arg4[%add3A_116, %dma_wait3A_162] : memref<4096x80xi32, #tpu.memory_space<hbm>> -> memref<32x80xi32, #tpu.memory_space<hbm>>
      %dma_wait3A_164 = arith.constant 0 : i32
      %dma_wait3A_165 = tpu.memref_slice %arg4[%add3A_116, %dma_wait3A_164] : memref<4096x80xi32, #tpu.memory_space<hbm>> -> memref<32x80xi32, #tpu.memory_space<hbm>>
      tpu.wait_dma2 semaphore(%run_scoped3A : memref<!tpu.dma_semaphore, #tpu.memory_space<semaphore_mem>>) src(%dma_wait3A_165 : memref<32x80xi32, #tpu.memory_space<hbm>>) dst(%arg8 : memref<32x80xi32, #tpu.memory_space<vmem>>)
      tpu.yield
    }) : () -> ()
    %dma_start3A_117 = arith.constant 0 : i32
    %dma_start3A_118 = arith.constant 0 : i32
    %dma_start3A_119 = tpu.memref_slice %arg7[%dma_start3A_117, %dma_start3A_118] : memref<32x80xi32, #tpu.memory_space<vmem>> -> memref<1x80xi32, #tpu.memory_space<vmem>>
    %dma_start3A_120 = tpu.memref_squeeze %dma_start3A_119 : memref<1x80xi32, #tpu.memory_space<vmem>> -> memref<80xi32, #tpu.memory_space<vmem>>
    %dma_start3A_121 = arith.constant 0 : i32
    %dma_start3A_122 = arith.constant 0 : i32
    %dma_start3A_123 = tpu.memref_slice %arg2[%dma_start3A_121, %dma_start3A_122] : memref<10240x128xf32, #tpu.memory_space<hbm>> -> memref<10240x128xf32, #tpu.memory_space<hbm>>
    tpu.enqueue_indirect_dma source(%dma_start3A_123 : memref<10240x128xf32, #tpu.memory_space<hbm>>) target(%arg9 : memref<80x128xf32, #tpu.memory_space<vmem>>) offsets(%dma_start3A_120 : memref<80xi32, #tpu.memory_space<vmem>>) semaphore(%arg14 : memref<!tpu.dma_semaphore, #tpu.memory_space<semaphore_mem>>)
    %dma_start3A_124 = arith.constant 1 : i32
    %dma_start3A_125 = arith.constant 0 : i32
    %dma_start3A_126 = tpu.memref_slice %arg7[%dma_start3A_124, %dma_start3A_125] : memref<32x80xi32, #tpu.memory_space<vmem>> -> memref<1x80xi32, #tpu.memory_space<vmem>>
    %dma_start3A_127 = tpu.memref_squeeze %dma_start3A_126 : memref<1x80xi32, #tpu.memory_space<vmem>> -> memref<80xi32, #tpu.memory_space<vmem>>
    %dma_start3A_128 = arith.constant 0 : i32
    %dma_start3A_129 = arith.constant 0 : i32
    %dma_start3A_130 = tpu.memref_slice %arg2[%dma_start3A_128, %dma_start3A_129] : memref<10240x128xf32, #tpu.memory_space<hbm>> -> memref<10240x128xf32, #tpu.memory_space<hbm>>
    tpu.enqueue_indirect_dma source(%dma_start3A_130 : memref<10240x128xf32, #tpu.memory_space<hbm>>) target(%arg10 : memref<80x128xf32, #tpu.memory_space<vmem>>) offsets(%dma_start3A_127 : memref<80xi32, #tpu.memory_space<vmem>>) semaphore(%arg14 : memref<!tpu.dma_semaphore, #tpu.memory_space<semaphore_mem>>)
    %dma_start3A_131 = arith.constant 2 : i32
    %dma_start3A_132 = arith.constant 0 : i32
    %dma_start3A_133 = tpu.memref_slice %arg7[%dma_start3A_131, %dma_start3A_132] : memref<32x80xi32, #tpu.memory_space<vmem>> -> memref<1x80xi32, #tpu.memory_space<vmem>>
    %dma_start3A_134 = tpu.memref_squeeze %dma_start3A_133 : memref<1x80xi32, #tpu.memory_space<vmem>> -> memref<80xi32, #tpu.memory_space<vmem>>
    %dma_start3A_135 = arith.constant 0 : i32
    %dma_start3A_136 = arith.constant 0 : i32
    %dma_start3A_137 = tpu.memref_slice %arg2[%dma_start3A_135, %dma_start3A_136] : memref<10240x128xf32, #tpu.memory_space<hbm>> -> memref<10240x128xf32, #tpu.memory_space<hbm>>
    tpu.enqueue_indirect_dma source(%dma_start3A_137 : memref<10240x128xf32, #tpu.memory_space<hbm>>) target(%arg11 : memref<80x128xf32, #tpu.memory_space<vmem>>) offsets(%dma_start3A_134 : memref<80xi32, #tpu.memory_space<vmem>>) semaphore(%arg14 : memref<!tpu.dma_semaphore, #tpu.memory_space<semaphore_mem>>)
    %scan3A_138 = arith.constant 0 : i32
    %scan3A_139 = arith.constant 0 : i32
    %scan3A_140 = arith.constant 8 : i32
    %scan3A_141 = arith.addi %scan3A_139, %scan3A_140 : i32
    %scan3A_142 = arith.constant 1 : i32
    scf.for %scan3A_158 = %scan3A_139 to %scan3A_141 step %scan3A_142  : i32 {
      %mul3A_159 = arith.constant 4 : i32
      %mul3A_160 = arith.muli %scan3A_158, %mul3A_159 : i32
      %add3A_161 = arith.constant 0 : i32
      %add3A_162 = arith.addi %mul3A_160, %add3A_161 : i32
      %dma_wait3A_163 = arith.constant 0 : i32
      %dma_wait3A_164 = arith.constant 0 : i32
      %dma_wait3A_165 = tpu.memref_slice %arg2[%dma_wait3A_163, %dma_wait3A_164] : memref<10240x128xf32, #tpu.memory_space<hbm>> -> memref<80x128xf32, #tpu.memory_space<hbm>>
      %dma_wait3A_166 = arith.constant 0 : i32
      %dma_wait3A_167 = arith.constant 0 : i32
      %dma_wait3A_168 = tpu.memref_slice %arg2[%dma_wait3A_166, %dma_wait3A_167] : memref<10240x128xf32, #tpu.memory_space<hbm>> -> memref<80x128xf32, #tpu.memory_space<hbm>>
      tpu.wait_dma2 semaphore(%arg14 : memref<!tpu.dma_semaphore, #tpu.memory_space<semaphore_mem>>) src(%dma_wait3A_168 : memref<80x128xf32, #tpu.memory_space<hbm>>) dst(%arg9 : memref<80x128xf32, #tpu.memory_space<vmem>>)
      %dma_start3A_169 = arith.constant 0 : i32
      %dma_start3A_170 = tpu.memref_slice %arg8[%add3A_162, %dma_start3A_169] : memref<32x80xi32, #tpu.memory_space<vmem>> -> memref<1x80xi32, #tpu.memory_space<vmem>>
      %dma_start3A_171 = tpu.memref_squeeze %dma_start3A_170 : memref<1x80xi32, #tpu.memory_space<vmem>> -> memref<80xi32, #tpu.memory_space<vmem>>
      %dma_start3A_172 = arith.constant 0 : i32
      %dma_start3A_173 = arith.constant 0 : i32
      %dma_start3A_174 = tpu.memref_slice %arg13[%dma_start3A_172, %dma_start3A_173] : memref<10240x128xf32, #tpu.memory_space<vmem_shared>> -> memref<10240x128xf32, #tpu.memory_space<vmem_shared>>
      tpu.enqueue_indirect_dma source(%arg9 : memref<80x128xf32, #tpu.memory_space<vmem>>) target(%dma_start3A_174 : memref<10240x128xf32, #tpu.memory_space<vmem_shared>>) offsets(%dma_start3A_171 : memref<80xi32, #tpu.memory_space<vmem>>) semaphore(%arg15 : memref<!tpu.dma_semaphore, #tpu.memory_space<semaphore_mem>>) {add = true}
      %ge3A = arith.constant 1 : i32
      %ge3A_175 = arith.cmpi sge, %add3A_162, %ge3A : i32
      %convert_element_type3A = arith.extui %ge3A_175 : i1 to i32
      %cond3A = arith.constant 0 : i32
      %cond3A_176 = arith.cmpi ne, %convert_element_type3A, %cond3A : i32
      scf.if %cond3A_176 {
        %dma_wait3A_259 = arith.constant 0 : i32
        %dma_wait3A_260 = arith.constant 0 : i32
        %dma_wait3A_261 = tpu.memref_slice %arg13[%dma_wait3A_259, %dma_wait3A_260] : memref<10240x128xf32, #tpu.memory_space<vmem_shared>> -> memref<80x128xf32, #tpu.memory_space<vmem_shared>>
        %dma_wait3A_262 = arith.constant 0 : i32
        %dma_wait3A_263 = arith.constant 0 : i32
        %dma_wait3A_264 = tpu.memref_slice %arg13[%dma_wait3A_262, %dma_wait3A_263] : memref<10240x128xf32, #tpu.memory_space<vmem_shared>> -> memref<80x128xf32, #tpu.memory_space<vmem_shared>>
        tpu.wait_dma2 semaphore(%arg15 : memref<!tpu.dma_semaphore, #tpu.memory_space<semaphore_mem>>) src(%arg9 : memref<80x128xf32, #tpu.memory_space<vmem>>) dst(%dma_wait3A_264 : memref<80x128xf32, #tpu.memory_space<vmem_shared>>)
      } else {
      }
      %le3A = arith.constant 28 : i32
      %le3A_177 = arith.cmpi sle, %add3A_162, %le3A : i32
      %convert_element_type3A_178 = arith.extui %le3A_177 : i1 to i32
      %cond3A_179 = arith.constant 0 : i32
      %cond3A_180 = arith.cmpi ne, %convert_element_type3A_178, %cond3A_179 : i32
      scf.if %cond3A_180 {
        %add3A_259 = arith.constant 3 : i32
        %add3A_260 = arith.addi %add3A_162, %add3A_259 : i32
        %dma_start3A_261 = arith.constant 0 : i32
        %dma_start3A_262 = tpu.memref_slice %arg7[%add3A_260, %dma_start3A_261] : memref<32x80xi32, #tpu.memory_space<vmem>> -> memref<1x80xi32, #tpu.memory_space<vmem>>
        %dma_start3A_263 = tpu.memref_squeeze %dma_start3A_262 : memref<1x80xi32, #tpu.memory_space<vmem>> -> memref<80xi32, #tpu.memory_space<vmem>>
        %dma_start3A_264 = arith.constant 0 : i32
        %dma_start3A_265 = arith.constant 0 : i32
        %dma_start3A_266 = tpu.memref_slice %arg2[%dma_start3A_264, %dma_start3A_265] : memref<10240x128xf32, #tpu.memory_space<hbm>> -> memref<10240x128xf32, #tpu.memory_space<hbm>>
        tpu.enqueue_indirect_dma source(%dma_start3A_266 : memref<10240x128xf32, #tpu.memory_space<hbm>>) target(%arg12 : memref<80x128xf32, #tpu.memory_space<vmem>>) offsets(%dma_start3A_263 : memref<80xi32, #tpu.memory_space<vmem>>) semaphore(%arg14 : memref<!tpu.dma_semaphore, #tpu.memory_space<semaphore_mem>>)
      } else {
      }
      %mul3A_181 = arith.constant 4 : i32
      %mul3A_182 = arith.muli %scan3A_158, %mul3A_181 : i32
      %add3A_183 = arith.constant 1 : i32
      %add3A_184 = arith.addi %mul3A_182, %add3A_183 : i32
      %dma_wait3A_185 = arith.constant 0 : i32
      %dma_wait3A_186 = arith.constant 0 : i32
      %dma_wait3A_187 = tpu.memref_slice %arg2[%dma_wait3A_185, %dma_wait3A_186] : memref<10240x128xf32, #tpu.memory_space<hbm>> -> memref<80x128xf32, #tpu.memory_space<hbm>>
      %dma_wait3A_188 = arith.constant 0 : i32
      %dma_wait3A_189 = arith.constant 0 : i32
      %dma_wait3A_190 = tpu.memref_slice %arg2[%dma_wait3A_188, %dma_wait3A_189] : memref<10240x128xf32, #tpu.memory_space<hbm>> -> memref<80x128xf32, #tpu.memory_space<hbm>>
      tpu.wait_dma2 semaphore(%arg14 : memref<!tpu.dma_semaphore, #tpu.memory_space<semaphore_mem>>) src(%dma_wait3A_190 : memref<80x128xf32, #tpu.memory_space<hbm>>) dst(%arg9 : memref<80x128xf32, #tpu.memory_space<vmem>>)
      %dma_start3A_191 = arith.constant 0 : i32
      %dma_start3A_192 = tpu.memref_slice %arg8[%add3A_184, %dma_start3A_191] : memref<32x80xi32, #tpu.memory_space<vmem>> -> memref<1x80xi32, #tpu.memory_space<vmem>>
      %dma_start3A_193 = tpu.memref_squeeze %dma_start3A_192 : memref<1x80xi32, #tpu.memory_space<vmem>> -> memref<80xi32, #tpu.memory_space<vmem>>
      %dma_start3A_194 = arith.constant 0 : i32
      %dma_start3A_195 = arith.constant 0 : i32
      %dma_start3A_196 = tpu.memref_slice %arg13[%dma_start3A_194, %dma_start3A_195] : memref<10240x128xf32, #tpu.memory_space<vmem_shared>> -> memref<10240x128xf32, #tpu.memory_space<vmem_shared>>
      tpu.enqueue_indirect_dma source(%arg10 : memref<80x128xf32, #tpu.memory_space<vmem>>) target(%dma_start3A_196 : memref<10240x128xf32, #tpu.memory_space<vmem_shared>>) offsets(%dma_start3A_193 : memref<80xi32, #tpu.memory_space<vmem>>) semaphore(%arg15 : memref<!tpu.dma_semaphore, #tpu.memory_space<semaphore_mem>>) {add = true}
      %ge3A_197 = arith.constant 1 : i32
      %ge3A_198 = arith.cmpi sge, %add3A_184, %ge3A_197 : i32
      %convert_element_type3A_199 = arith.extui %ge3A_198 : i1 to i32
      %cond3A_200 = arith.constant 0 : i32
      %cond3A_201 = arith.cmpi ne, %convert_element_type3A_199, %cond3A_200 : i32
      scf.if %cond3A_201 {
        %dma_wait3A_259 = arith.constant 0 : i32
        %dma_wait3A_260 = arith.constant 0 : i32
        %dma_wait3A_261 = tpu.memref_slice %arg13[%dma_wait3A_259, %dma_wait3A_260] : memref<10240x128xf32, #tpu.memory_space<vmem_shared>> -> memref<80x128xf32, #tpu.memory_space<vmem_shared>>
        %dma_wait3A_262 = arith.constant 0 : i32
        %dma_wait3A_263 = arith.constant 0 : i32
        %dma_wait3A_264 = tpu.memref_slice %arg13[%dma_wait3A_262, %dma_wait3A_263] : memref<10240x128xf32, #tpu.memory_space<vmem_shared>> -> memref<80x128xf32, #tpu.memory_space<vmem_shared>>
        tpu.wait_dma2 semaphore(%arg15 : memref<!tpu.dma_semaphore, #tpu.memory_space<semaphore_mem>>) src(%arg9 : memref<80x128xf32, #tpu.memory_space<vmem>>) dst(%dma_wait3A_264 : memref<80x128xf32, #tpu.memory_space<vmem_shared>>)
      } else {
      }
      %le3A_202 = arith.constant 28 : i32
      %le3A_203 = arith.cmpi sle, %add3A_184, %le3A_202 : i32
      %convert_element_type3A_204 = arith.extui %le3A_203 : i1 to i32
      %cond3A_205 = arith.constant 0 : i32
      %cond3A_206 = arith.cmpi ne, %convert_element_type3A_204, %cond3A_205 : i32
      scf.if %cond3A_206 {
        %add3A_259 = arith.constant 3 : i32
        %add3A_260 = arith.addi %add3A_184, %add3A_259 : i32
        %dma_start3A_261 = arith.constant 0 : i32
        %dma_start3A_262 = tpu.memref_slice %arg7[%add3A_260, %dma_start3A_261] : memref<32x80xi32, #tpu.memory_space<vmem>> -> memref<1x80xi32, #tpu.memory_space<vmem>>
        %dma_start3A_263 = tpu.memref_squeeze %dma_start3A_262 : memref<1x80xi32, #tpu.memory_space<vmem>> -> memref<80xi32, #tpu.memory_space<vmem>>
        %dma_start3A_264 = arith.constant 0 : i32
        %dma_start3A_265 = arith.constant 0 : i32
        %dma_start3A_266 = tpu.memref_slice %arg2[%dma_start3A_264, %dma_start3A_265] : memref<10240x128xf32, #tpu.memory_space<hbm>> -> memref<10240x128xf32, #tpu.memory_space<hbm>>
        tpu.enqueue_indirect_dma source(%dma_start3A_266 : memref<10240x128xf32, #tpu.memory_space<hbm>>) target(%arg9 : memref<80x128xf32, #tpu.memory_space<vmem>>) offsets(%dma_start3A_263 : memref<80xi32, #tpu.memory_space<vmem>>) semaphore(%arg14 : memref<!tpu.dma_semaphore, #tpu.memory_space<semaphore_mem>>)
      } else {
      }
      %mul3A_207 = arith.constant 4 : i32
      %mul3A_208 = arith.muli %scan3A_158, %mul3A_207 : i32
      %add3A_209 = arith.constant 2 : i32
      %add3A_210 = arith.addi %mul3A_208, %add3A_209 : i32
      %dma_wait3A_211 = arith.constant 0 : i32
      %dma_wait3A_212 = arith.constant 0 : i32
      %dma_wait3A_213 = tpu.memref_slice %arg2[%dma_wait3A_211, %dma_wait3A_212] : memref<10240x128xf32, #tpu.memory_space<hbm>> -> memref<80x128xf32, #tpu.memory_space<hbm>>
      %dma_wait3A_214 = arith.constant 0 : i32
      %dma_wait3A_215 = arith.constant 0 : i32
      %dma_wait3A_216 = tpu.memref_slice %arg2[%dma_wait3A_214, %dma_wait3A_215] : memref<10240x128xf32, #tpu.memory_space<hbm>> -> memref<80x128xf32, #tpu.memory_space<hbm>>
      tpu.wait_dma2 semaphore(%arg14 : memref<!tpu.dma_semaphore, #tpu.memory_space<semaphore_mem>>) src(%dma_wait3A_216 : memref<80x128xf32, #tpu.memory_space<hbm>>) dst(%arg9 : memref<80x128xf32, #tpu.memory_space<vmem>>)
      %dma_start3A_217 = arith.constant 0 : i32
      %dma_start3A_218 = tpu.memref_slice %arg8[%add3A_210, %dma_start3A_217] : memref<32x80xi32, #tpu.memory_space<vmem>> -> memref<1x80xi32, #tpu.memory_space<vmem>>
      %dma_start3A_219 = tpu.memref_squeeze %dma_start3A_218 : memref<1x80xi32, #tpu.memory_space<vmem>> -> memref<80xi32, #tpu.memory_space<vmem>>
      %dma_start3A_220 = arith.constant 0 : i32
      %dma_start3A_221 = arith.constant 0 : i32
      %dma_start3A_222 = tpu.memref_slice %arg13[%dma_start3A_220, %dma_start3A_221] : memref<10240x128xf32, #tpu.memory_space<vmem_shared>> -> memref<10240x128xf32, #tpu.memory_space<vmem_shared>>
      tpu.enqueue_indirect_dma source(%arg11 : memref<80x128xf32, #tpu.memory_space<vmem>>) target(%dma_start3A_222 : memref<10240x128xf32, #tpu.memory_space<vmem_shared>>) offsets(%dma_start3A_219 : memref<80xi32, #tpu.memory_space<vmem>>) semaphore(%arg15 : memref<!tpu.dma_semaphore, #tpu.memory_space<semaphore_mem>>) {add = true}
      %ge3A_223 = arith.constant 1 : i32
      %ge3A_224 = arith.cmpi sge, %add3A_210, %ge3A_223 : i32
      %convert_element_type3A_225 = arith.extui %ge3A_224 : i1 to i32
      %cond3A_226 = arith.constant 0 : i32
      %cond3A_227 = arith.cmpi ne, %convert_element_type3A_225, %cond3A_226 : i32
      scf.if %cond3A_227 {
        %dma_wait3A_259 = arith.constant 0 : i32
        %dma_wait3A_260 = arith.constant 0 : i32
        %dma_wait3A_261 = tpu.memref_slice %arg13[%dma_wait3A_259, %dma_wait3A_260] : memref<10240x128xf32, #tpu.memory_space<vmem_shared>> -> memref<80x128xf32, #tpu.memory_space<vmem_shared>>
        %dma_wait3A_262 = arith.constant 0 : i32
        %dma_wait3A_263 = arith.constant 0 : i32
        %dma_wait3A_264 = tpu.memref_slice %arg13[%dma_wait3A_262, %dma_wait3A_263] : memref<10240x128xf32, #tpu.memory_space<vmem_shared>> -> memref<80x128xf32, #tpu.memory_space<vmem_shared>>
        tpu.wait_dma2 semaphore(%arg15 : memref<!tpu.dma_semaphore, #tpu.memory_space<semaphore_mem>>) src(%arg9 : memref<80x128xf32, #tpu.memory_space<vmem>>) dst(%dma_wait3A_264 : memref<80x128xf32, #tpu.memory_space<vmem_shared>>)
      } else {
      }
      %le3A_228 = arith.constant 28 : i32
      %le3A_229 = arith.cmpi sle, %add3A_210, %le3A_228 : i32
      %convert_element_type3A_230 = arith.extui %le3A_229 : i1 to i32
      %cond3A_231 = arith.constant 0 : i32
      %cond3A_232 = arith.cmpi ne, %convert_element_type3A_230, %cond3A_231 : i32
      scf.if %cond3A_232 {
        %add3A_259 = arith.constant 3 : i32
        %add3A_260 = arith.addi %add3A_210, %add3A_259 : i32
        %dma_start3A_261 = arith.constant 0 : i32
        %dma_start3A_262 = tpu.memref_slice %arg7[%add3A_260, %dma_start3A_261] : memref<32x80xi32, #tpu.memory_space<vmem>> -> memref<1x80xi32, #tpu.memory_space<vmem>>
        %dma_start3A_263 = tpu.memref_squeeze %dma_start3A_262 : memref<1x80xi32, #tpu.memory_space<vmem>> -> memref<80xi32, #tpu.memory_space<vmem>>
        %dma_start3A_264 = arith.constant 0 : i32
        %dma_start3A_265 = arith.constant 0 : i32
        %dma_start3A_266 = tpu.memref_slice %arg2[%dma_start3A_264, %dma_start3A_265] : memref<10240x128xf32, #tpu.memory_space<hbm>> -> memref<10240x128xf32, #tpu.memory_space<hbm>>
        tpu.enqueue_indirect_dma source(%dma_start3A_266 : memref<10240x128xf32, #tpu.memory_space<hbm>>) target(%arg10 : memref<80x128xf32, #tpu.memory_space<vmem>>) offsets(%dma_start3A_263 : memref<80xi32, #tpu.memory_space<vmem>>) semaphore(%arg14 : memref<!tpu.dma_semaphore, #tpu.memory_space<semaphore_mem>>)
      } else {
      }
      %mul3A_233 = arith.constant 4 : i32
      %mul3A_234 = arith.muli %scan3A_158, %mul3A_233 : i32
      %add3A_235 = arith.constant 3 : i32
      %add3A_236 = arith.addi %mul3A_234, %add3A_235 : i32
      %dma_wait3A_237 = arith.constant 0 : i32
      %dma_wait3A_238 = arith.constant 0 : i32
      %dma_wait3A_239 = tpu.memref_slice %arg2[%dma_wait3A_237, %dma_wait3A_238] : memref<10240x128xf32, #tpu.memory_space<hbm>> -> memref<80x128xf32, #tpu.memory_space<hbm>>
      %dma_wait3A_240 = arith.constant 0 : i32
      %dma_wait3A_241 = arith.constant 0 : i32
      %dma_wait3A_242 = tpu.memref_slice %arg2[%dma_wait3A_240, %dma_wait3A_241] : memref<10240x128xf32, #tpu.memory_space<hbm>> -> memref<80x128xf32, #tpu.memory_space<hbm>>
      tpu.wait_dma2 semaphore(%arg14 : memref<!tpu.dma_semaphore, #tpu.memory_space<semaphore_mem>>) src(%dma_wait3A_242 : memref<80x128xf32, #tpu.memory_space<hbm>>) dst(%arg9 : memref<80x128xf32, #tpu.memory_space<vmem>>)
      %dma_start3A_243 = arith.constant 0 : i32
      %dma_start3A_244 = tpu.memref_slice %arg8[%add3A_236, %dma_start3A_243] : memref<32x80xi32, #tpu.memory_space<vmem>> -> memref<1x80xi32, #tpu.memory_space<vmem>>
      %dma_start3A_245 = tpu.memref_squeeze %dma_start3A_244 : memref<1x80xi32, #tpu.memory_space<vmem>> -> memref<80xi32, #tpu.memory_space<vmem>>
      %dma_start3A_246 = arith.constant 0 : i32
      %dma_start3A_247 = arith.constant 0 : i32
      %dma_start3A_248 = tpu.memref_slice %arg13[%dma_start3A_246, %dma_start3A_247] : memref<10240x128xf32, #tpu.memory_space<vmem_shared>> -> memref<10240x128xf32, #tpu.memory_space<vmem_shared>>
      tpu.enqueue_indirect_dma source(%arg12 : memref<80x128xf32, #tpu.memory_space<vmem>>) target(%dma_start3A_248 : memref<10240x128xf32, #tpu.memory_space<vmem_shared>>) offsets(%dma_start3A_245 : memref<80xi32, #tpu.memory_space<vmem>>) semaphore(%arg15 : memref<!tpu.dma_semaphore, #tpu.memory_space<semaphore_mem>>) {add = true}
      %ge3A_249 = arith.constant 1 : i32
      %ge3A_250 = arith.cmpi sge, %add3A_236, %ge3A_249 : i32
      %convert_element_type3A_251 = arith.extui %ge3A_250 : i1 to i32
      %cond3A_252 = arith.constant 0 : i32
      %cond3A_253 = arith.cmpi ne, %convert_element_type3A_251, %cond3A_252 : i32
      scf.if %cond3A_253 {
        %dma_wait3A_259 = arith.constant 0 : i32
        %dma_wait3A_260 = arith.constant 0 : i32
        %dma_wait3A_261 = tpu.memref_slice %arg13[%dma_wait3A_259, %dma_wait3A_260] : memref<10240x128xf32, #tpu.memory_space<vmem_shared>> -> memref<80x128xf32, #tpu.memory_space<vmem_shared>>
        %dma_wait3A_262 = arith.constant 0 : i32
        %dma_wait3A_263 = arith.constant 0 : i32
        %dma_wait3A_264 = tpu.memref_slice %arg13[%dma_wait3A_262, %dma_wait3A_263] : memref<10240x128xf32, #tpu.memory_space<vmem_shared>> -> memref<80x128xf32, #tpu.memory_space<vmem_shared>>
        tpu.wait_dma2 semaphore(%arg15 : memref<!tpu.dma_semaphore, #tpu.memory_space<semaphore_mem>>) src(%arg9 : memref<80x128xf32, #tpu.memory_space<vmem>>) dst(%dma_wait3A_264 : memref<80x128xf32, #tpu.memory_space<vmem_shared>>)
      } else {
      }
      %le3A_254 = arith.constant 28 : i32
      %le3A_255 = arith.cmpi sle, %add3A_236, %le3A_254 : i32
      %convert_element_type3A_256 = arith.extui %le3A_255 : i1 to i32
      %cond3A_257 = arith.constant 0 : i32
      %cond3A_258 = arith.cmpi ne, %convert_element_type3A_256, %cond3A_257 : i32
      scf.if %cond3A_258 {
        %add3A_259 = arith.constant 3 : i32
        %add3A_260 = arith.addi %add3A_236, %add3A_259 : i32
        %dma_start3A_261 = arith.constant 0 : i32
        %dma_start3A_262 = tpu.memref_slice %arg7[%add3A_260, %dma_start3A_261] : memref<32x80xi32, #tpu.memory_space<vmem>> -> memref<1x80xi32, #tpu.memory_space<vmem>>
        %dma_start3A_263 = tpu.memref_squeeze %dma_start3A_262 : memref<1x80xi32, #tpu.memory_space<vmem>> -> memref<80xi32, #tpu.memory_space<vmem>>
        %dma_start3A_264 = arith.constant 0 : i32
        %dma_start3A_265 = arith.constant 0 : i32
        %dma_start3A_266 = tpu.memref_slice %arg2[%dma_start3A_264, %dma_start3A_265] : memref<10240x128xf32, #tpu.memory_space<hbm>> -> memref<10240x128xf32, #tpu.memory_space<hbm>>
        tpu.enqueue_indirect_dma source(%dma_start3A_266 : memref<10240x128xf32, #tpu.memory_space<hbm>>) target(%arg11 : memref<80x128xf32, #tpu.memory_space<vmem>>) offsets(%dma_start3A_263 : memref<80xi32, #tpu.memory_space<vmem>>) semaphore(%arg14 : memref<!tpu.dma_semaphore, #tpu.memory_space<semaphore_mem>>)
      } else {
      }
    }
    %scan3A_143 = arith.constant 8 : i32
    %dma_wait3A_144 = arith.constant 0 : i32
    %dma_wait3A_145 = arith.constant 0 : i32
    %dma_wait3A_146 = tpu.memref_slice %arg13[%dma_wait3A_144, %dma_wait3A_145] : memref<10240x128xf32, #tpu.memory_space<vmem_shared>> -> memref<80x128xf32, #tpu.memory_space<vmem_shared>>
    %dma_wait3A_147 = arith.constant 0 : i32
    %dma_wait3A_148 = arith.constant 0 : i32
    %dma_wait3A_149 = tpu.memref_slice %arg13[%dma_wait3A_147, %dma_wait3A_148] : memref<10240x128xf32, #tpu.memory_space<vmem_shared>> -> memref<80x128xf32, #tpu.memory_space<vmem_shared>>
    tpu.wait_dma2 semaphore(%arg15 : memref<!tpu.dma_semaphore, #tpu.memory_space<semaphore_mem>>) src(%arg9 : memref<80x128xf32, #tpu.memory_space<vmem>>) dst(%dma_wait3A_149 : memref<80x128xf32, #tpu.memory_space<vmem_shared>>)
    %barrier3A_150 = arith.constant 0 : index
    tpu.barrier barrier_id(%barrier3A_150)
    %mul3A_151 = arith.constant 640 : i32
    %mul3A_152 = arith.muli %arg1, %mul3A_151 : i32
    %mul3A_153 = arith.constant 10240 : i32
    %mul3A_154 = arith.muli %arg0, %mul3A_153 : i32
    %mul3A_155 = arith.constant 640 : i32
    %mul3A_156 = arith.muli %arg1, %mul3A_155 : i32
    %add3A_157 = arith.addi %mul3A_154, %mul3A_156 : i32
    "tpu.region"() ({
      %run_scoped3A = tpu.sem_alloc : memref<!tpu.dma_semaphore, #tpu.memory_space<semaphore_mem>>
      %dma_start3A_158 = arith.constant 0 : i32
      %dma_start3A_159 = tpu.memref_slice %arg6[%add3A_157, %dma_start3A_158] : memref<20480x128xf32, #tpu.memory_space<hbm>> -> memref<640x128xf32, #tpu.memory_space<hbm>>
      %dma_start3A_160 = arith.constant 0 : i32
      %dma_start3A_161 = tpu.memref_slice %arg13[%mul3A_152, %dma_start3A_160] : memref<10240x128xf32, #tpu.memory_space<vmem_shared>> -> memref<640x128xf32, #tpu.memory_space<vmem_shared>>
      tpu.enqueue_dma source(%dma_start3A_161 : memref<640x128xf32, #tpu.memory_space<vmem_shared>>) target(%dma_start3A_159 : memref<640x128xf32, #tpu.memory_space<hbm>>) target_semaphore(%run_scoped3A : memref<!tpu.dma_semaphore, #tpu.memory_space<semaphore_mem>>)
      %dma_wait3A_162 = arith.constant 0 : i32
      %dma_wait3A_163 = tpu.memref_slice %arg6[%add3A_157, %dma_wait3A_162] : memref<20480x128xf32, #tpu.memory_space<hbm>> -> memref<640x128xf32, #tpu.memory_space<hbm>>
      %dma_wait3A_164 = arith.constant 0 : i32
      %dma_wait3A_165 = tpu.memref_slice %arg13[%mul3A_152, %dma_wait3A_164] : memref<10240x128xf32, #tpu.memory_space<vmem_shared>> -> memref<640x128xf32, #tpu.memory_space<vmem_shared>>
      tpu.wait_dma2 semaphore(%run_scoped3A : memref<!tpu.dma_semaphore, #tpu.memory_space<semaphore_mem>>) src(%dma_wait3A_165 : memref<640x128xf32, #tpu.memory_space<vmem_shared>>) dst(%dma_wait3A_163 : memref<640x128xf32, #tpu.memory_space<hbm>>)
      tpu.yield
    }) : () -> ()
    return
  }
}

#map = affine_map<(d0, d1) -> (0, 0)>
module attributes {stable_mosaic.version = 14 : i64} {
  func.func @_mp_body(%arg0: i32, %arg1: i32, %arg2: memref<10240x128xf32, #tpu.memory_space<hbm>>, %arg3: memref<4096x80xi32, #tpu.memory_space<hbm>>, %arg4: memref<4096x80xi32, #tpu.memory_space<hbm>>, %arg5: memref<640x128xf32, #tpu.memory_space<hbm>>, %arg6: memref<20480x128xf32, #tpu.memory_space<hbm>>, %arg7: memref<32x80xi32, #tpu.memory_space<vmem>>, %arg8: memref<32x80xi32, #tpu.memory_space<vmem>>, %arg9: memref<80x128xf32, #tpu.memory_space<vmem>>, %arg10: memref<80x128xf32, #tpu.memory_space<vmem>>, %arg11: memref<80x128xf32, #tpu.memory_space<vmem>>, %arg12: memref<80x128xf32, #tpu.memory_space<vmem>>, %arg13: memref<10240x128xf32, #tpu.memory_space<vmem_shared>>, %arg14: memref<!tpu.dma_semaphore, #tpu.memory_space<semaphore_mem>>, %arg15: memref<!tpu.dma_semaphore, #tpu.memory_space<semaphore_mem>>) attributes {dimension_semantics = [#tpu.dimension_semantics<core_parallel>, #tpu.dimension_semantics<subcore_parallel>], iteration_bounds = array<i64: 2, 16>, scalar_prefetch = 0 : i64, scratch_operands = 9 : i64, tpu.core_type = #tpu.core_type<sc_vector_subcore>, window_params = [{transform_indices = #map}, {transform_indices = #map}, {transform_indices = #map}, {transform_indices = #map}, {transform_indices = #map}]} {
    %mul3A = arith.constant 640 : i32
    %mul3A_0 = arith.muli %arg1, %mul3A : i32
    "tpu.region"() ({
      %run_scoped3A = tpu.sem_alloc : memref<!tpu.dma_semaphore, #tpu.memory_space<semaphore_mem>>
      %dma_start3A_158 = arith.constant 0 : i32
      %dma_start3A_159 = tpu.memref_slice %arg13[%mul3A_0, %dma_start3A_158] : memref<10240x128xf32, #tpu.memory_space<vmem_shared>> -> memref<640x128xf32, #tpu.memory_space<vmem_shared>>
      tpu.enqueue_dma source(%arg5 : memref<640x128xf32, #tpu.memory_space<hbm>>) target(%dma_start3A_159 : memref<640x128xf32, #tpu.memory_space<vmem_shared>>) target_semaphore(%run_scoped3A : memref<!tpu.dma_semaphore, #tpu.memory_space<semaphore_mem>>)
      %dma_wait3A_160 = arith.constant 0 : i32
      %dma_wait3A_161 = tpu.memref_slice %arg13[%mul3A_0, %dma_wait3A_160] : memref<10240x128xf32, #tpu.memory_space<vmem_shared>> -> memref<640x128xf32, #tpu.memory_space<vmem_shared>>
      tpu.wait_dma2 semaphore(%run_scoped3A : memref<!tpu.dma_semaphore, #tpu.memory_space<semaphore_mem>>) src(%arg5 : memref<640x128xf32, #tpu.memory_space<hbm>>) dst(%dma_wait3A_161 : memref<640x128xf32, #tpu.memory_space<vmem_shared>>)
      tpu.yield
    }) : () -> ()
    %mul3A_1 = arith.constant 16 : i32
    %mul3A_2 = arith.muli %arg0, %mul3A_1 : i32
    %add3A = arith.addi %mul3A_2, %arg1 : i32
    %mul3A_3 = arith.constant 128 : i32
    %mul3A_4 = arith.muli %add3A, %mul3A_3 : i32
    %barrier3A = arith.constant 0 : index
    tpu.barrier barrier_id(%barrier3A)
    %add3A_5 = arith.constant 0 : i32
    %add3A_6 = arith.addi %mul3A_4, %add3A_5 : i32
    "tpu.region"() ({
      %run_scoped3A = tpu.sem_alloc : memref<!tpu.dma_semaphore, #tpu.memory_space<semaphore_mem>>
      %dma_start3A_158 = arith.constant 0 : i32
      %dma_start3A_159 = tpu.memref_slice %arg3[%add3A_6, %dma_start3A_158] : memref<4096x80xi32, #tpu.memory_space<hbm>> -> memref<32x80xi32, #tpu.memory_space<hbm>>
      %dma_start3A_160 = arith.constant 0 : i32
      %dma_start3A_161 = tpu.memref_slice %arg3[%add3A_6, %dma_start3A_160] : memref<4096x80xi32, #tpu.memory_space<hbm>> -> memref<32x80xi32, #tpu.memory_space<hbm>>
      tpu.enqueue_dma source(%dma_start3A_161 : memref<32x80xi32, #tpu.memory_space<hbm>>) target(%arg7 : memref<32x80xi32, #tpu.memory_space<vmem>>) target_semaphore(%run_scoped3A : memref<!tpu.dma_semaphore, #tpu.memory_space<semaphore_mem>>)
      %dma_wait3A_162 = arith.constant 0 : i32
      %dma_wait3A_163 = tpu.memref_slice %arg3[%add3A_6, %dma_wait3A_162] : memref<4096x80xi32, #tpu.memory_space<hbm>> -> memref<32x80xi32, #tpu.memory_space<hbm>>
      %dma_wait3A_164 = arith.constant 0 : i32
      %dma_wait3A_165 = tpu.memref_slice %arg3[%add3A_6, %dma_wait3A_164] : memref<4096x80xi32, #tpu.memory_space<hbm>> -> memref<32x80xi32, #tpu.memory_space<hbm>>
      tpu.wait_dma2 semaphore(%run_scoped3A : memref<!tpu.dma_semaphore, #tpu.memory_space<semaphore_mem>>) src(%dma_wait3A_165 : memref<32x80xi32, #tpu.memory_space<hbm>>) dst(%arg7 : memref<32x80xi32, #tpu.memory_space<vmem>>)
      tpu.yield
    }) : () -> ()
    %add3A_7 = arith.constant 0 : i32
    %add3A_8 = arith.addi %mul3A_4, %add3A_7 : i32
    "tpu.region"() ({
      %run_scoped3A = tpu.sem_alloc : memref<!tpu.dma_semaphore, #tpu.memory_space<semaphore_mem>>
      %dma_start3A_158 = arith.constant 0 : i32
      %dma_start3A_159 = tpu.memref_slice %arg4[%add3A_8, %dma_start3A_158] : memref<4096x80xi32, #tpu.memory_space<hbm>> -> memref<32x80xi32, #tpu.memory_space<hbm>>
      %dma_start3A_160 = arith.constant 0 : i32
      %dma_start3A_161 = tpu.memref_slice %arg4[%add3A_8, %dma_start3A_160] : memref<4096x80xi32, #tpu.memory_space<hbm>> -> memref<32x80xi32, #tpu.memory_space<hbm>>
      tpu.enqueue_dma source(%dma_start3A_161 : memref<32x80xi32, #tpu.memory_space<hbm>>) target(%arg8 : memref<32x80xi32, #tpu.memory_space<vmem>>) target_semaphore(%run_scoped3A : memref<!tpu.dma_semaphore, #tpu.memory_space<semaphore_mem>>)
      %dma_wait3A_162 = arith.constant 0 : i32
      %dma_wait3A_163 = tpu.memref_slice %arg4[%add3A_8, %dma_wait3A_162] : memref<4096x80xi32, #tpu.memory_space<hbm>> -> memref<32x80xi32, #tpu.memory_space<hbm>>
      %dma_wait3A_164 = arith.constant 0 : i32
      %dma_wait3A_165 = tpu.memref_slice %arg4[%add3A_8, %dma_wait3A_164] : memref<4096x80xi32, #tpu.memory_space<hbm>> -> memref<32x80xi32, #tpu.memory_space<hbm>>
      tpu.wait_dma2 semaphore(%run_scoped3A : memref<!tpu.dma_semaphore, #tpu.memory_space<semaphore_mem>>) src(%dma_wait3A_165 : memref<32x80xi32, #tpu.memory_space<hbm>>) dst(%arg8 : memref<32x80xi32, #tpu.memory_space<vmem>>)
      tpu.yield
    }) : () -> ()
    %dma_start3A = arith.constant 0 : i32
    %dma_start3A_9 = arith.constant 0 : i32
    %dma_start3A_10 = tpu.memref_slice %arg7[%dma_start3A, %dma_start3A_9] : memref<32x80xi32, #tpu.memory_space<vmem>> -> memref<1x80xi32, #tpu.memory_space<vmem>>
    %dma_start3A_11 = tpu.memref_squeeze %dma_start3A_10 : memref<1x80xi32, #tpu.memory_space<vmem>> -> memref<80xi32, #tpu.memory_space<vmem>>
    %dma_start3A_12 = arith.constant 0 : i32
    %dma_start3A_13 = arith.constant 0 : i32
    %dma_start3A_14 = tpu.memref_slice %arg2[%dma_start3A_12, %dma_start3A_13] : memref<10240x128xf32, #tpu.memory_space<hbm>> -> memref<10240x128xf32, #tpu.memory_space<hbm>>
    tpu.enqueue_indirect_dma source(%dma_start3A_14 : memref<10240x128xf32, #tpu.memory_space<hbm>>) target(%arg9 : memref<80x128xf32, #tpu.memory_space<vmem>>) offsets(%dma_start3A_11 : memref<80xi32, #tpu.memory_space<vmem>>) semaphore(%arg14 : memref<!tpu.dma_semaphore, #tpu.memory_space<semaphore_mem>>)
    %dma_start3A_15 = arith.constant 1 : i32
    %dma_start3A_16 = arith.constant 0 : i32
    %dma_start3A_17 = tpu.memref_slice %arg7[%dma_start3A_15, %dma_start3A_16] : memref<32x80xi32, #tpu.memory_space<vmem>> -> memref<1x80xi32, #tpu.memory_space<vmem>>
    %dma_start3A_18 = tpu.memref_squeeze %dma_start3A_17 : memref<1x80xi32, #tpu.memory_space<vmem>> -> memref<80xi32, #tpu.memory_space<vmem>>
    %dma_start3A_19 = arith.constant 0 : i32
    %dma_start3A_20 = arith.constant 0 : i32
    %dma_start3A_21 = tpu.memref_slice %arg2[%dma_start3A_19, %dma_start3A_20] : memref<10240x128xf32, #tpu.memory_space<hbm>> -> memref<10240x128xf32, #tpu.memory_space<hbm>>
    tpu.enqueue_indirect_dma source(%dma_start3A_21 : memref<10240x128xf32, #tpu.memory_space<hbm>>) target(%arg10 : memref<80x128xf32, #tpu.memory_space<vmem>>) offsets(%dma_start3A_18 : memref<80xi32, #tpu.memory_space<vmem>>) semaphore(%arg14 : memref<!tpu.dma_semaphore, #tpu.memory_space<semaphore_mem>>)
    %dma_start3A_22 = arith.constant 2 : i32
    %dma_start3A_23 = arith.constant 0 : i32
    %dma_start3A_24 = tpu.memref_slice %arg7[%dma_start3A_22, %dma_start3A_23] : memref<32x80xi32, #tpu.memory_space<vmem>> -> memref<1x80xi32, #tpu.memory_space<vmem>>
    %dma_start3A_25 = tpu.memref_squeeze %dma_start3A_24 : memref<1x80xi32, #tpu.memory_space<vmem>> -> memref<80xi32, #tpu.memory_space<vmem>>
    %dma_start3A_26 = arith.constant 0 : i32
    %dma_start3A_27 = arith.constant 0 : i32
    %dma_start3A_28 = tpu.memref_slice %arg2[%dma_start3A_26, %dma_start3A_27] : memref<10240x128xf32, #tpu.memory_space<hbm>> -> memref<10240x128xf32, #tpu.memory_space<hbm>>
    tpu.enqueue_indirect_dma source(%dma_start3A_28 : memref<10240x128xf32, #tpu.memory_space<hbm>>) target(%arg11 : memref<80x128xf32, #tpu.memory_space<vmem>>) offsets(%dma_start3A_25 : memref<80xi32, #tpu.memory_space<vmem>>) semaphore(%arg14 : memref<!tpu.dma_semaphore, #tpu.memory_space<semaphore_mem>>)
    %scan3A = arith.constant 0 : i32
    %scan3A_29 = arith.constant 0 : i32
    %scan3A_30 = arith.constant 8 : i32
    %scan3A_31 = arith.addi %scan3A_29, %scan3A_30 : i32
    %scan3A_32 = arith.constant 1 : i32
    scf.for %scan3A_158 = %scan3A_29 to %scan3A_31 step %scan3A_32  : i32 {
      %mul3A_159 = arith.constant 4 : i32
      %mul3A_160 = arith.muli %scan3A_158, %mul3A_159 : i32
      %add3A_161 = arith.constant 0 : i32
      %add3A_162 = arith.addi %mul3A_160, %add3A_161 : i32
      %dma_wait3A_163 = arith.constant 0 : i32
      %dma_wait3A_164 = arith.constant 0 : i32
      %dma_wait3A_165 = tpu.memref_slice %arg2[%dma_wait3A_163, %dma_wait3A_164] : memref<10240x128xf32, #tpu.memory_space<hbm>> -> memref<80x128xf32, #tpu.memory_space<hbm>>
      %dma_wait3A_166 = arith.constant 0 : i32
      %dma_wait3A_167 = arith.constant 0 : i32
      %dma_wait3A_168 = tpu.memref_slice %arg2[%dma_wait3A_166, %dma_wait3A_167] : memref<10240x128xf32, #tpu.memory_space<hbm>> -> memref<80x128xf32, #tpu.memory_space<hbm>>
      tpu.wait_dma2 semaphore(%arg14 : memref<!tpu.dma_semaphore, #tpu.memory_space<semaphore_mem>>) src(%dma_wait3A_168 : memref<80x128xf32, #tpu.memory_space<hbm>>) dst(%arg9 : memref<80x128xf32, #tpu.memory_space<vmem>>)
      %dma_start3A_169 = arith.constant 0 : i32
      %dma_start3A_170 = tpu.memref_slice %arg8[%add3A_162, %dma_start3A_169] : memref<32x80xi32, #tpu.memory_space<vmem>> -> memref<1x80xi32, #tpu.memory_space<vmem>>
      %dma_start3A_171 = tpu.memref_squeeze %dma_start3A_170 : memref<1x80xi32, #tpu.memory_space<vmem>> -> memref<80xi32, #tpu.memory_space<vmem>>
      %dma_start3A_172 = arith.constant 0 : i32
      %dma_start3A_173 = arith.constant 0 : i32
      %dma_start3A_174 = tpu.memref_slice %arg13[%dma_start3A_172, %dma_start3A_173] : memref<10240x128xf32, #tpu.memory_space<vmem_shared>> -> memref<10240x128xf32, #tpu.memory_space<vmem_shared>>
      tpu.enqueue_indirect_dma source(%arg9 : memref<80x128xf32, #tpu.memory_space<vmem>>) target(%dma_start3A_174 : memref<10240x128xf32, #tpu.memory_space<vmem_shared>>) offsets(%dma_start3A_171 : memref<80xi32, #tpu.memory_space<vmem>>) semaphore(%arg15 : memref<!tpu.dma_semaphore, #tpu.memory_space<semaphore_mem>>) {add = true}
      %ge3A = arith.constant 1 : i32
      %ge3A_175 = arith.cmpi sge, %add3A_162, %ge3A : i32
      %convert_element_type3A = arith.extui %ge3A_175 : i1 to i32
      %cond3A = arith.constant 0 : i32
      %cond3A_176 = arith.cmpi ne, %convert_element_type3A, %cond3A : i32
      scf.if %cond3A_176 {
        %dma_wait3A_259 = arith.constant 0 : i32
        %dma_wait3A_260 = arith.constant 0 : i32
        %dma_wait3A_261 = tpu.memref_slice %arg13[%dma_wait3A_259, %dma_wait3A_260] : memref<10240x128xf32, #tpu.memory_space<vmem_shared>> -> memref<80x128xf32, #tpu.memory_space<vmem_shared>>
        %dma_wait3A_262 = arith.constant 0 : i32
        %dma_wait3A_263 = arith.constant 0 : i32
        %dma_wait3A_264 = tpu.memref_slice %arg13[%dma_wait3A_262, %dma_wait3A_263] : memref<10240x128xf32, #tpu.memory_space<vmem_shared>> -> memref<80x128xf32, #tpu.memory_space<vmem_shared>>
        tpu.wait_dma2 semaphore(%arg15 : memref<!tpu.dma_semaphore, #tpu.memory_space<semaphore_mem>>) src(%arg9 : memref<80x128xf32, #tpu.memory_space<vmem>>) dst(%dma_wait3A_264 : memref<80x128xf32, #tpu.memory_space<vmem_shared>>)
      } else {
      }
      %le3A = arith.constant 28 : i32
      %le3A_177 = arith.cmpi sle, %add3A_162, %le3A : i32
      %convert_element_type3A_178 = arith.extui %le3A_177 : i1 to i32
      %cond3A_179 = arith.constant 0 : i32
      %cond3A_180 = arith.cmpi ne, %convert_element_type3A_178, %cond3A_179 : i32
      scf.if %cond3A_180 {
        %add3A_259 = arith.constant 3 : i32
        %add3A_260 = arith.addi %add3A_162, %add3A_259 : i32
        %dma_start3A_261 = arith.constant 0 : i32
        %dma_start3A_262 = tpu.memref_slice %arg7[%add3A_260, %dma_start3A_261] : memref<32x80xi32, #tpu.memory_space<vmem>> -> memref<1x80xi32, #tpu.memory_space<vmem>>
        %dma_start3A_263 = tpu.memref_squeeze %dma_start3A_262 : memref<1x80xi32, #tpu.memory_space<vmem>> -> memref<80xi32, #tpu.memory_space<vmem>>
        %dma_start3A_264 = arith.constant 0 : i32
        %dma_start3A_265 = arith.constant 0 : i32
        %dma_start3A_266 = tpu.memref_slice %arg2[%dma_start3A_264, %dma_start3A_265] : memref<10240x128xf32, #tpu.memory_space<hbm>> -> memref<10240x128xf32, #tpu.memory_space<hbm>>
        tpu.enqueue_indirect_dma source(%dma_start3A_266 : memref<10240x128xf32, #tpu.memory_space<hbm>>) target(%arg12 : memref<80x128xf32, #tpu.memory_space<vmem>>) offsets(%dma_start3A_263 : memref<80xi32, #tpu.memory_space<vmem>>) semaphore(%arg14 : memref<!tpu.dma_semaphore, #tpu.memory_space<semaphore_mem>>)
      } else {
      }
      %mul3A_181 = arith.constant 4 : i32
      %mul3A_182 = arith.muli %scan3A_158, %mul3A_181 : i32
      %add3A_183 = arith.constant 1 : i32
      %add3A_184 = arith.addi %mul3A_182, %add3A_183 : i32
      %dma_wait3A_185 = arith.constant 0 : i32
      %dma_wait3A_186 = arith.constant 0 : i32
      %dma_wait3A_187 = tpu.memref_slice %arg2[%dma_wait3A_185, %dma_wait3A_186] : memref<10240x128xf32, #tpu.memory_space<hbm>> -> memref<80x128xf32, #tpu.memory_space<hbm>>
      %dma_wait3A_188 = arith.constant 0 : i32
      %dma_wait3A_189 = arith.constant 0 : i32
      %dma_wait3A_190 = tpu.memref_slice %arg2[%dma_wait3A_188, %dma_wait3A_189] : memref<10240x128xf32, #tpu.memory_space<hbm>> -> memref<80x128xf32, #tpu.memory_space<hbm>>
      tpu.wait_dma2 semaphore(%arg14 : memref<!tpu.dma_semaphore, #tpu.memory_space<semaphore_mem>>) src(%dma_wait3A_190 : memref<80x128xf32, #tpu.memory_space<hbm>>) dst(%arg9 : memref<80x128xf32, #tpu.memory_space<vmem>>)
      %dma_start3A_191 = arith.constant 0 : i32
      %dma_start3A_192 = tpu.memref_slice %arg8[%add3A_184, %dma_start3A_191] : memref<32x80xi32, #tpu.memory_space<vmem>> -> memref<1x80xi32, #tpu.memory_space<vmem>>
      %dma_start3A_193 = tpu.memref_squeeze %dma_start3A_192 : memref<1x80xi32, #tpu.memory_space<vmem>> -> memref<80xi32, #tpu.memory_space<vmem>>
      %dma_start3A_194 = arith.constant 0 : i32
      %dma_start3A_195 = arith.constant 0 : i32
      %dma_start3A_196 = tpu.memref_slice %arg13[%dma_start3A_194, %dma_start3A_195] : memref<10240x128xf32, #tpu.memory_space<vmem_shared>> -> memref<10240x128xf32, #tpu.memory_space<vmem_shared>>
      tpu.enqueue_indirect_dma source(%arg10 : memref<80x128xf32, #tpu.memory_space<vmem>>) target(%dma_start3A_196 : memref<10240x128xf32, #tpu.memory_space<vmem_shared>>) offsets(%dma_start3A_193 : memref<80xi32, #tpu.memory_space<vmem>>) semaphore(%arg15 : memref<!tpu.dma_semaphore, #tpu.memory_space<semaphore_mem>>) {add = true}
      %ge3A_197 = arith.constant 1 : i32
      %ge3A_198 = arith.cmpi sge, %add3A_184, %ge3A_197 : i32
      %convert_element_type3A_199 = arith.extui %ge3A_198 : i1 to i32
      %cond3A_200 = arith.constant 0 : i32
      %cond3A_201 = arith.cmpi ne, %convert_element_type3A_199, %cond3A_200 : i32
      scf.if %cond3A_201 {
        %dma_wait3A_259 = arith.constant 0 : i32
        %dma_wait3A_260 = arith.constant 0 : i32
        %dma_wait3A_261 = tpu.memref_slice %arg13[%dma_wait3A_259, %dma_wait3A_260] : memref<10240x128xf32, #tpu.memory_space<vmem_shared>> -> memref<80x128xf32, #tpu.memory_space<vmem_shared>>
        %dma_wait3A_262 = arith.constant 0 : i32
        %dma_wait3A_263 = arith.constant 0 : i32
        %dma_wait3A_264 = tpu.memref_slice %arg13[%dma_wait3A_262, %dma_wait3A_263] : memref<10240x128xf32, #tpu.memory_space<vmem_shared>> -> memref<80x128xf32, #tpu.memory_space<vmem_shared>>
        tpu.wait_dma2 semaphore(%arg15 : memref<!tpu.dma_semaphore, #tpu.memory_space<semaphore_mem>>) src(%arg9 : memref<80x128xf32, #tpu.memory_space<vmem>>) dst(%dma_wait3A_264 : memref<80x128xf32, #tpu.memory_space<vmem_shared>>)
      } else {
      }
      %le3A_202 = arith.constant 28 : i32
      %le3A_203 = arith.cmpi sle, %add3A_184, %le3A_202 : i32
      %convert_element_type3A_204 = arith.extui %le3A_203 : i1 to i32
      %cond3A_205 = arith.constant 0 : i32
      %cond3A_206 = arith.cmpi ne, %convert_element_type3A_204, %cond3A_205 : i32
      scf.if %cond3A_206 {
        %add3A_259 = arith.constant 3 : i32
        %add3A_260 = arith.addi %add3A_184, %add3A_259 : i32
        %dma_start3A_261 = arith.constant 0 : i32
        %dma_start3A_262 = tpu.memref_slice %arg7[%add3A_260, %dma_start3A_261] : memref<32x80xi32, #tpu.memory_space<vmem>> -> memref<1x80xi32, #tpu.memory_space<vmem>>
        %dma_start3A_263 = tpu.memref_squeeze %dma_start3A_262 : memref<1x80xi32, #tpu.memory_space<vmem>> -> memref<80xi32, #tpu.memory_space<vmem>>
        %dma_start3A_264 = arith.constant 0 : i32
        %dma_start3A_265 = arith.constant 0 : i32
        %dma_start3A_266 = tpu.memref_slice %arg2[%dma_start3A_264, %dma_start3A_265] : memref<10240x128xf32, #tpu.memory_space<hbm>> -> memref<10240x128xf32, #tpu.memory_space<hbm>>
        tpu.enqueue_indirect_dma source(%dma_start3A_266 : memref<10240x128xf32, #tpu.memory_space<hbm>>) target(%arg9 : memref<80x128xf32, #tpu.memory_space<vmem>>) offsets(%dma_start3A_263 : memref<80xi32, #tpu.memory_space<vmem>>) semaphore(%arg14 : memref<!tpu.dma_semaphore, #tpu.memory_space<semaphore_mem>>)
      } else {
      }
      %mul3A_207 = arith.constant 4 : i32
      %mul3A_208 = arith.muli %scan3A_158, %mul3A_207 : i32
      %add3A_209 = arith.constant 2 : i32
      %add3A_210 = arith.addi %mul3A_208, %add3A_209 : i32
      %dma_wait3A_211 = arith.constant 0 : i32
      %dma_wait3A_212 = arith.constant 0 : i32
      %dma_wait3A_213 = tpu.memref_slice %arg2[%dma_wait3A_211, %dma_wait3A_212] : memref<10240x128xf32, #tpu.memory_space<hbm>> -> memref<80x128xf32, #tpu.memory_space<hbm>>
      %dma_wait3A_214 = arith.constant 0 : i32
      %dma_wait3A_215 = arith.constant 0 : i32
      %dma_wait3A_216 = tpu.memref_slice %arg2[%dma_wait3A_214, %dma_wait3A_215] : memref<10240x128xf32, #tpu.memory_space<hbm>> -> memref<80x128xf32, #tpu.memory_space<hbm>>
      tpu.wait_dma2 semaphore(%arg14 : memref<!tpu.dma_semaphore, #tpu.memory_space<semaphore_mem>>) src(%dma_wait3A_216 : memref<80x128xf32, #tpu.memory_space<hbm>>) dst(%arg9 : memref<80x128xf32, #tpu.memory_space<vmem>>)
      %dma_start3A_217 = arith.constant 0 : i32
      %dma_start3A_218 = tpu.memref_slice %arg8[%add3A_210, %dma_start3A_217] : memref<32x80xi32, #tpu.memory_space<vmem>> -> memref<1x80xi32, #tpu.memory_space<vmem>>
      %dma_start3A_219 = tpu.memref_squeeze %dma_start3A_218 : memref<1x80xi32, #tpu.memory_space<vmem>> -> memref<80xi32, #tpu.memory_space<vmem>>
      %dma_start3A_220 = arith.constant 0 : i32
      %dma_start3A_221 = arith.constant 0 : i32
      %dma_start3A_222 = tpu.memref_slice %arg13[%dma_start3A_220, %dma_start3A_221] : memref<10240x128xf32, #tpu.memory_space<vmem_shared>> -> memref<10240x128xf32, #tpu.memory_space<vmem_shared>>
      tpu.enqueue_indirect_dma source(%arg11 : memref<80x128xf32, #tpu.memory_space<vmem>>) target(%dma_start3A_222 : memref<10240x128xf32, #tpu.memory_space<vmem_shared>>) offsets(%dma_start3A_219 : memref<80xi32, #tpu.memory_space<vmem>>) semaphore(%arg15 : memref<!tpu.dma_semaphore, #tpu.memory_space<semaphore_mem>>) {add = true}
      %ge3A_223 = arith.constant 1 : i32
      %ge3A_224 = arith.cmpi sge, %add3A_210, %ge3A_223 : i32
      %convert_element_type3A_225 = arith.extui %ge3A_224 : i1 to i32
      %cond3A_226 = arith.constant 0 : i32
      %cond3A_227 = arith.cmpi ne, %convert_element_type3A_225, %cond3A_226 : i32
      scf.if %cond3A_227 {
        %dma_wait3A_259 = arith.constant 0 : i32
        %dma_wait3A_260 = arith.constant 0 : i32
        %dma_wait3A_261 = tpu.memref_slice %arg13[%dma_wait3A_259, %dma_wait3A_260] : memref<10240x128xf32, #tpu.memory_space<vmem_shared>> -> memref<80x128xf32, #tpu.memory_space<vmem_shared>>
        %dma_wait3A_262 = arith.constant 0 : i32
        %dma_wait3A_263 = arith.constant 0 : i32
        %dma_wait3A_264 = tpu.memref_slice %arg13[%dma_wait3A_262, %dma_wait3A_263] : memref<10240x128xf32, #tpu.memory_space<vmem_shared>> -> memref<80x128xf32, #tpu.memory_space<vmem_shared>>
        tpu.wait_dma2 semaphore(%arg15 : memref<!tpu.dma_semaphore, #tpu.memory_space<semaphore_mem>>) src(%arg9 : memref<80x128xf32, #tpu.memory_space<vmem>>) dst(%dma_wait3A_264 : memref<80x128xf32, #tpu.memory_space<vmem_shared>>)
      } else {
      }
      %le3A_228 = arith.constant 28 : i32
      %le3A_229 = arith.cmpi sle, %add3A_210, %le3A_228 : i32
      %convert_element_type3A_230 = arith.extui %le3A_229 : i1 to i32
      %cond3A_231 = arith.constant 0 : i32
      %cond3A_232 = arith.cmpi ne, %convert_element_type3A_230, %cond3A_231 : i32
      scf.if %cond3A_232 {
        %add3A_259 = arith.constant 3 : i32
        %add3A_260 = arith.addi %add3A_210, %add3A_259 : i32
        %dma_start3A_261 = arith.constant 0 : i32
        %dma_start3A_262 = tpu.memref_slice %arg7[%add3A_260, %dma_start3A_261] : memref<32x80xi32, #tpu.memory_space<vmem>> -> memref<1x80xi32, #tpu.memory_space<vmem>>
        %dma_start3A_263 = tpu.memref_squeeze %dma_start3A_262 : memref<1x80xi32, #tpu.memory_space<vmem>> -> memref<80xi32, #tpu.memory_space<vmem>>
        %dma_start3A_264 = arith.constant 0 : i32
        %dma_start3A_265 = arith.constant 0 : i32
        %dma_start3A_266 = tpu.memref_slice %arg2[%dma_start3A_264, %dma_start3A_265] : memref<10240x128xf32, #tpu.memory_space<hbm>> -> memref<10240x128xf32, #tpu.memory_space<hbm>>
        tpu.enqueue_indirect_dma source(%dma_start3A_266 : memref<10240x128xf32, #tpu.memory_space<hbm>>) target(%arg10 : memref<80x128xf32, #tpu.memory_space<vmem>>) offsets(%dma_start3A_263 : memref<80xi32, #tpu.memory_space<vmem>>) semaphore(%arg14 : memref<!tpu.dma_semaphore, #tpu.memory_space<semaphore_mem>>)
      } else {
      }
      %mul3A_233 = arith.constant 4 : i32
      %mul3A_234 = arith.muli %scan3A_158, %mul3A_233 : i32
      %add3A_235 = arith.constant 3 : i32
      %add3A_236 = arith.addi %mul3A_234, %add3A_235 : i32
      %dma_wait3A_237 = arith.constant 0 : i32
      %dma_wait3A_238 = arith.constant 0 : i32
      %dma_wait3A_239 = tpu.memref_slice %arg2[%dma_wait3A_237, %dma_wait3A_238] : memref<10240x128xf32, #tpu.memory_space<hbm>> -> memref<80x128xf32, #tpu.memory_space<hbm>>
      %dma_wait3A_240 = arith.constant 0 : i32
      %dma_wait3A_241 = arith.constant 0 : i32
      %dma_wait3A_242 = tpu.memref_slice %arg2[%dma_wait3A_240, %dma_wait3A_241] : memref<10240x128xf32, #tpu.memory_space<hbm>> -> memref<80x128xf32, #tpu.memory_space<hbm>>
      tpu.wait_dma2 semaphore(%arg14 : memref<!tpu.dma_semaphore, #tpu.memory_space<semaphore_mem>>) src(%dma_wait3A_242 : memref<80x128xf32, #tpu.memory_space<hbm>>) dst(%arg9 : memref<80x128xf32, #tpu.memory_space<vmem>>)
      %dma_start3A_243 = arith.constant 0 : i32
      %dma_start3A_244 = tpu.memref_slice %arg8[%add3A_236, %dma_start3A_243] : memref<32x80xi32, #tpu.memory_space<vmem>> -> memref<1x80xi32, #tpu.memory_space<vmem>>
      %dma_start3A_245 = tpu.memref_squeeze %dma_start3A_244 : memref<1x80xi32, #tpu.memory_space<vmem>> -> memref<80xi32, #tpu.memory_space<vmem>>
      %dma_start3A_246 = arith.constant 0 : i32
      %dma_start3A_247 = arith.constant 0 : i32
      %dma_start3A_248 = tpu.memref_slice %arg13[%dma_start3A_246, %dma_start3A_247] : memref<10240x128xf32, #tpu.memory_space<vmem_shared>> -> memref<10240x128xf32, #tpu.memory_space<vmem_shared>>
      tpu.enqueue_indirect_dma source(%arg12 : memref<80x128xf32, #tpu.memory_space<vmem>>) target(%dma_start3A_248 : memref<10240x128xf32, #tpu.memory_space<vmem_shared>>) offsets(%dma_start3A_245 : memref<80xi32, #tpu.memory_space<vmem>>) semaphore(%arg15 : memref<!tpu.dma_semaphore, #tpu.memory_space<semaphore_mem>>) {add = true}
      %ge3A_249 = arith.constant 1 : i32
      %ge3A_250 = arith.cmpi sge, %add3A_236, %ge3A_249 : i32
      %convert_element_type3A_251 = arith.extui %ge3A_250 : i1 to i32
      %cond3A_252 = arith.constant 0 : i32
      %cond3A_253 = arith.cmpi ne, %convert_element_type3A_251, %cond3A_252 : i32
      scf.if %cond3A_253 {
        %dma_wait3A_259 = arith.constant 0 : i32
        %dma_wait3A_260 = arith.constant 0 : i32
        %dma_wait3A_261 = tpu.memref_slice %arg13[%dma_wait3A_259, %dma_wait3A_260] : memref<10240x128xf32, #tpu.memory_space<vmem_shared>> -> memref<80x128xf32, #tpu.memory_space<vmem_shared>>
        %dma_wait3A_262 = arith.constant 0 : i32
        %dma_wait3A_263 = arith.constant 0 : i32
        %dma_wait3A_264 = tpu.memref_slice %arg13[%dma_wait3A_262, %dma_wait3A_263] : memref<10240x128xf32, #tpu.memory_space<vmem_shared>> -> memref<80x128xf32, #tpu.memory_space<vmem_shared>>
        tpu.wait_dma2 semaphore(%arg15 : memref<!tpu.dma_semaphore, #tpu.memory_space<semaphore_mem>>) src(%arg9 : memref<80x128xf32, #tpu.memory_space<vmem>>) dst(%dma_wait3A_264 : memref<80x128xf32, #tpu.memory_space<vmem_shared>>)
      } else {
      }
      %le3A_254 = arith.constant 28 : i32
      %le3A_255 = arith.cmpi sle, %add3A_236, %le3A_254 : i32
      %convert_element_type3A_256 = arith.extui %le3A_255 : i1 to i32
      %cond3A_257 = arith.constant 0 : i32
      %cond3A_258 = arith.cmpi ne, %convert_element_type3A_256, %cond3A_257 : i32
      scf.if %cond3A_258 {
        %add3A_259 = arith.constant 3 : i32
        %add3A_260 = arith.addi %add3A_236, %add3A_259 : i32
        %dma_start3A_261 = arith.constant 0 : i32
        %dma_start3A_262 = tpu.memref_slice %arg7[%add3A_260, %dma_start3A_261] : memref<32x80xi32, #tpu.memory_space<vmem>> -> memref<1x80xi32, #tpu.memory_space<vmem>>
        %dma_start3A_263 = tpu.memref_squeeze %dma_start3A_262 : memref<1x80xi32, #tpu.memory_space<vmem>> -> memref<80xi32, #tpu.memory_space<vmem>>
        %dma_start3A_264 = arith.constant 0 : i32
        %dma_start3A_265 = arith.constant 0 : i32
        %dma_start3A_266 = tpu.memref_slice %arg2[%dma_start3A_264, %dma_start3A_265] : memref<10240x128xf32, #tpu.memory_space<hbm>> -> memref<10240x128xf32, #tpu.memory_space<hbm>>
        tpu.enqueue_indirect_dma source(%dma_start3A_266 : memref<10240x128xf32, #tpu.memory_space<hbm>>) target(%arg11 : memref<80x128xf32, #tpu.memory_space<vmem>>) offsets(%dma_start3A_263 : memref<80xi32, #tpu.memory_space<vmem>>) semaphore(%arg14 : memref<!tpu.dma_semaphore, #tpu.memory_space<semaphore_mem>>)
      } else {
      }
    }
    %scan3A_33 = arith.constant 8 : i32
    %dma_wait3A = arith.constant 0 : i32
    %dma_wait3A_34 = arith.constant 0 : i32
    %dma_wait3A_35 = tpu.memref_slice %arg13[%dma_wait3A, %dma_wait3A_34] : memref<10240x128xf32, #tpu.memory_space<vmem_shared>> -> memref<80x128xf32, #tpu.memory_space<vmem_shared>>
    %dma_wait3A_36 = arith.constant 0 : i32
    %dma_wait3A_37 = arith.constant 0 : i32
    %dma_wait3A_38 = tpu.memref_slice %arg13[%dma_wait3A_36, %dma_wait3A_37] : memref<10240x128xf32, #tpu.memory_space<vmem_shared>> -> memref<80x128xf32, #tpu.memory_space<vmem_shared>>
    tpu.wait_dma2 semaphore(%arg15 : memref<!tpu.dma_semaphore, #tpu.memory_space<semaphore_mem>>) src(%arg9 : memref<80x128xf32, #tpu.memory_space<vmem>>) dst(%dma_wait3A_38 : memref<80x128xf32, #tpu.memory_space<vmem_shared>>)
    %add3A_39 = arith.constant 32 : i32
    %add3A_40 = arith.addi %mul3A_4, %add3A_39 : i32
    "tpu.region"() ({
      %run_scoped3A = tpu.sem_alloc : memref<!tpu.dma_semaphore, #tpu.memory_space<semaphore_mem>>
      %dma_start3A_158 = arith.constant 0 : i32
      %dma_start3A_159 = tpu.memref_slice %arg3[%add3A_40, %dma_start3A_158] : memref<4096x80xi32, #tpu.memory_space<hbm>> -> memref<32x80xi32, #tpu.memory_space<hbm>>
      %dma_start3A_160 = arith.constant 0 : i32
      %dma_start3A_161 = tpu.memref_slice %arg3[%add3A_40, %dma_start3A_160] : memref<4096x80xi32, #tpu.memory_space<hbm>> -> memref<32x80xi32, #tpu.memory_space<hbm>>
      tpu.enqueue_dma source(%dma_start3A_161 : memref<32x80xi32, #tpu.memory_space<hbm>>) target(%arg7 : memref<32x80xi32, #tpu.memory_space<vmem>>) target_semaphore(%run_scoped3A : memref<!tpu.dma_semaphore, #tpu.memory_space<semaphore_mem>>)
      %dma_wait3A_162 = arith.constant 0 : i32
      %dma_wait3A_163 = tpu.memref_slice %arg3[%add3A_40, %dma_wait3A_162] : memref<4096x80xi32, #tpu.memory_space<hbm>> -> memref<32x80xi32, #tpu.memory_space<hbm>>
      %dma_wait3A_164 = arith.constant 0 : i32
      %dma_wait3A_165 = tpu.memref_slice %arg3[%add3A_40, %dma_wait3A_164] : memref<4096x80xi32, #tpu.memory_space<hbm>> -> memref<32x80xi32, #tpu.memory_space<hbm>>
      tpu.wait_dma2 semaphore(%run_scoped3A : memref<!tpu.dma_semaphore, #tpu.memory_space<semaphore_mem>>) src(%dma_wait3A_165 : memref<32x80xi32, #tpu.memory_space<hbm>>) dst(%arg7 : memref<32x80xi32, #tpu.memory_space<vmem>>)
      tpu.yield
    }) : () -> ()
    %add3A_41 = arith.constant 32 : i32
    %add3A_42 = arith.addi %mul3A_4, %add3A_41 : i32
    "tpu.region"() ({
      %run_scoped3A = tpu.sem_alloc : memref<!tpu.dma_semaphore, #tpu.memory_space<semaphore_mem>>
      %dma_start3A_158 = arith.constant 0 : i32
      %dma_start3A_159 = tpu.memref_slice %arg4[%add3A_42, %dma_start3A_158] : memref<4096x80xi32, #tpu.memory_space<hbm>> -> memref<32x80xi32, #tpu.memory_space<hbm>>
      %dma_start3A_160 = arith.constant 0 : i32
      %dma_start3A_161 = tpu.memref_slice %arg4[%add3A_42, %dma_start3A_160] : memref<4096x80xi32, #tpu.memory_space<hbm>> -> memref<32x80xi32, #tpu.memory_space<hbm>>
      tpu.enqueue_dma source(%dma_start3A_161 : memref<32x80xi32, #tpu.memory_space<hbm>>) target(%arg8 : memref<32x80xi32, #tpu.memory_space<vmem>>) target_semaphore(%run_scoped3A : memref<!tpu.dma_semaphore, #tpu.memory_space<semaphore_mem>>)
      %dma_wait3A_162 = arith.constant 0 : i32
      %dma_wait3A_163 = tpu.memref_slice %arg4[%add3A_42, %dma_wait3A_162] : memref<4096x80xi32, #tpu.memory_space<hbm>> -> memref<32x80xi32, #tpu.memory_space<hbm>>
      %dma_wait3A_164 = arith.constant 0 : i32
      %dma_wait3A_165 = tpu.memref_slice %arg4[%add3A_42, %dma_wait3A_164] : memref<4096x80xi32, #tpu.memory_space<hbm>> -> memref<32x80xi32, #tpu.memory_space<hbm>>
      tpu.wait_dma2 semaphore(%run_scoped3A : memref<!tpu.dma_semaphore, #tpu.memory_space<semaphore_mem>>) src(%dma_wait3A_165 : memref<32x80xi32, #tpu.memory_space<hbm>>) dst(%arg8 : memref<32x80xi32, #tpu.memory_space<vmem>>)
      tpu.yield
    }) : () -> ()
    %dma_start3A_43 = arith.constant 0 : i32
    %dma_start3A_44 = arith.constant 0 : i32
    %dma_start3A_45 = tpu.memref_slice %arg7[%dma_start3A_43, %dma_start3A_44] : memref<32x80xi32, #tpu.memory_space<vmem>> -> memref<1x80xi32, #tpu.memory_space<vmem>>
    %dma_start3A_46 = tpu.memref_squeeze %dma_start3A_45 : memref<1x80xi32, #tpu.memory_space<vmem>> -> memref<80xi32, #tpu.memory_space<vmem>>
    %dma_start3A_47 = arith.constant 0 : i32
    %dma_start3A_48 = arith.constant 0 : i32
    %dma_start3A_49 = tpu.memref_slice %arg2[%dma_start3A_47, %dma_start3A_48] : memref<10240x128xf32, #tpu.memory_space<hbm>> -> memref<10240x128xf32, #tpu.memory_space<hbm>>
    tpu.enqueue_indirect_dma source(%dma_start3A_49 : memref<10240x128xf32, #tpu.memory_space<hbm>>) target(%arg9 : memref<80x128xf32, #tpu.memory_space<vmem>>) offsets(%dma_start3A_46 : memref<80xi32, #tpu.memory_space<vmem>>) semaphore(%arg14 : memref<!tpu.dma_semaphore, #tpu.memory_space<semaphore_mem>>)
    %dma_start3A_50 = arith.constant 1 : i32
    %dma_start3A_51 = arith.constant 0 : i32
    %dma_start3A_52 = tpu.memref_slice %arg7[%dma_start3A_50, %dma_start3A_51] : memref<32x80xi32, #tpu.memory_space<vmem>> -> memref<1x80xi32, #tpu.memory_space<vmem>>
    %dma_start3A_53 = tpu.memref_squeeze %dma_start3A_52 : memref<1x80xi32, #tpu.memory_space<vmem>> -> memref<80xi32, #tpu.memory_space<vmem>>
    %dma_start3A_54 = arith.constant 0 : i32
    %dma_start3A_55 = arith.constant 0 : i32
    %dma_start3A_56 = tpu.memref_slice %arg2[%dma_start3A_54, %dma_start3A_55] : memref<10240x128xf32, #tpu.memory_space<hbm>> -> memref<10240x128xf32, #tpu.memory_space<hbm>>
    tpu.enqueue_indirect_dma source(%dma_start3A_56 : memref<10240x128xf32, #tpu.memory_space<hbm>>) target(%arg10 : memref<80x128xf32, #tpu.memory_space<vmem>>) offsets(%dma_start3A_53 : memref<80xi32, #tpu.memory_space<vmem>>) semaphore(%arg14 : memref<!tpu.dma_semaphore, #tpu.memory_space<semaphore_mem>>)
    %dma_start3A_57 = arith.constant 2 : i32
    %dma_start3A_58 = arith.constant 0 : i32
    %dma_start3A_59 = tpu.memref_slice %arg7[%dma_start3A_57, %dma_start3A_58] : memref<32x80xi32, #tpu.memory_space<vmem>> -> memref<1x80xi32, #tpu.memory_space<vmem>>
    %dma_start3A_60 = tpu.memref_squeeze %dma_start3A_59 : memref<1x80xi32, #tpu.memory_space<vmem>> -> memref<80xi32, #tpu.memory_space<vmem>>
    %dma_start3A_61 = arith.constant 0 : i32
    %dma_start3A_62 = arith.constant 0 : i32
    %dma_start3A_63 = tpu.memref_slice %arg2[%dma_start3A_61, %dma_start3A_62] : memref<10240x128xf32, #tpu.memory_space<hbm>> -> memref<10240x128xf32, #tpu.memory_space<hbm>>
    tpu.enqueue_indirect_dma source(%dma_start3A_63 : memref<10240x128xf32, #tpu.memory_space<hbm>>) target(%arg11 : memref<80x128xf32, #tpu.memory_space<vmem>>) offsets(%dma_start3A_60 : memref<80xi32, #tpu.memory_space<vmem>>) semaphore(%arg14 : memref<!tpu.dma_semaphore, #tpu.memory_space<semaphore_mem>>)
    %scan3A_64 = arith.constant 0 : i32
    %scan3A_65 = arith.constant 0 : i32
    %scan3A_66 = arith.constant 8 : i32
    %scan3A_67 = arith.addi %scan3A_65, %scan3A_66 : i32
    %scan3A_68 = arith.constant 1 : i32
    scf.for %scan3A_158 = %scan3A_65 to %scan3A_67 step %scan3A_68  : i32 {
      %mul3A_159 = arith.constant 4 : i32
      %mul3A_160 = arith.muli %scan3A_158, %mul3A_159 : i32
      %add3A_161 = arith.constant 0 : i32
      %add3A_162 = arith.addi %mul3A_160, %add3A_161 : i32
      %dma_wait3A_163 = arith.constant 0 : i32
      %dma_wait3A_164 = arith.constant 0 : i32
      %dma_wait3A_165 = tpu.memref_slice %arg2[%dma_wait3A_163, %dma_wait3A_164] : memref<10240x128xf32, #tpu.memory_space<hbm>> -> memref<80x128xf32, #tpu.memory_space<hbm>>
      %dma_wait3A_166 = arith.constant 0 : i32
      %dma_wait3A_167 = arith.constant 0 : i32
      %dma_wait3A_168 = tpu.memref_slice %arg2[%dma_wait3A_166, %dma_wait3A_167] : memref<10240x128xf32, #tpu.memory_space<hbm>> -> memref<80x128xf32, #tpu.memory_space<hbm>>
      tpu.wait_dma2 semaphore(%arg14 : memref<!tpu.dma_semaphore, #tpu.memory_space<semaphore_mem>>) src(%dma_wait3A_168 : memref<80x128xf32, #tpu.memory_space<hbm>>) dst(%arg9 : memref<80x128xf32, #tpu.memory_space<vmem>>)
      %dma_start3A_169 = arith.constant 0 : i32
      %dma_start3A_170 = tpu.memref_slice %arg8[%add3A_162, %dma_start3A_169] : memref<32x80xi32, #tpu.memory_space<vmem>> -> memref<1x80xi32, #tpu.memory_space<vmem>>
      %dma_start3A_171 = tpu.memref_squeeze %dma_start3A_170 : memref<1x80xi32, #tpu.memory_space<vmem>> -> memref<80xi32, #tpu.memory_space<vmem>>
      %dma_start3A_172 = arith.constant 0 : i32
      %dma_start3A_173 = arith.constant 0 : i32
      %dma_start3A_174 = tpu.memref_slice %arg13[%dma_start3A_172, %dma_start3A_173] : memref<10240x128xf32, #tpu.memory_space<vmem_shared>> -> memref<10240x128xf32, #tpu.memory_space<vmem_shared>>
      tpu.enqueue_indirect_dma source(%arg9 : memref<80x128xf32, #tpu.memory_space<vmem>>) target(%dma_start3A_174 : memref<10240x128xf32, #tpu.memory_space<vmem_shared>>) offsets(%dma_start3A_171 : memref<80xi32, #tpu.memory_space<vmem>>) semaphore(%arg15 : memref<!tpu.dma_semaphore, #tpu.memory_space<semaphore_mem>>) {add = true}
      %ge3A = arith.constant 1 : i32
      %ge3A_175 = arith.cmpi sge, %add3A_162, %ge3A : i32
      %convert_element_type3A = arith.extui %ge3A_175 : i1 to i32
      %cond3A = arith.constant 0 : i32
      %cond3A_176 = arith.cmpi ne, %convert_element_type3A, %cond3A : i32
      scf.if %cond3A_176 {
        %dma_wait3A_259 = arith.constant 0 : i32
        %dma_wait3A_260 = arith.constant 0 : i32
        %dma_wait3A_261 = tpu.memref_slice %arg13[%dma_wait3A_259, %dma_wait3A_260] : memref<10240x128xf32, #tpu.memory_space<vmem_shared>> -> memref<80x128xf32, #tpu.memory_space<vmem_shared>>
        %dma_wait3A_262 = arith.constant 0 : i32
        %dma_wait3A_263 = arith.constant 0 : i32
        %dma_wait3A_264 = tpu.memref_slice %arg13[%dma_wait3A_262, %dma_wait3A_263] : memref<10240x128xf32, #tpu.memory_space<vmem_shared>> -> memref<80x128xf32, #tpu.memory_space<vmem_shared>>
        tpu.wait_dma2 semaphore(%arg15 : memref<!tpu.dma_semaphore, #tpu.memory_space<semaphore_mem>>) src(%arg9 : memref<80x128xf32, #tpu.memory_space<vmem>>) dst(%dma_wait3A_264 : memref<80x128xf32, #tpu.memory_space<vmem_shared>>)
      } else {
      }
      %le3A = arith.constant 28 : i32
      %le3A_177 = arith.cmpi sle, %add3A_162, %le3A : i32
      %convert_element_type3A_178 = arith.extui %le3A_177 : i1 to i32
      %cond3A_179 = arith.constant 0 : i32
      %cond3A_180 = arith.cmpi ne, %convert_element_type3A_178, %cond3A_179 : i32
      scf.if %cond3A_180 {
        %add3A_259 = arith.constant 3 : i32
        %add3A_260 = arith.addi %add3A_162, %add3A_259 : i32
        %dma_start3A_261 = arith.constant 0 : i32
        %dma_start3A_262 = tpu.memref_slice %arg7[%add3A_260, %dma_start3A_261] : memref<32x80xi32, #tpu.memory_space<vmem>> -> memref<1x80xi32, #tpu.memory_space<vmem>>
        %dma_start3A_263 = tpu.memref_squeeze %dma_start3A_262 : memref<1x80xi32, #tpu.memory_space<vmem>> -> memref<80xi32, #tpu.memory_space<vmem>>
        %dma_start3A_264 = arith.constant 0 : i32
        %dma_start3A_265 = arith.constant 0 : i32
        %dma_start3A_266 = tpu.memref_slice %arg2[%dma_start3A_264, %dma_start3A_265] : memref<10240x128xf32, #tpu.memory_space<hbm>> -> memref<10240x128xf32, #tpu.memory_space<hbm>>
        tpu.enqueue_indirect_dma source(%dma_start3A_266 : memref<10240x128xf32, #tpu.memory_space<hbm>>) target(%arg12 : memref<80x128xf32, #tpu.memory_space<vmem>>) offsets(%dma_start3A_263 : memref<80xi32, #tpu.memory_space<vmem>>) semaphore(%arg14 : memref<!tpu.dma_semaphore, #tpu.memory_space<semaphore_mem>>)
      } else {
      }
      %mul3A_181 = arith.constant 4 : i32
      %mul3A_182 = arith.muli %scan3A_158, %mul3A_181 : i32
      %add3A_183 = arith.constant 1 : i32
      %add3A_184 = arith.addi %mul3A_182, %add3A_183 : i32
      %dma_wait3A_185 = arith.constant 0 : i32
      %dma_wait3A_186 = arith.constant 0 : i32
      %dma_wait3A_187 = tpu.memref_slice %arg2[%dma_wait3A_185, %dma_wait3A_186] : memref<10240x128xf32, #tpu.memory_space<hbm>> -> memref<80x128xf32, #tpu.memory_space<hbm>>
      %dma_wait3A_188 = arith.constant 0 : i32
      %dma_wait3A_189 = arith.constant 0 : i32
      %dma_wait3A_190 = tpu.memref_slice %arg2[%dma_wait3A_188, %dma_wait3A_189] : memref<10240x128xf32, #tpu.memory_space<hbm>> -> memref<80x128xf32, #tpu.memory_space<hbm>>
      tpu.wait_dma2 semaphore(%arg14 : memref<!tpu.dma_semaphore, #tpu.memory_space<semaphore_mem>>) src(%dma_wait3A_190 : memref<80x128xf32, #tpu.memory_space<hbm>>) dst(%arg9 : memref<80x128xf32, #tpu.memory_space<vmem>>)
      %dma_start3A_191 = arith.constant 0 : i32
      %dma_start3A_192 = tpu.memref_slice %arg8[%add3A_184, %dma_start3A_191] : memref<32x80xi32, #tpu.memory_space<vmem>> -> memref<1x80xi32, #tpu.memory_space<vmem>>
      %dma_start3A_193 = tpu.memref_squeeze %dma_start3A_192 : memref<1x80xi32, #tpu.memory_space<vmem>> -> memref<80xi32, #tpu.memory_space<vmem>>
      %dma_start3A_194 = arith.constant 0 : i32
      %dma_start3A_195 = arith.constant 0 : i32
      %dma_start3A_196 = tpu.memref_slice %arg13[%dma_start3A_194, %dma_start3A_195] : memref<10240x128xf32, #tpu.memory_space<vmem_shared>> -> memref<10240x128xf32, #tpu.memory_space<vmem_shared>>
      tpu.enqueue_indirect_dma source(%arg10 : memref<80x128xf32, #tpu.memory_space<vmem>>) target(%dma_start3A_196 : memref<10240x128xf32, #tpu.memory_space<vmem_shared>>) offsets(%dma_start3A_193 : memref<80xi32, #tpu.memory_space<vmem>>) semaphore(%arg15 : memref<!tpu.dma_semaphore, #tpu.memory_space<semaphore_mem>>) {add = true}
      %ge3A_197 = arith.constant 1 : i32
      %ge3A_198 = arith.cmpi sge, %add3A_184, %ge3A_197 : i32
      %convert_element_type3A_199 = arith.extui %ge3A_198 : i1 to i32
      %cond3A_200 = arith.constant 0 : i32
      %cond3A_201 = arith.cmpi ne, %convert_element_type3A_199, %cond3A_200 : i32
      scf.if %cond3A_201 {
        %dma_wait3A_259 = arith.constant 0 : i32
        %dma_wait3A_260 = arith.constant 0 : i32
        %dma_wait3A_261 = tpu.memref_slice %arg13[%dma_wait3A_259, %dma_wait3A_260] : memref<10240x128xf32, #tpu.memory_space<vmem_shared>> -> memref<80x128xf32, #tpu.memory_space<vmem_shared>>
        %dma_wait3A_262 = arith.constant 0 : i32
        %dma_wait3A_263 = arith.constant 0 : i32
        %dma_wait3A_264 = tpu.memref_slice %arg13[%dma_wait3A_262, %dma_wait3A_263] : memref<10240x128xf32, #tpu.memory_space<vmem_shared>> -> memref<80x128xf32, #tpu.memory_space<vmem_shared>>
        tpu.wait_dma2 semaphore(%arg15 : memref<!tpu.dma_semaphore, #tpu.memory_space<semaphore_mem>>) src(%arg9 : memref<80x128xf32, #tpu.memory_space<vmem>>) dst(%dma_wait3A_264 : memref<80x128xf32, #tpu.memory_space<vmem_shared>>)
      } else {
      }
      %le3A_202 = arith.constant 28 : i32
      %le3A_203 = arith.cmpi sle, %add3A_184, %le3A_202 : i32
      %convert_element_type3A_204 = arith.extui %le3A_203 : i1 to i32
      %cond3A_205 = arith.constant 0 : i32
      %cond3A_206 = arith.cmpi ne, %convert_element_type3A_204, %cond3A_205 : i32
      scf.if %cond3A_206 {
        %add3A_259 = arith.constant 3 : i32
        %add3A_260 = arith.addi %add3A_184, %add3A_259 : i32
        %dma_start3A_261 = arith.constant 0 : i32
        %dma_start3A_262 = tpu.memref_slice %arg7[%add3A_260, %dma_start3A_261] : memref<32x80xi32, #tpu.memory_space<vmem>> -> memref<1x80xi32, #tpu.memory_space<vmem>>
        %dma_start3A_263 = tpu.memref_squeeze %dma_start3A_262 : memref<1x80xi32, #tpu.memory_space<vmem>> -> memref<80xi32, #tpu.memory_space<vmem>>
        %dma_start3A_264 = arith.constant 0 : i32
        %dma_start3A_265 = arith.constant 0 : i32
        %dma_start3A_266 = tpu.memref_slice %arg2[%dma_start3A_264, %dma_start3A_265] : memref<10240x128xf32, #tpu.memory_space<hbm>> -> memref<10240x128xf32, #tpu.memory_space<hbm>>
        tpu.enqueue_indirect_dma source(%dma_start3A_266 : memref<10240x128xf32, #tpu.memory_space<hbm>>) target(%arg9 : memref<80x128xf32, #tpu.memory_space<vmem>>) offsets(%dma_start3A_263 : memref<80xi32, #tpu.memory_space<vmem>>) semaphore(%arg14 : memref<!tpu.dma_semaphore, #tpu.memory_space<semaphore_mem>>)
      } else {
      }
      %mul3A_207 = arith.constant 4 : i32
      %mul3A_208 = arith.muli %scan3A_158, %mul3A_207 : i32
      %add3A_209 = arith.constant 2 : i32
      %add3A_210 = arith.addi %mul3A_208, %add3A_209 : i32
      %dma_wait3A_211 = arith.constant 0 : i32
      %dma_wait3A_212 = arith.constant 0 : i32
      %dma_wait3A_213 = tpu.memref_slice %arg2[%dma_wait3A_211, %dma_wait3A_212] : memref<10240x128xf32, #tpu.memory_space<hbm>> -> memref<80x128xf32, #tpu.memory_space<hbm>>
      %dma_wait3A_214 = arith.constant 0 : i32
      %dma_wait3A_215 = arith.constant 0 : i32
      %dma_wait3A_216 = tpu.memref_slice %arg2[%dma_wait3A_214, %dma_wait3A_215] : memref<10240x128xf32, #tpu.memory_space<hbm>> -> memref<80x128xf32, #tpu.memory_space<hbm>>
      tpu.wait_dma2 semaphore(%arg14 : memref<!tpu.dma_semaphore, #tpu.memory_space<semaphore_mem>>) src(%dma_wait3A_216 : memref<80x128xf32, #tpu.memory_space<hbm>>) dst(%arg9 : memref<80x128xf32, #tpu.memory_space<vmem>>)
      %dma_start3A_217 = arith.constant 0 : i32
      %dma_start3A_218 = tpu.memref_slice %arg8[%add3A_210, %dma_start3A_217] : memref<32x80xi32, #tpu.memory_space<vmem>> -> memref<1x80xi32, #tpu.memory_space<vmem>>
      %dma_start3A_219 = tpu.memref_squeeze %dma_start3A_218 : memref<1x80xi32, #tpu.memory_space<vmem>> -> memref<80xi32, #tpu.memory_space<vmem>>
      %dma_start3A_220 = arith.constant 0 : i32
      %dma_start3A_221 = arith.constant 0 : i32
      %dma_start3A_222 = tpu.memref_slice %arg13[%dma_start3A_220, %dma_start3A_221] : memref<10240x128xf32, #tpu.memory_space<vmem_shared>> -> memref<10240x128xf32, #tpu.memory_space<vmem_shared>>
      tpu.enqueue_indirect_dma source(%arg11 : memref<80x128xf32, #tpu.memory_space<vmem>>) target(%dma_start3A_222 : memref<10240x128xf32, #tpu.memory_space<vmem_shared>>) offsets(%dma_start3A_219 : memref<80xi32, #tpu.memory_space<vmem>>) semaphore(%arg15 : memref<!tpu.dma_semaphore, #tpu.memory_space<semaphore_mem>>) {add = true}
      %ge3A_223 = arith.constant 1 : i32
      %ge3A_224 = arith.cmpi sge, %add3A_210, %ge3A_223 : i32
      %convert_element_type3A_225 = arith.extui %ge3A_224 : i1 to i32
      %cond3A_226 = arith.constant 0 : i32
      %cond3A_227 = arith.cmpi ne, %convert_element_type3A_225, %cond3A_226 : i32
      scf.if %cond3A_227 {
        %dma_wait3A_259 = arith.constant 0 : i32
        %dma_wait3A_260 = arith.constant 0 : i32
        %dma_wait3A_261 = tpu.memref_slice %arg13[%dma_wait3A_259, %dma_wait3A_260] : memref<10240x128xf32, #tpu.memory_space<vmem_shared>> -> memref<80x128xf32, #tpu.memory_space<vmem_shared>>
        %dma_wait3A_262 = arith.constant 0 : i32
        %dma_wait3A_263 = arith.constant 0 : i32
        %dma_wait3A_264 = tpu.memref_slice %arg13[%dma_wait3A_262, %dma_wait3A_263] : memref<10240x128xf32, #tpu.memory_space<vmem_shared>> -> memref<80x128xf32, #tpu.memory_space<vmem_shared>>
        tpu.wait_dma2 semaphore(%arg15 : memref<!tpu.dma_semaphore, #tpu.memory_space<semaphore_mem>>) src(%arg9 : memref<80x128xf32, #tpu.memory_space<vmem>>) dst(%dma_wait3A_264 : memref<80x128xf32, #tpu.memory_space<vmem_shared>>)
      } else {
      }
      %le3A_228 = arith.constant 28 : i32
      %le3A_229 = arith.cmpi sle, %add3A_210, %le3A_228 : i32
      %convert_element_type3A_230 = arith.extui %le3A_229 : i1 to i32
      %cond3A_231 = arith.constant 0 : i32
      %cond3A_232 = arith.cmpi ne, %convert_element_type3A_230, %cond3A_231 : i32
      scf.if %cond3A_232 {
        %add3A_259 = arith.constant 3 : i32
        %add3A_260 = arith.addi %add3A_210, %add3A_259 : i32
        %dma_start3A_261 = arith.constant 0 : i32
        %dma_start3A_262 = tpu.memref_slice %arg7[%add3A_260, %dma_start3A_261] : memref<32x80xi32, #tpu.memory_space<vmem>> -> memref<1x80xi32, #tpu.memory_space<vmem>>
        %dma_start3A_263 = tpu.memref_squeeze %dma_start3A_262 : memref<1x80xi32, #tpu.memory_space<vmem>> -> memref<80xi32, #tpu.memory_space<vmem>>
        %dma_start3A_264 = arith.constant 0 : i32
        %dma_start3A_265 = arith.constant 0 : i32
        %dma_start3A_266 = tpu.memref_slice %arg2[%dma_start3A_264, %dma_start3A_265] : memref<10240x128xf32, #tpu.memory_space<hbm>> -> memref<10240x128xf32, #tpu.memory_space<hbm>>
        tpu.enqueue_indirect_dma source(%dma_start3A_266 : memref<10240x128xf32, #tpu.memory_space<hbm>>) target(%arg10 : memref<80x128xf32, #tpu.memory_space<vmem>>) offsets(%dma_start3A_263 : memref<80xi32, #tpu.memory_space<vmem>>) semaphore(%arg14 : memref<!tpu.dma_semaphore, #tpu.memory_space<semaphore_mem>>)
      } else {
      }
      %mul3A_233 = arith.constant 4 : i32
      %mul3A_234 = arith.muli %scan3A_158, %mul3A_233 : i32
      %add3A_235 = arith.constant 3 : i32
      %add3A_236 = arith.addi %mul3A_234, %add3A_235 : i32
      %dma_wait3A_237 = arith.constant 0 : i32
      %dma_wait3A_238 = arith.constant 0 : i32
      %dma_wait3A_239 = tpu.memref_slice %arg2[%dma_wait3A_237, %dma_wait3A_238] : memref<10240x128xf32, #tpu.memory_space<hbm>> -> memref<80x128xf32, #tpu.memory_space<hbm>>
      %dma_wait3A_240 = arith.constant 0 : i32
      %dma_wait3A_241 = arith.constant 0 : i32
      %dma_wait3A_242 = tpu.memref_slice %arg2[%dma_wait3A_240, %dma_wait3A_241] : memref<10240x128xf32, #tpu.memory_space<hbm>> -> memref<80x128xf32, #tpu.memory_space<hbm>>
      tpu.wait_dma2 semaphore(%arg14 : memref<!tpu.dma_semaphore, #tpu.memory_space<semaphore_mem>>) src(%dma_wait3A_242 : memref<80x128xf32, #tpu.memory_space<hbm>>) dst(%arg9 : memref<80x128xf32, #tpu.memory_space<vmem>>)
      %dma_start3A_243 = arith.constant 0 : i32
      %dma_start3A_244 = tpu.memref_slice %arg8[%add3A_236, %dma_start3A_243] : memref<32x80xi32, #tpu.memory_space<vmem>> -> memref<1x80xi32, #tpu.memory_space<vmem>>
      %dma_start3A_245 = tpu.memref_squeeze %dma_start3A_244 : memref<1x80xi32, #tpu.memory_space<vmem>> -> memref<80xi32, #tpu.memory_space<vmem>>
      %dma_start3A_246 = arith.constant 0 : i32
      %dma_start3A_247 = arith.constant 0 : i32
      %dma_start3A_248 = tpu.memref_slice %arg13[%dma_start3A_246, %dma_start3A_247] : memref<10240x128xf32, #tpu.memory_space<vmem_shared>> -> memref<10240x128xf32, #tpu.memory_space<vmem_shared>>
      tpu.enqueue_indirect_dma source(%arg12 : memref<80x128xf32, #tpu.memory_space<vmem>>) target(%dma_start3A_248 : memref<10240x128xf32, #tpu.memory_space<vmem_shared>>) offsets(%dma_start3A_245 : memref<80xi32, #tpu.memory_space<vmem>>) semaphore(%arg15 : memref<!tpu.dma_semaphore, #tpu.memory_space<semaphore_mem>>) {add = true}
      %ge3A_249 = arith.constant 1 : i32
      %ge3A_250 = arith.cmpi sge, %add3A_236, %ge3A_249 : i32
      %convert_element_type3A_251 = arith.extui %ge3A_250 : i1 to i32
      %cond3A_252 = arith.constant 0 : i32
      %cond3A_253 = arith.cmpi ne, %convert_element_type3A_251, %cond3A_252 : i32
      scf.if %cond3A_253 {
        %dma_wait3A_259 = arith.constant 0 : i32
        %dma_wait3A_260 = arith.constant 0 : i32
        %dma_wait3A_261 = tpu.memref_slice %arg13[%dma_wait3A_259, %dma_wait3A_260] : memref<10240x128xf32, #tpu.memory_space<vmem_shared>> -> memref<80x128xf32, #tpu.memory_space<vmem_shared>>
        %dma_wait3A_262 = arith.constant 0 : i32
        %dma_wait3A_263 = arith.constant 0 : i32
        %dma_wait3A_264 = tpu.memref_slice %arg13[%dma_wait3A_262, %dma_wait3A_263] : memref<10240x128xf32, #tpu.memory_space<vmem_shared>> -> memref<80x128xf32, #tpu.memory_space<vmem_shared>>
        tpu.wait_dma2 semaphore(%arg15 : memref<!tpu.dma_semaphore, #tpu.memory_space<semaphore_mem>>) src(%arg9 : memref<80x128xf32, #tpu.memory_space<vmem>>) dst(%dma_wait3A_264 : memref<80x128xf32, #tpu.memory_space<vmem_shared>>)
      } else {
      }
      %le3A_254 = arith.constant 28 : i32
      %le3A_255 = arith.cmpi sle, %add3A_236, %le3A_254 : i32
      %convert_element_type3A_256 = arith.extui %le3A_255 : i1 to i32
      %cond3A_257 = arith.constant 0 : i32
      %cond3A_258 = arith.cmpi ne, %convert_element_type3A_256, %cond3A_257 : i32
      scf.if %cond3A_258 {
        %add3A_259 = arith.constant 3 : i32
        %add3A_260 = arith.addi %add3A_236, %add3A_259 : i32
        %dma_start3A_261 = arith.constant 0 : i32
        %dma_start3A_262 = tpu.memref_slice %arg7[%add3A_260, %dma_start3A_261] : memref<32x80xi32, #tpu.memory_space<vmem>> -> memref<1x80xi32, #tpu.memory_space<vmem>>
        %dma_start3A_263 = tpu.memref_squeeze %dma_start3A_262 : memref<1x80xi32, #tpu.memory_space<vmem>> -> memref<80xi32, #tpu.memory_space<vmem>>
        %dma_start3A_264 = arith.constant 0 : i32
        %dma_start3A_265 = arith.constant 0 : i32
        %dma_start3A_266 = tpu.memref_slice %arg2[%dma_start3A_264, %dma_start3A_265] : memref<10240x128xf32, #tpu.memory_space<hbm>> -> memref<10240x128xf32, #tpu.memory_space<hbm>>
        tpu.enqueue_indirect_dma source(%dma_start3A_266 : memref<10240x128xf32, #tpu.memory_space<hbm>>) target(%arg11 : memref<80x128xf32, #tpu.memory_space<vmem>>) offsets(%dma_start3A_263 : memref<80xi32, #tpu.memory_space<vmem>>) semaphore(%arg14 : memref<!tpu.dma_semaphore, #tpu.memory_space<semaphore_mem>>)
      } else {
      }
    }
    %scan3A_69 = arith.constant 8 : i32
    %dma_wait3A_70 = arith.constant 0 : i32
    %dma_wait3A_71 = arith.constant 0 : i32
    %dma_wait3A_72 = tpu.memref_slice %arg13[%dma_wait3A_70, %dma_wait3A_71] : memref<10240x128xf32, #tpu.memory_space<vmem_shared>> -> memref<80x128xf32, #tpu.memory_space<vmem_shared>>
    %dma_wait3A_73 = arith.constant 0 : i32
    %dma_wait3A_74 = arith.constant 0 : i32
    %dma_wait3A_75 = tpu.memref_slice %arg13[%dma_wait3A_73, %dma_wait3A_74] : memref<10240x128xf32, #tpu.memory_space<vmem_shared>> -> memref<80x128xf32, #tpu.memory_space<vmem_shared>>
    tpu.wait_dma2 semaphore(%arg15 : memref<!tpu.dma_semaphore, #tpu.memory_space<semaphore_mem>>) src(%arg9 : memref<80x128xf32, #tpu.memory_space<vmem>>) dst(%dma_wait3A_75 : memref<80x128xf32, #tpu.memory_space<vmem_shared>>)
    %add3A_76 = arith.constant 64 : i32
    %add3A_77 = arith.addi %mul3A_4, %add3A_76 : i32
    "tpu.region"() ({
      %run_scoped3A = tpu.sem_alloc : memref<!tpu.dma_semaphore, #tpu.memory_space<semaphore_mem>>
      %dma_start3A_158 = arith.constant 0 : i32
      %dma_start3A_159 = tpu.memref_slice %arg3[%add3A_77, %dma_start3A_158] : memref<4096x80xi32, #tpu.memory_space<hbm>> -> memref<32x80xi32, #tpu.memory_space<hbm>>
      %dma_start3A_160 = arith.constant 0 : i32
      %dma_start3A_161 = tpu.memref_slice %arg3[%add3A_77, %dma_start3A_160] : memref<4096x80xi32, #tpu.memory_space<hbm>> -> memref<32x80xi32, #tpu.memory_space<hbm>>
      tpu.enqueue_dma source(%dma_start3A_161 : memref<32x80xi32, #tpu.memory_space<hbm>>) target(%arg7 : memref<32x80xi32, #tpu.memory_space<vmem>>) target_semaphore(%run_scoped3A : memref<!tpu.dma_semaphore, #tpu.memory_space<semaphore_mem>>)
      %dma_wait3A_162 = arith.constant 0 : i32
      %dma_wait3A_163 = tpu.memref_slice %arg3[%add3A_77, %dma_wait3A_162] : memref<4096x80xi32, #tpu.memory_space<hbm>> -> memref<32x80xi32, #tpu.memory_space<hbm>>
      %dma_wait3A_164 = arith.constant 0 : i32
      %dma_wait3A_165 = tpu.memref_slice %arg3[%add3A_77, %dma_wait3A_164] : memref<4096x80xi32, #tpu.memory_space<hbm>> -> memref<32x80xi32, #tpu.memory_space<hbm>>
      tpu.wait_dma2 semaphore(%run_scoped3A : memref<!tpu.dma_semaphore, #tpu.memory_space<semaphore_mem>>) src(%dma_wait3A_165 : memref<32x80xi32, #tpu.memory_space<hbm>>) dst(%arg7 : memref<32x80xi32, #tpu.memory_space<vmem>>)
      tpu.yield
    }) : () -> ()
    %add3A_78 = arith.constant 64 : i32
    %add3A_79 = arith.addi %mul3A_4, %add3A_78 : i32
    "tpu.region"() ({
      %run_scoped3A = tpu.sem_alloc : memref<!tpu.dma_semaphore, #tpu.memory_space<semaphore_mem>>
      %dma_start3A_158 = arith.constant 0 : i32
      %dma_start3A_159 = tpu.memref_slice %arg4[%add3A_79, %dma_start3A_158] : memref<4096x80xi32, #tpu.memory_space<hbm>> -> memref<32x80xi32, #tpu.memory_space<hbm>>
      %dma_start3A_160 = arith.constant 0 : i32
      %dma_start3A_161 = tpu.memref_slice %arg4[%add3A_79, %dma_start3A_160] : memref<4096x80xi32, #tpu.memory_space<hbm>> -> memref<32x80xi32, #tpu.memory_space<hbm>>
      tpu.enqueue_dma source(%dma_start3A_161 : memref<32x80xi32, #tpu.memory_space<hbm>>) target(%arg8 : memref<32x80xi32, #tpu.memory_space<vmem>>) target_semaphore(%run_scoped3A : memref<!tpu.dma_semaphore, #tpu.memory_space<semaphore_mem>>)
      %dma_wait3A_162 = arith.constant 0 : i32
      %dma_wait3A_163 = tpu.memref_slice %arg4[%add3A_79, %dma_wait3A_162] : memref<4096x80xi32, #tpu.memory_space<hbm>> -> memref<32x80xi32, #tpu.memory_space<hbm>>
      %dma_wait3A_164 = arith.constant 0 : i32
      %dma_wait3A_165 = tpu.memref_slice %arg4[%add3A_79, %dma_wait3A_164] : memref<4096x80xi32, #tpu.memory_space<hbm>> -> memref<32x80xi32, #tpu.memory_space<hbm>>
      tpu.wait_dma2 semaphore(%run_scoped3A : memref<!tpu.dma_semaphore, #tpu.memory_space<semaphore_mem>>) src(%dma_wait3A_165 : memref<32x80xi32, #tpu.memory_space<hbm>>) dst(%arg8 : memref<32x80xi32, #tpu.memory_space<vmem>>)
      tpu.yield
    }) : () -> ()
    %dma_start3A_80 = arith.constant 0 : i32
    %dma_start3A_81 = arith.constant 0 : i32
    %dma_start3A_82 = tpu.memref_slice %arg7[%dma_start3A_80, %dma_start3A_81] : memref<32x80xi32, #tpu.memory_space<vmem>> -> memref<1x80xi32, #tpu.memory_space<vmem>>
    %dma_start3A_83 = tpu.memref_squeeze %dma_start3A_82 : memref<1x80xi32, #tpu.memory_space<vmem>> -> memref<80xi32, #tpu.memory_space<vmem>>
    %dma_start3A_84 = arith.constant 0 : i32
    %dma_start3A_85 = arith.constant 0 : i32
    %dma_start3A_86 = tpu.memref_slice %arg2[%dma_start3A_84, %dma_start3A_85] : memref<10240x128xf32, #tpu.memory_space<hbm>> -> memref<10240x128xf32, #tpu.memory_space<hbm>>
    tpu.enqueue_indirect_dma source(%dma_start3A_86 : memref<10240x128xf32, #tpu.memory_space<hbm>>) target(%arg9 : memref<80x128xf32, #tpu.memory_space<vmem>>) offsets(%dma_start3A_83 : memref<80xi32, #tpu.memory_space<vmem>>) semaphore(%arg14 : memref<!tpu.dma_semaphore, #tpu.memory_space<semaphore_mem>>)
    %dma_start3A_87 = arith.constant 1 : i32
    %dma_start3A_88 = arith.constant 0 : i32
    %dma_start3A_89 = tpu.memref_slice %arg7[%dma_start3A_87, %dma_start3A_88] : memref<32x80xi32, #tpu.memory_space<vmem>> -> memref<1x80xi32, #tpu.memory_space<vmem>>
    %dma_start3A_90 = tpu.memref_squeeze %dma_start3A_89 : memref<1x80xi32, #tpu.memory_space<vmem>> -> memref<80xi32, #tpu.memory_space<vmem>>
    %dma_start3A_91 = arith.constant 0 : i32
    %dma_start3A_92 = arith.constant 0 : i32
    %dma_start3A_93 = tpu.memref_slice %arg2[%dma_start3A_91, %dma_start3A_92] : memref<10240x128xf32, #tpu.memory_space<hbm>> -> memref<10240x128xf32, #tpu.memory_space<hbm>>
    tpu.enqueue_indirect_dma source(%dma_start3A_93 : memref<10240x128xf32, #tpu.memory_space<hbm>>) target(%arg10 : memref<80x128xf32, #tpu.memory_space<vmem>>) offsets(%dma_start3A_90 : memref<80xi32, #tpu.memory_space<vmem>>) semaphore(%arg14 : memref<!tpu.dma_semaphore, #tpu.memory_space<semaphore_mem>>)
    %dma_start3A_94 = arith.constant 2 : i32
    %dma_start3A_95 = arith.constant 0 : i32
    %dma_start3A_96 = tpu.memref_slice %arg7[%dma_start3A_94, %dma_start3A_95] : memref<32x80xi32, #tpu.memory_space<vmem>> -> memref<1x80xi32, #tpu.memory_space<vmem>>
    %dma_start3A_97 = tpu.memref_squeeze %dma_start3A_96 : memref<1x80xi32, #tpu.memory_space<vmem>> -> memref<80xi32, #tpu.memory_space<vmem>>
    %dma_start3A_98 = arith.constant 0 : i32
    %dma_start3A_99 = arith.constant 0 : i32
    %dma_start3A_100 = tpu.memref_slice %arg2[%dma_start3A_98, %dma_start3A_99] : memref<10240x128xf32, #tpu.memory_space<hbm>> -> memref<10240x128xf32, #tpu.memory_space<hbm>>
    tpu.enqueue_indirect_dma source(%dma_start3A_100 : memref<10240x128xf32, #tpu.memory_space<hbm>>) target(%arg11 : memref<80x128xf32, #tpu.memory_space<vmem>>) offsets(%dma_start3A_97 : memref<80xi32, #tpu.memory_space<vmem>>) semaphore(%arg14 : memref<!tpu.dma_semaphore, #tpu.memory_space<semaphore_mem>>)
    %scan3A_101 = arith.constant 0 : i32
    %scan3A_102 = arith.constant 0 : i32
    %scan3A_103 = arith.constant 8 : i32
    %scan3A_104 = arith.addi %scan3A_102, %scan3A_103 : i32
    %scan3A_105 = arith.constant 1 : i32
    scf.for %scan3A_158 = %scan3A_102 to %scan3A_104 step %scan3A_105  : i32 {
      %mul3A_159 = arith.constant 4 : i32
      %mul3A_160 = arith.muli %scan3A_158, %mul3A_159 : i32
      %add3A_161 = arith.constant 0 : i32
      %add3A_162 = arith.addi %mul3A_160, %add3A_161 : i32
      %dma_wait3A_163 = arith.constant 0 : i32
      %dma_wait3A_164 = arith.constant 0 : i32
      %dma_wait3A_165 = tpu.memref_slice %arg2[%dma_wait3A_163, %dma_wait3A_164] : memref<10240x128xf32, #tpu.memory_space<hbm>> -> memref<80x128xf32, #tpu.memory_space<hbm>>
      %dma_wait3A_166 = arith.constant 0 : i32
      %dma_wait3A_167 = arith.constant 0 : i32
      %dma_wait3A_168 = tpu.memref_slice %arg2[%dma_wait3A_166, %dma_wait3A_167] : memref<10240x128xf32, #tpu.memory_space<hbm>> -> memref<80x128xf32, #tpu.memory_space<hbm>>
      tpu.wait_dma2 semaphore(%arg14 : memref<!tpu.dma_semaphore, #tpu.memory_space<semaphore_mem>>) src(%dma_wait3A_168 : memref<80x128xf32, #tpu.memory_space<hbm>>) dst(%arg9 : memref<80x128xf32, #tpu.memory_space<vmem>>)
      %dma_start3A_169 = arith.constant 0 : i32
      %dma_start3A_170 = tpu.memref_slice %arg8[%add3A_162, %dma_start3A_169] : memref<32x80xi32, #tpu.memory_space<vmem>> -> memref<1x80xi32, #tpu.memory_space<vmem>>
      %dma_start3A_171 = tpu.memref_squeeze %dma_start3A_170 : memref<1x80xi32, #tpu.memory_space<vmem>> -> memref<80xi32, #tpu.memory_space<vmem>>
      %dma_start3A_172 = arith.constant 0 : i32
      %dma_start3A_173 = arith.constant 0 : i32
      %dma_start3A_174 = tpu.memref_slice %arg13[%dma_start3A_172, %dma_start3A_173] : memref<10240x128xf32, #tpu.memory_space<vmem_shared>> -> memref<10240x128xf32, #tpu.memory_space<vmem_shared>>
      tpu.enqueue_indirect_dma source(%arg9 : memref<80x128xf32, #tpu.memory_space<vmem>>) target(%dma_start3A_174 : memref<10240x128xf32, #tpu.memory_space<vmem_shared>>) offsets(%dma_start3A_171 : memref<80xi32, #tpu.memory_space<vmem>>) semaphore(%arg15 : memref<!tpu.dma_semaphore, #tpu.memory_space<semaphore_mem>>) {add = true}
      %ge3A = arith.constant 1 : i32
      %ge3A_175 = arith.cmpi sge, %add3A_162, %ge3A : i32
      %convert_element_type3A = arith.extui %ge3A_175 : i1 to i32
      %cond3A = arith.constant 0 : i32
      %cond3A_176 = arith.cmpi ne, %convert_element_type3A, %cond3A : i32
      scf.if %cond3A_176 {
        %dma_wait3A_259 = arith.constant 0 : i32
        %dma_wait3A_260 = arith.constant 0 : i32
        %dma_wait3A_261 = tpu.memref_slice %arg13[%dma_wait3A_259, %dma_wait3A_260] : memref<10240x128xf32, #tpu.memory_space<vmem_shared>> -> memref<80x128xf32, #tpu.memory_space<vmem_shared>>
        %dma_wait3A_262 = arith.constant 0 : i32
        %dma_wait3A_263 = arith.constant 0 : i32
        %dma_wait3A_264 = tpu.memref_slice %arg13[%dma_wait3A_262, %dma_wait3A_263] : memref<10240x128xf32, #tpu.memory_space<vmem_shared>> -> memref<80x128xf32, #tpu.memory_space<vmem_shared>>
        tpu.wait_dma2 semaphore(%arg15 : memref<!tpu.dma_semaphore, #tpu.memory_space<semaphore_mem>>) src(%arg9 : memref<80x128xf32, #tpu.memory_space<vmem>>) dst(%dma_wait3A_264 : memref<80x128xf32, #tpu.memory_space<vmem_shared>>)
      } else {
      }
      %le3A = arith.constant 28 : i32
      %le3A_177 = arith.cmpi sle, %add3A_162, %le3A : i32
      %convert_element_type3A_178 = arith.extui %le3A_177 : i1 to i32
      %cond3A_179 = arith.constant 0 : i32
      %cond3A_180 = arith.cmpi ne, %convert_element_type3A_178, %cond3A_179 : i32
      scf.if %cond3A_180 {
        %add3A_259 = arith.constant 3 : i32
        %add3A_260 = arith.addi %add3A_162, %add3A_259 : i32
        %dma_start3A_261 = arith.constant 0 : i32
        %dma_start3A_262 = tpu.memref_slice %arg7[%add3A_260, %dma_start3A_261] : memref<32x80xi32, #tpu.memory_space<vmem>> -> memref<1x80xi32, #tpu.memory_space<vmem>>
        %dma_start3A_263 = tpu.memref_squeeze %dma_start3A_262 : memref<1x80xi32, #tpu.memory_space<vmem>> -> memref<80xi32, #tpu.memory_space<vmem>>
        %dma_start3A_264 = arith.constant 0 : i32
        %dma_start3A_265 = arith.constant 0 : i32
        %dma_start3A_266 = tpu.memref_slice %arg2[%dma_start3A_264, %dma_start3A_265] : memref<10240x128xf32, #tpu.memory_space<hbm>> -> memref<10240x128xf32, #tpu.memory_space<hbm>>
        tpu.enqueue_indirect_dma source(%dma_start3A_266 : memref<10240x128xf32, #tpu.memory_space<hbm>>) target(%arg12 : memref<80x128xf32, #tpu.memory_space<vmem>>) offsets(%dma_start3A_263 : memref<80xi32, #tpu.memory_space<vmem>>) semaphore(%arg14 : memref<!tpu.dma_semaphore, #tpu.memory_space<semaphore_mem>>)
      } else {
      }
      %mul3A_181 = arith.constant 4 : i32
      %mul3A_182 = arith.muli %scan3A_158, %mul3A_181 : i32
      %add3A_183 = arith.constant 1 : i32
      %add3A_184 = arith.addi %mul3A_182, %add3A_183 : i32
      %dma_wait3A_185 = arith.constant 0 : i32
      %dma_wait3A_186 = arith.constant 0 : i32
      %dma_wait3A_187 = tpu.memref_slice %arg2[%dma_wait3A_185, %dma_wait3A_186] : memref<10240x128xf32, #tpu.memory_space<hbm>> -> memref<80x128xf32, #tpu.memory_space<hbm>>
      %dma_wait3A_188 = arith.constant 0 : i32
      %dma_wait3A_189 = arith.constant 0 : i32
      %dma_wait3A_190 = tpu.memref_slice %arg2[%dma_wait3A_188, %dma_wait3A_189] : memref<10240x128xf32, #tpu.memory_space<hbm>> -> memref<80x128xf32, #tpu.memory_space<hbm>>
      tpu.wait_dma2 semaphore(%arg14 : memref<!tpu.dma_semaphore, #tpu.memory_space<semaphore_mem>>) src(%dma_wait3A_190 : memref<80x128xf32, #tpu.memory_space<hbm>>) dst(%arg9 : memref<80x128xf32, #tpu.memory_space<vmem>>)
      %dma_start3A_191 = arith.constant 0 : i32
      %dma_start3A_192 = tpu.memref_slice %arg8[%add3A_184, %dma_start3A_191] : memref<32x80xi32, #tpu.memory_space<vmem>> -> memref<1x80xi32, #tpu.memory_space<vmem>>
      %dma_start3A_193 = tpu.memref_squeeze %dma_start3A_192 : memref<1x80xi32, #tpu.memory_space<vmem>> -> memref<80xi32, #tpu.memory_space<vmem>>
      %dma_start3A_194 = arith.constant 0 : i32
      %dma_start3A_195 = arith.constant 0 : i32
      %dma_start3A_196 = tpu.memref_slice %arg13[%dma_start3A_194, %dma_start3A_195] : memref<10240x128xf32, #tpu.memory_space<vmem_shared>> -> memref<10240x128xf32, #tpu.memory_space<vmem_shared>>
      tpu.enqueue_indirect_dma source(%arg10 : memref<80x128xf32, #tpu.memory_space<vmem>>) target(%dma_start3A_196 : memref<10240x128xf32, #tpu.memory_space<vmem_shared>>) offsets(%dma_start3A_193 : memref<80xi32, #tpu.memory_space<vmem>>) semaphore(%arg15 : memref<!tpu.dma_semaphore, #tpu.memory_space<semaphore_mem>>) {add = true}
      %ge3A_197 = arith.constant 1 : i32
      %ge3A_198 = arith.cmpi sge, %add3A_184, %ge3A_197 : i32
      %convert_element_type3A_199 = arith.extui %ge3A_198 : i1 to i32
      %cond3A_200 = arith.constant 0 : i32
      %cond3A_201 = arith.cmpi ne, %convert_element_type3A_199, %cond3A_200 : i32
      scf.if %cond3A_201 {
        %dma_wait3A_259 = arith.constant 0 : i32
        %dma_wait3A_260 = arith.constant 0 : i32
        %dma_wait3A_261 = tpu.memref_slice %arg13[%dma_wait3A_259, %dma_wait3A_260] : memref<10240x128xf32, #tpu.memory_space<vmem_shared>> -> memref<80x128xf32, #tpu.memory_space<vmem_shared>>
        %dma_wait3A_262 = arith.constant 0 : i32
        %dma_wait3A_263 = arith.constant 0 : i32
        %dma_wait3A_264 = tpu.memref_slice %arg13[%dma_wait3A_262, %dma_wait3A_263] : memref<10240x128xf32, #tpu.memory_space<vmem_shared>> -> memref<80x128xf32, #tpu.memory_space<vmem_shared>>
        tpu.wait_dma2 semaphore(%arg15 : memref<!tpu.dma_semaphore, #tpu.memory_space<semaphore_mem>>) src(%arg9 : memref<80x128xf32, #tpu.memory_space<vmem>>) dst(%dma_wait3A_264 : memref<80x128xf32, #tpu.memory_space<vmem_shared>>)
      } else {
      }
      %le3A_202 = arith.constant 28 : i32
      %le3A_203 = arith.cmpi sle, %add3A_184, %le3A_202 : i32
      %convert_element_type3A_204 = arith.extui %le3A_203 : i1 to i32
      %cond3A_205 = arith.constant 0 : i32
      %cond3A_206 = arith.cmpi ne, %convert_element_type3A_204, %cond3A_205 : i32
      scf.if %cond3A_206 {
        %add3A_259 = arith.constant 3 : i32
        %add3A_260 = arith.addi %add3A_184, %add3A_259 : i32
        %dma_start3A_261 = arith.constant 0 : i32
        %dma_start3A_262 = tpu.memref_slice %arg7[%add3A_260, %dma_start3A_261] : memref<32x80xi32, #tpu.memory_space<vmem>> -> memref<1x80xi32, #tpu.memory_space<vmem>>
        %dma_start3A_263 = tpu.memref_squeeze %dma_start3A_262 : memref<1x80xi32, #tpu.memory_space<vmem>> -> memref<80xi32, #tpu.memory_space<vmem>>
        %dma_start3A_264 = arith.constant 0 : i32
        %dma_start3A_265 = arith.constant 0 : i32
        %dma_start3A_266 = tpu.memref_slice %arg2[%dma_start3A_264, %dma_start3A_265] : memref<10240x128xf32, #tpu.memory_space<hbm>> -> memref<10240x128xf32, #tpu.memory_space<hbm>>
        tpu.enqueue_indirect_dma source(%dma_start3A_266 : memref<10240x128xf32, #tpu.memory_space<hbm>>) target(%arg9 : memref<80x128xf32, #tpu.memory_space<vmem>>) offsets(%dma_start3A_263 : memref<80xi32, #tpu.memory_space<vmem>>) semaphore(%arg14 : memref<!tpu.dma_semaphore, #tpu.memory_space<semaphore_mem>>)
      } else {
      }
      %mul3A_207 = arith.constant 4 : i32
      %mul3A_208 = arith.muli %scan3A_158, %mul3A_207 : i32
      %add3A_209 = arith.constant 2 : i32
      %add3A_210 = arith.addi %mul3A_208, %add3A_209 : i32
      %dma_wait3A_211 = arith.constant 0 : i32
      %dma_wait3A_212 = arith.constant 0 : i32
      %dma_wait3A_213 = tpu.memref_slice %arg2[%dma_wait3A_211, %dma_wait3A_212] : memref<10240x128xf32, #tpu.memory_space<hbm>> -> memref<80x128xf32, #tpu.memory_space<hbm>>
      %dma_wait3A_214 = arith.constant 0 : i32
      %dma_wait3A_215 = arith.constant 0 : i32
      %dma_wait3A_216 = tpu.memref_slice %arg2[%dma_wait3A_214, %dma_wait3A_215] : memref<10240x128xf32, #tpu.memory_space<hbm>> -> memref<80x128xf32, #tpu.memory_space<hbm>>
      tpu.wait_dma2 semaphore(%arg14 : memref<!tpu.dma_semaphore, #tpu.memory_space<semaphore_mem>>) src(%dma_wait3A_216 : memref<80x128xf32, #tpu.memory_space<hbm>>) dst(%arg9 : memref<80x128xf32, #tpu.memory_space<vmem>>)
      %dma_start3A_217 = arith.constant 0 : i32
      %dma_start3A_218 = tpu.memref_slice %arg8[%add3A_210, %dma_start3A_217] : memref<32x80xi32, #tpu.memory_space<vmem>> -> memref<1x80xi32, #tpu.memory_space<vmem>>
      %dma_start3A_219 = tpu.memref_squeeze %dma_start3A_218 : memref<1x80xi32, #tpu.memory_space<vmem>> -> memref<80xi32, #tpu.memory_space<vmem>>
      %dma_start3A_220 = arith.constant 0 : i32
      %dma_start3A_221 = arith.constant 0 : i32
      %dma_start3A_222 = tpu.memref_slice %arg13[%dma_start3A_220, %dma_start3A_221] : memref<10240x128xf32, #tpu.memory_space<vmem_shared>> -> memref<10240x128xf32, #tpu.memory_space<vmem_shared>>
      tpu.enqueue_indirect_dma source(%arg11 : memref<80x128xf32, #tpu.memory_space<vmem>>) target(%dma_start3A_222 : memref<10240x128xf32, #tpu.memory_space<vmem_shared>>) offsets(%dma_start3A_219 : memref<80xi32, #tpu.memory_space<vmem>>) semaphore(%arg15 : memref<!tpu.dma_semaphore, #tpu.memory_space<semaphore_mem>>) {add = true}
      %ge3A_223 = arith.constant 1 : i32
      %ge3A_224 = arith.cmpi sge, %add3A_210, %ge3A_223 : i32
      %convert_element_type3A_225 = arith.extui %ge3A_224 : i1 to i32
      %cond3A_226 = arith.constant 0 : i32
      %cond3A_227 = arith.cmpi ne, %convert_element_type3A_225, %cond3A_226 : i32
      scf.if %cond3A_227 {
        %dma_wait3A_259 = arith.constant 0 : i32
        %dma_wait3A_260 = arith.constant 0 : i32
        %dma_wait3A_261 = tpu.memref_slice %arg13[%dma_wait3A_259, %dma_wait3A_260] : memref<10240x128xf32, #tpu.memory_space<vmem_shared>> -> memref<80x128xf32, #tpu.memory_space<vmem_shared>>
        %dma_wait3A_262 = arith.constant 0 : i32
        %dma_wait3A_263 = arith.constant 0 : i32
        %dma_wait3A_264 = tpu.memref_slice %arg13[%dma_wait3A_262, %dma_wait3A_263] : memref<10240x128xf32, #tpu.memory_space<vmem_shared>> -> memref<80x128xf32, #tpu.memory_space<vmem_shared>>
        tpu.wait_dma2 semaphore(%arg15 : memref<!tpu.dma_semaphore, #tpu.memory_space<semaphore_mem>>) src(%arg9 : memref<80x128xf32, #tpu.memory_space<vmem>>) dst(%dma_wait3A_264 : memref<80x128xf32, #tpu.memory_space<vmem_shared>>)
      } else {
      }
      %le3A_228 = arith.constant 28 : i32
      %le3A_229 = arith.cmpi sle, %add3A_210, %le3A_228 : i32
      %convert_element_type3A_230 = arith.extui %le3A_229 : i1 to i32
      %cond3A_231 = arith.constant 0 : i32
      %cond3A_232 = arith.cmpi ne, %convert_element_type3A_230, %cond3A_231 : i32
      scf.if %cond3A_232 {
        %add3A_259 = arith.constant 3 : i32
        %add3A_260 = arith.addi %add3A_210, %add3A_259 : i32
        %dma_start3A_261 = arith.constant 0 : i32
        %dma_start3A_262 = tpu.memref_slice %arg7[%add3A_260, %dma_start3A_261] : memref<32x80xi32, #tpu.memory_space<vmem>> -> memref<1x80xi32, #tpu.memory_space<vmem>>
        %dma_start3A_263 = tpu.memref_squeeze %dma_start3A_262 : memref<1x80xi32, #tpu.memory_space<vmem>> -> memref<80xi32, #tpu.memory_space<vmem>>
        %dma_start3A_264 = arith.constant 0 : i32
        %dma_start3A_265 = arith.constant 0 : i32
        %dma_start3A_266 = tpu.memref_slice %arg2[%dma_start3A_264, %dma_start3A_265] : memref<10240x128xf32, #tpu.memory_space<hbm>> -> memref<10240x128xf32, #tpu.memory_space<hbm>>
        tpu.enqueue_indirect_dma source(%dma_start3A_266 : memref<10240x128xf32, #tpu.memory_space<hbm>>) target(%arg10 : memref<80x128xf32, #tpu.memory_space<vmem>>) offsets(%dma_start3A_263 : memref<80xi32, #tpu.memory_space<vmem>>) semaphore(%arg14 : memref<!tpu.dma_semaphore, #tpu.memory_space<semaphore_mem>>)
      } else {
      }
      %mul3A_233 = arith.constant 4 : i32
      %mul3A_234 = arith.muli %scan3A_158, %mul3A_233 : i32
      %add3A_235 = arith.constant 3 : i32
      %add3A_236 = arith.addi %mul3A_234, %add3A_235 : i32
      %dma_wait3A_237 = arith.constant 0 : i32
      %dma_wait3A_238 = arith.constant 0 : i32
      %dma_wait3A_239 = tpu.memref_slice %arg2[%dma_wait3A_237, %dma_wait3A_238] : memref<10240x128xf32, #tpu.memory_space<hbm>> -> memref<80x128xf32, #tpu.memory_space<hbm>>
      %dma_wait3A_240 = arith.constant 0 : i32
      %dma_wait3A_241 = arith.constant 0 : i32
      %dma_wait3A_242 = tpu.memref_slice %arg2[%dma_wait3A_240, %dma_wait3A_241] : memref<10240x128xf32, #tpu.memory_space<hbm>> -> memref<80x128xf32, #tpu.memory_space<hbm>>
      tpu.wait_dma2 semaphore(%arg14 : memref<!tpu.dma_semaphore, #tpu.memory_space<semaphore_mem>>) src(%dma_wait3A_242 : memref<80x128xf32, #tpu.memory_space<hbm>>) dst(%arg9 : memref<80x128xf32, #tpu.memory_space<vmem>>)
      %dma_start3A_243 = arith.constant 0 : i32
      %dma_start3A_244 = tpu.memref_slice %arg8[%add3A_236, %dma_start3A_243] : memref<32x80xi32, #tpu.memory_space<vmem>> -> memref<1x80xi32, #tpu.memory_space<vmem>>
      %dma_start3A_245 = tpu.memref_squeeze %dma_start3A_244 : memref<1x80xi32, #tpu.memory_space<vmem>> -> memref<80xi32, #tpu.memory_space<vmem>>
      %dma_start3A_246 = arith.constant 0 : i32
      %dma_start3A_247 = arith.constant 0 : i32
      %dma_start3A_248 = tpu.memref_slice %arg13[%dma_start3A_246, %dma_start3A_247] : memref<10240x128xf32, #tpu.memory_space<vmem_shared>> -> memref<10240x128xf32, #tpu.memory_space<vmem_shared>>
      tpu.enqueue_indirect_dma source(%arg12 : memref<80x128xf32, #tpu.memory_space<vmem>>) target(%dma_start3A_248 : memref<10240x128xf32, #tpu.memory_space<vmem_shared>>) offsets(%dma_start3A_245 : memref<80xi32, #tpu.memory_space<vmem>>) semaphore(%arg15 : memref<!tpu.dma_semaphore, #tpu.memory_space<semaphore_mem>>) {add = true}
      %ge3A_249 = arith.constant 1 : i32
      %ge3A_250 = arith.cmpi sge, %add3A_236, %ge3A_249 : i32
      %convert_element_type3A_251 = arith.extui %ge3A_250 : i1 to i32
      %cond3A_252 = arith.constant 0 : i32
      %cond3A_253 = arith.cmpi ne, %convert_element_type3A_251, %cond3A_252 : i32
      scf.if %cond3A_253 {
        %dma_wait3A_259 = arith.constant 0 : i32
        %dma_wait3A_260 = arith.constant 0 : i32
        %dma_wait3A_261 = tpu.memref_slice %arg13[%dma_wait3A_259, %dma_wait3A_260] : memref<10240x128xf32, #tpu.memory_space<vmem_shared>> -> memref<80x128xf32, #tpu.memory_space<vmem_shared>>
        %dma_wait3A_262 = arith.constant 0 : i32
        %dma_wait3A_263 = arith.constant 0 : i32
        %dma_wait3A_264 = tpu.memref_slice %arg13[%dma_wait3A_262, %dma_wait3A_263] : memref<10240x128xf32, #tpu.memory_space<vmem_shared>> -> memref<80x128xf32, #tpu.memory_space<vmem_shared>>
        tpu.wait_dma2 semaphore(%arg15 : memref<!tpu.dma_semaphore, #tpu.memory_space<semaphore_mem>>) src(%arg9 : memref<80x128xf32, #tpu.memory_space<vmem>>) dst(%dma_wait3A_264 : memref<80x128xf32, #tpu.memory_space<vmem_shared>>)
      } else {
      }
      %le3A_254 = arith.constant 28 : i32
      %le3A_255 = arith.cmpi sle, %add3A_236, %le3A_254 : i32
      %convert_element_type3A_256 = arith.extui %le3A_255 : i1 to i32
      %cond3A_257 = arith.constant 0 : i32
      %cond3A_258 = arith.cmpi ne, %convert_element_type3A_256, %cond3A_257 : i32
      scf.if %cond3A_258 {
        %add3A_259 = arith.constant 3 : i32
        %add3A_260 = arith.addi %add3A_236, %add3A_259 : i32
        %dma_start3A_261 = arith.constant 0 : i32
        %dma_start3A_262 = tpu.memref_slice %arg7[%add3A_260, %dma_start3A_261] : memref<32x80xi32, #tpu.memory_space<vmem>> -> memref<1x80xi32, #tpu.memory_space<vmem>>
        %dma_start3A_263 = tpu.memref_squeeze %dma_start3A_262 : memref<1x80xi32, #tpu.memory_space<vmem>> -> memref<80xi32, #tpu.memory_space<vmem>>
        %dma_start3A_264 = arith.constant 0 : i32
        %dma_start3A_265 = arith.constant 0 : i32
        %dma_start3A_266 = tpu.memref_slice %arg2[%dma_start3A_264, %dma_start3A_265] : memref<10240x128xf32, #tpu.memory_space<hbm>> -> memref<10240x128xf32, #tpu.memory_space<hbm>>
        tpu.enqueue_indirect_dma source(%dma_start3A_266 : memref<10240x128xf32, #tpu.memory_space<hbm>>) target(%arg11 : memref<80x128xf32, #tpu.memory_space<vmem>>) offsets(%dma_start3A_263 : memref<80xi32, #tpu.memory_space<vmem>>) semaphore(%arg14 : memref<!tpu.dma_semaphore, #tpu.memory_space<semaphore_mem>>)
      } else {
      }
    }
    %scan3A_106 = arith.constant 8 : i32
    %dma_wait3A_107 = arith.constant 0 : i32
    %dma_wait3A_108 = arith.constant 0 : i32
    %dma_wait3A_109 = tpu.memref_slice %arg13[%dma_wait3A_107, %dma_wait3A_108] : memref<10240x128xf32, #tpu.memory_space<vmem_shared>> -> memref<80x128xf32, #tpu.memory_space<vmem_shared>>
    %dma_wait3A_110 = arith.constant 0 : i32
    %dma_wait3A_111 = arith.constant 0 : i32
    %dma_wait3A_112 = tpu.memref_slice %arg13[%dma_wait3A_110, %dma_wait3A_111] : memref<10240x128xf32, #tpu.memory_space<vmem_shared>> -> memref<80x128xf32, #tpu.memory_space<vmem_shared>>
    tpu.wait_dma2 semaphore(%arg15 : memref<!tpu.dma_semaphore, #tpu.memory_space<semaphore_mem>>) src(%arg9 : memref<80x128xf32, #tpu.memory_space<vmem>>) dst(%dma_wait3A_112 : memref<80x128xf32, #tpu.memory_space<vmem_shared>>)
    %add3A_113 = arith.constant 96 : i32
    %add3A_114 = arith.addi %mul3A_4, %add3A_113 : i32
    "tpu.region"() ({
      %run_scoped3A = tpu.sem_alloc : memref<!tpu.dma_semaphore, #tpu.memory_space<semaphore_mem>>
      %dma_start3A_158 = arith.constant 0 : i32
      %dma_start3A_159 = tpu.memref_slice %arg3[%add3A_114, %dma_start3A_158] : memref<4096x80xi32, #tpu.memory_space<hbm>> -> memref<32x80xi32, #tpu.memory_space<hbm>>
      %dma_start3A_160 = arith.constant 0 : i32
      %dma_start3A_161 = tpu.memref_slice %arg3[%add3A_114, %dma_start3A_160] : memref<4096x80xi32, #tpu.memory_space<hbm>> -> memref<32x80xi32, #tpu.memory_space<hbm>>
      tpu.enqueue_dma source(%dma_start3A_161 : memref<32x80xi32, #tpu.memory_space<hbm>>) target(%arg7 : memref<32x80xi32, #tpu.memory_space<vmem>>) target_semaphore(%run_scoped3A : memref<!tpu.dma_semaphore, #tpu.memory_space<semaphore_mem>>)
      %dma_wait3A_162 = arith.constant 0 : i32
      %dma_wait3A_163 = tpu.memref_slice %arg3[%add3A_114, %dma_wait3A_162] : memref<4096x80xi32, #tpu.memory_space<hbm>> -> memref<32x80xi32, #tpu.memory_space<hbm>>
      %dma_wait3A_164 = arith.constant 0 : i32
      %dma_wait3A_165 = tpu.memref_slice %arg3[%add3A_114, %dma_wait3A_164] : memref<4096x80xi32, #tpu.memory_space<hbm>> -> memref<32x80xi32, #tpu.memory_space<hbm>>
      tpu.wait_dma2 semaphore(%run_scoped3A : memref<!tpu.dma_semaphore, #tpu.memory_space<semaphore_mem>>) src(%dma_wait3A_165 : memref<32x80xi32, #tpu.memory_space<hbm>>) dst(%arg7 : memref<32x80xi32, #tpu.memory_space<vmem>>)
      tpu.yield
    }) : () -> ()
    %add3A_115 = arith.constant 96 : i32
    %add3A_116 = arith.addi %mul3A_4, %add3A_115 : i32
    "tpu.region"() ({
      %run_scoped3A = tpu.sem_alloc : memref<!tpu.dma_semaphore, #tpu.memory_space<semaphore_mem>>
      %dma_start3A_158 = arith.constant 0 : i32
      %dma_start3A_159 = tpu.memref_slice %arg4[%add3A_116, %dma_start3A_158] : memref<4096x80xi32, #tpu.memory_space<hbm>> -> memref<32x80xi32, #tpu.memory_space<hbm>>
      %dma_start3A_160 = arith.constant 0 : i32
      %dma_start3A_161 = tpu.memref_slice %arg4[%add3A_116, %dma_start3A_160] : memref<4096x80xi32, #tpu.memory_space<hbm>> -> memref<32x80xi32, #tpu.memory_space<hbm>>
      tpu.enqueue_dma source(%dma_start3A_161 : memref<32x80xi32, #tpu.memory_space<hbm>>) target(%arg8 : memref<32x80xi32, #tpu.memory_space<vmem>>) target_semaphore(%run_scoped3A : memref<!tpu.dma_semaphore, #tpu.memory_space<semaphore_mem>>)
      %dma_wait3A_162 = arith.constant 0 : i32
      %dma_wait3A_163 = tpu.memref_slice %arg4[%add3A_116, %dma_wait3A_162] : memref<4096x80xi32, #tpu.memory_space<hbm>> -> memref<32x80xi32, #tpu.memory_space<hbm>>
      %dma_wait3A_164 = arith.constant 0 : i32
      %dma_wait3A_165 = tpu.memref_slice %arg4[%add3A_116, %dma_wait3A_164] : memref<4096x80xi32, #tpu.memory_space<hbm>> -> memref<32x80xi32, #tpu.memory_space<hbm>>
      tpu.wait_dma2 semaphore(%run_scoped3A : memref<!tpu.dma_semaphore, #tpu.memory_space<semaphore_mem>>) src(%dma_wait3A_165 : memref<32x80xi32, #tpu.memory_space<hbm>>) dst(%arg8 : memref<32x80xi32, #tpu.memory_space<vmem>>)
      tpu.yield
    }) : () -> ()
    %dma_start3A_117 = arith.constant 0 : i32
    %dma_start3A_118 = arith.constant 0 : i32
    %dma_start3A_119 = tpu.memref_slice %arg7[%dma_start3A_117, %dma_start3A_118] : memref<32x80xi32, #tpu.memory_space<vmem>> -> memref<1x80xi32, #tpu.memory_space<vmem>>
    %dma_start3A_120 = tpu.memref_squeeze %dma_start3A_119 : memref<1x80xi32, #tpu.memory_space<vmem>> -> memref<80xi32, #tpu.memory_space<vmem>>
    %dma_start3A_121 = arith.constant 0 : i32
    %dma_start3A_122 = arith.constant 0 : i32
    %dma_start3A_123 = tpu.memref_slice %arg2[%dma_start3A_121, %dma_start3A_122] : memref<10240x128xf32, #tpu.memory_space<hbm>> -> memref<10240x128xf32, #tpu.memory_space<hbm>>
    tpu.enqueue_indirect_dma source(%dma_start3A_123 : memref<10240x128xf32, #tpu.memory_space<hbm>>) target(%arg9 : memref<80x128xf32, #tpu.memory_space<vmem>>) offsets(%dma_start3A_120 : memref<80xi32, #tpu.memory_space<vmem>>) semaphore(%arg14 : memref<!tpu.dma_semaphore, #tpu.memory_space<semaphore_mem>>)
    %dma_start3A_124 = arith.constant 1 : i32
    %dma_start3A_125 = arith.constant 0 : i32
    %dma_start3A_126 = tpu.memref_slice %arg7[%dma_start3A_124, %dma_start3A_125] : memref<32x80xi32, #tpu.memory_space<vmem>> -> memref<1x80xi32, #tpu.memory_space<vmem>>
    %dma_start3A_127 = tpu.memref_squeeze %dma_start3A_126 : memref<1x80xi32, #tpu.memory_space<vmem>> -> memref<80xi32, #tpu.memory_space<vmem>>
    %dma_start3A_128 = arith.constant 0 : i32
    %dma_start3A_129 = arith.constant 0 : i32
    %dma_start3A_130 = tpu.memref_slice %arg2[%dma_start3A_128, %dma_start3A_129] : memref<10240x128xf32, #tpu.memory_space<hbm>> -> memref<10240x128xf32, #tpu.memory_space<hbm>>
    tpu.enqueue_indirect_dma source(%dma_start3A_130 : memref<10240x128xf32, #tpu.memory_space<hbm>>) target(%arg10 : memref<80x128xf32, #tpu.memory_space<vmem>>) offsets(%dma_start3A_127 : memref<80xi32, #tpu.memory_space<vmem>>) semaphore(%arg14 : memref<!tpu.dma_semaphore, #tpu.memory_space<semaphore_mem>>)
    %dma_start3A_131 = arith.constant 2 : i32
    %dma_start3A_132 = arith.constant 0 : i32
    %dma_start3A_133 = tpu.memref_slice %arg7[%dma_start3A_131, %dma_start3A_132] : memref<32x80xi32, #tpu.memory_space<vmem>> -> memref<1x80xi32, #tpu.memory_space<vmem>>
    %dma_start3A_134 = tpu.memref_squeeze %dma_start3A_133 : memref<1x80xi32, #tpu.memory_space<vmem>> -> memref<80xi32, #tpu.memory_space<vmem>>
    %dma_start3A_135 = arith.constant 0 : i32
    %dma_start3A_136 = arith.constant 0 : i32
    %dma_start3A_137 = tpu.memref_slice %arg2[%dma_start3A_135, %dma_start3A_136] : memref<10240x128xf32, #tpu.memory_space<hbm>> -> memref<10240x128xf32, #tpu.memory_space<hbm>>
    tpu.enqueue_indirect_dma source(%dma_start3A_137 : memref<10240x128xf32, #tpu.memory_space<hbm>>) target(%arg11 : memref<80x128xf32, #tpu.memory_space<vmem>>) offsets(%dma_start3A_134 : memref<80xi32, #tpu.memory_space<vmem>>) semaphore(%arg14 : memref<!tpu.dma_semaphore, #tpu.memory_space<semaphore_mem>>)
    %scan3A_138 = arith.constant 0 : i32
    %scan3A_139 = arith.constant 0 : i32
    %scan3A_140 = arith.constant 8 : i32
    %scan3A_141 = arith.addi %scan3A_139, %scan3A_140 : i32
    %scan3A_142 = arith.constant 1 : i32
    scf.for %scan3A_158 = %scan3A_139 to %scan3A_141 step %scan3A_142  : i32 {
      %mul3A_159 = arith.constant 4 : i32
      %mul3A_160 = arith.muli %scan3A_158, %mul3A_159 : i32
      %add3A_161 = arith.constant 0 : i32
      %add3A_162 = arith.addi %mul3A_160, %add3A_161 : i32
      %dma_wait3A_163 = arith.constant 0 : i32
      %dma_wait3A_164 = arith.constant 0 : i32
      %dma_wait3A_165 = tpu.memref_slice %arg2[%dma_wait3A_163, %dma_wait3A_164] : memref<10240x128xf32, #tpu.memory_space<hbm>> -> memref<80x128xf32, #tpu.memory_space<hbm>>
      %dma_wait3A_166 = arith.constant 0 : i32
      %dma_wait3A_167 = arith.constant 0 : i32
      %dma_wait3A_168 = tpu.memref_slice %arg2[%dma_wait3A_166, %dma_wait3A_167] : memref<10240x128xf32, #tpu.memory_space<hbm>> -> memref<80x128xf32, #tpu.memory_space<hbm>>
      tpu.wait_dma2 semaphore(%arg14 : memref<!tpu.dma_semaphore, #tpu.memory_space<semaphore_mem>>) src(%dma_wait3A_168 : memref<80x128xf32, #tpu.memory_space<hbm>>) dst(%arg9 : memref<80x128xf32, #tpu.memory_space<vmem>>)
      %dma_start3A_169 = arith.constant 0 : i32
      %dma_start3A_170 = tpu.memref_slice %arg8[%add3A_162, %dma_start3A_169] : memref<32x80xi32, #tpu.memory_space<vmem>> -> memref<1x80xi32, #tpu.memory_space<vmem>>
      %dma_start3A_171 = tpu.memref_squeeze %dma_start3A_170 : memref<1x80xi32, #tpu.memory_space<vmem>> -> memref<80xi32, #tpu.memory_space<vmem>>
      %dma_start3A_172 = arith.constant 0 : i32
      %dma_start3A_173 = arith.constant 0 : i32
      %dma_start3A_174 = tpu.memref_slice %arg13[%dma_start3A_172, %dma_start3A_173] : memref<10240x128xf32, #tpu.memory_space<vmem_shared>> -> memref<10240x128xf32, #tpu.memory_space<vmem_shared>>
      tpu.enqueue_indirect_dma source(%arg9 : memref<80x128xf32, #tpu.memory_space<vmem>>) target(%dma_start3A_174 : memref<10240x128xf32, #tpu.memory_space<vmem_shared>>) offsets(%dma_start3A_171 : memref<80xi32, #tpu.memory_space<vmem>>) semaphore(%arg15 : memref<!tpu.dma_semaphore, #tpu.memory_space<semaphore_mem>>) {add = true}
      %ge3A = arith.constant 1 : i32
      %ge3A_175 = arith.cmpi sge, %add3A_162, %ge3A : i32
      %convert_element_type3A = arith.extui %ge3A_175 : i1 to i32
      %cond3A = arith.constant 0 : i32
      %cond3A_176 = arith.cmpi ne, %convert_element_type3A, %cond3A : i32
      scf.if %cond3A_176 {
        %dma_wait3A_259 = arith.constant 0 : i32
        %dma_wait3A_260 = arith.constant 0 : i32
        %dma_wait3A_261 = tpu.memref_slice %arg13[%dma_wait3A_259, %dma_wait3A_260] : memref<10240x128xf32, #tpu.memory_space<vmem_shared>> -> memref<80x128xf32, #tpu.memory_space<vmem_shared>>
        %dma_wait3A_262 = arith.constant 0 : i32
        %dma_wait3A_263 = arith.constant 0 : i32
        %dma_wait3A_264 = tpu.memref_slice %arg13[%dma_wait3A_262, %dma_wait3A_263] : memref<10240x128xf32, #tpu.memory_space<vmem_shared>> -> memref<80x128xf32, #tpu.memory_space<vmem_shared>>
        tpu.wait_dma2 semaphore(%arg15 : memref<!tpu.dma_semaphore, #tpu.memory_space<semaphore_mem>>) src(%arg9 : memref<80x128xf32, #tpu.memory_space<vmem>>) dst(%dma_wait3A_264 : memref<80x128xf32, #tpu.memory_space<vmem_shared>>)
      } else {
      }
      %le3A = arith.constant 28 : i32
      %le3A_177 = arith.cmpi sle, %add3A_162, %le3A : i32
      %convert_element_type3A_178 = arith.extui %le3A_177 : i1 to i32
      %cond3A_179 = arith.constant 0 : i32
      %cond3A_180 = arith.cmpi ne, %convert_element_type3A_178, %cond3A_179 : i32
      scf.if %cond3A_180 {
        %add3A_259 = arith.constant 3 : i32
        %add3A_260 = arith.addi %add3A_162, %add3A_259 : i32
        %dma_start3A_261 = arith.constant 0 : i32
        %dma_start3A_262 = tpu.memref_slice %arg7[%add3A_260, %dma_start3A_261] : memref<32x80xi32, #tpu.memory_space<vmem>> -> memref<1x80xi32, #tpu.memory_space<vmem>>
        %dma_start3A_263 = tpu.memref_squeeze %dma_start3A_262 : memref<1x80xi32, #tpu.memory_space<vmem>> -> memref<80xi32, #tpu.memory_space<vmem>>
        %dma_start3A_264 = arith.constant 0 : i32
        %dma_start3A_265 = arith.constant 0 : i32
        %dma_start3A_266 = tpu.memref_slice %arg2[%dma_start3A_264, %dma_start3A_265] : memref<10240x128xf32, #tpu.memory_space<hbm>> -> memref<10240x128xf32, #tpu.memory_space<hbm>>
        tpu.enqueue_indirect_dma source(%dma_start3A_266 : memref<10240x128xf32, #tpu.memory_space<hbm>>) target(%arg12 : memref<80x128xf32, #tpu.memory_space<vmem>>) offsets(%dma_start3A_263 : memref<80xi32, #tpu.memory_space<vmem>>) semaphore(%arg14 : memref<!tpu.dma_semaphore, #tpu.memory_space<semaphore_mem>>)
      } else {
      }
      %mul3A_181 = arith.constant 4 : i32
      %mul3A_182 = arith.muli %scan3A_158, %mul3A_181 : i32
      %add3A_183 = arith.constant 1 : i32
      %add3A_184 = arith.addi %mul3A_182, %add3A_183 : i32
      %dma_wait3A_185 = arith.constant 0 : i32
      %dma_wait3A_186 = arith.constant 0 : i32
      %dma_wait3A_187 = tpu.memref_slice %arg2[%dma_wait3A_185, %dma_wait3A_186] : memref<10240x128xf32, #tpu.memory_space<hbm>> -> memref<80x128xf32, #tpu.memory_space<hbm>>
      %dma_wait3A_188 = arith.constant 0 : i32
      %dma_wait3A_189 = arith.constant 0 : i32
      %dma_wait3A_190 = tpu.memref_slice %arg2[%dma_wait3A_188, %dma_wait3A_189] : memref<10240x128xf32, #tpu.memory_space<hbm>> -> memref<80x128xf32, #tpu.memory_space<hbm>>
      tpu.wait_dma2 semaphore(%arg14 : memref<!tpu.dma_semaphore, #tpu.memory_space<semaphore_mem>>) src(%dma_wait3A_190 : memref<80x128xf32, #tpu.memory_space<hbm>>) dst(%arg9 : memref<80x128xf32, #tpu.memory_space<vmem>>)
      %dma_start3A_191 = arith.constant 0 : i32
      %dma_start3A_192 = tpu.memref_slice %arg8[%add3A_184, %dma_start3A_191] : memref<32x80xi32, #tpu.memory_space<vmem>> -> memref<1x80xi32, #tpu.memory_space<vmem>>
      %dma_start3A_193 = tpu.memref_squeeze %dma_start3A_192 : memref<1x80xi32, #tpu.memory_space<vmem>> -> memref<80xi32, #tpu.memory_space<vmem>>
      %dma_start3A_194 = arith.constant 0 : i32
      %dma_start3A_195 = arith.constant 0 : i32
      %dma_start3A_196 = tpu.memref_slice %arg13[%dma_start3A_194, %dma_start3A_195] : memref<10240x128xf32, #tpu.memory_space<vmem_shared>> -> memref<10240x128xf32, #tpu.memory_space<vmem_shared>>
      tpu.enqueue_indirect_dma source(%arg10 : memref<80x128xf32, #tpu.memory_space<vmem>>) target(%dma_start3A_196 : memref<10240x128xf32, #tpu.memory_space<vmem_shared>>) offsets(%dma_start3A_193 : memref<80xi32, #tpu.memory_space<vmem>>) semaphore(%arg15 : memref<!tpu.dma_semaphore, #tpu.memory_space<semaphore_mem>>) {add = true}
      %ge3A_197 = arith.constant 1 : i32
      %ge3A_198 = arith.cmpi sge, %add3A_184, %ge3A_197 : i32
      %convert_element_type3A_199 = arith.extui %ge3A_198 : i1 to i32
      %cond3A_200 = arith.constant 0 : i32
      %cond3A_201 = arith.cmpi ne, %convert_element_type3A_199, %cond3A_200 : i32
      scf.if %cond3A_201 {
        %dma_wait3A_259 = arith.constant 0 : i32
        %dma_wait3A_260 = arith.constant 0 : i32
        %dma_wait3A_261 = tpu.memref_slice %arg13[%dma_wait3A_259, %dma_wait3A_260] : memref<10240x128xf32, #tpu.memory_space<vmem_shared>> -> memref<80x128xf32, #tpu.memory_space<vmem_shared>>
        %dma_wait3A_262 = arith.constant 0 : i32
        %dma_wait3A_263 = arith.constant 0 : i32
        %dma_wait3A_264 = tpu.memref_slice %arg13[%dma_wait3A_262, %dma_wait3A_263] : memref<10240x128xf32, #tpu.memory_space<vmem_shared>> -> memref<80x128xf32, #tpu.memory_space<vmem_shared>>
        tpu.wait_dma2 semaphore(%arg15 : memref<!tpu.dma_semaphore, #tpu.memory_space<semaphore_mem>>) src(%arg9 : memref<80x128xf32, #tpu.memory_space<vmem>>) dst(%dma_wait3A_264 : memref<80x128xf32, #tpu.memory_space<vmem_shared>>)
      } else {
      }
      %le3A_202 = arith.constant 28 : i32
      %le3A_203 = arith.cmpi sle, %add3A_184, %le3A_202 : i32
      %convert_element_type3A_204 = arith.extui %le3A_203 : i1 to i32
      %cond3A_205 = arith.constant 0 : i32
      %cond3A_206 = arith.cmpi ne, %convert_element_type3A_204, %cond3A_205 : i32
      scf.if %cond3A_206 {
        %add3A_259 = arith.constant 3 : i32
        %add3A_260 = arith.addi %add3A_184, %add3A_259 : i32
        %dma_start3A_261 = arith.constant 0 : i32
        %dma_start3A_262 = tpu.memref_slice %arg7[%add3A_260, %dma_start3A_261] : memref<32x80xi32, #tpu.memory_space<vmem>> -> memref<1x80xi32, #tpu.memory_space<vmem>>
        %dma_start3A_263 = tpu.memref_squeeze %dma_start3A_262 : memref<1x80xi32, #tpu.memory_space<vmem>> -> memref<80xi32, #tpu.memory_space<vmem>>
        %dma_start3A_264 = arith.constant 0 : i32
        %dma_start3A_265 = arith.constant 0 : i32
        %dma_start3A_266 = tpu.memref_slice %arg2[%dma_start3A_264, %dma_start3A_265] : memref<10240x128xf32, #tpu.memory_space<hbm>> -> memref<10240x128xf32, #tpu.memory_space<hbm>>
        tpu.enqueue_indirect_dma source(%dma_start3A_266 : memref<10240x128xf32, #tpu.memory_space<hbm>>) target(%arg9 : memref<80x128xf32, #tpu.memory_space<vmem>>) offsets(%dma_start3A_263 : memref<80xi32, #tpu.memory_space<vmem>>) semaphore(%arg14 : memref<!tpu.dma_semaphore, #tpu.memory_space<semaphore_mem>>)
      } else {
      }
      %mul3A_207 = arith.constant 4 : i32
      %mul3A_208 = arith.muli %scan3A_158, %mul3A_207 : i32
      %add3A_209 = arith.constant 2 : i32
      %add3A_210 = arith.addi %mul3A_208, %add3A_209 : i32
      %dma_wait3A_211 = arith.constant 0 : i32
      %dma_wait3A_212 = arith.constant 0 : i32
      %dma_wait3A_213 = tpu.memref_slice %arg2[%dma_wait3A_211, %dma_wait3A_212] : memref<10240x128xf32, #tpu.memory_space<hbm>> -> memref<80x128xf32, #tpu.memory_space<hbm>>
      %dma_wait3A_214 = arith.constant 0 : i32
      %dma_wait3A_215 = arith.constant 0 : i32
      %dma_wait3A_216 = tpu.memref_slice %arg2[%dma_wait3A_214, %dma_wait3A_215] : memref<10240x128xf32, #tpu.memory_space<hbm>> -> memref<80x128xf32, #tpu.memory_space<hbm>>
      tpu.wait_dma2 semaphore(%arg14 : memref<!tpu.dma_semaphore, #tpu.memory_space<semaphore_mem>>) src(%dma_wait3A_216 : memref<80x128xf32, #tpu.memory_space<hbm>>) dst(%arg9 : memref<80x128xf32, #tpu.memory_space<vmem>>)
      %dma_start3A_217 = arith.constant 0 : i32
      %dma_start3A_218 = tpu.memref_slice %arg8[%add3A_210, %dma_start3A_217] : memref<32x80xi32, #tpu.memory_space<vmem>> -> memref<1x80xi32, #tpu.memory_space<vmem>>
      %dma_start3A_219 = tpu.memref_squeeze %dma_start3A_218 : memref<1x80xi32, #tpu.memory_space<vmem>> -> memref<80xi32, #tpu.memory_space<vmem>>
      %dma_start3A_220 = arith.constant 0 : i32
      %dma_start3A_221 = arith.constant 0 : i32
      %dma_start3A_222 = tpu.memref_slice %arg13[%dma_start3A_220, %dma_start3A_221] : memref<10240x128xf32, #tpu.memory_space<vmem_shared>> -> memref<10240x128xf32, #tpu.memory_space<vmem_shared>>
      tpu.enqueue_indirect_dma source(%arg11 : memref<80x128xf32, #tpu.memory_space<vmem>>) target(%dma_start3A_222 : memref<10240x128xf32, #tpu.memory_space<vmem_shared>>) offsets(%dma_start3A_219 : memref<80xi32, #tpu.memory_space<vmem>>) semaphore(%arg15 : memref<!tpu.dma_semaphore, #tpu.memory_space<semaphore_mem>>) {add = true}
      %ge3A_223 = arith.constant 1 : i32
      %ge3A_224 = arith.cmpi sge, %add3A_210, %ge3A_223 : i32
      %convert_element_type3A_225 = arith.extui %ge3A_224 : i1 to i32
      %cond3A_226 = arith.constant 0 : i32
      %cond3A_227 = arith.cmpi ne, %convert_element_type3A_225, %cond3A_226 : i32
      scf.if %cond3A_227 {
        %dma_wait3A_259 = arith.constant 0 : i32
        %dma_wait3A_260 = arith.constant 0 : i32
        %dma_wait3A_261 = tpu.memref_slice %arg13[%dma_wait3A_259, %dma_wait3A_260] : memref<10240x128xf32, #tpu.memory_space<vmem_shared>> -> memref<80x128xf32, #tpu.memory_space<vmem_shared>>
        %dma_wait3A_262 = arith.constant 0 : i32
        %dma_wait3A_263 = arith.constant 0 : i32
        %dma_wait3A_264 = tpu.memref_slice %arg13[%dma_wait3A_262, %dma_wait3A_263] : memref<10240x128xf32, #tpu.memory_space<vmem_shared>> -> memref<80x128xf32, #tpu.memory_space<vmem_shared>>
        tpu.wait_dma2 semaphore(%arg15 : memref<!tpu.dma_semaphore, #tpu.memory_space<semaphore_mem>>) src(%arg9 : memref<80x128xf32, #tpu.memory_space<vmem>>) dst(%dma_wait3A_264 : memref<80x128xf32, #tpu.memory_space<vmem_shared>>)
      } else {
      }
      %le3A_228 = arith.constant 28 : i32
      %le3A_229 = arith.cmpi sle, %add3A_210, %le3A_228 : i32
      %convert_element_type3A_230 = arith.extui %le3A_229 : i1 to i32
      %cond3A_231 = arith.constant 0 : i32
      %cond3A_232 = arith.cmpi ne, %convert_element_type3A_230, %cond3A_231 : i32
      scf.if %cond3A_232 {
        %add3A_259 = arith.constant 3 : i32
        %add3A_260 = arith.addi %add3A_210, %add3A_259 : i32
        %dma_start3A_261 = arith.constant 0 : i32
        %dma_start3A_262 = tpu.memref_slice %arg7[%add3A_260, %dma_start3A_261] : memref<32x80xi32, #tpu.memory_space<vmem>> -> memref<1x80xi32, #tpu.memory_space<vmem>>
        %dma_start3A_263 = tpu.memref_squeeze %dma_start3A_262 : memref<1x80xi32, #tpu.memory_space<vmem>> -> memref<80xi32, #tpu.memory_space<vmem>>
        %dma_start3A_264 = arith.constant 0 : i32
        %dma_start3A_265 = arith.constant 0 : i32
        %dma_start3A_266 = tpu.memref_slice %arg2[%dma_start3A_264, %dma_start3A_265] : memref<10240x128xf32, #tpu.memory_space<hbm>> -> memref<10240x128xf32, #tpu.memory_space<hbm>>
        tpu.enqueue_indirect_dma source(%dma_start3A_266 : memref<10240x128xf32, #tpu.memory_space<hbm>>) target(%arg10 : memref<80x128xf32, #tpu.memory_space<vmem>>) offsets(%dma_start3A_263 : memref<80xi32, #tpu.memory_space<vmem>>) semaphore(%arg14 : memref<!tpu.dma_semaphore, #tpu.memory_space<semaphore_mem>>)
      } else {
      }
      %mul3A_233 = arith.constant 4 : i32
      %mul3A_234 = arith.muli %scan3A_158, %mul3A_233 : i32
      %add3A_235 = arith.constant 3 : i32
      %add3A_236 = arith.addi %mul3A_234, %add3A_235 : i32
      %dma_wait3A_237 = arith.constant 0 : i32
      %dma_wait3A_238 = arith.constant 0 : i32
      %dma_wait3A_239 = tpu.memref_slice %arg2[%dma_wait3A_237, %dma_wait3A_238] : memref<10240x128xf32, #tpu.memory_space<hbm>> -> memref<80x128xf32, #tpu.memory_space<hbm>>
      %dma_wait3A_240 = arith.constant 0 : i32
      %dma_wait3A_241 = arith.constant 0 : i32
      %dma_wait3A_242 = tpu.memref_slice %arg2[%dma_wait3A_240, %dma_wait3A_241] : memref<10240x128xf32, #tpu.memory_space<hbm>> -> memref<80x128xf32, #tpu.memory_space<hbm>>
      tpu.wait_dma2 semaphore(%arg14 : memref<!tpu.dma_semaphore, #tpu.memory_space<semaphore_mem>>) src(%dma_wait3A_242 : memref<80x128xf32, #tpu.memory_space<hbm>>) dst(%arg9 : memref<80x128xf32, #tpu.memory_space<vmem>>)
      %dma_start3A_243 = arith.constant 0 : i32
      %dma_start3A_244 = tpu.memref_slice %arg8[%add3A_236, %dma_start3A_243] : memref<32x80xi32, #tpu.memory_space<vmem>> -> memref<1x80xi32, #tpu.memory_space<vmem>>
      %dma_start3A_245 = tpu.memref_squeeze %dma_start3A_244 : memref<1x80xi32, #tpu.memory_space<vmem>> -> memref<80xi32, #tpu.memory_space<vmem>>
      %dma_start3A_246 = arith.constant 0 : i32
      %dma_start3A_247 = arith.constant 0 : i32
      %dma_start3A_248 = tpu.memref_slice %arg13[%dma_start3A_246, %dma_start3A_247] : memref<10240x128xf32, #tpu.memory_space<vmem_shared>> -> memref<10240x128xf32, #tpu.memory_space<vmem_shared>>
      tpu.enqueue_indirect_dma source(%arg12 : memref<80x128xf32, #tpu.memory_space<vmem>>) target(%dma_start3A_248 : memref<10240x128xf32, #tpu.memory_space<vmem_shared>>) offsets(%dma_start3A_245 : memref<80xi32, #tpu.memory_space<vmem>>) semaphore(%arg15 : memref<!tpu.dma_semaphore, #tpu.memory_space<semaphore_mem>>) {add = true}
      %ge3A_249 = arith.constant 1 : i32
      %ge3A_250 = arith.cmpi sge, %add3A_236, %ge3A_249 : i32
      %convert_element_type3A_251 = arith.extui %ge3A_250 : i1 to i32
      %cond3A_252 = arith.constant 0 : i32
      %cond3A_253 = arith.cmpi ne, %convert_element_type3A_251, %cond3A_252 : i32
      scf.if %cond3A_253 {
        %dma_wait3A_259 = arith.constant 0 : i32
        %dma_wait3A_260 = arith.constant 0 : i32
        %dma_wait3A_261 = tpu.memref_slice %arg13[%dma_wait3A_259, %dma_wait3A_260] : memref<10240x128xf32, #tpu.memory_space<vmem_shared>> -> memref<80x128xf32, #tpu.memory_space<vmem_shared>>
        %dma_wait3A_262 = arith.constant 0 : i32
        %dma_wait3A_263 = arith.constant 0 : i32
        %dma_wait3A_264 = tpu.memref_slice %arg13[%dma_wait3A_262, %dma_wait3A_263] : memref<10240x128xf32, #tpu.memory_space<vmem_shared>> -> memref<80x128xf32, #tpu.memory_space<vmem_shared>>
        tpu.wait_dma2 semaphore(%arg15 : memref<!tpu.dma_semaphore, #tpu.memory_space<semaphore_mem>>) src(%arg9 : memref<80x128xf32, #tpu.memory_space<vmem>>) dst(%dma_wait3A_264 : memref<80x128xf32, #tpu.memory_space<vmem_shared>>)
      } else {
      }
      %le3A_254 = arith.constant 28 : i32
      %le3A_255 = arith.cmpi sle, %add3A_236, %le3A_254 : i32
      %convert_element_type3A_256 = arith.extui %le3A_255 : i1 to i32
      %cond3A_257 = arith.constant 0 : i32
      %cond3A_258 = arith.cmpi ne, %convert_element_type3A_256, %cond3A_257 : i32
      scf.if %cond3A_258 {
        %add3A_259 = arith.constant 3 : i32
        %add3A_260 = arith.addi %add3A_236, %add3A_259 : i32
        %dma_start3A_261 = arith.constant 0 : i32
        %dma_start3A_262 = tpu.memref_slice %arg7[%add3A_260, %dma_start3A_261] : memref<32x80xi32, #tpu.memory_space<vmem>> -> memref<1x80xi32, #tpu.memory_space<vmem>>
        %dma_start3A_263 = tpu.memref_squeeze %dma_start3A_262 : memref<1x80xi32, #tpu.memory_space<vmem>> -> memref<80xi32, #tpu.memory_space<vmem>>
        %dma_start3A_264 = arith.constant 0 : i32
        %dma_start3A_265 = arith.constant 0 : i32
        %dma_start3A_266 = tpu.memref_slice %arg2[%dma_start3A_264, %dma_start3A_265] : memref<10240x128xf32, #tpu.memory_space<hbm>> -> memref<10240x128xf32, #tpu.memory_space<hbm>>
        tpu.enqueue_indirect_dma source(%dma_start3A_266 : memref<10240x128xf32, #tpu.memory_space<hbm>>) target(%arg11 : memref<80x128xf32, #tpu.memory_space<vmem>>) offsets(%dma_start3A_263 : memref<80xi32, #tpu.memory_space<vmem>>) semaphore(%arg14 : memref<!tpu.dma_semaphore, #tpu.memory_space<semaphore_mem>>)
      } else {
      }
    }
    %scan3A_143 = arith.constant 8 : i32
    %dma_wait3A_144 = arith.constant 0 : i32
    %dma_wait3A_145 = arith.constant 0 : i32
    %dma_wait3A_146 = tpu.memref_slice %arg13[%dma_wait3A_144, %dma_wait3A_145] : memref<10240x128xf32, #tpu.memory_space<vmem_shared>> -> memref<80x128xf32, #tpu.memory_space<vmem_shared>>
    %dma_wait3A_147 = arith.constant 0 : i32
    %dma_wait3A_148 = arith.constant 0 : i32
    %dma_wait3A_149 = tpu.memref_slice %arg13[%dma_wait3A_147, %dma_wait3A_148] : memref<10240x128xf32, #tpu.memory_space<vmem_shared>> -> memref<80x128xf32, #tpu.memory_space<vmem_shared>>
    tpu.wait_dma2 semaphore(%arg15 : memref<!tpu.dma_semaphore, #tpu.memory_space<semaphore_mem>>) src(%arg9 : memref<80x128xf32, #tpu.memory_space<vmem>>) dst(%dma_wait3A_149 : memref<80x128xf32, #tpu.memory_space<vmem_shared>>)
    %barrier3A_150 = arith.constant 0 : index
    tpu.barrier barrier_id(%barrier3A_150)
    %mul3A_151 = arith.constant 640 : i32
    %mul3A_152 = arith.muli %arg1, %mul3A_151 : i32
    %mul3A_153 = arith.constant 10240 : i32
    %mul3A_154 = arith.muli %arg0, %mul3A_153 : i32
    %mul3A_155 = arith.constant 640 : i32
    %mul3A_156 = arith.muli %arg1, %mul3A_155 : i32
    %add3A_157 = arith.addi %mul3A_154, %mul3A_156 : i32
    "tpu.region"() ({
      %run_scoped3A = tpu.sem_alloc : memref<!tpu.dma_semaphore, #tpu.memory_space<semaphore_mem>>
      %dma_start3A_158 = arith.constant 0 : i32
      %dma_start3A_159 = tpu.memref_slice %arg6[%add3A_157, %dma_start3A_158] : memref<20480x128xf32, #tpu.memory_space<hbm>> -> memref<640x128xf32, #tpu.memory_space<hbm>>
      %dma_start3A_160 = arith.constant 0 : i32
      %dma_start3A_161 = tpu.memref_slice %arg13[%mul3A_152, %dma_start3A_160] : memref<10240x128xf32, #tpu.memory_space<vmem_shared>> -> memref<640x128xf32, #tpu.memory_space<vmem_shared>>
      tpu.enqueue_dma source(%dma_start3A_161 : memref<640x128xf32, #tpu.memory_space<vmem_shared>>) target(%dma_start3A_159 : memref<640x128xf32, #tpu.memory_space<hbm>>) target_semaphore(%run_scoped3A : memref<!tpu.dma_semaphore, #tpu.memory_space<semaphore_mem>>)
      %dma_wait3A_162 = arith.constant 0 : i32
      %dma_wait3A_163 = tpu.memref_slice %arg6[%add3A_157, %dma_wait3A_162] : memref<20480x128xf32, #tpu.memory_space<hbm>> -> memref<640x128xf32, #tpu.memory_space<hbm>>
      %dma_wait3A_164 = arith.constant 0 : i32
      %dma_wait3A_165 = tpu.memref_slice %arg13[%mul3A_152, %dma_wait3A_164] : memref<10240x128xf32, #tpu.memory_space<vmem_shared>> -> memref<640x128xf32, #tpu.memory_space<vmem_shared>>
      tpu.wait_dma2 semaphore(%run_scoped3A : memref<!tpu.dma_semaphore, #tpu.memory_space<semaphore_mem>>) src(%dma_wait3A_165 : memref<640x128xf32, #tpu.memory_space<vmem_shared>>) dst(%dma_wait3A_163 : memref<640x128xf32, #tpu.memory_space<hbm>>)
      tpu.yield
    }) : () -> ()
    return
  }
}

#map = affine_map<(d0, d1) -> (0, 0)>
#map1 = affine_map<(d0, d1) -> (0)>
module attributes {stable_mosaic.version = 14 : i64} {
  func.func @_deg_body(%arg0: i32, %arg1: i32, %arg2: memref<4096x80xi32, #tpu.memory_space<hbm>>, %arg3: memref<80xf32, #tpu.memory_space<hbm>>, %arg4: memref<640xf32, #tpu.memory_space<hbm>>, %arg5: memref<20480xf32, #tpu.memory_space<hbm>>, %arg6: memref<32x80xi32, #tpu.memory_space<vmem>>, %arg7: memref<80xf32, #tpu.memory_space<vmem>>, %arg8: memref<10240xf32, #tpu.memory_space<vmem_shared>>, %arg9: memref<!tpu.dma_semaphore, #tpu.memory_space<semaphore_mem>>) attributes {dimension_semantics = [#tpu.dimension_semantics<core_parallel>, #tpu.dimension_semantics<subcore_parallel>], iteration_bounds = array<i64: 2, 16>, scalar_prefetch = 0 : i64, scratch_operands = 4 : i64, tpu.core_type = #tpu.core_type<sc_vector_subcore>, window_params = [{transform_indices = #map}, {transform_indices = #map1}, {transform_indices = #map1}, {transform_indices = #map1}]} {
    %mul3A = arith.constant 640 : i32
    %mul3A_0 = arith.muli %arg1, %mul3A : i32
    "tpu.region"() ({
      %run_scoped3A = tpu.sem_alloc : memref<!tpu.dma_semaphore, #tpu.memory_space<semaphore_mem>>
      %dma_start3A = tpu.memref_slice %arg8[%mul3A_0] : memref<10240xf32, #tpu.memory_space<vmem_shared>> -> memref<640xf32, #tpu.memory_space<vmem_shared>>
      tpu.enqueue_dma source(%arg4 : memref<640xf32, #tpu.memory_space<hbm>>) target(%dma_start3A : memref<640xf32, #tpu.memory_space<vmem_shared>>) target_semaphore(%run_scoped3A : memref<!tpu.dma_semaphore, #tpu.memory_space<semaphore_mem>>)
      %dma_wait3A_171 = tpu.memref_slice %arg8[%mul3A_0] : memref<10240xf32, #tpu.memory_space<vmem_shared>> -> memref<640xf32, #tpu.memory_space<vmem_shared>>
      tpu.wait_dma2 semaphore(%run_scoped3A : memref<!tpu.dma_semaphore, #tpu.memory_space<semaphore_mem>>) src(%arg4 : memref<640xf32, #tpu.memory_space<hbm>>) dst(%dma_wait3A_171 : memref<640xf32, #tpu.memory_space<vmem_shared>>)
      tpu.yield
    }) : () -> ()
    "tpu.region"() ({
      %run_scoped3A = tpu.sem_alloc : memref<!tpu.dma_semaphore, #tpu.memory_space<semaphore_mem>>
      tpu.enqueue_dma source(%arg3 : memref<80xf32, #tpu.memory_space<hbm>>) target(%arg7 : memref<80xf32, #tpu.memory_space<vmem>>) target_semaphore(%run_scoped3A : memref<!tpu.dma_semaphore, #tpu.memory_space<semaphore_mem>>)
      tpu.wait_dma2 semaphore(%run_scoped3A : memref<!tpu.dma_semaphore, #tpu.memory_space<semaphore_mem>>) src(%arg3 : memref<80xf32, #tpu.memory_space<hbm>>) dst(%arg7 : memref<80xf32, #tpu.memory_space<vmem>>)
      tpu.yield
    }) : () -> ()
    %barrier3A = arith.constant 0 : index
    tpu.barrier barrier_id(%barrier3A)
    %mul3A_1 = arith.constant 16 : i32
    %mul3A_2 = arith.muli %arg0, %mul3A_1 : i32
    %add3A = arith.addi %mul3A_2, %arg1 : i32
    %mul3A_3 = arith.constant 128 : i32
    %mul3A_4 = arith.muli %add3A, %mul3A_3 : i32
    %add3A_5 = arith.constant 0 : i32
    %add3A_6 = arith.addi %mul3A_4, %add3A_5 : i32
    "tpu.region"() ({
      %run_scoped3A = tpu.sem_alloc : memref<!tpu.dma_semaphore, #tpu.memory_space<semaphore_mem>>
      %dma_start3A = arith.constant 0 : i32
      %dma_start3A_171 = tpu.memref_slice %arg2[%add3A_6, %dma_start3A] : memref<4096x80xi32, #tpu.memory_space<hbm>> -> memref<32x80xi32, #tpu.memory_space<hbm>>
      %dma_start3A_172 = arith.constant 0 : i32
      %dma_start3A_173 = tpu.memref_slice %arg2[%add3A_6, %dma_start3A_172] : memref<4096x80xi32, #tpu.memory_space<hbm>> -> memref<32x80xi32, #tpu.memory_space<hbm>>
      tpu.enqueue_dma source(%dma_start3A_173 : memref<32x80xi32, #tpu.memory_space<hbm>>) target(%arg6 : memref<32x80xi32, #tpu.memory_space<vmem>>) target_semaphore(%run_scoped3A : memref<!tpu.dma_semaphore, #tpu.memory_space<semaphore_mem>>)
      %dma_wait3A_174 = arith.constant 0 : i32
      %dma_wait3A_175 = tpu.memref_slice %arg2[%add3A_6, %dma_wait3A_174] : memref<4096x80xi32, #tpu.memory_space<hbm>> -> memref<32x80xi32, #tpu.memory_space<hbm>>
      %dma_wait3A_176 = arith.constant 0 : i32
      %dma_wait3A_177 = tpu.memref_slice %arg2[%add3A_6, %dma_wait3A_176] : memref<4096x80xi32, #tpu.memory_space<hbm>> -> memref<32x80xi32, #tpu.memory_space<hbm>>
      tpu.wait_dma2 semaphore(%run_scoped3A : memref<!tpu.dma_semaphore, #tpu.memory_space<semaphore_mem>>) src(%dma_wait3A_177 : memref<32x80xi32, #tpu.memory_space<hbm>>) dst(%arg6 : memref<32x80xi32, #tpu.memory_space<vmem>>)
      tpu.yield
    }) : () -> ()
    %scan3A = arith.constant 0 : i32
    %scan3A_7 = arith.constant 0 : i32
    %scan3A_8 = arith.constant 32 : i32
    %scan3A_9 = arith.addi %scan3A_7, %scan3A_8 : i32
    %scan3A_10 = arith.constant 1 : i32
    scf.for %scan3A_171 = %scan3A_7 to %scan3A_9 step %scan3A_10  : i32 {
      %dma_start3A = arith.constant 0 : i32
      %dma_start3A_172 = tpu.memref_slice %arg6[%scan3A_171, %dma_start3A] : memref<32x80xi32, #tpu.memory_space<vmem>> -> memref<1x80xi32, #tpu.memory_space<vmem>>
      %dma_start3A_173 = tpu.memref_squeeze %dma_start3A_172 : memref<1x80xi32, #tpu.memory_space<vmem>> -> memref<80xi32, #tpu.memory_space<vmem>>
      %dma_start3A_174 = arith.constant 0 : i32
      %dma_start3A_175 = tpu.memref_slice %arg8[%dma_start3A_174] : memref<10240xf32, #tpu.memory_space<vmem_shared>> -> memref<10240xf32, #tpu.memory_space<vmem_shared>>
      tpu.enqueue_indirect_dma source(%arg7 : memref<80xf32, #tpu.memory_space<vmem>>) target(%dma_start3A_175 : memref<10240xf32, #tpu.memory_space<vmem_shared>>) offsets(%dma_start3A_173 : memref<80xi32, #tpu.memory_space<vmem>>) semaphore(%arg9 : memref<!tpu.dma_semaphore, #tpu.memory_space<semaphore_mem>>) {add = true}
      %ge3A = arith.constant 8 : i32
      %ge3A_176 = arith.cmpi sge, %scan3A_171, %ge3A : i32
      %convert_element_type3A = arith.extui %ge3A_176 : i1 to i32
      %cond3A = arith.constant 0 : i32
      %cond3A_177 = arith.cmpi ne, %convert_element_type3A, %cond3A : i32
      scf.if %cond3A_177 {
        %dma_wait3A_178 = arith.constant 0 : i32
        %dma_wait3A_179 = tpu.memref_slice %arg8[%dma_wait3A_178] : memref<10240xf32, #tpu.memory_space<vmem_shared>> -> memref<80xf32, #tpu.memory_space<vmem_shared>>
        %dma_wait3A_180 = arith.constant 0 : i32
        %dma_wait3A_181 = tpu.memref_slice %arg8[%dma_wait3A_180] : memref<10240xf32, #tpu.memory_space<vmem_shared>> -> memref<80xf32, #tpu.memory_space<vmem_shared>>
        tpu.wait_dma2 semaphore(%arg9 : memref<!tpu.dma_semaphore, #tpu.memory_space<semaphore_mem>>) src(%arg7 : memref<80xf32, #tpu.memory_space<vmem>>) dst(%dma_wait3A_181 : memref<80xf32, #tpu.memory_space<vmem_shared>>)
      } else {
      }
    }
    %scan3A_11 = arith.constant 32 : i32
    %dma_wait3A = arith.constant 0 : i32
    %dma_wait3A_12 = tpu.memref_slice %arg8[%dma_wait3A] : memref<10240xf32, #tpu.memory_space<vmem_shared>> -> memref<80xf32, #tpu.memory_space<vmem_shared>>
    %dma_wait3A_13 = arith.constant 0 : i32
    %dma_wait3A_14 = tpu.memref_slice %arg8[%dma_wait3A_13] : memref<10240xf32, #tpu.memory_space<vmem_shared>> -> memref<80xf32, #tpu.memory_space<vmem_shared>>
    tpu.wait_dma2 semaphore(%arg9 : memref<!tpu.dma_semaphore, #tpu.memory_space<semaphore_mem>>) src(%arg7 : memref<80xf32, #tpu.memory_space<vmem>>) dst(%dma_wait3A_14 : memref<80xf32, #tpu.memory_space<vmem_shared>>)
    %dma_wait3A_15 = arith.constant 0 : i32
    %dma_wait3A_16 = tpu.memref_slice %arg8[%dma_wait3A_15] : memref<10240xf32, #tpu.memory_space<vmem_shared>> -> memref<80xf32, #tpu.memory_space<vmem_shared>>
    %dma_wait3A_17 = arith.constant 0 : i32
    %dma_wait3A_18 = tpu.memref_slice %arg8[%dma_wait3A_17] : memref<10240xf32, #tpu.memory_space<vmem_shared>> -> memref<80xf32, #tpu.memory_space<vmem_shared>>
    tpu.wait_dma2 semaphore(%arg9 : memref<!tpu.dma_semaphore, #tpu.memory_space<semaphore_mem>>) src(%arg7 : memref<80xf32, #tpu.memory_space<vmem>>) dst(%dma_wait3A_18 : memref<80xf32, #tpu.memory_space<vmem_shared>>)
    %dma_wait3A_19 = arith.constant 0 : i32
    %dma_wait3A_20 = tpu.memref_slice %arg8[%dma_wait3A_19] : memref<10240xf32, #tpu.memory_space<vmem_shared>> -> memref<80xf32, #tpu.memory_space<vmem_shared>>
    %dma_wait3A_21 = arith.constant 0 : i32
    %dma_wait3A_22 = tpu.memref_slice %arg8[%dma_wait3A_21] : memref<10240xf32, #tpu.memory_space<vmem_shared>> -> memref<80xf32, #tpu.memory_space<vmem_shared>>
    tpu.wait_dma2 semaphore(%arg9 : memref<!tpu.dma_semaphore, #tpu.memory_space<semaphore_mem>>) src(%arg7 : memref<80xf32, #tpu.memory_space<vmem>>) dst(%dma_wait3A_22 : memref<80xf32, #tpu.memory_space<vmem_shared>>)
    %dma_wait3A_23 = arith.constant 0 : i32
    %dma_wait3A_24 = tpu.memref_slice %arg8[%dma_wait3A_23] : memref<10240xf32, #tpu.memory_space<vmem_shared>> -> memref<80xf32, #tpu.memory_space<vmem_shared>>
    %dma_wait3A_25 = arith.constant 0 : i32
    %dma_wait3A_26 = tpu.memref_slice %arg8[%dma_wait3A_25] : memref<10240xf32, #tpu.memory_space<vmem_shared>> -> memref<80xf32, #tpu.memory_space<vmem_shared>>
    tpu.wait_dma2 semaphore(%arg9 : memref<!tpu.dma_semaphore, #tpu.memory_space<semaphore_mem>>) src(%arg7 : memref<80xf32, #tpu.memory_space<vmem>>) dst(%dma_wait3A_26 : memref<80xf32, #tpu.memory_space<vmem_shared>>)
    %dma_wait3A_27 = arith.constant 0 : i32
    %dma_wait3A_28 = tpu.memref_slice %arg8[%dma_wait3A_27] : memref<10240xf32, #tpu.memory_space<vmem_shared>> -> memref<80xf32, #tpu.memory_space<vmem_shared>>
    %dma_wait3A_29 = arith.constant 0 : i32
    %dma_wait3A_30 = tpu.memref_slice %arg8[%dma_wait3A_29] : memref<10240xf32, #tpu.memory_space<vmem_shared>> -> memref<80xf32, #tpu.memory_space<vmem_shared>>
    tpu.wait_dma2 semaphore(%arg9 : memref<!tpu.dma_semaphore, #tpu.memory_space<semaphore_mem>>) src(%arg7 : memref<80xf32, #tpu.memory_space<vmem>>) dst(%dma_wait3A_30 : memref<80xf32, #tpu.memory_space<vmem_shared>>)
    %dma_wait3A_31 = arith.constant 0 : i32
    %dma_wait3A_32 = tpu.memref_slice %arg8[%dma_wait3A_31] : memref<10240xf32, #tpu.memory_space<vmem_shared>> -> memref<80xf32, #tpu.memory_space<vmem_shared>>
    %dma_wait3A_33 = arith.constant 0 : i32
    %dma_wait3A_34 = tpu.memref_slice %arg8[%dma_wait3A_33] : memref<10240xf32, #tpu.memory_space<vmem_shared>> -> memref<80xf32, #tpu.memory_space<vmem_shared>>
    tpu.wait_dma2 semaphore(%arg9 : memref<!tpu.dma_semaphore, #tpu.memory_space<semaphore_mem>>) src(%arg7 : memref<80xf32, #tpu.memory_space<vmem>>) dst(%dma_wait3A_34 : memref<80xf32, #tpu.memory_space<vmem_shared>>)
    %dma_wait3A_35 = arith.constant 0 : i32
    %dma_wait3A_36 = tpu.memref_slice %arg8[%dma_wait3A_35] : memref<10240xf32, #tpu.memory_space<vmem_shared>> -> memref<80xf32, #tpu.memory_space<vmem_shared>>
    %dma_wait3A_37 = arith.constant 0 : i32
    %dma_wait3A_38 = tpu.memref_slice %arg8[%dma_wait3A_37] : memref<10240xf32, #tpu.memory_space<vmem_shared>> -> memref<80xf32, #tpu.memory_space<vmem_shared>>
    tpu.wait_dma2 semaphore(%arg9 : memref<!tpu.dma_semaphore, #tpu.memory_space<semaphore_mem>>) src(%arg7 : memref<80xf32, #tpu.memory_space<vmem>>) dst(%dma_wait3A_38 : memref<80xf32, #tpu.memory_space<vmem_shared>>)
    %dma_wait3A_39 = arith.constant 0 : i32
    %dma_wait3A_40 = tpu.memref_slice %arg8[%dma_wait3A_39] : memref<10240xf32, #tpu.memory_space<vmem_shared>> -> memref<80xf32, #tpu.memory_space<vmem_shared>>
    %dma_wait3A_41 = arith.constant 0 : i32
    %dma_wait3A_42 = tpu.memref_slice %arg8[%dma_wait3A_41] : memref<10240xf32, #tpu.memory_space<vmem_shared>> -> memref<80xf32, #tpu.memory_space<vmem_shared>>
    tpu.wait_dma2 semaphore(%arg9 : memref<!tpu.dma_semaphore, #tpu.memory_space<semaphore_mem>>) src(%arg7 : memref<80xf32, #tpu.memory_space<vmem>>) dst(%dma_wait3A_42 : memref<80xf32, #tpu.memory_space<vmem_shared>>)
    %add3A_43 = arith.constant 32 : i32
    %add3A_44 = arith.addi %mul3A_4, %add3A_43 : i32
    "tpu.region"() ({
      %run_scoped3A = tpu.sem_alloc : memref<!tpu.dma_semaphore, #tpu.memory_space<semaphore_mem>>
      %dma_start3A = arith.constant 0 : i32
      %dma_start3A_171 = tpu.memref_slice %arg2[%add3A_44, %dma_start3A] : memref<4096x80xi32, #tpu.memory_space<hbm>> -> memref<32x80xi32, #tpu.memory_space<hbm>>
      %dma_start3A_172 = arith.constant 0 : i32
      %dma_start3A_173 = tpu.memref_slice %arg2[%add3A_44, %dma_start3A_172] : memref<4096x80xi32, #tpu.memory_space<hbm>> -> memref<32x80xi32, #tpu.memory_space<hbm>>
      tpu.enqueue_dma source(%dma_start3A_173 : memref<32x80xi32, #tpu.memory_space<hbm>>) target(%arg6 : memref<32x80xi32, #tpu.memory_space<vmem>>) target_semaphore(%run_scoped3A : memref<!tpu.dma_semaphore, #tpu.memory_space<semaphore_mem>>)
      %dma_wait3A_174 = arith.constant 0 : i32
      %dma_wait3A_175 = tpu.memref_slice %arg2[%add3A_44, %dma_wait3A_174] : memref<4096x80xi32, #tpu.memory_space<hbm>> -> memref<32x80xi32, #tpu.memory_space<hbm>>
      %dma_wait3A_176 = arith.constant 0 : i32
      %dma_wait3A_177 = tpu.memref_slice %arg2[%add3A_44, %dma_wait3A_176] : memref<4096x80xi32, #tpu.memory_space<hbm>> -> memref<32x80xi32, #tpu.memory_space<hbm>>
      tpu.wait_dma2 semaphore(%run_scoped3A : memref<!tpu.dma_semaphore, #tpu.memory_space<semaphore_mem>>) src(%dma_wait3A_177 : memref<32x80xi32, #tpu.memory_space<hbm>>) dst(%arg6 : memref<32x80xi32, #tpu.memory_space<vmem>>)
      tpu.yield
    }) : () -> ()
    %scan3A_45 = arith.constant 0 : i32
    %scan3A_46 = arith.constant 0 : i32
    %scan3A_47 = arith.constant 32 : i32
    %scan3A_48 = arith.addi %scan3A_46, %scan3A_47 : i32
    %scan3A_49 = arith.constant 1 : i32
    scf.for %scan3A_171 = %scan3A_46 to %scan3A_48 step %scan3A_49  : i32 {
      %dma_start3A = arith.constant 0 : i32
      %dma_start3A_172 = tpu.memref_slice %arg6[%scan3A_171, %dma_start3A] : memref<32x80xi32, #tpu.memory_space<vmem>> -> memref<1x80xi32, #tpu.memory_space<vmem>>
      %dma_start3A_173 = tpu.memref_squeeze %dma_start3A_172 : memref<1x80xi32, #tpu.memory_space<vmem>> -> memref<80xi32, #tpu.memory_space<vmem>>
      %dma_start3A_174 = arith.constant 0 : i32
      %dma_start3A_175 = tpu.memref_slice %arg8[%dma_start3A_174] : memref<10240xf32, #tpu.memory_space<vmem_shared>> -> memref<10240xf32, #tpu.memory_space<vmem_shared>>
      tpu.enqueue_indirect_dma source(%arg7 : memref<80xf32, #tpu.memory_space<vmem>>) target(%dma_start3A_175 : memref<10240xf32, #tpu.memory_space<vmem_shared>>) offsets(%dma_start3A_173 : memref<80xi32, #tpu.memory_space<vmem>>) semaphore(%arg9 : memref<!tpu.dma_semaphore, #tpu.memory_space<semaphore_mem>>) {add = true}
      %ge3A = arith.constant 8 : i32
      %ge3A_176 = arith.cmpi sge, %scan3A_171, %ge3A : i32
      %convert_element_type3A = arith.extui %ge3A_176 : i1 to i32
      %cond3A = arith.constant 0 : i32
      %cond3A_177 = arith.cmpi ne, %convert_element_type3A, %cond3A : i32
      scf.if %cond3A_177 {
        %dma_wait3A_178 = arith.constant 0 : i32
        %dma_wait3A_179 = tpu.memref_slice %arg8[%dma_wait3A_178] : memref<10240xf32, #tpu.memory_space<vmem_shared>> -> memref<80xf32, #tpu.memory_space<vmem_shared>>
        %dma_wait3A_180 = arith.constant 0 : i32
        %dma_wait3A_181 = tpu.memref_slice %arg8[%dma_wait3A_180] : memref<10240xf32, #tpu.memory_space<vmem_shared>> -> memref<80xf32, #tpu.memory_space<vmem_shared>>
        tpu.wait_dma2 semaphore(%arg9 : memref<!tpu.dma_semaphore, #tpu.memory_space<semaphore_mem>>) src(%arg7 : memref<80xf32, #tpu.memory_space<vmem>>) dst(%dma_wait3A_181 : memref<80xf32, #tpu.memory_space<vmem_shared>>)
      } else {
      }
    }
    %scan3A_50 = arith.constant 32 : i32
    %dma_wait3A_51 = arith.constant 0 : i32
    %dma_wait3A_52 = tpu.memref_slice %arg8[%dma_wait3A_51] : memref<10240xf32, #tpu.memory_space<vmem_shared>> -> memref<80xf32, #tpu.memory_space<vmem_shared>>
    %dma_wait3A_53 = arith.constant 0 : i32
    %dma_wait3A_54 = tpu.memref_slice %arg8[%dma_wait3A_53] : memref<10240xf32, #tpu.memory_space<vmem_shared>> -> memref<80xf32, #tpu.memory_space<vmem_shared>>
    tpu.wait_dma2 semaphore(%arg9 : memref<!tpu.dma_semaphore, #tpu.memory_space<semaphore_mem>>) src(%arg7 : memref<80xf32, #tpu.memory_space<vmem>>) dst(%dma_wait3A_54 : memref<80xf32, #tpu.memory_space<vmem_shared>>)
    %dma_wait3A_55 = arith.constant 0 : i32
    %dma_wait3A_56 = tpu.memref_slice %arg8[%dma_wait3A_55] : memref<10240xf32, #tpu.memory_space<vmem_shared>> -> memref<80xf32, #tpu.memory_space<vmem_shared>>
    %dma_wait3A_57 = arith.constant 0 : i32
    %dma_wait3A_58 = tpu.memref_slice %arg8[%dma_wait3A_57] : memref<10240xf32, #tpu.memory_space<vmem_shared>> -> memref<80xf32, #tpu.memory_space<vmem_shared>>
    tpu.wait_dma2 semaphore(%arg9 : memref<!tpu.dma_semaphore, #tpu.memory_space<semaphore_mem>>) src(%arg7 : memref<80xf32, #tpu.memory_space<vmem>>) dst(%dma_wait3A_58 : memref<80xf32, #tpu.memory_space<vmem_shared>>)
    %dma_wait3A_59 = arith.constant 0 : i32
    %dma_wait3A_60 = tpu.memref_slice %arg8[%dma_wait3A_59] : memref<10240xf32, #tpu.memory_space<vmem_shared>> -> memref<80xf32, #tpu.memory_space<vmem_shared>>
    %dma_wait3A_61 = arith.constant 0 : i32
    %dma_wait3A_62 = tpu.memref_slice %arg8[%dma_wait3A_61] : memref<10240xf32, #tpu.memory_space<vmem_shared>> -> memref<80xf32, #tpu.memory_space<vmem_shared>>
    tpu.wait_dma2 semaphore(%arg9 : memref<!tpu.dma_semaphore, #tpu.memory_space<semaphore_mem>>) src(%arg7 : memref<80xf32, #tpu.memory_space<vmem>>) dst(%dma_wait3A_62 : memref<80xf32, #tpu.memory_space<vmem_shared>>)
    %dma_wait3A_63 = arith.constant 0 : i32
    %dma_wait3A_64 = tpu.memref_slice %arg8[%dma_wait3A_63] : memref<10240xf32, #tpu.memory_space<vmem_shared>> -> memref<80xf32, #tpu.memory_space<vmem_shared>>
    %dma_wait3A_65 = arith.constant 0 : i32
    %dma_wait3A_66 = tpu.memref_slice %arg8[%dma_wait3A_65] : memref<10240xf32, #tpu.memory_space<vmem_shared>> -> memref<80xf32, #tpu.memory_space<vmem_shared>>
    tpu.wait_dma2 semaphore(%arg9 : memref<!tpu.dma_semaphore, #tpu.memory_space<semaphore_mem>>) src(%arg7 : memref<80xf32, #tpu.memory_space<vmem>>) dst(%dma_wait3A_66 : memref<80xf32, #tpu.memory_space<vmem_shared>>)
    %dma_wait3A_67 = arith.constant 0 : i32
    %dma_wait3A_68 = tpu.memref_slice %arg8[%dma_wait3A_67] : memref<10240xf32, #tpu.memory_space<vmem_shared>> -> memref<80xf32, #tpu.memory_space<vmem_shared>>
    %dma_wait3A_69 = arith.constant 0 : i32
    %dma_wait3A_70 = tpu.memref_slice %arg8[%dma_wait3A_69] : memref<10240xf32, #tpu.memory_space<vmem_shared>> -> memref<80xf32, #tpu.memory_space<vmem_shared>>
    tpu.wait_dma2 semaphore(%arg9 : memref<!tpu.dma_semaphore, #tpu.memory_space<semaphore_mem>>) src(%arg7 : memref<80xf32, #tpu.memory_space<vmem>>) dst(%dma_wait3A_70 : memref<80xf32, #tpu.memory_space<vmem_shared>>)
    %dma_wait3A_71 = arith.constant 0 : i32
    %dma_wait3A_72 = tpu.memref_slice %arg8[%dma_wait3A_71] : memref<10240xf32, #tpu.memory_space<vmem_shared>> -> memref<80xf32, #tpu.memory_space<vmem_shared>>
    %dma_wait3A_73 = arith.constant 0 : i32
    %dma_wait3A_74 = tpu.memref_slice %arg8[%dma_wait3A_73] : memref<10240xf32, #tpu.memory_space<vmem_shared>> -> memref<80xf32, #tpu.memory_space<vmem_shared>>
    tpu.wait_dma2 semaphore(%arg9 : memref<!tpu.dma_semaphore, #tpu.memory_space<semaphore_mem>>) src(%arg7 : memref<80xf32, #tpu.memory_space<vmem>>) dst(%dma_wait3A_74 : memref<80xf32, #tpu.memory_space<vmem_shared>>)
    %dma_wait3A_75 = arith.constant 0 : i32
    %dma_wait3A_76 = tpu.memref_slice %arg8[%dma_wait3A_75] : memref<10240xf32, #tpu.memory_space<vmem_shared>> -> memref<80xf32, #tpu.memory_space<vmem_shared>>
    %dma_wait3A_77 = arith.constant 0 : i32
    %dma_wait3A_78 = tpu.memref_slice %arg8[%dma_wait3A_77] : memref<10240xf32, #tpu.memory_space<vmem_shared>> -> memref<80xf32, #tpu.memory_space<vmem_shared>>
    tpu.wait_dma2 semaphore(%arg9 : memref<!tpu.dma_semaphore, #tpu.memory_space<semaphore_mem>>) src(%arg7 : memref<80xf32, #tpu.memory_space<vmem>>) dst(%dma_wait3A_78 : memref<80xf32, #tpu.memory_space<vmem_shared>>)
    %dma_wait3A_79 = arith.constant 0 : i32
    %dma_wait3A_80 = tpu.memref_slice %arg8[%dma_wait3A_79] : memref<10240xf32, #tpu.memory_space<vmem_shared>> -> memref<80xf32, #tpu.memory_space<vmem_shared>>
    %dma_wait3A_81 = arith.constant 0 : i32
    %dma_wait3A_82 = tpu.memref_slice %arg8[%dma_wait3A_81] : memref<10240xf32, #tpu.memory_space<vmem_shared>> -> memref<80xf32, #tpu.memory_space<vmem_shared>>
    tpu.wait_dma2 semaphore(%arg9 : memref<!tpu.dma_semaphore, #tpu.memory_space<semaphore_mem>>) src(%arg7 : memref<80xf32, #tpu.memory_space<vmem>>) dst(%dma_wait3A_82 : memref<80xf32, #tpu.memory_space<vmem_shared>>)
    %add3A_83 = arith.constant 64 : i32
    %add3A_84 = arith.addi %mul3A_4, %add3A_83 : i32
    "tpu.region"() ({
      %run_scoped3A = tpu.sem_alloc : memref<!tpu.dma_semaphore, #tpu.memory_space<semaphore_mem>>
      %dma_start3A = arith.constant 0 : i32
      %dma_start3A_171 = tpu.memref_slice %arg2[%add3A_84, %dma_start3A] : memref<4096x80xi32, #tpu.memory_space<hbm>> -> memref<32x80xi32, #tpu.memory_space<hbm>>
      %dma_start3A_172 = arith.constant 0 : i32
      %dma_start3A_173 = tpu.memref_slice %arg2[%add3A_84, %dma_start3A_172] : memref<4096x80xi32, #tpu.memory_space<hbm>> -> memref<32x80xi32, #tpu.memory_space<hbm>>
      tpu.enqueue_dma source(%dma_start3A_173 : memref<32x80xi32, #tpu.memory_space<hbm>>) target(%arg6 : memref<32x80xi32, #tpu.memory_space<vmem>>) target_semaphore(%run_scoped3A : memref<!tpu.dma_semaphore, #tpu.memory_space<semaphore_mem>>)
      %dma_wait3A_174 = arith.constant 0 : i32
      %dma_wait3A_175 = tpu.memref_slice %arg2[%add3A_84, %dma_wait3A_174] : memref<4096x80xi32, #tpu.memory_space<hbm>> -> memref<32x80xi32, #tpu.memory_space<hbm>>
      %dma_wait3A_176 = arith.constant 0 : i32
      %dma_wait3A_177 = tpu.memref_slice %arg2[%add3A_84, %dma_wait3A_176] : memref<4096x80xi32, #tpu.memory_space<hbm>> -> memref<32x80xi32, #tpu.memory_space<hbm>>
      tpu.wait_dma2 semaphore(%run_scoped3A : memref<!tpu.dma_semaphore, #tpu.memory_space<semaphore_mem>>) src(%dma_wait3A_177 : memref<32x80xi32, #tpu.memory_space<hbm>>) dst(%arg6 : memref<32x80xi32, #tpu.memory_space<vmem>>)
      tpu.yield
    }) : () -> ()
    %scan3A_85 = arith.constant 0 : i32
    %scan3A_86 = arith.constant 0 : i32
    %scan3A_87 = arith.constant 32 : i32
    %scan3A_88 = arith.addi %scan3A_86, %scan3A_87 : i32
    %scan3A_89 = arith.constant 1 : i32
    scf.for %scan3A_171 = %scan3A_86 to %scan3A_88 step %scan3A_89  : i32 {
      %dma_start3A = arith.constant 0 : i32
      %dma_start3A_172 = tpu.memref_slice %arg6[%scan3A_171, %dma_start3A] : memref<32x80xi32, #tpu.memory_space<vmem>> -> memref<1x80xi32, #tpu.memory_space<vmem>>
      %dma_start3A_173 = tpu.memref_squeeze %dma_start3A_172 : memref<1x80xi32, #tpu.memory_space<vmem>> -> memref<80xi32, #tpu.memory_space<vmem>>
      %dma_start3A_174 = arith.constant 0 : i32
      %dma_start3A_175 = tpu.memref_slice %arg8[%dma_start3A_174] : memref<10240xf32, #tpu.memory_space<vmem_shared>> -> memref<10240xf32, #tpu.memory_space<vmem_shared>>
      tpu.enqueue_indirect_dma source(%arg7 : memref<80xf32, #tpu.memory_space<vmem>>) target(%dma_start3A_175 : memref<10240xf32, #tpu.memory_space<vmem_shared>>) offsets(%dma_start3A_173 : memref<80xi32, #tpu.memory_space<vmem>>) semaphore(%arg9 : memref<!tpu.dma_semaphore, #tpu.memory_space<semaphore_mem>>) {add = true}
      %ge3A = arith.constant 8 : i32
      %ge3A_176 = arith.cmpi sge, %scan3A_171, %ge3A : i32
      %convert_element_type3A = arith.extui %ge3A_176 : i1 to i32
      %cond3A = arith.constant 0 : i32
      %cond3A_177 = arith.cmpi ne, %convert_element_type3A, %cond3A : i32
      scf.if %cond3A_177 {
        %dma_wait3A_178 = arith.constant 0 : i32
        %dma_wait3A_179 = tpu.memref_slice %arg8[%dma_wait3A_178] : memref<10240xf32, #tpu.memory_space<vmem_shared>> -> memref<80xf32, #tpu.memory_space<vmem_shared>>
        %dma_wait3A_180 = arith.constant 0 : i32
        %dma_wait3A_181 = tpu.memref_slice %arg8[%dma_wait3A_180] : memref<10240xf32, #tpu.memory_space<vmem_shared>> -> memref<80xf32, #tpu.memory_space<vmem_shared>>
        tpu.wait_dma2 semaphore(%arg9 : memref<!tpu.dma_semaphore, #tpu.memory_space<semaphore_mem>>) src(%arg7 : memref<80xf32, #tpu.memory_space<vmem>>) dst(%dma_wait3A_181 : memref<80xf32, #tpu.memory_space<vmem_shared>>)
      } else {
      }
    }
    %scan3A_90 = arith.constant 32 : i32
    %dma_wait3A_91 = arith.constant 0 : i32
    %dma_wait3A_92 = tpu.memref_slice %arg8[%dma_wait3A_91] : memref<10240xf32, #tpu.memory_space<vmem_shared>> -> memref<80xf32, #tpu.memory_space<vmem_shared>>
    %dma_wait3A_93 = arith.constant 0 : i32
    %dma_wait3A_94 = tpu.memref_slice %arg8[%dma_wait3A_93] : memref<10240xf32, #tpu.memory_space<vmem_shared>> -> memref<80xf32, #tpu.memory_space<vmem_shared>>
    tpu.wait_dma2 semaphore(%arg9 : memref<!tpu.dma_semaphore, #tpu.memory_space<semaphore_mem>>) src(%arg7 : memref<80xf32, #tpu.memory_space<vmem>>) dst(%dma_wait3A_94 : memref<80xf32, #tpu.memory_space<vmem_shared>>)
    %dma_wait3A_95 = arith.constant 0 : i32
    %dma_wait3A_96 = tpu.memref_slice %arg8[%dma_wait3A_95] : memref<10240xf32, #tpu.memory_space<vmem_shared>> -> memref<80xf32, #tpu.memory_space<vmem_shared>>
    %dma_wait3A_97 = arith.constant 0 : i32
    %dma_wait3A_98 = tpu.memref_slice %arg8[%dma_wait3A_97] : memref<10240xf32, #tpu.memory_space<vmem_shared>> -> memref<80xf32, #tpu.memory_space<vmem_shared>>
    tpu.wait_dma2 semaphore(%arg9 : memref<!tpu.dma_semaphore, #tpu.memory_space<semaphore_mem>>) src(%arg7 : memref<80xf32, #tpu.memory_space<vmem>>) dst(%dma_wait3A_98 : memref<80xf32, #tpu.memory_space<vmem_shared>>)
    %dma_wait3A_99 = arith.constant 0 : i32
    %dma_wait3A_100 = tpu.memref_slice %arg8[%dma_wait3A_99] : memref<10240xf32, #tpu.memory_space<vmem_shared>> -> memref<80xf32, #tpu.memory_space<vmem_shared>>
    %dma_wait3A_101 = arith.constant 0 : i32
    %dma_wait3A_102 = tpu.memref_slice %arg8[%dma_wait3A_101] : memref<10240xf32, #tpu.memory_space<vmem_shared>> -> memref<80xf32, #tpu.memory_space<vmem_shared>>
    tpu.wait_dma2 semaphore(%arg9 : memref<!tpu.dma_semaphore, #tpu.memory_space<semaphore_mem>>) src(%arg7 : memref<80xf32, #tpu.memory_space<vmem>>) dst(%dma_wait3A_102 : memref<80xf32, #tpu.memory_space<vmem_shared>>)
    %dma_wait3A_103 = arith.constant 0 : i32
    %dma_wait3A_104 = tpu.memref_slice %arg8[%dma_wait3A_103] : memref<10240xf32, #tpu.memory_space<vmem_shared>> -> memref<80xf32, #tpu.memory_space<vmem_shared>>
    %dma_wait3A_105 = arith.constant 0 : i32
    %dma_wait3A_106 = tpu.memref_slice %arg8[%dma_wait3A_105] : memref<10240xf32, #tpu.memory_space<vmem_shared>> -> memref<80xf32, #tpu.memory_space<vmem_shared>>
    tpu.wait_dma2 semaphore(%arg9 : memref<!tpu.dma_semaphore, #tpu.memory_space<semaphore_mem>>) src(%arg7 : memref<80xf32, #tpu.memory_space<vmem>>) dst(%dma_wait3A_106 : memref<80xf32, #tpu.memory_space<vmem_shared>>)
    %dma_wait3A_107 = arith.constant 0 : i32
    %dma_wait3A_108 = tpu.memref_slice %arg8[%dma_wait3A_107] : memref<10240xf32, #tpu.memory_space<vmem_shared>> -> memref<80xf32, #tpu.memory_space<vmem_shared>>
    %dma_wait3A_109 = arith.constant 0 : i32
    %dma_wait3A_110 = tpu.memref_slice %arg8[%dma_wait3A_109] : memref<10240xf32, #tpu.memory_space<vmem_shared>> -> memref<80xf32, #tpu.memory_space<vmem_shared>>
    tpu.wait_dma2 semaphore(%arg9 : memref<!tpu.dma_semaphore, #tpu.memory_space<semaphore_mem>>) src(%arg7 : memref<80xf32, #tpu.memory_space<vmem>>) dst(%dma_wait3A_110 : memref<80xf32, #tpu.memory_space<vmem_shared>>)
    %dma_wait3A_111 = arith.constant 0 : i32
    %dma_wait3A_112 = tpu.memref_slice %arg8[%dma_wait3A_111] : memref<10240xf32, #tpu.memory_space<vmem_shared>> -> memref<80xf32, #tpu.memory_space<vmem_shared>>
    %dma_wait3A_113 = arith.constant 0 : i32
    %dma_wait3A_114 = tpu.memref_slice %arg8[%dma_wait3A_113] : memref<10240xf32, #tpu.memory_space<vmem_shared>> -> memref<80xf32, #tpu.memory_space<vmem_shared>>
    tpu.wait_dma2 semaphore(%arg9 : memref<!tpu.dma_semaphore, #tpu.memory_space<semaphore_mem>>) src(%arg7 : memref<80xf32, #tpu.memory_space<vmem>>) dst(%dma_wait3A_114 : memref<80xf32, #tpu.memory_space<vmem_shared>>)
    %dma_wait3A_115 = arith.constant 0 : i32
    %dma_wait3A_116 = tpu.memref_slice %arg8[%dma_wait3A_115] : memref<10240xf32, #tpu.memory_space<vmem_shared>> -> memref<80xf32, #tpu.memory_space<vmem_shared>>
    %dma_wait3A_117 = arith.constant 0 : i32
    %dma_wait3A_118 = tpu.memref_slice %arg8[%dma_wait3A_117] : memref<10240xf32, #tpu.memory_space<vmem_shared>> -> memref<80xf32, #tpu.memory_space<vmem_shared>>
    tpu.wait_dma2 semaphore(%arg9 : memref<!tpu.dma_semaphore, #tpu.memory_space<semaphore_mem>>) src(%arg7 : memref<80xf32, #tpu.memory_space<vmem>>) dst(%dma_wait3A_118 : memref<80xf32, #tpu.memory_space<vmem_shared>>)
    %dma_wait3A_119 = arith.constant 0 : i32
    %dma_wait3A_120 = tpu.memref_slice %arg8[%dma_wait3A_119] : memref<10240xf32, #tpu.memory_space<vmem_shared>> -> memref<80xf32, #tpu.memory_space<vmem_shared>>
    %dma_wait3A_121 = arith.constant 0 : i32
    %dma_wait3A_122 = tpu.memref_slice %arg8[%dma_wait3A_121] : memref<10240xf32, #tpu.memory_space<vmem_shared>> -> memref<80xf32, #tpu.memory_space<vmem_shared>>
    tpu.wait_dma2 semaphore(%arg9 : memref<!tpu.dma_semaphore, #tpu.memory_space<semaphore_mem>>) src(%arg7 : memref<80xf32, #tpu.memory_space<vmem>>) dst(%dma_wait3A_122 : memref<80xf32, #tpu.memory_space<vmem_shared>>)
    %add3A_123 = arith.constant 96 : i32
    %add3A_124 = arith.addi %mul3A_4, %add3A_123 : i32
    "tpu.region"() ({
      %run_scoped3A = tpu.sem_alloc : memref<!tpu.dma_semaphore, #tpu.memory_space<semaphore_mem>>
      %dma_start3A = arith.constant 0 : i32
      %dma_start3A_171 = tpu.memref_slice %arg2[%add3A_124, %dma_start3A] : memref<4096x80xi32, #tpu.memory_space<hbm>> -> memref<32x80xi32, #tpu.memory_space<hbm>>
      %dma_start3A_172 = arith.constant 0 : i32
      %dma_start3A_173 = tpu.memref_slice %arg2[%add3A_124, %dma_start3A_172] : memref<4096x80xi32, #tpu.memory_space<hbm>> -> memref<32x80xi32, #tpu.memory_space<hbm>>
      tpu.enqueue_dma source(%dma_start3A_173 : memref<32x80xi32, #tpu.memory_space<hbm>>) target(%arg6 : memref<32x80xi32, #tpu.memory_space<vmem>>) target_semaphore(%run_scoped3A : memref<!tpu.dma_semaphore, #tpu.memory_space<semaphore_mem>>)
      %dma_wait3A_174 = arith.constant 0 : i32
      %dma_wait3A_175 = tpu.memref_slice %arg2[%add3A_124, %dma_wait3A_174] : memref<4096x80xi32, #tpu.memory_space<hbm>> -> memref<32x80xi32, #tpu.memory_space<hbm>>
      %dma_wait3A_176 = arith.constant 0 : i32
      %dma_wait3A_177 = tpu.memref_slice %arg2[%add3A_124, %dma_wait3A_176] : memref<4096x80xi32, #tpu.memory_space<hbm>> -> memref<32x80xi32, #tpu.memory_space<hbm>>
      tpu.wait_dma2 semaphore(%run_scoped3A : memref<!tpu.dma_semaphore, #tpu.memory_space<semaphore_mem>>) src(%dma_wait3A_177 : memref<32x80xi32, #tpu.memory_space<hbm>>) dst(%arg6 : memref<32x80xi32, #tpu.memory_space<vmem>>)
      tpu.yield
    }) : () -> ()
    %scan3A_125 = arith.constant 0 : i32
    %scan3A_126 = arith.constant 0 : i32
    %scan3A_127 = arith.constant 32 : i32
    %scan3A_128 = arith.addi %scan3A_126, %scan3A_127 : i32
    %scan3A_129 = arith.constant 1 : i32
    scf.for %scan3A_171 = %scan3A_126 to %scan3A_128 step %scan3A_129  : i32 {
      %dma_start3A = arith.constant 0 : i32
      %dma_start3A_172 = tpu.memref_slice %arg6[%scan3A_171, %dma_start3A] : memref<32x80xi32, #tpu.memory_space<vmem>> -> memref<1x80xi32, #tpu.memory_space<vmem>>
      %dma_start3A_173 = tpu.memref_squeeze %dma_start3A_172 : memref<1x80xi32, #tpu.memory_space<vmem>> -> memref<80xi32, #tpu.memory_space<vmem>>
      %dma_start3A_174 = arith.constant 0 : i32
      %dma_start3A_175 = tpu.memref_slice %arg8[%dma_start3A_174] : memref<10240xf32, #tpu.memory_space<vmem_shared>> -> memref<10240xf32, #tpu.memory_space<vmem_shared>>
      tpu.enqueue_indirect_dma source(%arg7 : memref<80xf32, #tpu.memory_space<vmem>>) target(%dma_start3A_175 : memref<10240xf32, #tpu.memory_space<vmem_shared>>) offsets(%dma_start3A_173 : memref<80xi32, #tpu.memory_space<vmem>>) semaphore(%arg9 : memref<!tpu.dma_semaphore, #tpu.memory_space<semaphore_mem>>) {add = true}
      %ge3A = arith.constant 8 : i32
      %ge3A_176 = arith.cmpi sge, %scan3A_171, %ge3A : i32
      %convert_element_type3A = arith.extui %ge3A_176 : i1 to i32
      %cond3A = arith.constant 0 : i32
      %cond3A_177 = arith.cmpi ne, %convert_element_type3A, %cond3A : i32
      scf.if %cond3A_177 {
        %dma_wait3A_178 = arith.constant 0 : i32
        %dma_wait3A_179 = tpu.memref_slice %arg8[%dma_wait3A_178] : memref<10240xf32, #tpu.memory_space<vmem_shared>> -> memref<80xf32, #tpu.memory_space<vmem_shared>>
        %dma_wait3A_180 = arith.constant 0 : i32
        %dma_wait3A_181 = tpu.memref_slice %arg8[%dma_wait3A_180] : memref<10240xf32, #tpu.memory_space<vmem_shared>> -> memref<80xf32, #tpu.memory_space<vmem_shared>>
        tpu.wait_dma2 semaphore(%arg9 : memref<!tpu.dma_semaphore, #tpu.memory_space<semaphore_mem>>) src(%arg7 : memref<80xf32, #tpu.memory_space<vmem>>) dst(%dma_wait3A_181 : memref<80xf32, #tpu.memory_space<vmem_shared>>)
      } else {
      }
    }
    %scan3A_130 = arith.constant 32 : i32
    %dma_wait3A_131 = arith.constant 0 : i32
    %dma_wait3A_132 = tpu.memref_slice %arg8[%dma_wait3A_131] : memref<10240xf32, #tpu.memory_space<vmem_shared>> -> memref<80xf32, #tpu.memory_space<vmem_shared>>
    %dma_wait3A_133 = arith.constant 0 : i32
    %dma_wait3A_134 = tpu.memref_slice %arg8[%dma_wait3A_133] : memref<10240xf32, #tpu.memory_space<vmem_shared>> -> memref<80xf32, #tpu.memory_space<vmem_shared>>
    tpu.wait_dma2 semaphore(%arg9 : memref<!tpu.dma_semaphore, #tpu.memory_space<semaphore_mem>>) src(%arg7 : memref<80xf32, #tpu.memory_space<vmem>>) dst(%dma_wait3A_134 : memref<80xf32, #tpu.memory_space<vmem_shared>>)
    %dma_wait3A_135 = arith.constant 0 : i32
    %dma_wait3A_136 = tpu.memref_slice %arg8[%dma_wait3A_135] : memref<10240xf32, #tpu.memory_space<vmem_shared>> -> memref<80xf32, #tpu.memory_space<vmem_shared>>
    %dma_wait3A_137 = arith.constant 0 : i32
    %dma_wait3A_138 = tpu.memref_slice %arg8[%dma_wait3A_137] : memref<10240xf32, #tpu.memory_space<vmem_shared>> -> memref<80xf32, #tpu.memory_space<vmem_shared>>
    tpu.wait_dma2 semaphore(%arg9 : memref<!tpu.dma_semaphore, #tpu.memory_space<semaphore_mem>>) src(%arg7 : memref<80xf32, #tpu.memory_space<vmem>>) dst(%dma_wait3A_138 : memref<80xf32, #tpu.memory_space<vmem_shared>>)
    %dma_wait3A_139 = arith.constant 0 : i32
    %dma_wait3A_140 = tpu.memref_slice %arg8[%dma_wait3A_139] : memref<10240xf32, #tpu.memory_space<vmem_shared>> -> memref<80xf32, #tpu.memory_space<vmem_shared>>
    %dma_wait3A_141 = arith.constant 0 : i32
    %dma_wait3A_142 = tpu.memref_slice %arg8[%dma_wait3A_141] : memref<10240xf32, #tpu.memory_space<vmem_shared>> -> memref<80xf32, #tpu.memory_space<vmem_shared>>
    tpu.wait_dma2 semaphore(%arg9 : memref<!tpu.dma_semaphore, #tpu.memory_space<semaphore_mem>>) src(%arg7 : memref<80xf32, #tpu.memory_space<vmem>>) dst(%dma_wait3A_142 : memref<80xf32, #tpu.memory_space<vmem_shared>>)
    %dma_wait3A_143 = arith.constant 0 : i32
    %dma_wait3A_144 = tpu.memref_slice %arg8[%dma_wait3A_143] : memref<10240xf32, #tpu.memory_space<vmem_shared>> -> memref<80xf32, #tpu.memory_space<vmem_shared>>
    %dma_wait3A_145 = arith.constant 0 : i32
    %dma_wait3A_146 = tpu.memref_slice %arg8[%dma_wait3A_145] : memref<10240xf32, #tpu.memory_space<vmem_shared>> -> memref<80xf32, #tpu.memory_space<vmem_shared>>
    tpu.wait_dma2 semaphore(%arg9 : memref<!tpu.dma_semaphore, #tpu.memory_space<semaphore_mem>>) src(%arg7 : memref<80xf32, #tpu.memory_space<vmem>>) dst(%dma_wait3A_146 : memref<80xf32, #tpu.memory_space<vmem_shared>>)
    %dma_wait3A_147 = arith.constant 0 : i32
    %dma_wait3A_148 = tpu.memref_slice %arg8[%dma_wait3A_147] : memref<10240xf32, #tpu.memory_space<vmem_shared>> -> memref<80xf32, #tpu.memory_space<vmem_shared>>
    %dma_wait3A_149 = arith.constant 0 : i32
    %dma_wait3A_150 = tpu.memref_slice %arg8[%dma_wait3A_149] : memref<10240xf32, #tpu.memory_space<vmem_shared>> -> memref<80xf32, #tpu.memory_space<vmem_shared>>
    tpu.wait_dma2 semaphore(%arg9 : memref<!tpu.dma_semaphore, #tpu.memory_space<semaphore_mem>>) src(%arg7 : memref<80xf32, #tpu.memory_space<vmem>>) dst(%dma_wait3A_150 : memref<80xf32, #tpu.memory_space<vmem_shared>>)
    %dma_wait3A_151 = arith.constant 0 : i32
    %dma_wait3A_152 = tpu.memref_slice %arg8[%dma_wait3A_151] : memref<10240xf32, #tpu.memory_space<vmem_shared>> -> memref<80xf32, #tpu.memory_space<vmem_shared>>
    %dma_wait3A_153 = arith.constant 0 : i32
    %dma_wait3A_154 = tpu.memref_slice %arg8[%dma_wait3A_153] : memref<10240xf32, #tpu.memory_space<vmem_shared>> -> memref<80xf32, #tpu.memory_space<vmem_shared>>
    tpu.wait_dma2 semaphore(%arg9 : memref<!tpu.dma_semaphore, #tpu.memory_space<semaphore_mem>>) src(%arg7 : memref<80xf32, #tpu.memory_space<vmem>>) dst(%dma_wait3A_154 : memref<80xf32, #tpu.memory_space<vmem_shared>>)
    %dma_wait3A_155 = arith.constant 0 : i32
    %dma_wait3A_156 = tpu.memref_slice %arg8[%dma_wait3A_155] : memref<10240xf32, #tpu.memory_space<vmem_shared>> -> memref<80xf32, #tpu.memory_space<vmem_shared>>
    %dma_wait3A_157 = arith.constant 0 : i32
    %dma_wait3A_158 = tpu.memref_slice %arg8[%dma_wait3A_157] : memref<10240xf32, #tpu.memory_space<vmem_shared>> -> memref<80xf32, #tpu.memory_space<vmem_shared>>
    tpu.wait_dma2 semaphore(%arg9 : memref<!tpu.dma_semaphore, #tpu.memory_space<semaphore_mem>>) src(%arg7 : memref<80xf32, #tpu.memory_space<vmem>>) dst(%dma_wait3A_158 : memref<80xf32, #tpu.memory_space<vmem_shared>>)
    %dma_wait3A_159 = arith.constant 0 : i32
    %dma_wait3A_160 = tpu.memref_slice %arg8[%dma_wait3A_159] : memref<10240xf32, #tpu.memory_space<vmem_shared>> -> memref<80xf32, #tpu.memory_space<vmem_shared>>
    %dma_wait3A_161 = arith.constant 0 : i32
    %dma_wait3A_162 = tpu.memref_slice %arg8[%dma_wait3A_161] : memref<10240xf32, #tpu.memory_space<vmem_shared>> -> memref<80xf32, #tpu.memory_space<vmem_shared>>
    tpu.wait_dma2 semaphore(%arg9 : memref<!tpu.dma_semaphore, #tpu.memory_space<semaphore_mem>>) src(%arg7 : memref<80xf32, #tpu.memory_space<vmem>>) dst(%dma_wait3A_162 : memref<80xf32, #tpu.memory_space<vmem_shared>>)
    %barrier3A_163 = arith.constant 0 : index
    tpu.barrier barrier_id(%barrier3A_163)
    %mul3A_164 = arith.constant 640 : i32
    %mul3A_165 = arith.muli %arg1, %mul3A_164 : i32
    %mul3A_166 = arith.constant 10240 : i32
    %mul3A_167 = arith.muli %arg0, %mul3A_166 : i32
    %mul3A_168 = arith.constant 640 : i32
    %mul3A_169 = arith.muli %arg1, %mul3A_168 : i32
    %add3A_170 = arith.addi %mul3A_167, %mul3A_169 : i32
    "tpu.region"() ({
      %run_scoped3A = tpu.sem_alloc : memref<!tpu.dma_semaphore, #tpu.memory_space<semaphore_mem>>
      %dma_start3A = tpu.memref_slice %arg5[%add3A_170] : memref<20480xf32, #tpu.memory_space<hbm>> -> memref<640xf32, #tpu.memory_space<hbm>>
      %dma_start3A_171 = tpu.memref_slice %arg8[%mul3A_165] : memref<10240xf32, #tpu.memory_space<vmem_shared>> -> memref<640xf32, #tpu.memory_space<vmem_shared>>
      tpu.enqueue_dma source(%dma_start3A_171 : memref<640xf32, #tpu.memory_space<vmem_shared>>) target(%dma_start3A : memref<640xf32, #tpu.memory_space<hbm>>) target_semaphore(%run_scoped3A : memref<!tpu.dma_semaphore, #tpu.memory_space<semaphore_mem>>)
      %dma_wait3A_172 = tpu.memref_slice %arg5[%add3A_170] : memref<20480xf32, #tpu.memory_space<hbm>> -> memref<640xf32, #tpu.memory_space<hbm>>
      %dma_wait3A_173 = tpu.memref_slice %arg8[%mul3A_165] : memref<10240xf32, #tpu.memory_space<vmem_shared>> -> memref<640xf32, #tpu.memory_space<vmem_shared>>
      tpu.wait_dma2 semaphore(%run_scoped3A : memref<!tpu.dma_semaphore, #tpu.memory_space<semaphore_mem>>) src(%dma_wait3A_173 : memref<640xf32, #tpu.memory_space<vmem_shared>>) dst(%dma_wait3A_172 : memref<640xf32, #tpu.memory_space<hbm>>)
      tpu.yield
    }) : () -> ()
    return
  }
}

module attributes {stable_mosaic.version = 14 : i64} {
  func.func @_lin1_body(%arg0: i32, %arg1: memref<512x128xf32, #tpu.memory_space<vmem>>, %arg2: memref<512x2xf32, #tpu.memory_space<vmem>>, %arg3: memref<128x128xf32, #tpu.memory_space<vmem>>, %arg4: memref<512x128xf32, #tpu.memory_space<vmem>>, %arg5: memref<512x1xf32, #tpu.memory_space<vmem>>) attributes {dimension_semantics = [#tpu.dimension_semantics<arbitrary>], iteration_bounds = array<i64: 20>, scalar_prefetch = 0 : i64, scratch_operands = 0 : i64, tpu.core_type = #tpu.core_type<tc>, window_params = [{transform_indices = @transform_0, window_bounds = array<i64: 512, 128>}, {transform_indices = @transform_1, window_bounds = array<i64: 512, 2>}, {pipeline_mode = #tpu.pipeline_mode<synchronous>, transform_indices = @transform_2, window_bounds = array<i64: 128, 128>}, {transform_indices = @transform_3, window_bounds = array<i64: 512, 128>}, {transform_indices = @transform_4, window_bounds = array<i64: 512, 1>}]} {
    %get3A = arith.constant 0 : index
    %get3A_0 = arith.constant 0 : index
    %get3A_1 = vector.load %arg2[%get3A, %get3A_0] : memref<512x2xf32, #tpu.memory_space<vmem>>, vector<512x1xf32>
    %get3A_2 = arith.constant 0 : index
    %get3A_3 = arith.constant 1 : index
    %get3A_4 = vector.load %arg2[%get3A_2, %get3A_3] : memref<512x2xf32, #tpu.memory_space<vmem>>, vector<512x1xf32>
    %add3A = arith.addf %get3A_1, %get3A_4 : vector<512x1xf32>
    %add3A_5 = arith.constant 1.000000e+00 : f32
    %add3A_6 = vector.broadcast %add3A_5 : f32 to vector<512x1xf32>
    %add3A_7 = arith.addf %add3A, %add3A_6 : vector<512x1xf32>
    %mul3A = arith.constant 512 : i32
    %mul3A_8 = arith.muli %arg0, %mul3A : i32
    %iota3A = tpu.iota {dimensions = array<i32: 0>} : vector<512x1xi32>
    %add3A_9 = vector.broadcast %mul3A_8 : i32 to vector<512x1xi32>
    %add3A_10 = arith.addi %add3A_9, %iota3A : vector<512x1xi32>
    %lt3A = arith.constant 10000 : i32
    %lt3A_11 = vector.broadcast %lt3A : i32 to vector<512x1xi32>
    %lt3A_12 = arith.cmpi slt, %add3A_10, %lt3A_11 : vector<512x1xi32>
    %rsqrt3A = math.rsqrt %add3A_7 : vector<512x1xf32>
    %jit3A = arith.constant 0.000000e+00 : f32
    %broadcast_in_dim3A = vector.broadcast %jit3A : f32 to vector<512x1xf32>
    %select_n3A = arith.select %lt3A_12, %rsqrt3A, %broadcast_in_dim3A : vector<512x1xi1>, vector<512x1xf32>
    %swap3A = arith.constant 0 : index
    %swap3A_13 = arith.constant 0 : index
    %swap3A_14 = vector.load %arg5[%swap3A, %swap3A_13] : memref<512x1xf32, #tpu.memory_space<vmem>>, vector<512x1xf32>
    tpu.vector_store %arg5[%swap3A, %swap3A_13], %select_n3A {strides = array<i32>} : memref<512x1xf32, #tpu.memory_space<vmem>>, vector<512x1xf32>,
    %get3A_15 = arith.constant 0 : index
    %get3A_16 = arith.constant 0 : index
    %get3A_17 = vector.load %arg1[%get3A_15, %get3A_16] : memref<512x128xf32, #tpu.memory_space<vmem>>, vector<512x128xf32>
    %get3A_18 = arith.constant 0 : index
    %get3A_19 = arith.constant 0 : index
    %get3A_20 = vector.load %arg3[%get3A_18, %get3A_19] : memref<128x128xf32, #tpu.memory_space<vmem>>, vector<128x128xf32>
    %dot_general3A = arith.constant dense<0.000000e+00> : vector<512x128xf32>
    %dot_general3A_21 = tpu.matmul %get3A_17, %get3A_20, %dot_general3A {dimension_numbers = #tpu.dot_dimension_numbers<[1], [0], [0], [1], [0, 0, 1, 1], [], []>, transpose_lhs_hint = false} : vector<512x128xf32>, vector<128x128xf32>, vector<512x128xf32> -> vector<512x128xf32>
    %mul3A_22 = vector.broadcast %select_n3A : vector<512x1xf32> to vector<512x128xf32>
    %mul3A_23 = arith.mulf %dot_general3A_21, %mul3A_22 : vector<512x128xf32>
    %swap3A_24 = arith.constant 0 : index
    %swap3A_25 = arith.constant 0 : index
    %swap3A_26 = vector.load %arg4[%swap3A_24, %swap3A_25] : memref<512x128xf32, #tpu.memory_space<vmem>>, vector<512x128xf32>
    tpu.vector_store %arg4[%swap3A_24, %swap3A_25], %mul3A_23 {strides = array<i32>} : memref<512x128xf32, #tpu.memory_space<vmem>>, vector<512x128xf32>,
    return
  }
  func.func @transform_0(%arg0: i32) -> (i32, i32) {
    %c0_i32 = arith.constant 0 : i32
    %c0_i32_0 = arith.constant 0 : i32
    return %arg0, %c0_i32 : i32, i32
  }
  func.func @transform_1(%arg0: i32) -> (i32, i32) {
    %c0_i32 = arith.constant 0 : i32
    %c0_i32_0 = arith.constant 0 : i32
    return %arg0, %c0_i32 : i32, i32
  }
  func.func @transform_2(%arg0: i32) -> (i32, i32) {
    %c0_i32 = arith.constant 0 : i32
    %c0_i32_0 = arith.constant 0 : i32
    %c0_i32_1 = arith.constant 0 : i32
    return %c0_i32, %c0_i32_0 : i32, i32
  }
  func.func @transform_3(%arg0: i32) -> (i32, i32) {
    %c0_i32 = arith.constant 0 : i32
    %c0_i32_0 = arith.constant 0 : i32
    return %arg0, %c0_i32 : i32, i32
  }
  func.func @transform_4(%arg0: i32) -> (i32, i32) {
    %c0_i32 = arith.constant 0 : i32
    %c0_i32_0 = arith.constant 0 : i32
    return %arg0, %c0_i32 : i32, i32
  }
}

module attributes {stable_mosaic.version = 14 : i64} {
  func.func @_lin2_body(%arg0: i32, %arg1: memref<2x512x128xf32, #tpu.memory_space<vmem>>, %arg2: memref<512x128xf32, #tpu.memory_space<vmem>>, %arg3: memref<512x1xf32, #tpu.memory_space<vmem>>, %arg4: memref<1x128xf32, #tpu.memory_space<vmem>>, %arg5: memref<128x128xf32, #tpu.memory_space<vmem>>, %arg6: memref<512x128xf32, #tpu.memory_space<vmem>>) attributes {dimension_semantics = [#tpu.dimension_semantics<arbitrary>], iteration_bounds = array<i64: 20>, scalar_prefetch = 0 : i64, scratch_operands = 0 : i64, tpu.core_type = #tpu.core_type<tc>, window_params = [{transform_indices = @transform_0, window_bounds = array<i64: 2, 512, 128>}, {transform_indices = @transform_1, window_bounds = array<i64: 512, 128>}, {transform_indices = @transform_2, window_bounds = array<i64: 512, 1>}, {pipeline_mode = #tpu.pipeline_mode<synchronous>, transform_indices = @transform_3, window_bounds = array<i64: 1, 128>}, {pipeline_mode = #tpu.pipeline_mode<synchronous>, transform_indices = @transform_4, window_bounds = array<i64: 128, 128>}, {transform_indices = @transform_5, window_bounds = array<i64: 512, 128>}]} {
    %get3A = arith.constant 0 : index
    %get3A_0 = arith.constant 0 : index
    %get3A_1 = vector.load %arg3[%get3A, %get3A_0] : memref<512x1xf32, #tpu.memory_space<vmem>>, vector<512x1xf32>
    %get3A_2 = arith.constant 0 : index
    %get3A_3 = arith.constant 0 : index
    %get3A_4 = arith.constant 0 : index
    %get3A_5 = vector.load %arg1[%get3A_2, %get3A_3, %get3A_4] : memref<2x512x128xf32, #tpu.memory_space<vmem>>, vector<1x512x128xf32>
    %get3A_6 = vector.shape_cast %get3A_5 : vector<1x512x128xf32> to vector<512x128xf32>
    %get3A_7 = arith.constant 1 : index
    %get3A_8 = arith.constant 0 : index
    %get3A_9 = arith.constant 0 : index
    %get3A_10 = vector.load %arg1[%get3A_7, %get3A_8, %get3A_9] : memref<2x512x128xf32, #tpu.memory_space<vmem>>, vector<1x512x128xf32>
    %get3A_11 = vector.shape_cast %get3A_10 : vector<1x512x128xf32> to vector<512x128xf32>
    %add3A = arith.addf %get3A_6, %get3A_11 : vector<512x128xf32>
    %get3A_12 = arith.constant 0 : index
    %get3A_13 = arith.constant 0 : index
    %get3A_14 = vector.load %arg2[%get3A_12, %get3A_13] : memref<512x128xf32, #tpu.memory_space<vmem>>, vector<512x128xf32>
    %add3A_15 = arith.addf %add3A, %get3A_14 : vector<512x128xf32>
    %mul3A = vector.broadcast %get3A_1 : vector<512x1xf32> to vector<512x128xf32>
    %mul3A_16 = arith.mulf %mul3A, %add3A_15 : vector<512x128xf32>
    %get3A_17 = arith.constant 0 : index
    %get3A_18 = arith.constant 0 : index
    %get3A_19 = vector.load %arg4[%get3A_17, %get3A_18] : memref<1x128xf32, #tpu.memory_space<vmem>>, vector<1x128xf32>
    %add3A_20 = vector.broadcast %get3A_19 : vector<1x128xf32> to vector<512x128xf32>
    %add3A_21 = arith.addf %mul3A_16, %add3A_20 : vector<512x128xf32>
    %max3A = arith.constant 0.000000e+00 : f32
    %max3A_22 = vector.broadcast %max3A : f32 to vector<512x128xf32>
    %max3A_23 = arith.maximumf %add3A_21, %max3A_22 : vector<512x128xf32>
    %get3A_24 = arith.constant 0 : index
    %get3A_25 = arith.constant 0 : index
    %get3A_26 = vector.load %arg5[%get3A_24, %get3A_25] : memref<128x128xf32, #tpu.memory_space<vmem>>, vector<128x128xf32>
    %dot_general3A = arith.constant dense<0.000000e+00> : vector<512x128xf32>
    %dot_general3A_27 = tpu.matmul %max3A_23, %get3A_26, %dot_general3A {dimension_numbers = #tpu.dot_dimension_numbers<[1], [0], [0], [1], [0, 0, 1, 1], [], []>, transpose_lhs_hint = false} : vector<512x128xf32>, vector<128x128xf32>, vector<512x128xf32> -> vector<512x128xf32>
    %get3A_28 = arith.constant 0 : index
    %get3A_29 = arith.constant 0 : index
    %get3A_30 = vector.load %arg3[%get3A_28, %get3A_29] : memref<512x1xf32, #tpu.memory_space<vmem>>, vector<512x1xf32>
    %mul3A_31 = vector.broadcast %get3A_30 : vector<512x1xf32> to vector<512x128xf32>
    %mul3A_32 = arith.mulf %dot_general3A_27, %mul3A_31 : vector<512x128xf32>
    %swap3A = arith.constant 0 : index
    %swap3A_33 = arith.constant 0 : index
    %swap3A_34 = vector.load %arg6[%swap3A, %swap3A_33] : memref<512x128xf32, #tpu.memory_space<vmem>>, vector<512x128xf32>
    tpu.vector_store %arg6[%swap3A, %swap3A_33], %mul3A_32 {strides = array<i32>} : memref<512x128xf32, #tpu.memory_space<vmem>>, vector<512x128xf32>,
    return
  }
  func.func @transform_0(%arg0: i32) -> (i32, i32, i32) {
    %c0_i32 = arith.constant 0 : i32
    %c0_i32_0 = arith.constant 0 : i32
    %c0_i32_1 = arith.constant 0 : i32
    return %c0_i32, %arg0, %c0_i32_0 : i32, i32, i32
  }
  func.func @transform_1(%arg0: i32) -> (i32, i32) {
    %c0_i32 = arith.constant 0 : i32
    %c0_i32_0 = arith.constant 0 : i32
    return %arg0, %c0_i32 : i32, i32
  }
  func.func @transform_2(%arg0: i32) -> (i32, i32) {
    %c0_i32 = arith.constant 0 : i32
    %c0_i32_0 = arith.constant 0 : i32
    return %arg0, %c0_i32 : i32, i32
  }
  func.func @transform_3(%arg0: i32) -> (i32, i32) {
    %c0_i32 = arith.constant 0 : i32
    %c0_i32_0 = arith.constant 0 : i32
    %c0_i32_1 = arith.constant 0 : i32
    return %c0_i32, %c0_i32_0 : i32, i32
  }
  func.func @transform_4(%arg0: i32) -> (i32, i32) {
    %c0_i32 = arith.constant 0 : i32
    %c0_i32_0 = arith.constant 0 : i32
    %c0_i32_1 = arith.constant 0 : i32
    return %c0_i32, %c0_i32_0 : i32, i32
  }
  func.func @transform_5(%arg0: i32) -> (i32, i32) {
    %c0_i32 = arith.constant 0 : i32
    %c0_i32_0 = arith.constant 0 : i32
    return %arg0, %c0_i32 : i32, i32
  }
}

module attributes {stable_mosaic.version = 14 : i64} {
  func.func @_head_body(%arg0: i32, %arg1: memref<2x512x128xf32, #tpu.memory_space<vmem>>, %arg2: memref<512x128xf32, #tpu.memory_space<vmem>>, %arg3: memref<512x1xf32, #tpu.memory_space<vmem>>, %arg4: memref<1x128xf32, #tpu.memory_space<vmem>>, %arg5: memref<128x16xf32, #tpu.memory_space<vmem>>, %arg6: memref<1x16xf32, #tpu.memory_space<vmem>>, %arg7: memref<1x16xf32, #tpu.memory_space<vmem>>, %arg8: memref<1x128xf32, #tpu.memory_space<vmem>>) attributes {dimension_semantics = [#tpu.dimension_semantics<arbitrary>], iteration_bounds = array<i64: 20>, scalar_prefetch = 0 : i64, scratch_operands = 1 : i64, tpu.core_type = #tpu.core_type<tc>, window_params = [{transform_indices = @transform_0, window_bounds = array<i64: 2, 512, 128>}, {transform_indices = @transform_1, window_bounds = array<i64: 512, 128>}, {transform_indices = @transform_2, window_bounds = array<i64: 512, 1>}, {pipeline_mode = #tpu.pipeline_mode<synchronous>, transform_indices = @transform_3, window_bounds = array<i64: 1, 128>}, {pipeline_mode = #tpu.pipeline_mode<synchronous>, transform_indices = @transform_4, window_bounds = array<i64: 128, 16>}, {pipeline_mode = #tpu.pipeline_mode<synchronous>, transform_indices = @transform_5, window_bounds = array<i64: 1, 16>}, {pipeline_mode = #tpu.pipeline_mode<synchronous>, transform_indices = @transform_6, window_bounds = array<i64: 1, 16>}]} {
    %eq3A = arith.constant 0 : i32
    %eq3A_0 = arith.cmpi eq, %arg0, %eq3A : i32
    %convert_element_type3A = arith.extui %eq3A_0 : i1 to i32
    %cond3A = arith.constant 0 : i32
    %cond3A_1 = arith.cmpi ne, %convert_element_type3A, %cond3A : i32
    scf.if %cond3A_1 {
      %broadcast_in_dim3A_36 = arith.constant 0.000000e+00 : f32
      %broadcast_in_dim3A_37 = vector.broadcast %broadcast_in_dim3A_36 : f32 to vector<1x128xf32>
      %swap3A_38 = arith.constant 0 : index
      %swap3A_39 = arith.constant 0 : index
      %swap3A_40 = vector.load %arg8[%swap3A_38, %swap3A_39] : memref<1x128xf32, #tpu.memory_space<vmem>>, vector<1x128xf32>
      tpu.vector_store %arg8[%swap3A_38, %swap3A_39], %broadcast_in_dim3A_37 {strides = array<i32>} : memref<1x128xf32, #tpu.memory_space<vmem>>, vector<1x128xf32>,
    } else {
    }
    %get3A = arith.constant 0 : index
    %get3A_2 = arith.constant 0 : index
    %get3A_3 = vector.load %arg3[%get3A, %get3A_2] : memref<512x1xf32, #tpu.memory_space<vmem>>, vector<512x1xf32>
    %get3A_4 = arith.constant 0 : index
    %get3A_5 = arith.constant 0 : index
    %get3A_6 = arith.constant 0 : index
    %get3A_7 = vector.load %arg1[%get3A_4, %get3A_5, %get3A_6] : memref<2x512x128xf32, #tpu.memory_space<vmem>>, vector<1x512x128xf32>
    %get3A_8 = vector.shape_cast %get3A_7 : vector<1x512x128xf32> to vector<512x128xf32>
    %get3A_9 = arith.constant 1 : index
    %get3A_10 = arith.constant 0 : index
    %get3A_11 = arith.constant 0 : index
    %get3A_12 = vector.load %arg1[%get3A_9, %get3A_10, %get3A_11] : memref<2x512x128xf32, #tpu.memory_space<vmem>>, vector<1x512x128xf32>
    %get3A_13 = vector.shape_cast %get3A_12 : vector<1x512x128xf32> to vector<512x128xf32>
    %add3A = arith.addf %get3A_8, %get3A_13 : vector<512x128xf32>
    %get3A_14 = arith.constant 0 : index
    %get3A_15 = arith.constant 0 : index
    %get3A_16 = vector.load %arg2[%get3A_14, %get3A_15] : memref<512x128xf32, #tpu.memory_space<vmem>>, vector<512x128xf32>
    %add3A_17 = arith.addf %add3A, %get3A_16 : vector<512x128xf32>
    %mul3A = vector.broadcast %get3A_3 : vector<512x1xf32> to vector<512x128xf32>
    %mul3A_18 = arith.mulf %mul3A, %add3A_17 : vector<512x128xf32>
    %get3A_19 = arith.constant 0 : index
    %get3A_20 = arith.constant 0 : index
    %get3A_21 = vector.load %arg4[%get3A_19, %get3A_20] : memref<1x128xf32, #tpu.memory_space<vmem>>, vector<1x128xf32>
    %add3A_22 = vector.broadcast %get3A_21 : vector<1x128xf32> to vector<512x128xf32>
    %add3A_23 = arith.addf %mul3A_18, %add3A_22 : vector<512x128xf32>
    %get3A_24 = arith.constant 0 : index
    %get3A_25 = arith.constant 0 : index
    %get3A_26 = vector.load %arg8[%get3A_24, %get3A_25] : memref<1x128xf32, #tpu.memory_space<vmem>>, vector<1x128xf32>
    %reduce_sum3A = arith.constant dense<0.000000e+00> : vector<128xf32>
    %reduce_sum3A_27 = vector.multi_reduction <add>, %add3A_23, %reduce_sum3A [0] : vector<512x128xf32> to vector<128xf32>
    %broadcast_in_dim3A = vector.shape_cast %reduce_sum3A_27 : vector<128xf32> to vector<1x128xf32>
    %add3A_28 = arith.addf %get3A_26, %broadcast_in_dim3A : vector<1x128xf32>
    %swap3A = arith.constant 0 : index
    %swap3A_29 = arith.constant 0 : index
    %swap3A_30 = vector.load %arg8[%swap3A, %swap3A_29] : memref<1x128xf32, #tpu.memory_space<vmem>>, vector<1x128xf32>
    tpu.vector_store %arg8[%swap3A, %swap3A_29], %add3A_28 {strides = array<i32>} : memref<1x128xf32, #tpu.memory_space<vmem>>, vector<1x128xf32>,
    %eq3A_31 = arith.constant 19 : i32
    %eq3A_32 = arith.cmpi eq, %arg0, %eq3A_31 : i32
    %convert_element_type3A_33 = arith.extui %eq3A_32 : i1 to i32
    %cond3A_34 = arith.constant 0 : i32
    %cond3A_35 = arith.cmpi ne, %convert_element_type3A_33, %cond3A_34 : i32
    scf.if %cond3A_35 {
      %get3A_36 = arith.constant 0 : index
      %get3A_37 = arith.constant 0 : index
      %get3A_38 = vector.load %arg8[%get3A_36, %get3A_37] : memref<1x128xf32, #tpu.memory_space<vmem>>, vector<1x128xf32>
      %get3A_39 = arith.constant 0 : index
      %get3A_40 = arith.constant 0 : index
      %get3A_41 = vector.load %arg4[%get3A_39, %get3A_40] : memref<1x128xf32, #tpu.memory_space<vmem>>, vector<1x128xf32>
      %mul3A_42 = arith.constant 2.400000e+02 : f32
      %mul3A_43 = vector.broadcast %mul3A_42 : f32 to vector<1x128xf32>
      %mul3A_44 = arith.mulf %mul3A_43, %get3A_41 : vector<1x128xf32>
      %sub3A = arith.subf %get3A_38, %mul3A_44 : vector<1x128xf32>
      %div3A = arith.constant 1.000000e+04 : f32
      %div3A_45 = vector.broadcast %div3A : f32 to vector<1x128xf32>
      %div3A_46 = arith.divf %sub3A, %div3A_45 : vector<1x128xf32>
      %get3A_47 = arith.constant 0 : index
      %get3A_48 = arith.constant 0 : index
      %get3A_49 = vector.load %arg5[%get3A_47, %get3A_48] : memref<128x16xf32, #tpu.memory_space<vmem>>, vector<128x16xf32>
      %dot_general3A = arith.constant dense<0.000000e+00> : vector<1x16xf32>
      %dot_general3A_50 = tpu.matmul %div3A_46, %get3A_49, %dot_general3A {dimension_numbers = #tpu.dot_dimension_numbers<[1], [0], [0], [1], [0, 0, 1, 1], [], []>, transpose_lhs_hint = false} : vector<1x128xf32>, vector<128x16xf32>, vector<1x16xf32> -> vector<1x16xf32>
      %get3A_51 = arith.constant 0 : index
      %get3A_52 = arith.constant 0 : index
      %get3A_53 = vector.load %arg6[%get3A_51, %get3A_52] : memref<1x16xf32, #tpu.memory_space<vmem>>, vector<1x16xf32>
      %add3A_54 = arith.addf %dot_general3A_50, %get3A_53 : vector<1x16xf32>
      %logistic3A = arith.negf %add3A_54 : vector<1x16xf32>
      %logistic3A_55 = math.exp %logistic3A : vector<1x16xf32>
      %logistic3A_56 = arith.constant 1.000000e+00 : f32
      %logistic3A_57 = vector.broadcast %logistic3A_56 : f32 to vector<1x16xf32>
      %logistic3A_58 = arith.addf %logistic3A_57, %logistic3A_55 : vector<1x16xf32>
      %logistic3A_59 = arith.divf %logistic3A_57, %logistic3A_58 : vector<1x16xf32>
      %swap3A_60 = arith.constant 0 : index
      %swap3A_61 = arith.constant 0 : index
      %swap3A_62 = vector.load %arg7[%swap3A_60, %swap3A_61] : memref<1x16xf32, #tpu.memory_space<vmem>>, vector<1x16xf32>
      tpu.vector_store %arg7[%swap3A_60, %swap3A_61], %logistic3A_59 {strides = array<i32>} : memref<1x16xf32, #tpu.memory_space<vmem>>, vector<1x16xf32>,
    } else {
    }
    return
  }
  func.func @transform_0(%arg0: i32) -> (i32, i32, i32) {
    %c0_i32 = arith.constant 0 : i32
    %c0_i32_0 = arith.constant 0 : i32
    %c0_i32_1 = arith.constant 0 : i32
    return %c0_i32, %arg0, %c0_i32_0 : i32, i32, i32
  }
  func.func @transform_1(%arg0: i32) -> (i32, i32) {
    %c0_i32 = arith.constant 0 : i32
    %c0_i32_0 = arith.constant 0 : i32
    return %arg0, %c0_i32 : i32, i32
  }
  func.func @transform_2(%arg0: i32) -> (i32, i32) {
    %c0_i32 = arith.constant 0 : i32
    %c0_i32_0 = arith.constant 0 : i32
    return %arg0, %c0_i32 : i32, i32
  }
  func.func @transform_3(%arg0: i32) -> (i32, i32) {
    %c0_i32 = arith.constant 0 : i32
    %c0_i32_0 = arith.constant 0 : i32
    %c0_i32_1 = arith.constant 0 : i32
    return %c0_i32, %c0_i32_0 : i32, i32
  }
  func.func @transform_4(%arg0: i32) -> (i32, i32) {
    %c0_i32 = arith.constant 0 : i32
    %c0_i32_0 = arith.constant 0 : i32
    %c0_i32_1 = arith.constant 0 : i32
    return %c0_i32, %c0_i32_0 : i32, i32
  }
  func.func @transform_5(%arg0: i32) -> (i32, i32) {
    %c0_i32 = arith.constant 0 : i32
    %c0_i32_0 = arith.constant 0 : i32
    %c0_i32_1 = arith.constant 0 : i32
    return %c0_i32, %c0_i32_0 : i32, i32
  }
  func.func @transform_6(%arg0: i32) -> (i32, i32) {
    %c0_i32 = arith.constant 0 : i32
    %c0_i32_0 = arith.constant 0 : i32
    %c0_i32_1 = arith.constant 0 : i32
    return %c0_i32, %c0_i32_0 : i32, i32
  }
}

</mosaic_0001>

<sc_bundles>
// kernel: kernel.11.cloned.1.call-start
scs
__scs_entry_jumppad:
0x0: {  	(pc) =	sbr.rel $0x88, $3  }
0x1: {  	(tag) =	ssettag $0x0;
	lr =	simm.s32 $0x1  }
0x2: {  	[smem:$0x3F99] =	sst lr;
	_ =	strace $0xD0000000  }
0x3: {  	_ = 	snop  }
0x4: {  	_ = 	snop  }
0x5: {  	_ = 	snop  }
0x6: {  	_ = 	snop  }
0x7: {  	_ = 	snop  }
__scs_overlays_trampoline_lowered:
0x8: {  	[smem:$0x3FA8] =	sst s0  }
0x9: {  	[smem:$0x3FA9] =	sst s1  }
0xa: {  	[smem:$0x3FAA] =	sst s2  }
0xb: {  	[smem:$0x3FAB] =	sst s3  }
0xc: {  	[smem:$0x3FAC] =	sst s4  }
0xd: {  	[smem:$0x3FAD] =	sst s5  }
0xe: {  	[smem:$0x3FAE] =	sst s6  }
0xf: {  	[smem:$0x3FAF] =	sst s7  }
0x10: {  	[smem:$0x3FB0] =	sst s8  }
0x11: {  	[smem:$0x3FB1] =	sst s9;
	s0 =	simm.s32 @!p0 $0x0  }
0x12: {  	s1 =	sld [smem:$0x3F97];
	s0 =	simm.s32 @p0 $0x1  }
0x13: {  	[smem:$0x3FB2] =	sst s0;
	s0 =	simm.s32 @!p1 $0x0  }
0x14: {  	s2 =	sld [smem:$0x3F96];
	s0 =	simm.s32 @p1 $0x1  }
0x15: {  	[smem:$0x3FB3] =	sst s0;
	s0 =	simm.s32 @!p2 $0x0  }
0x16: {  	s3 =	sld [smem:$0x3FDB];
	s0 =	simm.s32 @p2 $0x1  }
0x17: {  	s4 =	simm.s32 $0x1BF5;
	[smem:$0x3FB5] =	sst s0  }
0x18: {  	s0 =	sld [smem:$0x3F98];
	_ =	swait.ge [sflag:s4], $0x0  }
0x19: {  	s7 =	sld [smem:$0x3F99]  }
0x1a: {  	s8 =	sadd.s32 $0xFFFFE003, lr  }
0x1b: {  	s9 =	sadd.s32 $0xFFFFFEF7, lr;
	s5 =	simm.s32 $0xFFFFFFFF;
	p2 =	slt.u32 s8, $0xFFFFF086  }
0x1c: {  	p1 =	slt.u32 s9, $0xF7A;
	s5 =	simm.s32 @!p2 $0x0  }
0x1d: {  	s5 =	simm.s32 @p1 $0x1;
	p0 =	seq.s32 s7, s2  }
0x1e: {  	s7 =	smul.u32 @!p0 $0xF7A, s2;
	p2 =	seq.s32 @!p0 s5, $0x0  }
0x1f: {  	s9 =	smul.u32 $0xF7A, s1;
	s8 =	simm.s32 @!p0 $0x1BF5;
	p2 =	por !p2, p0  }
0x20: {  	[sflag:s8] =	ssyncset.s32 @!p0 $0xFFFFF086;
	s6 =	sadd.s32 @!p0 s3, s7;
	s7 =	simm.s32 @!p0 $0x108  }
0x21: {  	s3 =	sadd.s32 s3, s9;
	s6 =	sadd.s32 @!p0 $0x88, s6;
	s7 =	simm.s32 @p2 $0x1082  }
0x22: {  	[simem:s7], [sflag:s8] =	dma.local @!p0 [hbm:s6], $0xF7A  }
0x23: {  	s9 =	sor.u32 $0xD0000000, s2;
	s6 =	simm.s32 $0x108;
	_ =	swait.ge @!p0 [sflag:s8], $0x0  }
0x24: {  	s3 =	sadd.s32 $0x88, s3;
	s6 =	simm.s32 @!p1 $0x1082;
	[sflag:s4] =	ssyncset.s32 $0xFFFFF086  }
0x25: {  	[simem:s6], [sflag:s4] =	dma.local [hbm:s3], $0xF7A  }
0x26: {  	[smem:$0x3F99] =	sst s1;
	(tag) =	ssettag s2;
	_ =	strace s9  }
0x27: {  	s1 =	sld [smem:$0x3FA9]  }
0x28: {  	s2 =	sld [smem:$0x3FAA]  }
0x29: {  	s4 =	sld [smem:$0x3FAC]  }
0x2a: {  	p0 =	seq.s32 s5, $0x0;
	s5 =	sld [smem:$0x3FAD]  }
0x2b: {  	s6 =	sld [smem:$0x3FAE]  }
0x2c: {  	s7 =	sld [smem:$0x3FAF]  }
0x2d: {  	s3 =	simm.s32 $0x108;
	s8 =	sld [smem:$0x3FB0]  }
0x2e: {  	s3 =	simm.s32 @!p0 $0x1082;
	s9 =	sld [smem:$0x3FB1]  }
0x2f: {  	lr =	sadd.s32 s0, s3;
	s0 =	sld [smem:$0x3FA8]  }
0x30: {  	s3 =	sld [smem:$0x3FAB]  }
0x31: {  	[smem:$0x3FB4] =	sst s10  }
0x32: {  	s10 =	sld [smem:$0x3FB2];
	_ =	sdelay $0x3  }
0x33: {  	p0 =	seq.s32 s10, $0x1;
	s10 =	sld [smem:$0x3FB4];
	_ =	sdelay $0x3  }
0x34: {  	[smem:$0x3FB4] =	sst s10  }
0x35: {  	s10 =	sld [smem:$0x3FB3];
	_ =	sdelay $0x3  }
0x36: {  	p1 =	seq.s32 s10, $0x1;
	s10 =	sld [smem:$0x3FB4];
	_ =	sdelay $0x3  }
0x37: {  	[smem:$0x3FB4] =	sst s10  }
0x38: {  	s10 =	sld [smem:$0x3FB5]  }
0x39: {  	_ = 	snop;
	(pc) =	sbr.ind lr, $3  }
0x3a: {  	_ = 	snop  }
0x3b: {  	_ = 	snop  }
0x3c: {  	p2 =	seq.s32 s10, $0x1;
	s10 =	sld [smem:$0x3FB4]  }
0x3d: {  	_ =	shalt  }
0x3e: {  	_ =	shalt  }
0x3f: {  	_ =	shalt  }
0x40: {  	_ =	shalt  }
0x41: {  	_ =	shalt  }
0x42: {  	_ =	shalt  }
0x43: {  	_ =	shalt  }
0x44: {  	_ =	shalt  }
0x45: {  	_ =	shalt  }
0x46: {  	_ =	shalt  }
0x47: {  	_ =	shalt  }
0x48: {  	_ =	shalt  }
0x49: {  	_ =	shalt  }
0x4a: {  	_ =	shalt  }
0x4b: {  	_ =	shalt  }
0x4c: {  	_ =	shalt  }
0x4d: {  	_ =	shalt  }
0x4e: {  	_ =	shalt  }
0x4f: {  	_ =	shalt  }
0x50: {  	_ =	shalt  }
0x51: {  	_ =	shalt  }
0x52: {  	_ =	shalt  }
0x53: {  	_ =	shalt  }
0x54: {  	_ =	shalt  }
0x55: {  	_ =	shalt  }
0x56: {  	_ =	shalt  }
0x57: {  	_ =	shalt  }
0x58: {  	_ =	shalt  }
0x59: {  	_ =	shalt  }
0x5a: {  	_ =	shalt  }
0x5b: {  	_ =	shalt  }
0x5c: {  	_ =	shalt  }
0x5d: {  	_ =	shalt  }
0x5e: {  	_ =	shalt  }
0x5f: {  	_ =	shalt  }
0x60: {  	_ =	shalt  }
0x61: {  	_ =	shalt  }
0x62: {  	_ =	shalt  }
0x63: {  	_ =	shalt  }
0x64: {  	_ =	shalt  }
0x65: {  	_ =	shalt  }
0x66: {  	_ =	shalt  }
0x67: {  	_ =	shalt  }
0x68: {  	_ =	shalt  }
0x69: {  	_ =	shalt  }
0x6a: {  	_ =	shalt  }
0x6b: {  	_ =	shalt  }
0x6c: {  	_ =	shalt  }
0x6d: {  	_ =	shalt  }
0x6e: {  	_ =	shalt  }
0x6f: {  	_ =	shalt  }
0x70: {  	_ =	shalt  }
0x71: {  	_ =	shalt  }
0x72: {  	_ =	shalt  }
0x73: {  	_ =	shalt  }
0x74: {  	_ =	shalt  }
0x75: {  	_ =	shalt  }
0x76: {  	_ =	shalt  }
0x77: {  	_ =	shalt  }
0x78: {  	_ =	shalt  }
0x79: {  	_ =	shalt  }
0x7a: {  	_ =	shalt  }
0x7b: {  	_ =	shalt  }
0x7c: {  	_ =	shalt  }
0x7d: {  	_ =	shalt  }
0x7e: {  	_ =	shalt  }
0x7f: {  	_ =	shalt  }
0x80: {  	_ =	shalt  }
0x81: {  	_ =	shalt  }
0x82: {  	_ =	shalt  }
0x83: {  	_ =	shalt  }
0x84: {  	_ =	shalt  }
0x85: {  	_ =	shalt  }
0x86: {  	_ =	shalt  }
0x87: {  	_ =	shalt  }
.Lfunc_end0:
.L_simem_size_0:
called_computation.1_lowered:
.L_overlay_start_0:
0x88: {  	s2 =	sld [smem:$0x3FD9]  }
0x89: {  	s3 =	sld [smem:$0x3FFE];
	_ =	sdelay $0x1  }
0x8a: {  	s1 =	srdreg.scid  }
0x8b: {  	s0 =	sand.u32 $0x1, s1  }
0x8c: {  	s16 =	sshll.u32 s0, $0xA;
	s2 =	sadd.s32 s3, s2  }
0x8d: {  	s2 =	sadd.s32 s2, s16  }
0x8e: {  	[smem:$0x3FC0] =	sst s2  }
0x8f: {  	_ = 	snop  }
0x90: {  	(tm) =	ssettm $0x1  }
0x91: {  	s17 =	sld [smem:$0x3FFB];
	_ =	sdelay $0x3  }
0x92: {  	_ =	strace s17  }
0x93: {  	s2 =	sld [smem:$0x3FFC];
	_ =	sdelay $0x3  }
0x94: {  	_ =	strace s2  }
0x95: {  	s2 =	sld [smem:$0x3FFD];
	_ =	sdelay $0x3  }
0x96: {  	_ =	strace s2  }
0x97: {  	_ =	strace $0x8FFFFFFF  }
0x98: {  	s18 =	sld [smem:$0x3FDB];
	_ =	sdelay $0x1  }
0x99: {  	s19 =	simm.s32 $_scs_section_size  }
0x9a: {  	s4 =	simm.s32 $_size__tile_overlayer_lowered;
	s5 =	simm.s32 $_tile_overlayer_lowered  }
0x9b: {  	s22 =	simm.s32 $0x1BFF;
	s21 =	sshll.u32 s5, $0x1;
	s2 =	sadd.s32 s19, s18  }
0x9c: {  	s6 =	simm.s32 $0x0;
	s20 =	sshll.u32 s4, $0x1;
	s4 =	sadd.s32 s21, s2  }
0x9d: {  	[timem:s6], [sflag:s22] =	dma.local [hbm:s4], s20  }
0x9e: {  	_ =	swait.ge [sflag:s22], s20  }
0x9f: {  	s3 =	ssub.s32 $0x0, s20;
	[sflag:s22] =	ssyncset.done $0x0  }
0xa0: {  	[sflag:s22] =	ssyncadd.s32 s3;
	_ =	sdelay $0x1  }
0xa1: {  	s23 =	simm.s32 $0x1B8B  }
0xa2: {  	_ =	swait.ge [sflag:s23], $0x1  }
0xa3: {  	[sflag:s23] =	ssyncset.done $0x0  }
0xa4: {  	s25 =	simm.s32 $0x1B8E;
	s24 =	sld [smem:$0x3FFE];
	[sflag:s23] =	ssyncadd.s32 $0xFFFFFFFF  }
0xa5: {  	s26 =	simm.s32 $execute0_lowered;
	[smem:$0x3FD2] =	sst s25  }
0xa6: {  	s4 =	sshll.u32 s26, $0x1;
	_ =	strace $0x80000049;
	[dreg:$0x1] =	wrdreg $0xFFFFFFFF  }
0xa7: {  	s28 =	simm.s32 $_size_execute0_lowered;
	s2 =	sadd.s32 s2, s4;
	[dreg:$0x0] =	wrdreg $0x0  }
0xa8: {  	s4 =	sshll.u32 s28, $0x1;
	[dreg:$0x2] =	wrdreg s2  }
0xa9: {  	[dreg:$0x3] =	wrdreg s4  }
0xaa: {  	[dreg:$0x4] =	wrdreg $0xC0  }
0xab: {  	_ =	task [dreg:s6], $0x5FFFF  }
0xac: {  	[dreg:$0x1] =	wrdreg $0xFFFFFFFF  }
0xad: {  	[dreg:$0x0] =	wrdreg $0x60  }
0xae: {  	[dreg:$0x2] =	wrdreg s24  }
0xaf: {  	[dreg:$0x3] =	wrdreg $0xC0000  }
0xb0: {  	[dreg:$0x4] =	wrdreg $0x9  }
0xb1: {  	_ =	task.clear_ibuf [dreg:s6], $0x5FFFF;
	_ =	strace $0x90000049  }
0xb2: {  	s29 =	simm.s32 $0x9;
	_ =	strace $0x8000004B  }
0xb3: {  	_ =	swait.ge [sflag:s29], $0x1  }
0xb4: {  	[sflag:s29] =	ssyncadd.s32 $0xFFFFFFFF  }
0xb5: {  	_ =	strace $0x9000004B  }
0xb6: {  	_ =	sfence  }
0xb7: {  	s30 =	sld [smem:$0x0];
	_ =	sdelay $0x2  }
0xb8: {  	s31 =	sshll.u32 s1, $0xD;
	s1 =	sshrl.u32 s1, $0x2  }
0xb9: {  	s3 =	sand.u32 $0x4000, s31;
	s1 =	sadd.s32 s1, s30  }
0xba: {  	s0 =	sor.u32 s3, s0;
	s1 =	sshll.u32 s1, $0x11  }
0xbb: {  	s0 =	sor.u32 s1, s0  }
0xbc: {  	s0 =	sadd.s32 $0x8F2B, s0  }
0xbd: {  	[sflag:s0] =	ssyncadd.remote.s32 $0x1  }
0xbe: {  	_ =	sfence.sel $0xFFFF  }
0xbf: {  	[dreg:$0x0] =	wrdreg $0xFFFFFFFF;
	(pc) =	sbr.abs _section_cstart, $3  }
0xc0: {  	[dreg:$0x1] =	wrdreg $0xFFFFFFFF  }
0xc1: {  	_ =	task.clear_ibuf [dreg:s6], $0x2FFFF;
	_ =	strace $0x9FFFFFFF  }
0xc2: {  	(tm) =	ssettm $0x7FFFFFFF  }
0xc3: {  	_ =	shalt  }
tec
execute0_lowered:
.L_overlay_start_1:
0x0: {  	(tag) =	ssettag $0x1  }
0x1: {  	s0 =	rddreg [dreg:$0x0]  }
0x2: {  	s2 =	rddreg [dreg:$0x1];
	s4 =	simm.s32 $0x0;
	s1 =	srdreg.scid  }
0x3: {  	s3 =	stileid.u32;
	s28 =	simm.s32 $0x180;
	s29 =	simm.s32 $0x9800  }
0x4: {  	s30 =	simm.s32 $0x1080;
	s31 =	simm.s32 $0x2;
	s12 =	simm.s32 $0x1F00  }
0x5: {  	[smem:$0x7FF] =	sst s4;
	s1 =	sand.u32 $0x1, s1;
	s5 =	smul.u32 $0x2800, s3  }
0x6: {  	s4 =	sadd.s32 $0x23600, s0;
	s7 =	sadd.s32 $0x13600, s0;
	s8 =	sadd.s32 $0x2A00, s0  }
0x7: {  	s10 =	smul.u32 $0x50000, s3;
	s11 =	sadd.s32 $0x4B600, s0;
	s16 =	sshll.u32 s3, $0xB  }
0x8: {  	s17 =	sshll.u32 s3, $0x6;
	_ =	strace $0x8000004A;
	s6 =	smul.u32 $0x28000, s1  }
0x9: {  	s9 =	ssub.s32 $0x2, s1;
	[dreg:$0x3] =	wrdreg s11;
	s1 =	sshll.u32 s1, $0xF  }
0xa: {  	s11 =	simm.s32 $0x1E80;
	s13 =	sshrl.u32 s9, $0x1;
	s15 =	sshrl.u32 s10, $0x2  }
0xb: {  	s1 =	sor.u32 s16, s1;
	s5 =	sadd.s32 s5, s6;
	s14 =	ssub.s32 s9, s13  }
0xc: {  	s10 =	sadd.s32 s15, s2;
	s6 =	sor.u32 $0x1C03, s17;
	s18 =	sadd.s32 s7, s1  }
0xd: {  	s9 =	sor.u32 $0x200, s1;
	s19 =	sadd.s32 s8, s1;
	s21 =	sor.u32 $0x400, s1  }
0xe: {  	s1 =	sor.u32 $0x600, s1;
	s13 =	simm.s32 $0x1F80;
	[dreg:$0x4] =	wrdreg s18  }
0xf: {  	s0 =	sadd.s32 s5, s0;
	[dreg:$0x5] =	wrdreg s19;
	s20 =	sadd.s32 s7, s9  }
0x10: {  	s22 =	sadd.s32 s8, s9;
	s23 =	sadd.s32 s7, s21;
	s24 =	sadd.s32 s8, s21  }
0x11: {  	s25 =	sadd.s32 s7, s1;
	s1 =	sadd.s32 s8, s1;
	[dreg:$0x6] =	wrdreg s20  }
0x12: {  	s26 =	smax.u32 s14, $0x1;
	s17 =	sshrl.u32 s10, $0x3;
	[dreg:$0x7] =	wrdreg s22  }
0x13: {  	s18 =	simm.s32 $0x3;
	s19 =	simm.s32 $0x1000;
	[dreg:$0x8] =	wrdreg s23  }
0x14: {  	s21 =	simm.s32 $0x2000;
	s5 =	simm.s32 $0x280;
	[dreg:$0x9] =	wrdreg s24  }
0x15: {  	s7 =	simm.s32 $0x1180;
	s8 =	simm.s32 $0x300;
	[dreg:$0xa] =	wrdreg s25  }
0x16: {  	s9 =	simm.s32 $0x1E00;
	s10 =	simm.s32 $0xF80;
	[dreg:$0xb] =	wrdreg s1  }
0x17: {  	s14 =	simm.s32 $0x0;
	s0 =	sadd.s32 $0x4DE00, s0;
	[dreg:$0xd] =	wrdreg s26  }
0x18: {  	s20 =	simm.s32 $0x50;
	s22 =	simm.s32 $0x80;
	s23 =	simm.s32 $0x4800  }
0x19: {  	s24 =	simm.s32 $0x100;
	s25 =	simm.s32 $0x7000;
	s26 =	simm.s32 $0x1  }
0x1a: {  	s1 =	simm.s32 $0x1100;
	[dreg:$0xc] =	wrdreg s0;
	s0 =	simm.s32 $0x200  }
.LBB2_1:
0x1b: {  	s3 =	rddreg [dreg:$0x3]  }
0x1c: {  	[spmem:s17], [sflag:s6] =	dma.local [hbm:s3], $0x2800  }
0x1d: {  	_ =	swait.ge [sflag:s18], $0x2800  }
0x1e: {  	[sflag:s18] =	ssyncset.done $0x0  }
0x1f: {  	[sflag:s18] =	ssyncadd.s32 $0xFFFFD800  }
0x20: {  	[bflag:$0x0] =	sbarrier.arrive $0xFFFF  }
0x21: {  	s3 =	simm.s32 $0x0;
	s15 =	rddreg [dreg:$0x4]  }
0x22: {  	[tilespmem:s3], [sflag:$0x3] =	stream.linear.gather [hbm4b:s15+s3], $0x1000, $0x38;
	v63 =	vld [tilespmem:$0x0]  }
0x23: {  	_ =	swait.ge [sflag:s18], $0x1000  }
0x24: {  	[sflag:s18] =	ssyncset.done $0x0  }
0x25: {  	s16 =	rddreg [dreg:$0x5];
	[sflag:s18] =	ssyncadd.s32 $0xFFFFF000  }
0x26: {  	[tilespmem:s19], [sflag:$0x3] =	stream.linear.gather [hbm4b:s16+s3], $0x1000, $0x38;
	v63 =	vld [tilespmem:$0x0]  }
0x27: {  	_ =	swait.ge [sflag:s18], $0x1000  }
0x28: {  	[sflag:s18] =	ssyncset.done $0x0  }
0x29: {  	[sflag:s18] =	ssyncadd.s32 $0xFFFFF000  }
0x2a: {  	[tilespmem:s21], [sflag:$0x1] =	stream.indirect.gather [hbm4b:s4+s20], $0x80, s3, s20, $0xb8;
	v63 =	vld [tilespmem:$0x0]  }
0x2b: {  	_ = 	snop  }
0x2c: {  	[tilespmem:s23], [sflag:$0x1] =	stream.indirect.gather [hbm4b:s4+s20], $0x80, s22, s20, $0xb8;
	v63 =	vld [tilespmem:$0x0]  }
0x2d: {  	_ = 	snop  }
0x2e: {  	[tilespmem:s25], [sflag:$0x1] =	stream.indirect.gather [hbm4b:s4+s20], $0x80, s24, s20, $0xb8;
	v63 =	vld [tilespmem:$0x0]  }
0x2f: {  	_ =	swait.ge [sflag:s26], $0x2800  }
0x30: {  	[sflag:s26] =	ssyncset.done $0x0  }
0x31: {  	[sflag:s26] =	ssyncadd.s32 $0xFFFFD800  }
0x32: {  	[spmem:s2] =	stream.indirect.scatter.add.f32 [tilespmem:s21], [sflag:$0x2], $0x80, s19, s20, $0xb8;
	v63 =	vld [tilespmem:$0x0]  }
0x33: {  	_ = 	snop  }
0x34: {  	[tilespmem:s29], [sflag:$0x1] =	stream.indirect.gather [hbm4b:s4+s20], $0x80, s28, s20, $0xb8;
	v63 =	vld [tilespmem:$0x0]  }
0x35: {  	_ =	swait.ge [sflag:s26], $0x2800  }
0x36: {  	[sflag:s26] =	ssyncset.done $0x0  }
0x37: {  	[sflag:s26] =	ssyncadd.s32 $0xFFFFD800  }
0x38: {  	[spmem:s2] =	stream.indirect.scatter.add.f32 [tilespmem:s23], [sflag:$0x2], $0x80, s30, s20, $0xb8;
	v63 =	vld [tilespmem:$0x0]  }
0x39: {  	_ =	swait.ge [sflag:s31], $0x2800  }
0x3a: {  	[sflag:s31] =	ssyncset.done $0x0  }
0x3b: {  	[sflag:s31] =	ssyncadd.s32 $0xFFFFD800  }
0x3c: {  	[tilespmem:s21], [sflag:$0x1] =	stream.indirect.gather [hbm4b:s4+s20], $0x80, s0, s20, $0xb8;
	v63 =	vld [tilespmem:$0x0]  }
0x3d: {  	_ =	swait.ge [sflag:s26], $0x2800  }
0x3e: {  	[sflag:s26] =	ssyncset.done $0x0  }
0x3f: {  	[sflag:s26] =	ssyncadd.s32 $0xFFFFD800  }
0x40: {  	[spmem:s2] =	stream.indirect.scatter.add.f32 [tilespmem:s25], [sflag:$0x2], $0x80, s1, s20, $0xb8;
	v63 =	vld [tilespmem:$0x0]  }
0x41: {  	_ =	swait.ge [sflag:s31], $0x2800  }
0x42: {  	[sflag:s31] =	ssyncset.done $0x0  }
0x43: {  	[sflag:s31] =	ssyncadd.s32 $0xFFFFD800  }
0x44: {  	[tilespmem:s23], [sflag:$0x1] =	stream.indirect.gather [hbm4b:s4+s20], $0x80, s5, s20, $0xb8;
	v63 =	vld [tilespmem:$0x0]  }
0x45: {  	_ =	swait.ge [sflag:s26], $0x2800  }
0x46: {  	[sflag:s26] =	ssyncset.done $0x0  }
0x47: {  	[sflag:s26] =	ssyncadd.s32 $0xFFFFD800  }
0x48: {  	[spmem:s2] =	stream.indirect.scatter.add.f32 [tilespmem:s29], [sflag:$0x2], $0x80, s7, s20, $0xb8;
	v63 =	vld [tilespmem:$0x0]  }
0x49: {  	_ =	swait.ge [sflag:s31], $0x2800  }
0x4a: {  	[sflag:s31] =	ssyncset.done $0x0  }
0x4b: {  	[sflag:s31] =	ssyncadd.s32 $0xFFFFD800  }
0x4c: {  	[tilespmem:s25], [sflag:$0x1] =	stream.indirect.gather [hbm4b:s4+s20], $0x80, s8, s20, $0xb8;
	v63 =	vld [tilespmem:$0x0]  }
0x4d: {  	_ =	swait.ge [sflag:s26], $0x2800  }
0x4e: {  	[sflag:s26] =	ssyncset.done $0x0  }
0x4f: {  	s16 =	simm.s32 $0x1200;
	[sflag:s26] =	ssyncadd.s32 $0xFFFFD800  }
0x50: {  	[spmem:s2] =	stream.indirect.scatter.add.f32 [tilespmem:s21], [sflag:$0x2], $0x80, s16, s20, $0xb8;
	v63 =	vld [tilespmem:$0x0]  }
0x51: {  	_ =	swait.ge [sflag:s31], $0x2800  }
0x52: {  	[sflag:s31] =	ssyncset.done $0x0  }
0x53: {  	s3 =	simm.s32 $0x380;
	[sflag:s31] =	ssyncadd.s32 $0xFFFFD800  }
0x54: {  	[tilespmem:s29], [sflag:$0x1] =	stream.indirect.gather [hbm4b:s4+s20], $0x80, s3, s20, $0xb8;
	v63 =	vld [tilespmem:$0x0]  }
0x55: {  	_ =	swait.ge [sflag:s26], $0x2800  }
0x56: {  	[sflag:s26] =	ssyncset.done $0x0  }
0x57: {  	s16 =	simm.s32 $0x1280;
	[sflag:s26] =	ssyncadd.s32 $0xFFFFD800  }
0x58: {  	[spmem:s2] =	stream.indirect.scatter.add.f32 [tilespmem:s23], [sflag:$0x2], $0x80, s16, s20, $0xb8;
	v63 =	vld [tilespmem:$0x0]  }
0x59: {  	_ =	swait.ge [sflag:s31], $0x2800  }
0x5a: {  	[sflag:s31] =	ssyncset.done $0x0  }
0x5b: {  	s3 =	simm.s32 $0x400;
	[sflag:s31] =	ssyncadd.s32 $0xFFFFD800  }
0x5c: {  	[tilespmem:s21], [sflag:$0x1] =	stream.indirect.gather [hbm4b:s4+s20], $0x80, s3, s20, $0xb8;
	v63 =	vld [tilespmem:$0x0]  }
0x5d: {  	_ =	swait.ge [sflag:s26], $0x2800  }
0x5e: {  	[sflag:s26] =	ssyncset.done $0x0  }
0x5f: {  	s16 =	simm.s32 $0x1300;
	[sflag:s26] =	ssyncadd.s32 $0xFFFFD800  }
0x60: {  	[spmem:s2] =	stream.indirect.scatter.add.f32 [tilespmem:s25], [sflag:$0x2], $0x80, s16, s20, $0xb8;
	v63 =	vld [tilespmem:$0x0]  }
0x61: {  	_ =	swait.ge [sflag:s31], $0x2800  }
0x62: {  	[sflag:s31] =	ssyncset.done $0x0  }
0x63: {  	s3 =	simm.s32 $0x480;
	[sflag:s31] =	ssyncadd.s32 $0xFFFFD800  }
0x64: {  	[tilespmem:s23], [sflag:$0x1] =	stream.indirect.gather [hbm4b:s4+s20], $0x80, s3, s20, $0xb8;
	v63 =	vld [tilespmem:$0x0]  }
0x65: {  	_ =	swait.ge [sflag:s26], $0x2800  }
0x66: {  	[sflag:s26] =	ssyncset.done $0x0  }
0x67: {  	s16 =	simm.s32 $0x1380;
	[sflag:s26] =	ssyncadd.s32 $0xFFFFD800  }
0x68: {  	[spmem:s2] =	stream.indirect.scatter.add.f32 [tilespmem:s29], [sflag:$0x2], $0x80, s16, s20, $0xb8;
	v63 =	vld [tilespmem:$0x0]  }
0x69: {  	_ =	swait.ge [sflag:s31], $0x2800  }
0x6a: {  	[sflag:s31] =	ssyncset.done $0x0  }
0x6b: {  	s15 =	simm.s32 $0x800;
	s16 =	simm.s32 $0x500;
	[sflag:s31] =	ssyncadd.s32 $0xFFFFD800  }
.LBB2_2:
0x6c: {  	[tilespmem:s25], [sflag:$0x1] =	stream.indirect.gather [hbm4b:s4+s20], $0x80, s16, s20, $0xb8;
	v63 =	vld [tilespmem:$0x0]  }
0x6d: {  	s16 =	smov.u32 s15  }
0x6e: {  	p0 =	sne.s32 s15, $0x2800;
	s15 =	sadd.s32 $0x800, s15;
	_ =	swait.ge [sflag:s26], $0x2800  }
0x6f: {  	s16 =	sshra.s32 s16, $0x2;
	[sflag:s26] =	ssyncset.done $0x0  }
0x70: {  	s3 =	sadd.s32 $0x1200, s16;
	[sflag:s26] =	ssyncadd.s32 $0xFFFFD800  }
0x71: {  	[spmem:s2] =	stream.indirect.scatter.add.f32 [tilespmem:s21], [sflag:$0x2], $0x80, s3, s20, $0xb8;
	v63 =	vld [tilespmem:$0x0]  }
0x72: {  	_ =	swait.ge [sflag:s31], $0x2800  }
0x73: {  	[sflag:s31] =	ssyncset.done $0x0  }
0x74: {  	s3 =	sadd.s32 $0x380, s16;
	[sflag:s31] =	ssyncadd.s32 $0xFFFFD800  }
0x75: {  	[tilespmem:s29], [sflag:$0x1] =	stream.indirect.gather [hbm4b:s4+s20], $0x80, s3, s20, $0xb8;
	v63 =	vld [tilespmem:$0x0]  }
0x76: {  	_ =	swait.ge [sflag:s26], $0x2800  }
0x77: {  	[sflag:s26] =	ssyncset.done $0x0  }
0x78: {  	s3 =	sadd.s32 $0x1280, s16;
	[sflag:s26] =	ssyncadd.s32 $0xFFFFD800  }
0x79: {  	[spmem:s2] =	stream.indirect.scatter.add.f32 [tilespmem:s23], [sflag:$0x2], $0x80, s3, s20, $0xb8;
	v63 =	vld [tilespmem:$0x0]  }
0x7a: {  	_ =	swait.ge [sflag:s31], $0x2800  }
0x7b: {  	[sflag:s31] =	ssyncset.done $0x0  }
0x7c: {  	s3 =	sadd.s32 $0x400, s16;
	[sflag:s31] =	ssyncadd.s32 $0xFFFFD800  }
0x7d: {  	[tilespmem:s21], [sflag:$0x1] =	stream.indirect.gather [hbm4b:s4+s20], $0x80, s3, s20, $0xb8;
	v63 =	vld [tilespmem:$0x0]  }
0x7e: {  	_ =	swait.ge [sflag:s26], $0x2800  }
0x7f: {  	[sflag:s26] =	ssyncset.done $0x0  }
0x80: {  	s3 =	sadd.s32 $0x1300, s16;
	[sflag:s26] =	ssyncadd.s32 $0xFFFFD800  }
0x81: {  	[spmem:s2] =	stream.indirect.scatter.add.f32 [tilespmem:s25], [sflag:$0x2], $0x80, s3, s20, $0xb8;
	v63 =	vld [tilespmem:$0x0]  }
0x82: {  	_ =	swait.ge [sflag:s31], $0x2800  }
0x83: {  	[sflag:s31] =	ssyncset.done $0x0  }
0x84: {  	s3 =	sadd.s32 $0x480, s16;
	[sflag:s31] =	ssyncadd.s32 $0xFFFFD800  }
0x85: {  	[tilespmem:s23], [sflag:$0x1] =	stream.indirect.gather [hbm4b:s4+s20], $0x80, s3, s20, $0xb8;
	v63 =	vld [tilespmem:$0x0]  }
0x86: {  	_ =	swait.ge [sflag:s26], $0x2800  }
0x87: {  	[sflag:s26] =	ssyncset.done $0x0  }
.Ltmp0:
0x88: {  	s3 =	sadd.s32 $0x1380, s16;
	[sflag:s26] =	ssyncadd.s32 $0xFFFFD800;
	(pc) =	sbr.rel @p0 .LBB2_2-.Ltmp0, $4  }
0x89: {  	[spmem:s2] =	stream.indirect.scatter.add.f32 [tilespmem:s29], [sflag:$0x2], $0x80, s3, s20, $0xb8;
	v63 =	vld [tilespmem:$0x0]  }
0x8a: {  	_ =	swait.ge [sflag:s31], $0x2800  }
0x8b: {  	[sflag:s31] =	ssyncset.done $0x0  }
0x8c: {  	s16 =	sadd.s32 $0x500, s16;
	[sflag:s31] =	ssyncadd.s32 $0xFFFFD800  }
0x8d: {  	[tilespmem:s25], [sflag:$0x1] =	stream.indirect.gather [hbm4b:s4+s20], $0x80, s16, s20, $0xb8;
	v63 =	vld [tilespmem:$0x0]  }
0x8e: {  	_ =	swait.ge [sflag:s26], $0x2800  }
0x8f: {  	[sflag:s26] =	ssyncset.done $0x0  }
0x90: {  	[sflag:s26] =	ssyncadd.s32 $0xFFFFD800  }
0x91: {  	[spmem:s2] =	stream.indirect.scatter.add.f32 [tilespmem:s21], [sflag:$0x2], $0x80, s9, s20, $0xb8;
	v63 =	vld [tilespmem:$0x0]  }
0x92: {  	_ =	swait.ge [sflag:s31], $0x2800  }
0x93: {  	[sflag:s31] =	ssyncset.done $0x0  }
0x94: {  	[sflag:s31] =	ssyncadd.s32 $0xFFFFD800  }
0x95: {  	[tilespmem:s29], [sflag:$0x1] =	stream.indirect.gather [hbm4b:s4+s20], $0x80, s10, s20, $0xb8;
	v63 =	vld [tilespmem:$0x0]  }
0x96: {  	_ =	swait.ge [sflag:s26], $0x2800  }
0x97: {  	[sflag:s26] =	ssyncset.done $0x0  }
0x98: {  	[sflag:s26] =	ssyncadd.s32 $0xFFFFD800  }
0x99: {  	[spmem:s2] =	stream.indirect.scatter.add.f32 [tilespmem:s23], [sflag:$0x2], $0x80, s11, s20, $0xb8;
	v63 =	vld [tilespmem:$0x0]  }
0x9a: {  	_ =	swait.ge [sflag:s31], $0x2800  }
0x9b: {  	[sflag:s31] =	ssyncset.done $0x0  }
0x9c: {  	[sflag:s31] =	ssyncadd.s32 $0xFFFFD800  }
0x9d: {  	_ =	swait.ge [sflag:s26], $0x2800  }
0x9e: {  	[sflag:s26] =	ssyncset.done $0x0  }
0x9f: {  	[sflag:s26] =	ssyncadd.s32 $0xFFFFD800  }
0xa0: {  	[spmem:s2] =	stream.indirect.scatter.add.f32 [tilespmem:s25], [sflag:$0x2], $0x80, s12, s20, $0xb8;
	v63 =	vld [tilespmem:$0x0]  }
0xa1: {  	_ =	swait.ge [sflag:s31], $0x2800  }
0xa2: {  	[sflag:s31] =	ssyncset.done $0x0  }
0xa3: {  	[sflag:s31] =	ssyncadd.s32 $0xFFFFD800  }
0xa4: {  	_ =	swait.ge [sflag:s26], $0x2800  }
0xa5: {  	[sflag:s26] =	ssyncset.done $0x0  }
0xa6: {  	[sflag:s26] =	ssyncadd.s32 $0xFFFFD800  }
0xa7: {  	[spmem:s2] =	stream.indirect.scatter.add.f32 [tilespmem:s29], [sflag:$0x2], $0x80, s13, s20, $0xb8;
	v63 =	vld [tilespmem:$0x0]  }
0xa8: {  	_ =	swait.ge [sflag:s31], $0x2800  }
0xa9: {  	[sflag:s31] =	ssyncset.done $0x0  }
0xaa: {  	[sflag:s31] =	ssyncadd.s32 $0xFFFFD800  }
0xab: {  	_ =	swait.ge [sflag:s31], $0x2800  }
0xac: {  	[sflag:s31] =	ssyncset.done $0x0  }
0xad: {  	s3 =	simm.s32 $0x0;
	s15 =	rddreg [dreg:$0x6];
	[sflag:s31] =	ssyncadd.s32 $0xFFFFD800  }
0xae: {  	[tilespmem:s3], [sflag:$0x3] =	stream.linear.gather [hbm4b:s15+s3], $0x1000, $0x38;
	v63 =	vld [tilespmem:$0x0]  }
0xaf: {  	_ =	swait.ge [sflag:s18], $0x1000  }
0xb0: {  	[sflag:s18] =	ssyncset.done $0x0  }
0xb1: {  	s16 =	rddreg [dreg:$0x7];
	[sflag:s18] =	ssyncadd.s32 $0xFFFFF000  }
0xb2: {  	[tilespmem:s19], [sflag:$0x3] =	stream.linear.gather [hbm4b:s16+s3], $0x1000, $0x38;
	v63 =	vld [tilespmem:$0x0]  }
0xb3: {  	_ =	swait.ge [sflag:s18], $0x1000  }
0xb4: {  	[sflag:s18] =	ssyncset.done $0x0  }
0xb5: {  	[sflag:s18] =	ssyncadd.s32 $0xFFFFF000  }
0xb6: {  	[tilespmem:s21], [sflag:$0x1] =	stream.indirect.gather [hbm4b:s4+s20], $0x80, s3, s20, $0xb8;
	v63 =	vld [tilespmem:$0x0]  }
0xb7: {  	_ = 	snop  }
0xb8: {  	[tilespmem:s23], [sflag:$0x1] =	stream.indirect.gather [hbm4b:s4+s20], $0x80, s22, s20, $0xb8;
	v63 =	vld [tilespmem:$0x0]  }
0xb9: {  	_ = 	snop  }
0xba: {  	[tilespmem:s25], [sflag:$0x1] =	stream.indirect.gather [hbm4b:s4+s20], $0x80, s24, s20, $0xb8;
	v63 =	vld [tilespmem:$0x0]  }
0xbb: {  	_ =	swait.ge [sflag:s26], $0x2800  }
0xbc: {  	[sflag:s26] =	ssyncset.done $0x0  }
0xbd: {  	[sflag:s26] =	ssyncadd.s32 $0xFFFFD800  }
0xbe: {  	[spmem:s2] =	stream.indirect.scatter.add.f32 [tilespmem:s21], [sflag:$0x2], $0x80, s19, s20, $0xb8;
	v63 =	vld [tilespmem:$0x0]  }
0xbf: {  	_ = 	snop  }
0xc0: {  	[tilespmem:s29], [sflag:$0x1] =	stream.indirect.gather [hbm4b:s4+s20], $0x80, s28, s20, $0xb8;
	v63 =	vld [tilespmem:$0x0]  }
0xc1: {  	_ =	swait.ge [sflag:s26], $0x2800  }
0xc2: {  	[sflag:s26] =	ssyncset.done $0x0  }
0xc3: {  	[sflag:s26] =	ssyncadd.s32 $0xFFFFD800  }
0xc4: {  	[spmem:s2] =	stream.indirect.scatter.add.f32 [tilespmem:s23], [sflag:$0x2], $0x80, s30, s20, $0xb8;
	v63 =	vld [tilespmem:$0x0]  }
0xc5: {  	_ =	swait.ge [sflag:s31], $0x2800  }
0xc6: {  	[sflag:s31] =	ssyncset.done $0x0  }
0xc7: {  	[sflag:s31] =	ssyncadd.s32 $0xFFFFD800  }
0xc8: {  	[tilespmem:s21], [sflag:$0x1] =	stream.indirect.gather [hbm4b:s4+s20], $0x80, s0, s20, $0xb8;
	v63 =	vld [tilespmem:$0x0]  }
0xc9: {  	_ =	swait.ge [sflag:s26], $0x2800  }
0xca: {  	[sflag:s26] =	ssyncset.done $0x0  }
0xcb: {  	[sflag:s26] =	ssyncadd.s32 $0xFFFFD800  }
0xcc: {  	[spmem:s2] =	stream.indirect.scatter.add.f32 [tilespmem:s25], [sflag:$0x2], $0x80, s1, s20, $0xb8;
	v63 =	vld [tilespmem:$0x0]  }
0xcd: {  	_ =	swait.ge [sflag:s31], $0x2800  }
0xce: {  	[sflag:s31] =	ssyncset.done $0x0  }
0xcf: {  	[sflag:s31] =	ssyncadd.s32 $0xFFFFD800  }
0xd0: {  	[tilespmem:s23], [sflag:$0x1] =	stream.indirect.gather [hbm4b:s4+s20], $0x80, s5, s20, $0xb8;
	v63 =	vld [tilespmem:$0x0]  }
0xd1: {  	_ =	swait.ge [sflag:s26], $0x2800  }
0xd2: {  	[sflag:s26] =	ssyncset.done $0x0  }
0xd3: {  	[sflag:s26] =	ssyncadd.s32 $0xFFFFD800  }
0xd4: {  	[spmem:s2] =	stream.indirect.scatter.add.f32 [tilespmem:s29], [sflag:$0x2], $0x80, s7, s20, $0xb8;
	v63 =	vld [tilespmem:$0x0]  }
0xd5: {  	_ =	swait.ge [sflag:s31], $0x2800  }
0xd6: {  	[sflag:s31] =	ssyncset.done $0x0  }
0xd7: {  	[sflag:s31] =	ssyncadd.s32 $0xFFFFD800  }
0xd8: {  	[tilespmem:s25], [sflag:$0x1] =	stream.indirect.gather [hbm4b:s4+s20], $0x80, s8, s20, $0xb8;
	v63 =	vld [tilespmem:$0x0]  }
0xd9: {  	_ =	swait.ge [sflag:s26], $0x2800  }
0xda: {  	[sflag:s26] =	ssyncset.done $0x0  }
0xdb: {  	s16 =	simm.s32 $0x1200;
	[sflag:s26] =	ssyncadd.s32 $0xFFFFD800  }
0xdc: {  	[spmem:s2] =	stream.indirect.scatter.add.f32 [tilespmem:s21], [sflag:$0x2], $0x80, s16, s20, $0xb8;
	v63 =	vld [tilespmem:$0x0]  }
0xdd: {  	_ =	swait.ge [sflag:s31], $0x2800  }
0xde: {  	[sflag:s31] =	ssyncset.done $0x0  }
0xdf: {  	s15 =	simm.s32 $0x380;
	[sflag:s31] =	ssyncadd.s32 $0xFFFFD800  }
0xe0: {  	[tilespmem:s29], [sflag:$0x1] =	stream.indirect.gather [hbm4b:s4+s20], $0x80, s15, s20, $0xb8;
	v63 =	vld [tilespmem:$0x0]  }
0xe1: {  	_ =	swait.ge [sflag:s26], $0x2800  }
0xe2: {  	[sflag:s26] =	ssyncset.done $0x0  }
0xe3: {  	s16 =	simm.s32 $0x1280;
	[sflag:s26] =	ssyncadd.s32 $0xFFFFD800  }
0xe4: {  	[spmem:s2] =	stream.indirect.scatter.add.f32 [tilespmem:s23], [sflag:$0x2], $0x80, s16, s20, $0xb8;
	v63 =	vld [tilespmem:$0x0]  }
0xe5: {  	_ =	swait.ge [sflag:s31], $0x2800  }
0xe6: {  	[sflag:s31] =	ssyncset.done $0x0  }
0xe7: {  	s15 =	simm.s32 $0x400;
	[sflag:s31] =	ssyncadd.s32 $0xFFFFD800  }
0xe8: {  	[tilespmem:s21], [sflag:$0x1] =	stream.indirect.gather [hbm4b:s4+s20], $0x80, s15, s20, $0xb8;
	v63 =	vld [tilespmem:$0x0]  }
0xe9: {  	_ =	swait.ge [sflag:s26], $0x2800  }
0xea: {  	[sflag:s26] =	ssyncset.done $0x0  }
0xeb: {  	s16 =	simm.s32 $0x1300;
	[sflag:s26] =	ssyncadd.s32 $0xFFFFD800  }
0xec: {  	[spmem:s2] =	stream.indirect.scatter.add.f32 [tilespmem:s25], [sflag:$0x2], $0x80, s16, s20, $0xb8;
	v63 =	vld [tilespmem:$0x0]  }
0xed: {  	_ =	swait.ge [sflag:s31], $0x2800  }
0xee: {  	[sflag:s31] =	ssyncset.done $0x0  }
0xef: {  	s15 =	simm.s32 $0x480;
	[sflag:s31] =	ssyncadd.s32 $0xFFFFD800  }
0xf0: {  	[tilespmem:s23], [sflag:$0x1] =	stream.indirect.gather [hbm4b:s4+s20], $0x80, s15, s20, $0xb8;
	v63 =	vld [tilespmem:$0x0]  }
0xf1: {  	_ =	swait.ge [sflag:s26], $0x2800  }
0xf2: {  	[sflag:s26] =	ssyncset.done $0x0  }
0xf3: {  	s16 =	simm.s32 $0x1380;
	[sflag:s26] =	ssyncadd.s32 $0xFFFFD800  }
0xf4: {  	[spmem:s2] =	stream.indirect.scatter.add.f32 [tilespmem:s29], [sflag:$0x2], $0x80, s16, s20, $0xb8;
	v63 =	vld [tilespmem:$0x0]  }
0xf5: {  	_ =	swait.ge [sflag:s31], $0x2800  }
0xf6: {  	[sflag:s31] =	ssyncset.done $0x0  }
0xf7: {  	s15 =	simm.s32 $0x800;
	s16 =	simm.s32 $0x500;
	[sflag:s31] =	ssyncadd.s32 $0xFFFFD800  }
.LBB2_4:
0xf8: {  	[tilespmem:s25], [sflag:$0x1] =	stream.indirect.gather [hbm4b:s4+s20], $0x80, s16, s20, $0xb8;
	v63 =	vld [tilespmem:$0x0]  }
0xf9: {  	s3 =	smov.u32 s15  }
0xfa: {  	p0 =	sne.s32 s15, $0x2800;
	s15 =	sadd.s32 $0x800, s15;
	_ =	swait.ge [sflag:s26], $0x2800  }
0xfb: {  	s16 =	sshra.s32 s3, $0x2;
	[sflag:s26] =	ssyncset.done $0x0  }
0xfc: {  	s3 =	sadd.s32 $0x1200, s16;
	[sflag:s26] =	ssyncadd.s32 $0xFFFFD800  }
0xfd: {  	[spmem:s2] =	stream.indirect.scatter.add.f32 [tilespmem:s21], [sflag:$0x2], $0x80, s3, s20, $0xb8;
	v63 =	vld [tilespmem:$0x0]  }
0xfe: {  	_ =	swait.ge [sflag:s31], $0x2800  }
0xff: {  	[sflag:s31] =	ssyncset.done $0x0  }
0x100: {  	s3 =	sadd.s32 $0x380, s16;
	[sflag:s31] =	ssyncadd.s32 $0xFFFFD800  }
0x101: {  	[tilespmem:s29], [sflag:$0x1] =	stream.indirect.gather [hbm4b:s4+s20], $0x80, s3, s20, $0xb8;
	v63 =	vld [tilespmem:$0x0]  }
0x102: {  	_ =	swait.ge [sflag:s26], $0x2800  }
0x103: {  	[sflag:s26] =	ssyncset.done $0x0  }
0x104: {  	s3 =	sadd.s32 $0x1280, s16;
	[sflag:s26] =	ssyncadd.s32 $0xFFFFD800  }
0x105: {  	[spmem:s2] =	stream.indirect.scatter.add.f32 [tilespmem:s23], [sflag:$0x2], $0x80, s3, s20, $0xb8;
	v63 =	vld [tilespmem:$0x0]  }
0x106: {  	_ =	swait.ge [sflag:s31], $0x2800  }
0x107: {  	[sflag:s31] =	ssyncset.done $0x0  }
0x108: {  	s3 =	sadd.s32 $0x400, s16;
	[sflag:s31] =	ssyncadd.s32 $0xFFFFD800  }
0x109: {  	[tilespmem:s21], [sflag:$0x1] =	stream.indirect.gather [hbm4b:s4+s20], $0x80, s3, s20, $0xb8;
	v63 =	vld [tilespmem:$0x0]  }
0x10a: {  	_ =	swait.ge [sflag:s26], $0x2800  }
0x10b: {  	[sflag:s26] =	ssyncset.done $0x0  }
0x10c: {  	s3 =	sadd.s32 $0x1300, s16;
	[sflag:s26] =	ssyncadd.s32 $0xFFFFD800  }
0x10d: {  	[spmem:s2] =	stream.indirect.scatter.add.f32 [tilespmem:s25], [sflag:$0x2], $0x80, s3, s20, $0xb8;
	v63 =	vld [tilespmem:$0x0]  }
0x10e: {  	_ =	swait.ge [sflag:s31], $0x2800  }
0x10f: {  	[sflag:s31] =	ssyncset.done $0x0  }
0x110: {  	s3 =	sadd.s32 $0x480, s16;
	[sflag:s31] =	ssyncadd.s32 $0xFFFFD800  }
0x111: {  	[tilespmem:s23], [sflag:$0x1] =	stream.indirect.gather [hbm4b:s4+s20], $0x80, s3, s20, $0xb8;
	v63 =	vld [tilespmem:$0x0]  }
0x112: {  	_ =	swait.ge [sflag:s26], $0x2800  }
0x113: {  	[sflag:s26] =	ssyncset.done $0x0  }
.Ltmp1:
0x114: {  	s3 =	sadd.s32 $0x1380, s16;
	[sflag:s26] =	ssyncadd.s32 $0xFFFFD800;
	(pc) =	sbr.rel @p0 .LBB2_4-.Ltmp1, $4  }
0x115: {  	[spmem:s2] =	stream.indirect.scatter.add.f32 [tilespmem:s29], [sflag:$0x2], $0x80, s3, s20, $0xb8;
	v63 =	vld [tilespmem:$0x0]  }
0x116: {  	_ =	swait.ge [sflag:s31], $0x2800  }
0x117: {  	[sflag:s31] =	ssyncset.done $0x0  }
0x118: {  	s16 =	sadd.s32 $0x500, s16;
	[sflag:s31] =	ssyncadd.s32 $0xFFFFD800  }
0x119: {  	[tilespmem:s25], [sflag:$0x1] =	stream.indirect.gather [hbm4b:s4+s20], $0x80, s16, s20, $0xb8;
	v63 =	vld [tilespmem:$0x0]  }
0x11a: {  	_ =	swait.ge [sflag:s26], $0x2800  }
0x11b: {  	[sflag:s26] =	ssyncset.done $0x0  }
0x11c: {  	[sflag:s26] =	ssyncadd.s32 $0xFFFFD800  }
0x11d: {  	[spmem:s2] =	stream.indirect.scatter.add.f32 [tilespmem:s21], [sflag:$0x2], $0x80, s9, s20, $0xb8;
	v63 =	vld [tilespmem:$0x0]  }
0x11e: {  	_ =	swait.ge [sflag:s31], $0x2800  }
0x11f: {  	[sflag:s31] =	ssyncset.done $0x0  }
0x120: {  	[sflag:s31] =	ssyncadd.s32 $0xFFFFD800  }
0x121: {  	[tilespmem:s29], [sflag:$0x1] =	stream.indirect.gather [hbm4b:s4+s20], $0x80, s10, s20, $0xb8;
	v63 =	vld [tilespmem:$0x0]  }
0x122: {  	_ =	swait.ge [sflag:s26], $0x2800  }
0x123: {  	[sflag:s26] =	ssyncset.done $0x0  }
0x124: {  	[sflag:s26] =	ssyncadd.s32 $0xFFFFD800  }
0x125: {  	[spmem:s2] =	stream.indirect.scatter.add.f32 [tilespmem:s23], [sflag:$0x2], $0x80, s11, s20, $0xb8;
	v63 =	vld [tilespmem:$0x0]  }
0x126: {  	_ =	swait.ge [sflag:s31], $0x2800  }
0x127: {  	[sflag:s31] =	ssyncset.done $0x0  }
0x128: {  	[sflag:s31] =	ssyncadd.s32 $0xFFFFD800  }
0x129: {  	_ =	swait.ge [sflag:s26], $0x2800  }
0x12a: {  	[sflag:s26] =	ssyncset.done $0x0  }
0x12b: {  	[sflag:s26] =	ssyncadd.s32 $0xFFFFD800  }
0x12c: {  	[spmem:s2] =	stream.indirect.scatter.add.f32 [tilespmem:s25], [sflag:$0x2], $0x80, s12, s20, $0xb8;
	v63 =	vld [tilespmem:$0x0]  }
0x12d: {  	_ =	swait.ge [sflag:s31], $0x2800  }
0x12e: {  	[sflag:s31] =	ssyncset.done $0x0  }
0x12f: {  	[sflag:s31] =	ssyncadd.s32 $0xFFFFD800  }
0x130: {  	_ =	swait.ge [sflag:s26], $0x2800  }
0x131: {  	[sflag:s26] =	ssyncset.done $0x0  }
0x132: {  	[sflag:s26] =	ssyncadd.s32 $0xFFFFD800  }
0x133: {  	[spmem:s2] =	stream.indirect.scatter.add.f32 [tilespmem:s29], [sflag:$0x2], $0x80, s13, s20, $0xb8;
	v63 =	vld [tilespmem:$0x0]  }
0x134: {  	_ =	swait.ge [sflag:s31], $0x2800  }
0x135: {  	[sflag:s31] =	ssyncset.done $0x0  }
0x136: {  	[sflag:s31] =	ssyncadd.s32 $0xFFFFD800  }
0x137: {  	_ =	swait.ge [sflag:s31], $0x2800  }
0x138: {  	[sflag:s31] =	ssyncset.done $0x0  }
0x139: {  	s3 =	simm.s32 $0x0;
	s15 =	rddreg [dreg:$0x8];
	[sflag:s31] =	ssyncadd.s32 $0xFFFFD800  }
0x13a: {  	[tilespmem:s3], [sflag:$0x3] =	stream.linear.gather [hbm4b:s15+s3], $0x1000, $0x38;
	v63 =	vld [tilespmem:$0x0]  }
0x13b: {  	_ =	swait.ge [sflag:s18], $0x1000  }
0x13c: {  	[sflag:s18] =	ssyncset.done $0x0  }
0x13d: {  	s16 =	rddreg [dreg:$0x9];
	[sflag:s18] =	ssyncadd.s32 $0xFFFFF000  }
0x13e: {  	[tilespmem:s19], [sflag:$0x3] =	stream.linear.gather [hbm4b:s16+s3], $0x1000, $0x38;
	v63 =	vld [tilespmem:$0x0]  }
0x13f: {  	_ =	swait.ge [sflag:s18], $0x1000  }
0x140: {  	[sflag:s18] =	ssyncset.done $0x0  }
0x141: {  	[sflag:s18] =	ssyncadd.s32 $0xFFFFF000  }
0x142: {  	[tilespmem:s21], [sflag:$0x1] =	stream.indirect.gather [hbm4b:s4+s20], $0x80, s3, s20, $0xb8;
	v63 =	vld [tilespmem:$0x0]  }
0x143: {  	_ = 	snop  }
0x144: {  	[tilespmem:s23], [sflag:$0x1] =	stream.indirect.gather [hbm4b:s4+s20], $0x80, s22, s20, $0xb8;
	v63 =	vld [tilespmem:$0x0]  }
0x145: {  	_ = 	snop  }
0x146: {  	[tilespmem:s25], [sflag:$0x1] =	stream.indirect.gather [hbm4b:s4+s20], $0x80, s24, s20, $0xb8;
	v63 =	vld [tilespmem:$0x0]  }
0x147: {  	_ =	swait.ge [sflag:s26], $0x2800  }
0x148: {  	[sflag:s26] =	ssyncset.done $0x0  }
0x149: {  	[sflag:s26] =	ssyncadd.s32 $0xFFFFD800  }
0x14a: {  	[spmem:s2] =	stream.indirect.scatter.add.f32 [tilespmem:s21], [sflag:$0x2], $0x80, s19, s20, $0xb8;
	v63 =	vld [tilespmem:$0x0]  }
0x14b: {  	_ = 	snop  }
0x14c: {  	[tilespmem:s29], [sflag:$0x1] =	stream.indirect.gather [hbm4b:s4+s20], $0x80, s28, s20, $0xb8;
	v63 =	vld [tilespmem:$0x0]  }
0x14d: {  	_ =	swait.ge [sflag:s26], $0x2800  }
0x14e: {  	[sflag:s26] =	ssyncset.done $0x0  }
0x14f: {  	[sflag:s26] =	ssyncadd.s32 $0xFFFFD800  }
0x150: {  	[spmem:s2] =	stream.indirect.scatter.add.f32 [tilespmem:s23], [sflag:$0x2], $0x80, s30, s20, $0xb8;
	v63 =	vld [tilespmem:$0x0]  }
0x151: {  	_ =	swait.ge [sflag:s31], $0x2800  }
0x152: {  	[sflag:s31] =	ssyncset.done $0x0  }
0x153: {  	[sflag:s31] =	ssyncadd.s32 $0xFFFFD800  }
0x154: {  	[tilespmem:s21], [sflag:$0x1] =	stream.indirect.gather [hbm4b:s4+s20], $0x80, s0, s20, $0xb8;
	v63 =	vld [tilespmem:$0x0]  }
0x155: {  	_ =	swait.ge [sflag:s26], $0x2800  }
0x156: {  	[sflag:s26] =	ssyncset.done $0x0  }
0x157: {  	[sflag:s26] =	ssyncadd.s32 $0xFFFFD800  }
0x158: {  	[spmem:s2] =	stream.indirect.scatter.add.f32 [tilespmem:s25], [sflag:$0x2], $0x80, s1, s20, $0xb8;
	v63 =	vld [tilespmem:$0x0]  }
0x159: {  	_ =	swait.ge [sflag:s31], $0x2800  }
0x15a: {  	[sflag:s31] =	ssyncset.done $0x0  }
0x15b: {  	[sflag:s31] =	ssyncadd.s32 $0xFFFFD800  }
0x15c: {  	[tilespmem:s23], [sflag:$0x1] =	stream.indirect.gather [hbm4b:s4+s20], $0x80, s5, s20, $0xb8;
	v63 =	vld [tilespmem:$0x0]  }
0x15d: {  	_ =	swait.ge [sflag:s26], $0x2800  }
0x15e: {  	[sflag:s26] =	ssyncset.done $0x0  }
0x15f: {  	[sflag:s26] =	ssyncadd.s32 $0xFFFFD800  }
0x160: {  	[spmem:s2] =	stream.indirect.scatter.add.f32 [tilespmem:s29], [sflag:$0x2], $0x80, s7, s20, $0xb8;
	v63 =	vld [tilespmem:$0x0]  }
0x161: {  	_ =	swait.ge [sflag:s31], $0x2800  }
0x162: {  	[sflag:s31] =	ssyncset.done $0x0  }
0x163: {  	[sflag:s31] =	ssyncadd.s32 $0xFFFFD800  }
0x164: {  	[tilespmem:s25], [sflag:$0x1] =	stream.indirect.gather [hbm4b:s4+s20], $0x80, s8, s20, $0xb8;
	v63 =	vld [tilespmem:$0x0]  }
0x165: {  	_ =	swait.ge [sflag:s26], $0x2800  }
0x166: {  	[sflag:s26] =	ssyncset.done $0x0  }
0x167: {  	s16 =	simm.s32 $0x1200;
	[sflag:s26] =	ssyncadd.s32 $0xFFFFD800  }
0x168: {  	[spmem:s2] =	stream.indirect.scatter.add.f32 [tilespmem:s21], [sflag:$0x2], $0x80, s16, s20, $0xb8;
	v63 =	vld [tilespmem:$0x0]  }
0x169: {  	_ =	swait.ge [sflag:s31], $0x2800  }
0x16a: {  	[sflag:s31] =	ssyncset.done $0x0  }
0x16b: {  	s15 =	simm.s32 $0x380;
	[sflag:s31] =	ssyncadd.s32 $0xFFFFD800  }
0x16c: {  	[tilespmem:s29], [sflag:$0x1] =	stream.indirect.gather [hbm4b:s4+s20], $0x80, s15, s20, $0xb8;
	v63 =	vld [tilespmem:$0x0]  }
0x16d: {  	_ =	swait.ge [sflag:s26], $0x2800  }
0x16e: {  	[sflag:s26] =	ssyncset.done $0x0  }
0x16f: {  	s16 =	simm.s32 $0x1280;
	[sflag:s26] =	ssyncadd.s32 $0xFFFFD800  }
0x170: {  	[spmem:s2] =	stream.indirect.scatter.add.f32 [tilespmem:s23], [sflag:$0x2], $0x80, s16, s20, $0xb8;
	v63 =	vld [tilespmem:$0x0]  }
0x171: {  	_ =	swait.ge [sflag:s31], $0x2800  }
0x172: {  	[sflag:s31] =	ssyncset.done $0x0  }
0x173: {  	s15 =	simm.s32 $0x400;
	[sflag:s31] =	ssyncadd.s32 $0xFFFFD800  }
0x174: {  	[tilespmem:s21], [sflag:$0x1] =	stream.indirect.gather [hbm4b:s4+s20], $0x80, s15, s20, $0xb8;
	v63 =	vld [tilespmem:$0x0]  }
0x175: {  	_ =	swait.ge [sflag:s26], $0x2800  }
0x176: {  	[sflag:s26] =	ssyncset.done $0x0  }
0x177: {  	s16 =	simm.s32 $0x1300;
	[sflag:s26] =	ssyncadd.s32 $0xFFFFD800  }
0x178: {  	[spmem:s2] =	stream.indirect.scatter.add.f32 [tilespmem:s25], [sflag:$0x2], $0x80, s16, s20, $0xb8;
	v63 =	vld [tilespmem:$0x0]  }
0x179: {  	_ =	swait.ge [sflag:s31], $0x2800  }
0x17a: {  	[sflag:s31] =	ssyncset.done $0x0  }
0x17b: {  	s15 =	simm.s32 $0x480;
	[sflag:s31] =	ssyncadd.s32 $0xFFFFD800  }
0x17c: {  	[tilespmem:s23], [sflag:$0x1] =	stream.indirect.gather [hbm4b:s4+s20], $0x80, s15, s20, $0xb8;
	v63 =	vld [tilespmem:$0x0]  }
0x17d: {  	_ =	swait.ge [sflag:s26], $0x2800  }
0x17e: {  	[sflag:s26] =	ssyncset.done $0x0  }
0x17f: {  	s16 =	simm.s32 $0x1380;
	[sflag:s26] =	ssyncadd.s32 $0xFFFFD800  }
0x180: {  	[spmem:s2] =	stream.indirect.scatter.add.f32 [tilespmem:s29], [sflag:$0x2], $0x80, s16, s20, $0xb8;
	v63 =	vld [tilespmem:$0x0]  }
0x181: {  	_ =	swait.ge [sflag:s31], $0x2800  }
0x182: {  	[sflag:s31] =	ssyncset.done $0x0  }
0x183: {  	s15 =	simm.s32 $0x800;
	s16 =	simm.s32 $0x500;
	[sflag:s31] =	ssyncadd.s32 $0xFFFFD800  }
.LBB2_6:
0x184: {  	[tilespmem:s25], [sflag:$0x1] =	stream.indirect.gather [hbm4b:s4+s20], $0x80, s16, s20, $0xb8;
	v63 =	vld [tilespmem:$0x0]  }
0x185: {  	s3 =	smov.u32 s15  }
0x186: {  	p0 =	sne.s32 s15, $0x2800;
	s15 =	sadd.s32 $0x800, s15;
	_ =	swait.ge [sflag:s26], $0x2800  }
0x187: {  	s16 =	sshra.s32 s3, $0x2;
	[sflag:s26] =	ssyncset.done $0x0  }
0x188: {  	s3 =	sadd.s32 $0x1200, s16;
	[sflag:s26] =	ssyncadd.s32 $0xFFFFD800  }
0x189: {  	[spmem:s2] =	stream.indirect.scatter.add.f32 [tilespmem:s21], [sflag:$0x2], $0x80, s3, s20, $0xb8;
	v63 =	vld [tilespmem:$0x0]  }
0x18a: {  	_ =	swait.ge [sflag:s31], $0x2800  }
0x18b: {  	[sflag:s31] =	ssyncset.done $0x0  }
0x18c: {  	s3 =	sadd.s32 $0x380, s16;
	[sflag:s31] =	ssyncadd.s32 $0xFFFFD800  }
0x18d: {  	[tilespmem:s29], [sflag:$0x1] =	stream.indirect.gather [hbm4b:s4+s20], $0x80, s3, s20, $0xb8;
	v63 =	vld [tilespmem:$0x0]  }
0x18e: {  	_ =	swait.ge [sflag:s26], $0x2800  }
0x18f: {  	[sflag:s26] =	ssyncset.done $0x0  }
0x190: {  	s3 =	sadd.s32 $0x1280, s16;
	[sflag:s26] =	ssyncadd.s32 $0xFFFFD800  }
0x191: {  	[spmem:s2] =	stream.indirect.scatter.add.f32 [tilespmem:s23], [sflag:$0x2], $0x80, s3, s20, $0xb8;
	v63 =	vld [tilespmem:$0x0]  }
0x192: {  	_ =	swait.ge [sflag:s31], $0x2800  }
0x193: {  	[sflag:s31] =	ssyncset.done $0x0  }
0x194: {  	s3 =	sadd.s32 $0x400, s16;
	[sflag:s31] =	ssyncadd.s32 $0xFFFFD800  }
0x195: {  	[tilespmem:s21], [sflag:$0x1] =	stream.indirect.gather [hbm4b:s4+s20], $0x80, s3, s20, $0xb8;
	v63 =	vld [tilespmem:$0x0]  }
0x196: {  	_ =	swait.ge [sflag:s26], $0x2800  }
0x197: {  	[sflag:s26] =	ssyncset.done $0x0  }
0x198: {  	s3 =	sadd.s32 $0x1300, s16;
	[sflag:s26] =	ssyncadd.s32 $0xFFFFD800  }
0x199: {  	[spmem:s2] =	stream.indirect.scatter.add.f32 [tilespmem:s25], [sflag:$0x2], $0x80, s3, s20, $0xb8;
	v63 =	vld [tilespmem:$0x0]  }
0x19a: {  	_ =	swait.ge [sflag:s31], $0x2800  }
0x19b: {  	[sflag:s31] =	ssyncset.done $0x0  }
0x19c: {  	s3 =	sadd.s32 $0x480, s16;
	[sflag:s31] =	ssyncadd.s32 $0xFFFFD800  }
0x19d: {  	[tilespmem:s23], [sflag:$0x1] =	stream.indirect.gather [hbm4b:s4+s20], $0x80, s3, s20, $0xb8;
	v63 =	vld [tilespmem:$0x0]  }
0x19e: {  	_ =	swait.ge [sflag:s26], $0x2800  }
0x19f: {  	[sflag:s26] =	ssyncset.done $0x0  }
.Ltmp2:
0x1a0: {  	s3 =	sadd.s32 $0x1380, s16;
	[sflag:s26] =	ssyncadd.s32 $0xFFFFD800;
	(pc) =	sbr.rel @p0 .LBB2_6-.Ltmp2, $4  }
0x1a1: {  	[spmem:s2] =	stream.indirect.scatter.add.f32 [tilespmem:s29], [sflag:$0x2], $0x80, s3, s20, $0xb8;
	v63 =	vld [tilespmem:$0x0]  }
0x1a2: {  	_ =	swait.ge [sflag:s31], $0x2800  }
0x1a3: {  	[sflag:s31] =	ssyncset.done $0x0  }
0x1a4: {  	s16 =	sadd.s32 $0x500, s16;
	[sflag:s31] =	ssyncadd.s32 $0xFFFFD800  }
0x1a5: {  	[tilespmem:s25], [sflag:$0x1] =	stream.indirect.gather [hbm4b:s4+s20], $0x80, s16, s20, $0xb8;
	v63 =	vld [tilespmem:$0x0]  }
0x1a6: {  	_ =	swait.ge [sflag:s26], $0x2800  }
0x1a7: {  	[sflag:s26] =	ssyncset.done $0x0  }
0x1a8: {  	[sflag:s26] =	ssyncadd.s32 $0xFFFFD800  }
0x1a9: {  	[spmem:s2] =	stream.indirect.scatter.add.f32 [tilespmem:s21], [sflag:$0x2], $0x80, s9, s20, $0xb8;
	v63 =	vld [tilespmem:$0x0]  }
0x1aa: {  	_ =	swait.ge [sflag:s31], $0x2800  }
0x1ab: {  	[sflag:s31] =	ssyncset.done $0x0  }
0x1ac: {  	[sflag:s31] =	ssyncadd.s32 $0xFFFFD800  }
0x1ad: {  	[tilespmem:s29], [sflag:$0x1] =	stream.indirect.gather [hbm4b:s4+s20], $0x80, s10, s20, $0xb8;
	v63 =	vld [tilespmem:$0x0]  }
0x1ae: {  	_ =	swait.ge [sflag:s26], $0x2800  }
0x1af: {  	[sflag:s26] =	ssyncset.done $0x0  }
0x1b0: {  	[sflag:s26] =	ssyncadd.s32 $0xFFFFD800  }
0x1b1: {  	[spmem:s2] =	stream.indirect.scatter.add.f32 [tilespmem:s23], [sflag:$0x2], $0x80, s11, s20, $0xb8;
	v63 =	vld [tilespmem:$0x0]  }
0x1b2: {  	_ =	swait.ge [sflag:s31], $0x2800  }
0x1b3: {  	[sflag:s31] =	ssyncset.done $0x0  }
0x1b4: {  	[sflag:s31] =	ssyncadd.s32 $0xFFFFD800  }
0x1b5: {  	_ =	swait.ge [sflag:s26], $0x2800  }
0x1b6: {  	[sflag:s26] =	ssyncset.done $0x0  }
0x1b7: {  	[sflag:s26] =	ssyncadd.s32 $0xFFFFD800  }
0x1b8: {  	[spmem:s2] =	stream.indirect.scatter.add.f32 [tilespmem:s25], [sflag:$0x2], $0x80, s12, s20, $0xb8;
	v63 =	vld [tilespmem:$0x0]  }
0x1b9: {  	_ =	swait.ge [sflag:s31], $0x2800  }
0x1ba: {  	[sflag:s31] =	ssyncset.done $0x0  }
0x1bb: {  	[sflag:s31] =	ssyncadd.s32 $0xFFFFD800  }
0x1bc: {  	_ =	swait.ge [sflag:s26], $0x2800  }
0x1bd: {  	[sflag:s26] =	ssyncset.done $0x0  }
0x1be: {  	[sflag:s26] =	ssyncadd.s32 $0xFFFFD800  }
0x1bf: {  	[spmem:s2] =	stream.indirect.scatter.add.f32 [tilespmem:s29], [sflag:$0x2], $0x80, s13, s20, $0xb8;
	v63 =	vld [tilespmem:$0x0]  }
0x1c0: {  	_ =	swait.ge [sflag:s31], $0x2800  }
0x1c1: {  	[sflag:s31] =	ssyncset.done $0x0  }
0x1c2: {  	[sflag:s31] =	ssyncadd.s32 $0xFFFFD800  }
0x1c3: {  	_ =	swait.ge [sflag:s31], $0x2800  }
0x1c4: {  	[sflag:s31] =	ssyncset.done $0x0  }
0x1c5: {  	s3 =	simm.s32 $0x0;
	s15 =	rddreg [dreg:$0xa];
	[sflag:s31] =	ssyncadd.s32 $0xFFFFD800  }
0x1c6: {  	[tilespmem:s3], [sflag:$0x3] =	stream.linear.gather [hbm4b:s15+s3], $0x1000, $0x38;
	v63 =	vld [tilespmem:$0x0]  }
0x1c7: {  	_ =	swait.ge [sflag:s18], $0x1000  }
0x1c8: {  	[sflag:s18] =	ssyncset.done $0x0  }
0x1c9: {  	s16 =	rddreg [dreg:$0xb];
	[sflag:s18] =	ssyncadd.s32 $0xFFFFF000  }
0x1ca: {  	[tilespmem:s19], [sflag:$0x3] =	stream.linear.gather [hbm4b:s16+s3], $0x1000, $0x38;
	v63 =	vld [tilespmem:$0x0]  }
0x1cb: {  	_ =	swait.ge [sflag:s18], $0x1000  }
0x1cc: {  	[sflag:s18] =	ssyncset.done $0x0  }
0x1cd: {  	[sflag:s18] =	ssyncadd.s32 $0xFFFFF000  }
0x1ce: {  	[tilespmem:s21], [sflag:$0x1] =	stream.indirect.gather [hbm4b:s4+s20], $0x80, s3, s20, $0xb8;
	v63 =	vld [tilespmem:$0x0]  }
0x1cf: {  	_ = 	snop  }
0x1d0: {  	[tilespmem:s23], [sflag:$0x1] =	stream.indirect.gather [hbm4b:s4+s20], $0x80, s22, s20, $0xb8;
	v63 =	vld [tilespmem:$0x0]  }
0x1d1: {  	_ = 	snop  }
0x1d2: {  	[tilespmem:s25], [sflag:$0x1] =	stream.indirect.gather [hbm4b:s4+s20], $0x80, s24, s20, $0xb8;
	v63 =	vld [tilespmem:$0x0]  }
0x1d3: {  	_ =	swait.ge [sflag:s26], $0x2800  }
0x1d4: {  	[sflag:s26] =	ssyncset.done $0x0  }
0x1d5: {  	[sflag:s26] =	ssyncadd.s32 $0xFFFFD800  }
0x1d6: {  	[spmem:s2] =	stream.indirect.scatter.add.f32 [tilespmem:s21], [sflag:$0x2], $0x80, s19, s20, $0xb8;
	v63 =	vld [tilespmem:$0x0]  }
0x1d7: {  	_ = 	snop  }
0x1d8: {  	[tilespmem:s29], [sflag:$0x1] =	stream.indirect.gather [hbm4b:s4+s20], $0x80, s28, s20, $0xb8;
	v63 =	vld [tilespmem:$0x0]  }
0x1d9: {  	_ =	swait.ge [sflag:s26], $0x2800  }
0x1da: {  	[sflag:s26] =	ssyncset.done $0x0  }
0x1db: {  	[sflag:s26] =	ssyncadd.s32 $0xFFFFD800  }
0x1dc: {  	[spmem:s2] =	stream.indirect.scatter.add.f32 [tilespmem:s23], [sflag:$0x2], $0x80, s30, s20, $0xb8;
	v63 =	vld [tilespmem:$0x0]  }
0x1dd: {  	_ =	swait.ge [sflag:s31], $0x2800  }
0x1de: {  	[sflag:s31] =	ssyncset.done $0x0  }
0x1df: {  	[sflag:s31] =	ssyncadd.s32 $0xFFFFD800  }
0x1e0: {  	[tilespmem:s21], [sflag:$0x1] =	stream.indirect.gather [hbm4b:s4+s20], $0x80, s0, s20, $0xb8;
	v63 =	vld [tilespmem:$0x0]  }
0x1e1: {  	_ =	swait.ge [sflag:s26], $0x2800  }
0x1e2: {  	[sflag:s26] =	ssyncset.done $0x0  }
0x1e3: {  	[sflag:s26] =	ssyncadd.s32 $0xFFFFD800  }
0x1e4: {  	[spmem:s2] =	stream.indirect.scatter.add.f32 [tilespmem:s25], [sflag:$0x2], $0x80, s1, s20, $0xb8;
	v63 =	vld [tilespmem:$0x0]  }
0x1e5: {  	_ =	swait.ge [sflag:s31], $0x2800  }
0x1e6: {  	[sflag:s31] =	ssyncset.done $0x0  }
0x1e7: {  	[sflag:s31] =	ssyncadd.s32 $0xFFFFD800  }
0x1e8: {  	[tilespmem:s23], [sflag:$0x1] =	stream.indirect.gather [hbm4b:s4+s20], $0x80, s5, s20, $0xb8;
	v63 =	vld [tilespmem:$0x0]  }
0x1e9: {  	_ =	swait.ge [sflag:s26], $0x2800  }
0x1ea: {  	[sflag:s26] =	ssyncset.done $0x0  }
0x1eb: {  	[sflag:s26] =	ssyncadd.s32 $0xFFFFD800  }
0x1ec: {  	[spmem:s2] =	stream.indirect.scatter.add.f32 [tilespmem:s29], [sflag:$0x2], $0x80, s7, s20, $0xb8;
	v63 =	vld [tilespmem:$0x0]  }
0x1ed: {  	_ =	swait.ge [sflag:s31], $0x2800  }
0x1ee: {  	[sflag:s31] =	ssyncset.done $0x0  }
0x1ef: {  	[sflag:s31] =	ssyncadd.s32 $0xFFFFD800  }
0x1f0: {  	[tilespmem:s25], [sflag:$0x1] =	stream.indirect.gather [hbm4b:s4+s20], $0x80, s8, s20, $0xb8;
	v63 =	vld [tilespmem:$0x0]  }
0x1f1: {  	_ =	swait.ge [sflag:s26], $0x2800  }
0x1f2: {  	[sflag:s26] =	ssyncset.done $0x0  }
0x1f3: {  	s16 =	simm.s32 $0x1200;
	[sflag:s26] =	ssyncadd.s32 $0xFFFFD800  }
0x1f4: {  	[spmem:s2] =	stream.indirect.scatter.add.f32 [tilespmem:s21], [sflag:$0x2], $0x80, s16, s20, $0xb8;
	v63 =	vld [tilespmem:$0x0]  }
0x1f5: {  	_ =	swait.ge [sflag:s31], $0x2800  }
0x1f6: {  	[sflag:s31] =	ssyncset.done $0x0  }
0x1f7: {  	s15 =	simm.s32 $0x380;
	[sflag:s31] =	ssyncadd.s32 $0xFFFFD800  }
0x1f8: {  	[tilespmem:s29], [sflag:$0x1] =	stream.indirect.gather [hbm4b:s4+s20], $0x80, s15, s20, $0xb8;
	v63 =	vld [tilespmem:$0x0]  }
0x1f9: {  	_ =	swait.ge [sflag:s26], $0x2800  }
0x1fa: {  	[sflag:s26] =	ssyncset.done $0x0  }
0x1fb: {  	s16 =	simm.s32 $0x1280;
	[sflag:s26] =	ssyncadd.s32 $0xFFFFD800  }
0x1fc: {  	[spmem:s2] =	stream.indirect.scatter.add.f32 [tilespmem:s23], [sflag:$0x2], $0x80, s16, s20, $0xb8;
	v63 =	vld [tilespmem:$0x0]  }
0x1fd: {  	_ =	swait.ge [sflag:s31], $0x2800  }
0x1fe: {  	[sflag:s31] =	ssyncset.done $0x0  }
0x1ff: {  	s15 =	simm.s32 $0x400;
	[sflag:s31] =	ssyncadd.s32 $0xFFFFD800  }
0x200: {  	[tilespmem:s21], [sflag:$0x1] =	stream.indirect.gather [hbm4b:s4+s20], $0x80, s15, s20, $0xb8;
	v63 =	vld [tilespmem:$0x0]  }
0x201: {  	_ =	swait.ge [sflag:s26], $0x2800  }
0x202: {  	[sflag:s26] =	ssyncset.done $0x0  }
0x203: {  	s16 =	simm.s32 $0x1300;
	[sflag:s26] =	ssyncadd.s32 $0xFFFFD800  }
0x204: {  	[spmem:s2] =	stream.indirect.scatter.add.f32 [tilespmem:s25], [sflag:$0x2], $0x80, s16, s20, $0xb8;
	v63 =	vld [tilespmem:$0x0]  }
0x205: {  	_ =	swait.ge [sflag:s31], $0x2800  }
0x206: {  	[sflag:s31] =	ssyncset.done $0x0  }
0x207: {  	s15 =	simm.s32 $0x480;
	[sflag:s31] =	ssyncadd.s32 $0xFFFFD800  }
0x208: {  	[tilespmem:s23], [sflag:$0x1] =	stream.indirect.gather [hbm4b:s4+s20], $0x80, s15, s20, $0xb8;
	v63 =	vld [tilespmem:$0x0]  }
0x209: {  	_ =	swait.ge [sflag:s26], $0x2800  }
0x20a: {  	[sflag:s26] =	ssyncset.done $0x0  }
0x20b: {  	s16 =	simm.s32 $0x1380;
	[sflag:s26] =	ssyncadd.s32 $0xFFFFD800  }
0x20c: {  	[spmem:s2] =	stream.indirect.scatter.add.f32 [tilespmem:s29], [sflag:$0x2], $0x80, s16, s20, $0xb8;
	v63 =	vld [tilespmem:$0x0]  }
0x20d: {  	_ =	swait.ge [sflag:s31], $0x2800  }
0x20e: {  	[sflag:s31] =	ssyncset.done $0x0  }
0x20f: {  	s15 =	simm.s32 $0x800;
	s16 =	simm.s32 $0x500;
	[sflag:s31] =	ssyncadd.s32 $0xFFFFD800  }
.LBB2_8:
0x210: {  	[tilespmem:s25], [sflag:$0x1] =	stream.indirect.gather [hbm4b:s4+s20], $0x80, s16, s20, $0xb8;
	v63 =	vld [tilespmem:$0x0]  }
0x211: {  	s3 =	smov.u32 s15  }
0x212: {  	p0 =	sne.s32 s15, $0x2800;
	s15 =	sadd.s32 $0x800, s15;
	_ =	swait.ge [sflag:s26], $0x2800  }
0x213: {  	s16 =	sshra.s32 s3, $0x2;
	[sflag:s26] =	ssyncset.done $0x0  }
0x214: {  	s3 =	sadd.s32 $0x1200, s16;
	[sflag:s26] =	ssyncadd.s32 $0xFFFFD800  }
0x215: {  	[spmem:s2] =	stream.indirect.scatter.add.f32 [tilespmem:s21], [sflag:$0x2], $0x80, s3, s20, $0xb8;
	v63 =	vld [tilespmem:$0x0]  }
0x216: {  	_ =	swait.ge [sflag:s31], $0x2800  }
0x217: {  	[sflag:s31] =	ssyncset.done $0x0  }
0x218: {  	s3 =	sadd.s32 $0x380, s16;
	[sflag:s31] =	ssyncadd.s32 $0xFFFFD800  }
0x219: {  	[tilespmem:s29], [sflag:$0x1] =	stream.indirect.gather [hbm4b:s4+s20], $0x80, s3, s20, $0xb8;
	v63 =	vld [tilespmem:$0x0]  }
0x21a: {  	_ =	swait.ge [sflag:s26], $0x2800  }
0x21b: {  	[sflag:s26] =	ssyncset.done $0x0  }
0x21c: {  	s3 =	sadd.s32 $0x1280, s16;
	[sflag:s26] =	ssyncadd.s32 $0xFFFFD800  }
0x21d: {  	[spmem:s2] =	stream.indirect.scatter.add.f32 [tilespmem:s23], [sflag:$0x2], $0x80, s3, s20, $0xb8;
	v63 =	vld [tilespmem:$0x0]  }
0x21e: {  	_ =	swait.ge [sflag:s31], $0x2800  }
0x21f: {  	[sflag:s31] =	ssyncset.done $0x0  }
0x220: {  	s3 =	sadd.s32 $0x400, s16;
	[sflag:s31] =	ssyncadd.s32 $0xFFFFD800  }
0x221: {  	[tilespmem:s21], [sflag:$0x1] =	stream.indirect.gather [hbm4b:s4+s20], $0x80, s3, s20, $0xb8;
	v63 =	vld [tilespmem:$0x0]  }
0x222: {  	_ =	swait.ge [sflag:s26], $0x2800  }
0x223: {  	[sflag:s26] =	ssyncset.done $0x0  }
0x224: {  	s3 =	sadd.s32 $0x1300, s16;
	[sflag:s26] =	ssyncadd.s32 $0xFFFFD800  }
0x225: {  	[spmem:s2] =	stream.indirect.scatter.add.f32 [tilespmem:s25], [sflag:$0x2], $0x80, s3, s20, $0xb8;
	v63 =	vld [tilespmem:$0x0]  }
0x226: {  	_ =	swait.ge [sflag:s31], $0x2800  }
0x227: {  	[sflag:s31] =	ssyncset.done $0x0  }
0x228: {  	s3 =	sadd.s32 $0x480, s16;
	[sflag:s31] =	ssyncadd.s32 $0xFFFFD800  }
0x229: {  	[tilespmem:s23], [sflag:$0x1] =	stream.indirect.gather [hbm4b:s4+s20], $0x80, s3, s20, $0xb8;
	v63 =	vld [tilespmem:$0x0]  }
0x22a: {  	_ =	swait.ge [sflag:s26], $0x2800  }
0x22b: {  	[sflag:s26] =	ssyncset.done $0x0  }
.Ltmp3:
0x22c: {  	s3 =	sadd.s32 $0x1380, s16;
	[sflag:s26] =	ssyncadd.s32 $0xFFFFD800;
	(pc) =	sbr.rel @p0 .LBB2_8-.Ltmp3, $4  }
0x22d: {  	[spmem:s2] =	stream.indirect.scatter.add.f32 [tilespmem:s29], [sflag:$0x2], $0x80, s3, s20, $0xb8;
	v63 =	vld [tilespmem:$0x0]  }
0x22e: {  	_ =	swait.ge [sflag:s31], $0x2800  }
0x22f: {  	[sflag:s31] =	ssyncset.done $0x0  }
0x230: {  	s16 =	sadd.s32 $0x500, s16;
	[sflag:s31] =	ssyncadd.s32 $0xFFFFD800  }
0x231: {  	[tilespmem:s25], [sflag:$0x1] =	stream.indirect.gather [hbm4b:s4+s20], $0x80, s16, s20, $0xb8;
	v63 =	vld [tilespmem:$0x0]  }
0x232: {  	_ =	swait.ge [sflag:s26], $0x2800  }
0x233: {  	[sflag:s26] =	ssyncset.done $0x0  }
0x234: {  	[sflag:s26] =	ssyncadd.s32 $0xFFFFD800  }
0x235: {  	[spmem:s2] =	stream.indirect.scatter.add.f32 [tilespmem:s21], [sflag:$0x2], $0x80, s9, s20, $0xb8;
	v63 =	vld [tilespmem:$0x0]  }
0x236: {  	_ =	swait.ge [sflag:s31], $0x2800  }
0x237: {  	[sflag:s31] =	ssyncset.done $0x0  }
0x238: {  	[sflag:s31] =	ssyncadd.s32 $0xFFFFD800  }
0x239: {  	[tilespmem:s29], [sflag:$0x1] =	stream.indirect.gather [hbm4b:s4+s20], $0x80, s10, s20, $0xb8;
	v63 =	vld [tilespmem:$0x0]  }
0x23a: {  	_ =	swait.ge [sflag:s26], $0x2800  }
0x23b: {  	[sflag:s26] =	ssyncset.done $0x0  }
0x23c: {  	[sflag:s26] =	ssyncadd.s32 $0xFFFFD800  }
0x23d: {  	[spmem:s2] =	stream.indirect.scatter.add.f32 [tilespmem:s23], [sflag:$0x2], $0x80, s11, s20, $0xb8;
	v63 =	vld [tilespmem:$0x0]  }
0x23e: {  	_ =	swait.ge [sflag:s31], $0x2800  }
0x23f: {  	[sflag:s31] =	ssyncset.done $0x0  }
0x240: {  	[sflag:s31] =	ssyncadd.s32 $0xFFFFD800  }
0x241: {  	_ =	swait.ge [sflag:s26], $0x2800  }
0x242: {  	[sflag:s26] =	ssyncset.done $0x0  }
0x243: {  	[sflag:s26] =	ssyncadd.s32 $0xFFFFD800  }
0x244: {  	[spmem:s2] =	stream.indirect.scatter.add.f32 [tilespmem:s25], [sflag:$0x2], $0x80, s12, s20, $0xb8;
	v63 =	vld [tilespmem:$0x0]  }
0x245: {  	_ =	swait.ge [sflag:s31], $0x2800  }
0x246: {  	[sflag:s31] =	ssyncset.done $0x0  }
0x247: {  	[sflag:s31] =	ssyncadd.s32 $0xFFFFD800  }
0x248: {  	_ =	swait.ge [sflag:s26], $0x2800  }
0x249: {  	[sflag:s26] =	ssyncset.done $0x0  }
0x24a: {  	[sflag:s26] =	ssyncadd.s32 $0xFFFFD800  }
0x24b: {  	[spmem:s2] =	stream.indirect.scatter.add.f32 [tilespmem:s29], [sflag:$0x2], $0x80, s13, s20, $0xb8;
	v63 =	vld [tilespmem:$0x0]  }
0x24c: {  	_ =	swait.ge [sflag:s31], $0x2800  }
0x24d: {  	[sflag:s31] =	ssyncset.done $0x0  }
0x24e: {  	[sflag:s31] =	ssyncadd.s32 $0xFFFFD800  }
0x24f: {  	_ =	swait.ge [sflag:s31], $0x2800  }
0x250: {  	[sflag:s31] =	ssyncset.done $0x0  }
0x251: {  	[sflag:s31] =	ssyncadd.s32 $0xFFFFD800  }
0x252: {  	[bflag:$0x0] =	sbarrier.arrive $0xFFFF  }
0x253: {  	s3 =	rddreg [dreg:$0xc]  }
0x254: {  	[hbm:s3], [sflag:s6] =	dma.local [spmem:s17], $0x2800  }
0x255: {  	_ =	swait.ge [sflag:s18], $0x2800  }
0x256: {  	s14 =	sadd.s32 $0x1, s14;
	s16 =	rddreg [dreg:$0xd]  }
0x257: {  	p0 =	sne.s32 s14, s16  }
.Ltmp4:
0x258: {  	_ = 	snop;
	(pc) =	sbr.rel @p0 .LBB2_1-.Ltmp4, $3  }
0x259: {  	_ =	sdelay $0x1  }
0x25a: {  	[sflag:s18] =	ssyncset.done $0x0  }
0x25b: {  	[sflag:s18] =	ssyncadd.s32 $0xFFFFD800  }
0x25c: {  	_ =	sfence.sel $0x180000  }
0x25d: {  	[bflag:$0x0] =	sbarrier.arrive $0xFFFF  }
0x25e: {  	_ =	strace $0x9000004A  }
0x25f: {  	s0 =	stileid.u32;
	[bflag:$0x2] =	sbarrier.arrive $0xFFFF  }
0x260: {  	p0 =	sne.s32 s0, $0x0;
	s0 =	rddreg [dreg:$0x2]  }
0x261: {  	s0 =	sadd.s32 @!p0 $0x100000, s0  }
0x262: {  	[sflag:s0] =	ssyncadd.tile.s32 @!p0 $0x1;
	_ =	shalt  }
.Lfunc_end2:
_tile_overlayer_lowered:
.L_overlay_start_2:
0x263: {  	(tag) =	ssettag $0x2  }
0x264: {  	s0 =	rddreg [dreg:$0x0];
	s2 =	stileid.u32  }
0x265: {  	s1 =	rddreg [dreg:$0x1];
	p0 =	sne.s32 s2, $0x0  }
0x266: {  	s3 =	rddreg [dreg:$0x2];
	[bflag:$0x3] =	sbarrier.arrive $0xFFFF;
	s2 =	simm.s32 @!p0 $0x1C03  }
0x267: {  	[timem:s3], [sflag:s2] =	dma.local @!p0 [hbm:s0], s1  }
0x268: {  	s0 =	simm.s32 @!p0 $0x3  }
0x269: {  	_ =	swait.ge @!p0 [sflag:s0], s1  }
0x26a: {  	s1 =	ssub.s32 @!p0 $0x0, s1;
	[sflag:s0] =	ssyncset.done @!p0 $0x0  }
0x26b: {  	[sflag:s0] =	ssyncadd.s32 @!p0 s1  }
0x26c: {  	[bflag:$0x3] =	sbarrier.arrive $0xFFFF  }
0x26d: {  	_ =	shalt  }

// kernel: kernel.14.cloned.1.call-start
scs
__scs_entry_jumppad:
0x0: {  	(pc) =	sbr.rel $0x88, $3  }
0x1: {  	(tag) =	ssettag $0x0;
	lr =	simm.s32 $0x1  }
0x2: {  	[smem:$0x3F99] =	sst lr;
	_ =	strace $0xD0000000  }
0x3: {  	_ = 	snop  }
0x4: {  	_ = 	snop  }
0x5: {  	_ = 	snop  }
0x6: {  	_ = 	snop  }
0x7: {  	_ = 	snop  }
__scs_overlays_trampoline_lowered:
0x8: {  	[smem:$0x3FA8] =	sst s0  }
0x9: {  	[smem:$0x3FA9] =	sst s1  }
0xa: {  	[smem:$0x3FAA] =	sst s2  }
0xb: {  	[smem:$0x3FAB] =	sst s3  }
0xc: {  	[smem:$0x3FAC] =	sst s4  }
0xd: {  	[smem:$0x3FAD] =	sst s5  }
0xe: {  	[smem:$0x3FAE] =	sst s6  }
0xf: {  	[smem:$0x3FAF] =	sst s7  }
0x10: {  	[smem:$0x3FB0] =	sst s8  }
0x11: {  	[smem:$0x3FB1] =	sst s9;
	s0 =	simm.s32 @!p0 $0x0  }
0x12: {  	s1 =	sld [smem:$0x3F97];
	s0 =	simm.s32 @p0 $0x1  }
0x13: {  	[smem:$0x3FB2] =	sst s0;
	s0 =	simm.s32 @!p1 $0x0  }
0x14: {  	s2 =	sld [smem:$0x3F96];
	s0 =	simm.s32 @p1 $0x1  }
0x15: {  	[smem:$0x3FB3] =	sst s0;
	s0 =	simm.s32 @!p2 $0x0  }
0x16: {  	s3 =	sld [smem:$0x3FDB];
	s0 =	simm.s32 @p2 $0x1  }
0x17: {  	s4 =	simm.s32 $0x1BF5;
	[smem:$0x3FB5] =	sst s0  }
0x18: {  	s0 =	sld [smem:$0x3F98];
	_ =	swait.ge [sflag:s4], $0x0  }
0x19: {  	s7 =	sld [smem:$0x3F99]  }
0x1a: {  	s8 =	sadd.s32 $0xFFFFE003, lr  }
0x1b: {  	s9 =	sadd.s32 $0xFFFFFEF7, lr;
	s5 =	simm.s32 $0xFFFFFFFF;
	p2 =	slt.u32 s8, $0xFFFFF086  }
0x1c: {  	p1 =	slt.u32 s9, $0xF7A;
	s5 =	simm.s32 @!p2 $0x0  }
0x1d: {  	s5 =	simm.s32 @p1 $0x1;
	p0 =	seq.s32 s7, s2  }
0x1e: {  	s7 =	smul.u32 @!p0 $0xF7A, s2;
	p2 =	seq.s32 @!p0 s5, $0x0  }
0x1f: {  	s9 =	smul.u32 $0xF7A, s1;
	s8 =	simm.s32 @!p0 $0x1BF5;
	p2 =	por !p2, p0  }
0x20: {  	[sflag:s8] =	ssyncset.s32 @!p0 $0xFFFFF086;
	s6 =	sadd.s32 @!p0 s3, s7;
	s7 =	simm.s32 @!p0 $0x108  }
0x21: {  	s3 =	sadd.s32 s3, s9;
	s6 =	sadd.s32 @!p0 $0x88, s6;
	s7 =	simm.s32 @p2 $0x1082  }
0x22: {  	[simem:s7], [sflag:s8] =	dma.local @!p0 [hbm:s6], $0xF7A  }
0x23: {  	s9 =	sor.u32 $0xD0000000, s2;
	s6 =	simm.s32 $0x108;
	_ =	swait.ge @!p0 [sflag:s8], $0x0  }
0x24: {  	s3 =	sadd.s32 $0x88, s3;
	s6 =	simm.s32 @!p1 $0x1082;
	[sflag:s4] =	ssyncset.s32 $0xFFFFF086  }
0x25: {  	[simem:s6], [sflag:s4] =	dma.local [hbm:s3], $0xF7A  }
0x26: {  	[smem:$0x3F99] =	sst s1;
	(tag) =	ssettag s2;
	_ =	strace s9  }
0x27: {  	s1 =	sld [smem:$0x3FA9]  }
0x28: {  	s2 =	sld [smem:$0x3FAA]  }
0x29: {  	s4 =	sld [smem:$0x3FAC]  }
0x2a: {  	p0 =	seq.s32 s5, $0x0;
	s5 =	sld [smem:$0x3FAD]  }
0x2b: {  	s6 =	sld [smem:$0x3FAE]  }
0x2c: {  	s7 =	sld [smem:$0x3FAF]  }
0x2d: {  	s3 =	simm.s32 $0x108;
	s8 =	sld [smem:$0x3FB0]  }
0x2e: {  	s3 =	simm.s32 @!p0 $0x1082;
	s9 =	sld [smem:$0x3FB1]  }
0x2f: {  	lr =	sadd.s32 s0, s3;
	s0 =	sld [smem:$0x3FA8]  }
0x30: {  	s3 =	sld [smem:$0x3FAB]  }
0x31: {  	[smem:$0x3FB4] =	sst s10  }
0x32: {  	s10 =	sld [smem:$0x3FB2];
	_ =	sdelay $0x3  }
0x33: {  	p0 =	seq.s32 s10, $0x1;
	s10 =	sld [smem:$0x3FB4];
	_ =	sdelay $0x3  }
0x34: {  	[smem:$0x3FB4] =	sst s10  }
0x35: {  	s10 =	sld [smem:$0x3FB3];
	_ =	sdelay $0x3  }
0x36: {  	p1 =	seq.s32 s10, $0x1;
	s10 =	sld [smem:$0x3FB4];
	_ =	sdelay $0x3  }
0x37: {  	[smem:$0x3FB4] =	sst s10  }
0x38: {  	s10 =	sld [smem:$0x3FB5]  }
0x39: {  	_ = 	snop;
	(pc) =	sbr.ind lr, $3  }
0x3a: {  	_ = 	snop  }
0x3b: {  	_ = 	snop  }
0x3c: {  	p2 =	seq.s32 s10, $0x1;
	s10 =	sld [smem:$0x3FB4]  }
0x3d: {  	_ =	shalt  }
0x3e: {  	_ =	shalt  }
0x3f: {  	_ =	shalt  }
0x40: {  	_ =	shalt  }
0x41: {  	_ =	shalt  }
0x42: {  	_ =	shalt  }
0x43: {  	_ =	shalt  }
0x44: {  	_ =	shalt  }
0x45: {  	_ =	shalt  }
0x46: {  	_ =	shalt  }
0x47: {  	_ =	shalt  }
0x48: {  	_ =	shalt  }
0x49: {  	_ =	shalt  }
0x4a: {  	_ =	shalt  }
0x4b: {  	_ =	shalt  }
0x4c: {  	_ =	shalt  }
0x4d: {  	_ =	shalt  }
0x4e: {  	_ =	shalt  }
0x4f: {  	_ =	shalt  }
0x50: {  	_ =	shalt  }
0x51: {  	_ =	shalt  }
0x52: {  	_ =	shalt  }
0x53: {  	_ =	shalt  }
0x54: {  	_ =	shalt  }
0x55: {  	_ =	shalt  }
0x56: {  	_ =	shalt  }
0x57: {  	_ =	shalt  }
0x58: {  	_ =	shalt  }
0x59: {  	_ =	shalt  }
0x5a: {  	_ =	shalt  }
0x5b: {  	_ =	shalt  }
0x5c: {  	_ =	shalt  }
0x5d: {  	_ =	shalt  }
0x5e: {  	_ =	shalt  }
0x5f: {  	_ =	shalt  }
0x60: {  	_ =	shalt  }
0x61: {  	_ =	shalt  }
0x62: {  	_ =	shalt  }
0x63: {  	_ =	shalt  }
0x64: {  	_ =	shalt  }
0x65: {  	_ =	shalt  }
0x66: {  	_ =	shalt  }
0x67: {  	_ =	shalt  }
0x68: {  	_ =	shalt  }
0x69: {  	_ =	shalt  }
0x6a: {  	_ =	shalt  }
0x6b: {  	_ =	shalt  }
0x6c: {  	_ =	shalt  }
0x6d: {  	_ =	shalt  }
0x6e: {  	_ =	shalt  }
0x6f: {  	_ =	shalt  }
0x70: {  	_ =	shalt  }
0x71: {  	_ =	shalt  }
0x72: {  	_ =	shalt  }
0x73: {  	_ =	shalt  }
0x74: {  	_ =	shalt  }
0x75: {  	_ =	shalt  }
0x76: {  	_ =	shalt  }
0x77: {  	_ =	shalt  }
0x78: {  	_ =	shalt  }
0x79: {  	_ =	shalt  }
0x7a: {  	_ =	shalt  }
0x7b: {  	_ =	shalt  }
0x7c: {  	_ =	shalt  }
0x7d: {  	_ =	shalt  }
0x7e: {  	_ =	shalt  }
0x7f: {  	_ =	shalt  }
0x80: {  	_ =	shalt  }
0x81: {  	_ =	shalt  }
0x82: {  	_ =	shalt  }
0x83: {  	_ =	shalt  }
0x84: {  	_ =	shalt  }
0x85: {  	_ =	shalt  }
0x86: {  	_ =	shalt  }
0x87: {  	_ =	shalt  }
.Lfunc_end0:
.L_simem_size_0:
called_computation.2_lowered:
.L_overlay_start_0:
0x88: {  	s2 =	sld [smem:$0x3FD9]  }
0x89: {  	s3 =	sld [smem:$0x3FFE];
	_ =	sdelay $0x1  }
0x8a: {  	s1 =	srdreg.scid  }
0x8b: {  	s0 =	sand.u32 $0x1, s1  }
0x8c: {  	s16 =	sshll.u32 s0, $0xA;
	s2 =	sadd.s32 s3, s2  }
0x8d: {  	s2 =	sadd.s32 s2, s16  }
0x8e: {  	[smem:$0x3FC0] =	sst s2  }
0x8f: {  	_ = 	snop  }
0x90: {  	(tm) =	ssettm $0x1  }
0x91: {  	s17 =	sld [smem:$0x3FFB];
	_ =	sdelay $0x3  }
0x92: {  	_ =	strace s17  }
0x93: {  	s2 =	sld [smem:$0x3FFC];
	_ =	sdelay $0x3  }
0x94: {  	_ =	strace s2  }
0x95: {  	s2 =	sld [smem:$0x3FFD];
	_ =	sdelay $0x3  }
0x96: {  	_ =	strace s2  }
0x97: {  	_ =	strace $0x8FFFFFFF  }
0x98: {  	s18 =	sld [smem:$0x3FDB];
	_ =	sdelay $0x1  }
0x99: {  	s19 =	simm.s32 $_scs_section_size  }
0x9a: {  	s4 =	simm.s32 $_size__tile_overlayer_lowered;
	s5 =	simm.s32 $_tile_overlayer_lowered  }
0x9b: {  	s22 =	simm.s32 $0x1BFF;
	s21 =	sshll.u32 s5, $0x1;
	s2 =	sadd.s32 s19, s18  }
0x9c: {  	s6 =	simm.s32 $0x0;
	s20 =	sshll.u32 s4, $0x1;
	s4 =	sadd.s32 s21, s2  }
0x9d: {  	[timem:s6], [sflag:s22] =	dma.local [hbm:s4], s20  }
0x9e: {  	_ =	swait.ge [sflag:s22], s20  }
0x9f: {  	s3 =	ssub.s32 $0x0, s20;
	[sflag:s22] =	ssyncset.done $0x0  }
0xa0: {  	[sflag:s22] =	ssyncadd.s32 s3;
	_ =	sdelay $0x1  }
0xa1: {  	s23 =	simm.s32 $0x1B8B  }
0xa2: {  	_ =	swait.ge [sflag:s23], $0x1  }
0xa3: {  	[sflag:s23] =	ssyncset.done $0x0  }
0xa4: {  	s25 =	simm.s32 $0x1B8E;
	s24 =	sld [smem:$0x3FFE];
	[sflag:s23] =	ssyncadd.s32 $0xFFFFFFFF  }
0xa5: {  	s26 =	simm.s32 $execute0_lowered;
	[smem:$0x3FD2] =	sst s25  }
0xa6: {  	s4 =	sshll.u32 s26, $0x1;
	_ =	strace $0x8000004C;
	[dreg:$0x1] =	wrdreg $0xFFFFFFFF  }
0xa7: {  	s28 =	simm.s32 $_size_execute0_lowered;
	s2 =	sadd.s32 s2, s4;
	[dreg:$0x0] =	wrdreg $0x0  }
0xa8: {  	s4 =	sshll.u32 s28, $0x1;
	[dreg:$0x2] =	wrdreg s2  }
0xa9: {  	[dreg:$0x3] =	wrdreg s4  }
0xaa: {  	[dreg:$0x4] =	wrdreg $0xC0  }
0xab: {  	_ =	task [dreg:s6], $0x5FFFF  }
0xac: {  	[dreg:$0x1] =	wrdreg $0xFFFFFFFF  }
0xad: {  	[dreg:$0x0] =	wrdreg $0x60  }
0xae: {  	[dreg:$0x2] =	wrdreg s24  }
0xaf: {  	[dreg:$0x3] =	wrdreg $0xC0000  }
0xb0: {  	[dreg:$0x4] =	wrdreg $0x9  }
0xb1: {  	_ =	task.clear_ibuf [dreg:s6], $0x5FFFF;
	_ =	strace $0x9000004C  }
0xb2: {  	s29 =	simm.s32 $0x9;
	_ =	strace $0x8000004E  }
0xb3: {  	_ =	swait.ge [sflag:s29], $0x1  }
0xb4: {  	[sflag:s29] =	ssyncadd.s32 $0xFFFFFFFF  }
0xb5: {  	_ =	strace $0x9000004E  }
0xb6: {  	_ =	sfence  }
0xb7: {  	s30 =	sld [smem:$0x0];
	_ =	sdelay $0x2  }
0xb8: {  	s31 =	sshll.u32 s1, $0xD;
	s1 =	sshrl.u32 s1, $0x2  }
0xb9: {  	s3 =	sand.u32 $0x4000, s31;
	s1 =	sadd.s32 s1, s30  }
0xba: {  	s0 =	sor.u32 s3, s0;
	s1 =	sshll.u32 s1, $0x11  }
0xbb: {  	s0 =	sor.u32 s1, s0  }
0xbc: {  	s0 =	sadd.s32 $0x8F2B, s0  }
0xbd: {  	[sflag:s0] =	ssyncadd.remote.s32 $0x1  }
0xbe: {  	_ =	sfence.sel $0xFFFF  }
0xbf: {  	[dreg:$0x0] =	wrdreg $0xFFFFFFFF;
	(pc) =	sbr.abs _section_cstart, $3  }
0xc0: {  	[dreg:$0x1] =	wrdreg $0xFFFFFFFF  }
0xc1: {  	_ =	task.clear_ibuf [dreg:s6], $0x2FFFF;
	_ =	strace $0x9FFFFFFF  }
0xc2: {  	(tm) =	ssettm $0x7FFFFFFF  }
0xc3: {  	_ =	shalt  }
tec
execute0_lowered:
.L_overlay_start_1:
0x0: {  	(tag) =	ssettag $0x1  }
0x1: {  	s0 =	rddreg [dreg:$0x0]  }
0x2: {  	s2 =	rddreg [dreg:$0x1];
	s4 =	simm.s32 $0x0;
	s1 =	srdreg.scid  }
0x3: {  	s3 =	stileid.u32;
	s28 =	simm.s32 $0x180;
	s29 =	simm.s32 $0x9800  }
0x4: {  	s30 =	simm.s32 $0x1080;
	s31 =	simm.s32 $0x2;
	s12 =	simm.s32 $0x1F00  }
0x5: {  	[smem:$0x7FF] =	sst s4;
	s1 =	sand.u32 $0x1, s1;
	s5 =	smul.u32 $0x2800, s3  }
0x6: {  	s4 =	sadd.s32 $0x23600, s0;
	s7 =	sadd.s32 $0x13600, s0;
	s8 =	sadd.s32 $0x2A00, s0  }
0x7: {  	s10 =	smul.u32 $0x50000, s3;
	s11 =	sadd.s32 $0x4B600, s0;
	s16 =	sshll.u32 s3, $0xB  }
0x8: {  	s17 =	sshll.u32 s3, $0x6;
	_ =	strace $0x8000004D;
	s6 =	smul.u32 $0x28000, s1  }
0x9: {  	s9 =	ssub.s32 $0x2, s1;
	[dreg:$0x3] =	wrdreg s11;
	s1 =	sshll.u32 s1, $0xF  }
0xa: {  	s11 =	simm.s32 $0x1E80;
	s13 =	sshrl.u32 s9, $0x1;
	s15 =	sshrl.u32 s10, $0x2  }
0xb: {  	s1 =	sor.u32 s16, s1;
	s5 =	sadd.s32 s5, s6;
	s14 =	ssub.s32 s9, s13  }
0xc: {  	s10 =	sadd.s32 s15, s2;
	s6 =	sor.u32 $0x1C03, s17;
	s18 =	sadd.s32 s7, s1  }
0xd: {  	s9 =	sor.u32 $0x200, s1;
	s19 =	sadd.s32 s8, s1;
	s21 =	sor.u32 $0x400, s1  }
0xe: {  	s1 =	sor.u32 $0x600, s1;
	s13 =	simm.s32 $0x1F80;
	[dreg:$0x4] =	wrdreg s18  }
0xf: {  	s0 =	sadd.s32 s5, s0;
	[dreg:$0x5] =	wrdreg s19;
	s20 =	sadd.s32 s7, s9  }
0x10: {  	s22 =	sadd.s32 s8, s9;
	s23 =	sadd.s32 s7, s21;
	s24 =	sadd.s32 s8, s21  }
0x11: {  	s25 =	sadd.s32 s7, s1;
	s1 =	sadd.s32 s8, s1;
	[dreg:$0x6] =	wrdreg s20  }
0x12: {  	s26 =	smax.u32 s14, $0x1;
	s17 =	sshrl.u32 s10, $0x3;
	[dreg:$0x7] =	wrdreg s22  }
0x13: {  	s18 =	simm.s32 $0x3;
	s19 =	simm.s32 $0x1000;
	[dreg:$0x8] =	wrdreg s23  }
0x14: {  	s21 =	simm.s32 $0x2000;
	s5 =	simm.s32 $0x280;
	[dreg:$0x9] =	wrdreg s24  }
0x15: {  	s7 =	simm.s32 $0x1180;
	s8 =	simm.s32 $0x300;
	[dreg:$0xa] =	wrdreg s25  }
0x16: {  	s9 =	simm.s32 $0x1E00;
	s10 =	simm.s32 $0xF80;
	[dreg:$0xb] =	wrdreg s1  }
0x17: {  	s14 =	simm.s32 $0x0;
	s0 =	sadd.s32 $0x4DE00, s0;
	[dreg:$0xd] =	wrdreg s26  }
0x18: {  	s20 =	simm.s32 $0x50;
	s22 =	simm.s32 $0x80;
	s23 =	simm.s32 $0x4800  }
0x19: {  	s24 =	simm.s32 $0x100;
	s25 =	simm.s32 $0x7000;
	s26 =	simm.s32 $0x1  }
0x1a: {  	s1 =	simm.s32 $0x1100;
	[dreg:$0xc] =	wrdreg s0;
	s0 =	simm.s32 $0x200  }
.LBB2_1:
0x1b: {  	s3 =	rddreg [dreg:$0x3]  }
0x1c: {  	[spmem:s17], [sflag:s6] =	dma.local [hbm:s3], $0x2800  }
0x1d: {  	_ =	swait.ge [sflag:s18], $0x2800  }
0x1e: {  	[sflag:s18] =	ssyncset.done $0x0  }
0x1f: {  	[sflag:s18] =	ssyncadd.s32 $0xFFFFD800  }
0x20: {  	[bflag:$0x0] =	sbarrier.arrive $0xFFFF  }
0x21: {  	s3 =	simm.s32 $0x0;
	s15 =	rddreg [dreg:$0x4]  }
0x22: {  	[tilespmem:s3], [sflag:$0x3] =	stream.linear.gather [hbm4b:s15+s3], $0x1000, $0x38;
	v63 =	vld [tilespmem:$0x0]  }
0x23: {  	_ =	swait.ge [sflag:s18], $0x1000  }
0x24: {  	[sflag:s18] =	ssyncset.done $0x0  }
0x25: {  	s16 =	rddreg [dreg:$0x5];
	[sflag:s18] =	ssyncadd.s32 $0xFFFFF000  }
0x26: {  	[tilespmem:s19], [sflag:$0x3] =	stream.linear.gather [hbm4b:s16+s3], $0x1000, $0x38;
	v63 =	vld [tilespmem:$0x0]  }
0x27: {  	_ =	swait.ge [sflag:s18], $0x1000  }
0x28: {  	[sflag:s18] =	ssyncset.done $0x0  }
0x29: {  	[sflag:s18] =	ssyncadd.s32 $0xFFFFF000  }
0x2a: {  	[tilespmem:s21], [sflag:$0x1] =	stream.indirect.gather [hbm4b:s4+s20], $0x80, s3, s20, $0xb8;
	v63 =	vld [tilespmem:$0x0]  }
0x2b: {  	_ = 	snop  }
0x2c: {  	[tilespmem:s23], [sflag:$0x1] =	stream.indirect.gather [hbm4b:s4+s20], $0x80, s22, s20, $0xb8;
	v63 =	vld [tilespmem:$0x0]  }
0x2d: {  	_ = 	snop  }
0x2e: {  	[tilespmem:s25], [sflag:$0x1] =	stream.indirect.gather [hbm4b:s4+s20], $0x80, s24, s20, $0xb8;
	v63 =	vld [tilespmem:$0x0]  }
0x2f: {  	_ =	swait.ge [sflag:s26], $0x2800  }
0x30: {  	[sflag:s26] =	ssyncset.done $0x0  }
0x31: {  	[sflag:s26] =	ssyncadd.s32 $0xFFFFD800  }
0x32: {  	[spmem:s2] =	stream.indirect.scatter.add.f32 [tilespmem:s21], [sflag:$0x2], $0x80, s19, s20, $0xb8;
	v63 =	vld [tilespmem:$0x0]  }
0x33: {  	_ = 	snop  }
0x34: {  	[tilespmem:s29], [sflag:$0x1] =	stream.indirect.gather [hbm4b:s4+s20], $0x80, s28, s20, $0xb8;
	v63 =	vld [tilespmem:$0x0]  }
0x35: {  	_ =	swait.ge [sflag:s26], $0x2800  }
0x36: {  	[sflag:s26] =	ssyncset.done $0x0  }
0x37: {  	[sflag:s26] =	ssyncadd.s32 $0xFFFFD800  }
0x38: {  	[spmem:s2] =	stream.indirect.scatter.add.f32 [tilespmem:s23], [sflag:$0x2], $0x80, s30, s20, $0xb8;
	v63 =	vld [tilespmem:$0x0]  }
0x39: {  	_ =	swait.ge [sflag:s31], $0x2800  }
0x3a: {  	[sflag:s31] =	ssyncset.done $0x0  }
0x3b: {  	[sflag:s31] =	ssyncadd.s32 $0xFFFFD800  }
0x3c: {  	[tilespmem:s21], [sflag:$0x1] =	stream.indirect.gather [hbm4b:s4+s20], $0x80, s0, s20, $0xb8;
	v63 =	vld [tilespmem:$0x0]  }
0x3d: {  	_ =	swait.ge [sflag:s26], $0x2800  }
0x3e: {  	[sflag:s26] =	ssyncset.done $0x0  }
0x3f: {  	[sflag:s26] =	ssyncadd.s32 $0xFFFFD800  }
0x40: {  	[spmem:s2] =	stream.indirect.scatter.add.f32 [tilespmem:s25], [sflag:$0x2], $0x80, s1, s20, $0xb8;
	v63 =	vld [tilespmem:$0x0]  }
0x41: {  	_ =	swait.ge [sflag:s31], $0x2800  }
0x42: {  	[sflag:s31] =	ssyncset.done $0x0  }
0x43: {  	[sflag:s31] =	ssyncadd.s32 $0xFFFFD800  }
0x44: {  	[tilespmem:s23], [sflag:$0x1] =	stream.indirect.gather [hbm4b:s4+s20], $0x80, s5, s20, $0xb8;
	v63 =	vld [tilespmem:$0x0]  }
0x45: {  	_ =	swait.ge [sflag:s26], $0x2800  }
0x46: {  	[sflag:s26] =	ssyncset.done $0x0  }
0x47: {  	[sflag:s26] =	ssyncadd.s32 $0xFFFFD800  }
0x48: {  	[spmem:s2] =	stream.indirect.scatter.add.f32 [tilespmem:s29], [sflag:$0x2], $0x80, s7, s20, $0xb8;
	v63 =	vld [tilespmem:$0x0]  }
0x49: {  	_ =	swait.ge [sflag:s31], $0x2800  }
0x4a: {  	[sflag:s31] =	ssyncset.done $0x0  }
0x4b: {  	[sflag:s31] =	ssyncadd.s32 $0xFFFFD800  }
0x4c: {  	[tilespmem:s25], [sflag:$0x1] =	stream.indirect.gather [hbm4b:s4+s20], $0x80, s8, s20, $0xb8;
	v63 =	vld [tilespmem:$0x0]  }
0x4d: {  	_ =	swait.ge [sflag:s26], $0x2800  }
0x4e: {  	[sflag:s26] =	ssyncset.done $0x0  }
0x4f: {  	s16 =	simm.s32 $0x1200;
	[sflag:s26] =	ssyncadd.s32 $0xFFFFD800  }
0x50: {  	[spmem:s2] =	stream.indirect.scatter.add.f32 [tilespmem:s21], [sflag:$0x2], $0x80, s16, s20, $0xb8;
	v63 =	vld [tilespmem:$0x0]  }
0x51: {  	_ =	swait.ge [sflag:s31], $0x2800  }
0x52: {  	[sflag:s31] =	ssyncset.done $0x0  }
0x53: {  	s3 =	simm.s32 $0x380;
	[sflag:s31] =	ssyncadd.s32 $0xFFFFD800  }
0x54: {  	[tilespmem:s29], [sflag:$0x1] =	stream.indirect.gather [hbm4b:s4+s20], $0x80, s3, s20, $0xb8;
	v63 =	vld [tilespmem:$0x0]  }
0x55: {  	_ =	swait.ge [sflag:s26], $0x2800  }
0x56: {  	[sflag:s26] =	ssyncset.done $0x0  }
0x57: {  	s16 =	simm.s32 $0x1280;
	[sflag:s26] =	ssyncadd.s32 $0xFFFFD800  }
0x58: {  	[spmem:s2] =	stream.indirect.scatter.add.f32 [tilespmem:s23], [sflag:$0x2], $0x80, s16, s20, $0xb8;
	v63 =	vld [tilespmem:$0x0]  }
0x59: {  	_ =	swait.ge [sflag:s31], $0x2800  }
0x5a: {  	[sflag:s31] =	ssyncset.done $0x0  }
0x5b: {  	s3 =	simm.s32 $0x400;
	[sflag:s31] =	ssyncadd.s32 $0xFFFFD800  }
0x5c: {  	[tilespmem:s21], [sflag:$0x1] =	stream.indirect.gather [hbm4b:s4+s20], $0x80, s3, s20, $0xb8;
	v63 =	vld [tilespmem:$0x0]  }
0x5d: {  	_ =	swait.ge [sflag:s26], $0x2800  }
0x5e: {  	[sflag:s26] =	ssyncset.done $0x0  }
0x5f: {  	s16 =	simm.s32 $0x1300;
	[sflag:s26] =	ssyncadd.s32 $0xFFFFD800  }
0x60: {  	[spmem:s2] =	stream.indirect.scatter.add.f32 [tilespmem:s25], [sflag:$0x2], $0x80, s16, s20, $0xb8;
	v63 =	vld [tilespmem:$0x0]  }
0x61: {  	_ =	swait.ge [sflag:s31], $0x2800  }
0x62: {  	[sflag:s31] =	ssyncset.done $0x0  }
0x63: {  	s3 =	simm.s32 $0x480;
	[sflag:s31] =	ssyncadd.s32 $0xFFFFD800  }
0x64: {  	[tilespmem:s23], [sflag:$0x1] =	stream.indirect.gather [hbm4b:s4+s20], $0x80, s3, s20, $0xb8;
	v63 =	vld [tilespmem:$0x0]  }
0x65: {  	_ =	swait.ge [sflag:s26], $0x2800  }
0x66: {  	[sflag:s26] =	ssyncset.done $0x0  }
0x67: {  	s16 =	simm.s32 $0x1380;
	[sflag:s26] =	ssyncadd.s32 $0xFFFFD800  }
0x68: {  	[spmem:s2] =	stream.indirect.scatter.add.f32 [tilespmem:s29], [sflag:$0x2], $0x80, s16, s20, $0xb8;
	v63 =	vld [tilespmem:$0x0]  }
0x69: {  	_ =	swait.ge [sflag:s31], $0x2800  }
0x6a: {  	[sflag:s31] =	ssyncset.done $0x0  }
0x6b: {  	s15 =	simm.s32 $0x800;
	s16 =	simm.s32 $0x500;
	[sflag:s31] =	ssyncadd.s32 $0xFFFFD800  }
.LBB2_2:
0x6c: {  	[tilespmem:s25], [sflag:$0x1] =	stream.indirect.gather [hbm4b:s4+s20], $0x80, s16, s20, $0xb8;
	v63 =	vld [tilespmem:$0x0]  }
0x6d: {  	s16 =	smov.u32 s15  }
0x6e: {  	p0 =	sne.s32 s15, $0x2800;
	s15 =	sadd.s32 $0x800, s15;
	_ =	swait.ge [sflag:s26], $0x2800  }
0x6f: {  	s16 =	sshra.s32 s16, $0x2;
	[sflag:s26] =	ssyncset.done $0x0  }
0x70: {  	s3 =	sadd.s32 $0x1200, s16;
	[sflag:s26] =	ssyncadd.s32 $0xFFFFD800  }
0x71: {  	[spmem:s2] =	stream.indirect.scatter.add.f32 [tilespmem:s21], [sflag:$0x2], $0x80, s3, s20, $0xb8;
	v63 =	vld [tilespmem:$0x0]  }
0x72: {  	_ =	swait.ge [sflag:s31], $0x2800  }
0x73: {  	[sflag:s31] =	ssyncset.done $0x0  }
0x74: {  	s3 =	sadd.s32 $0x380, s16;
	[sflag:s31] =	ssyncadd.s32 $0xFFFFD800  }
0x75: {  	[tilespmem:s29], [sflag:$0x1] =	stream.indirect.gather [hbm4b:s4+s20], $0x80, s3, s20, $0xb8;
	v63 =	vld [tilespmem:$0x0]  }
0x76: {  	_ =	swait.ge [sflag:s26], $0x2800  }
0x77: {  	[sflag:s26] =	ssyncset.done $0x0  }
0x78: {  	s3 =	sadd.s32 $0x1280, s16;
	[sflag:s26] =	ssyncadd.s32 $0xFFFFD800  }
0x79: {  	[spmem:s2] =	stream.indirect.scatter.add.f32 [tilespmem:s23], [sflag:$0x2], $0x80, s3, s20, $0xb8;
	v63 =	vld [tilespmem:$0x0]  }
0x7a: {  	_ =	swait.ge [sflag:s31], $0x2800  }
0x7b: {  	[sflag:s31] =	ssyncset.done $0x0  }
0x7c: {  	s3 =	sadd.s32 $0x400, s16;
	[sflag:s31] =	ssyncadd.s32 $0xFFFFD800  }
0x7d: {  	[tilespmem:s21], [sflag:$0x1] =	stream.indirect.gather [hbm4b:s4+s20], $0x80, s3, s20, $0xb8;
	v63 =	vld [tilespmem:$0x0]  }
0x7e: {  	_ =	swait.ge [sflag:s26], $0x2800  }
0x7f: {  	[sflag:s26] =	ssyncset.done $0x0  }
0x80: {  	s3 =	sadd.s32 $0x1300, s16;
	[sflag:s26] =	ssyncadd.s32 $0xFFFFD800  }
0x81: {  	[spmem:s2] =	stream.indirect.scatter.add.f32 [tilespmem:s25], [sflag:$0x2], $0x80, s3, s20, $0xb8;
	v63 =	vld [tilespmem:$0x0]  }
0x82: {  	_ =	swait.ge [sflag:s31], $0x2800  }
0x83: {  	[sflag:s31] =	ssyncset.done $0x0  }
0x84: {  	s3 =	sadd.s32 $0x480, s16;
	[sflag:s31] =	ssyncadd.s32 $0xFFFFD800  }
0x85: {  	[tilespmem:s23], [sflag:$0x1] =	stream.indirect.gather [hbm4b:s4+s20], $0x80, s3, s20, $0xb8;
	v63 =	vld [tilespmem:$0x0]  }
0x86: {  	_ =	swait.ge [sflag:s26], $0x2800  }
0x87: {  	[sflag:s26] =	ssyncset.done $0x0  }
.Ltmp0:
0x88: {  	s3 =	sadd.s32 $0x1380, s16;
	[sflag:s26] =	ssyncadd.s32 $0xFFFFD800;
	(pc) =	sbr.rel @p0 .LBB2_2-.Ltmp0, $4  }
0x89: {  	[spmem:s2] =	stream.indirect.scatter.add.f32 [tilespmem:s29], [sflag:$0x2], $0x80, s3, s20, $0xb8;
	v63 =	vld [tilespmem:$0x0]  }
0x8a: {  	_ =	swait.ge [sflag:s31], $0x2800  }
0x8b: {  	[sflag:s31] =	ssyncset.done $0x0  }
0x8c: {  	s16 =	sadd.s32 $0x500, s16;
	[sflag:s31] =	ssyncadd.s32 $0xFFFFD800  }
0x8d: {  	[tilespmem:s25], [sflag:$0x1] =	stream.indirect.gather [hbm4b:s4+s20], $0x80, s16, s20, $0xb8;
	v63 =	vld [tilespmem:$0x0]  }
0x8e: {  	_ =	swait.ge [sflag:s26], $0x2800  }
0x8f: {  	[sflag:s26] =	ssyncset.done $0x0  }
0x90: {  	[sflag:s26] =	ssyncadd.s32 $0xFFFFD800  }
0x91: {  	[spmem:s2] =	stream.indirect.scatter.add.f32 [tilespmem:s21], [sflag:$0x2], $0x80, s9, s20, $0xb8;
	v63 =	vld [tilespmem:$0x0]  }
0x92: {  	_ =	swait.ge [sflag:s31], $0x2800  }
0x93: {  	[sflag:s31] =	ssyncset.done $0x0  }
0x94: {  	[sflag:s31] =	ssyncadd.s32 $0xFFFFD800  }
0x95: {  	[tilespmem:s29], [sflag:$0x1] =	stream.indirect.gather [hbm4b:s4+s20], $0x80, s10, s20, $0xb8;
	v63 =	vld [tilespmem:$0x0]  }
0x96: {  	_ =	swait.ge [sflag:s26], $0x2800  }
0x97: {  	[sflag:s26] =	ssyncset.done $0x0  }
0x98: {  	[sflag:s26] =	ssyncadd.s32 $0xFFFFD800  }
0x99: {  	[spmem:s2] =	stream.indirect.scatter.add.f32 [tilespmem:s23], [sflag:$0x2], $0x80, s11, s20, $0xb8;
	v63 =	vld [tilespmem:$0x0]  }
0x9a: {  	_ =	swait.ge [sflag:s31], $0x2800  }
0x9b: {  	[sflag:s31] =	ssyncset.done $0x0  }
0x9c: {  	[sflag:s31] =	ssyncadd.s32 $0xFFFFD800  }
0x9d: {  	_ =	swait.ge [sflag:s26], $0x2800  }
0x9e: {  	[sflag:s26] =	ssyncset.done $0x0  }
0x9f: {  	[sflag:s26] =	ssyncadd.s32 $0xFFFFD800  }
0xa0: {  	[spmem:s2] =	stream.indirect.scatter.add.f32 [tilespmem:s25], [sflag:$0x2], $0x80, s12, s20, $0xb8;
	v63 =	vld [tilespmem:$0x0]  }
0xa1: {  	_ =	swait.ge [sflag:s31], $0x2800  }
0xa2: {  	[sflag:s31] =	ssyncset.done $0x0  }
0xa3: {  	[sflag:s31] =	ssyncadd.s32 $0xFFFFD800  }
0xa4: {  	_ =	swait.ge [sflag:s26], $0x2800  }
0xa5: {  	[sflag:s26] =	ssyncset.done $0x0  }
0xa6: {  	[sflag:s26] =	ssyncadd.s32 $0xFFFFD800  }
0xa7: {  	[spmem:s2] =	stream.indirect.scatter.add.f32 [tilespmem:s29], [sflag:$0x2], $0x80, s13, s20, $0xb8;
	v63 =	vld [tilespmem:$0x0]  }
0xa8: {  	_ =	swait.ge [sflag:s31], $0x2800  }
0xa9: {  	[sflag:s31] =	ssyncset.done $0x0  }
0xaa: {  	[sflag:s31] =	ssyncadd.s32 $0xFFFFD800  }
0xab: {  	_ =	swait.ge [sflag:s31], $0x2800  }
0xac: {  	[sflag:s31] =	ssyncset.done $0x0  }
0xad: {  	s3 =	simm.s32 $0x0;
	s15 =	rddreg [dreg:$0x6];
	[sflag:s31] =	ssyncadd.s32 $0xFFFFD800  }
0xae: {  	[tilespmem:s3], [sflag:$0x3] =	stream.linear.gather [hbm4b:s15+s3], $0x1000, $0x38;
	v63 =	vld [tilespmem:$0x0]  }
0xaf: {  	_ =	swait.ge [sflag:s18], $0x1000  }
0xb0: {  	[sflag:s18] =	ssyncset.done $0x0  }
0xb1: {  	s16 =	rddreg [dreg:$0x7];
	[sflag:s18] =	ssyncadd.s32 $0xFFFFF000  }
0xb2: {  	[tilespmem:s19], [sflag:$0x3] =	stream.linear.gather [hbm4b:s16+s3], $0x1000, $0x38;
	v63 =	vld [tilespmem:$0x0]  }
0xb3: {  	_ =	swait.ge [sflag:s18], $0x1000  }
0xb4: {  	[sflag:s18] =	ssyncset.done $0x0  }
0xb5: {  	[sflag:s18] =	ssyncadd.s32 $0xFFFFF000  }
0xb6: {  	[tilespmem:s21], [sflag:$0x1] =	stream.indirect.gather [hbm4b:s4+s20], $0x80, s3, s20, $0xb8;
	v63 =	vld [tilespmem:$0x0]  }
0xb7: {  	_ = 	snop  }
0xb8: {  	[tilespmem:s23], [sflag:$0x1] =	stream.indirect.gather [hbm4b:s4+s20], $0x80, s22, s20, $0xb8;
	v63 =	vld [tilespmem:$0x0]  }
0xb9: {  	_ = 	snop  }
0xba: {  	[tilespmem:s25], [sflag:$0x1] =	stream.indirect.gather [hbm4b:s4+s20], $0x80, s24, s20, $0xb8;
	v63 =	vld [tilespmem:$0x0]  }
0xbb: {  	_ =	swait.ge [sflag:s26], $0x2800  }
0xbc: {  	[sflag:s26] =	ssyncset.done $0x0  }
0xbd: {  	[sflag:s26] =	ssyncadd.s32 $0xFFFFD800  }
0xbe: {  	[spmem:s2] =	stream.indirect.scatter.add.f32 [tilespmem:s21], [sflag:$0x2], $0x80, s19, s20, $0xb8;
	v63 =	vld [tilespmem:$0x0]  }
0xbf: {  	_ = 	snop  }
0xc0: {  	[tilespmem:s29], [sflag:$0x1] =	stream.indirect.gather [hbm4b:s4+s20], $0x80, s28, s20, $0xb8;
	v63 =	vld [tilespmem:$0x0]  }
0xc1: {  	_ =	swait.ge [sflag:s26], $0x2800  }
0xc2: {  	[sflag:s26] =	ssyncset.done $0x0  }
0xc3: {  	[sflag:s26] =	ssyncadd.s32 $0xFFFFD800  }
0xc4: {  	[spmem:s2] =	stream.indirect.scatter.add.f32 [tilespmem:s23], [sflag:$0x2], $0x80, s30, s20, $0xb8;
	v63 =	vld [tilespmem:$0x0]  }
0xc5: {  	_ =	swait.ge [sflag:s31], $0x2800  }
0xc6: {  	[sflag:s31] =	ssyncset.done $0x0  }
0xc7: {  	[sflag:s31] =	ssyncadd.s32 $0xFFFFD800  }
0xc8: {  	[tilespmem:s21], [sflag:$0x1] =	stream.indirect.gather [hbm4b:s4+s20], $0x80, s0, s20, $0xb8;
	v63 =	vld [tilespmem:$0x0]  }
0xc9: {  	_ =	swait.ge [sflag:s26], $0x2800  }
0xca: {  	[sflag:s26] =	ssyncset.done $0x0  }
0xcb: {  	[sflag:s26] =	ssyncadd.s32 $0xFFFFD800  }
0xcc: {  	[spmem:s2] =	stream.indirect.scatter.add.f32 [tilespmem:s25], [sflag:$0x2], $0x80, s1, s20, $0xb8;
	v63 =	vld [tilespmem:$0x0]  }
0xcd: {  	_ =	swait.ge [sflag:s31], $0x2800  }
0xce: {  	[sflag:s31] =	ssyncset.done $0x0  }
0xcf: {  	[sflag:s31] =	ssyncadd.s32 $0xFFFFD800  }
0xd0: {  	[tilespmem:s23], [sflag:$0x1] =	stream.indirect.gather [hbm4b:s4+s20], $0x80, s5, s20, $0xb8;
	v63 =	vld [tilespmem:$0x0]  }
0xd1: {  	_ =	swait.ge [sflag:s26], $0x2800  }
0xd2: {  	[sflag:s26] =	ssyncset.done $0x0  }
0xd3: {  	[sflag:s26] =	ssyncadd.s32 $0xFFFFD800  }
0xd4: {  	[spmem:s2] =	stream.indirect.scatter.add.f32 [tilespmem:s29], [sflag:$0x2], $0x80, s7, s20, $0xb8;
	v63 =	vld [tilespmem:$0x0]  }
0xd5: {  	_ =	swait.ge [sflag:s31], $0x2800  }
0xd6: {  	[sflag:s31] =	ssyncset.done $0x0  }
0xd7: {  	[sflag:s31] =	ssyncadd.s32 $0xFFFFD800  }
0xd8: {  	[tilespmem:s25], [sflag:$0x1] =	stream.indirect.gather [hbm4b:s4+s20], $0x80, s8, s20, $0xb8;
	v63 =	vld [tilespmem:$0x0]  }
0xd9: {  	_ =	swait.ge [sflag:s26], $0x2800  }
0xda: {  	[sflag:s26] =	ssyncset.done $0x0  }
0xdb: {  	s16 =	simm.s32 $0x1200;
	[sflag:s26] =	ssyncadd.s32 $0xFFFFD800  }
0xdc: {  	[spmem:s2] =	stream.indirect.scatter.add.f32 [tilespmem:s21], [sflag:$0x2], $0x80, s16, s20, $0xb8;
	v63 =	vld [tilespmem:$0x0]  }
0xdd: {  	_ =	swait.ge [sflag:s31], $0x2800  }
0xde: {  	[sflag:s31] =	ssyncset.done $0x0  }
0xdf: {  	s15 =	simm.s32 $0x380;
	[sflag:s31] =	ssyncadd.s32 $0xFFFFD800  }
0xe0: {  	[tilespmem:s29], [sflag:$0x1] =	stream.indirect.gather [hbm4b:s4+s20], $0x80, s15, s20, $0xb8;
	v63 =	vld [tilespmem:$0x0]  }
0xe1: {  	_ =	swait.ge [sflag:s26], $0x2800  }
0xe2: {  	[sflag:s26] =	ssyncset.done $0x0  }
0xe3: {  	s16 =	simm.s32 $0x1280;
	[sflag:s26] =	ssyncadd.s32 $0xFFFFD800  }
0xe4: {  	[spmem:s2] =	stream.indirect.scatter.add.f32 [tilespmem:s23], [sflag:$0x2], $0x80, s16, s20, $0xb8;
	v63 =	vld [tilespmem:$0x0]  }
0xe5: {  	_ =	swait.ge [sflag:s31], $0x2800  }
0xe6: {  	[sflag:s31] =	ssyncset.done $0x0  }
0xe7: {  	s15 =	simm.s32 $0x400;
	[sflag:s31] =	ssyncadd.s32 $0xFFFFD800  }
0xe8: {  	[tilespmem:s21], [sflag:$0x1] =	stream.indirect.gather [hbm4b:s4+s20], $0x80, s15, s20, $0xb8;
	v63 =	vld [tilespmem:$0x0]  }
0xe9: {  	_ =	swait.ge [sflag:s26], $0x2800  }
0xea: {  	[sflag:s26] =	ssyncset.done $0x0  }
0xeb: {  	s16 =	simm.s32 $0x1300;
	[sflag:s26] =	ssyncadd.s32 $0xFFFFD800  }
0xec: {  	[spmem:s2] =	stream.indirect.scatter.add.f32 [tilespmem:s25], [sflag:$0x2], $0x80, s16, s20, $0xb8;
	v63 =	vld [tilespmem:$0x0]  }
0xed: {  	_ =	swait.ge [sflag:s31], $0x2800  }
0xee: {  	[sflag:s31] =	ssyncset.done $0x0  }
0xef: {  	s15 =	simm.s32 $0x480;
	[sflag:s31] =	ssyncadd.s32 $0xFFFFD800  }
0xf0: {  	[tilespmem:s23], [sflag:$0x1] =	stream.indirect.gather [hbm4b:s4+s20], $0x80, s15, s20, $0xb8;
	v63 =	vld [tilespmem:$0x0]  }
0xf1: {  	_ =	swait.ge [sflag:s26], $0x2800  }
0xf2: {  	[sflag:s26] =	ssyncset.done $0x0  }
0xf3: {  	s16 =	simm.s32 $0x1380;
	[sflag:s26] =	ssyncadd.s32 $0xFFFFD800  }
0xf4: {  	[spmem:s2] =	stream.indirect.scatter.add.f32 [tilespmem:s29], [sflag:$0x2], $0x80, s16, s20, $0xb8;
	v63 =	vld [tilespmem:$0x0]  }
0xf5: {  	_ =	swait.ge [sflag:s31], $0x2800  }
0xf6: {  	[sflag:s31] =	ssyncset.done $0x0  }
0xf7: {  	s15 =	simm.s32 $0x800;
	s16 =	simm.s32 $0x500;
	[sflag:s31] =	ssyncadd.s32 $0xFFFFD800  }
.LBB2_4:
0xf8: {  	[tilespmem:s25], [sflag:$0x1] =	stream.indirect.gather [hbm4b:s4+s20], $0x80, s16, s20, $0xb8;
	v63 =	vld [tilespmem:$0x0]  }
0xf9: {  	s3 =	smov.u32 s15  }
0xfa: {  	p0 =	sne.s32 s15, $0x2800;
	s15 =	sadd.s32 $0x800, s15;
	_ =	swait.ge [sflag:s26], $0x2800  }
0xfb: {  	s16 =	sshra.s32 s3, $0x2;
	[sflag:s26] =	ssyncset.done $0x0  }
0xfc: {  	s3 =	sadd.s32 $0x1200, s16;
	[sflag:s26] =	ssyncadd.s32 $0xFFFFD800  }
0xfd: {  	[spmem:s2] =	stream.indirect.scatter.add.f32 [tilespmem:s21], [sflag:$0x2], $0x80, s3, s20, $0xb8;
	v63 =	vld [tilespmem:$0x0]  }
0xfe: {  	_ =	swait.ge [sflag:s31], $0x2800  }
0xff: {  	[sflag:s31] =	ssyncset.done $0x0  }
0x100: {  	s3 =	sadd.s32 $0x380, s16;
	[sflag:s31] =	ssyncadd.s32 $0xFFFFD800  }
0x101: {  	[tilespmem:s29], [sflag:$0x1] =	stream.indirect.gather [hbm4b:s4+s20], $0x80, s3, s20, $0xb8;
	v63 =	vld [tilespmem:$0x0]  }
0x102: {  	_ =	swait.ge [sflag:s26], $0x2800  }
0x103: {  	[sflag:s26] =	ssyncset.done $0x0  }
0x104: {  	s3 =	sadd.s32 $0x1280, s16;
	[sflag:s26] =	ssyncadd.s32 $0xFFFFD800  }
0x105: {  	[spmem:s2] =	stream.indirect.scatter.add.f32 [tilespmem:s23], [sflag:$0x2], $0x80, s3, s20, $0xb8;
	v63 =	vld [tilespmem:$0x0]  }
0x106: {  	_ =	swait.ge [sflag:s31], $0x2800  }
0x107: {  	[sflag:s31] =	ssyncset.done $0x0  }
0x108: {  	s3 =	sadd.s32 $0x400, s16;
	[sflag:s31] =	ssyncadd.s32 $0xFFFFD800  }
0x109: {  	[tilespmem:s21], [sflag:$0x1] =	stream.indirect.gather [hbm4b:s4+s20], $0x80, s3, s20, $0xb8;
	v63 =	vld [tilespmem:$0x0]  }
0x10a: {  	_ =	swait.ge [sflag:s26], $0x2800  }
0x10b: {  	[sflag:s26] =	ssyncset.done $0x0  }
0x10c: {  	s3 =	sadd.s32 $0x1300, s16;
	[sflag:s26] =	ssyncadd.s32 $0xFFFFD800  }
0x10d: {  	[spmem:s2] =	stream.indirect.scatter.add.f32 [tilespmem:s25], [sflag:$0x2], $0x80, s3, s20, $0xb8;
	v63 =	vld [tilespmem:$0x0]  }
0x10e: {  	_ =	swait.ge [sflag:s31], $0x2800  }
0x10f: {  	[sflag:s31] =	ssyncset.done $0x0  }
0x110: {  	s3 =	sadd.s32 $0x480, s16;
	[sflag:s31] =	ssyncadd.s32 $0xFFFFD800  }
0x111: {  	[tilespmem:s23], [sflag:$0x1] =	stream.indirect.gather [hbm4b:s4+s20], $0x80, s3, s20, $0xb8;
	v63 =	vld [tilespmem:$0x0]  }
0x112: {  	_ =	swait.ge [sflag:s26], $0x2800  }
0x113: {  	[sflag:s26] =	ssyncset.done $0x0  }
.Ltmp1:
0x114: {  	s3 =	sadd.s32 $0x1380, s16;
	[sflag:s26] =	ssyncadd.s32 $0xFFFFD800;
	(pc) =	sbr.rel @p0 .LBB2_4-.Ltmp1, $4  }
0x115: {  	[spmem:s2] =	stream.indirect.scatter.add.f32 [tilespmem:s29], [sflag:$0x2], $0x80, s3, s20, $0xb8;
	v63 =	vld [tilespmem:$0x0]  }
0x116: {  	_ =	swait.ge [sflag:s31], $0x2800  }
0x117: {  	[sflag:s31] =	ssyncset.done $0x0  }
0x118: {  	s16 =	sadd.s32 $0x500, s16;
	[sflag:s31] =	ssyncadd.s32 $0xFFFFD800  }
0x119: {  	[tilespmem:s25], [sflag:$0x1] =	stream.indirect.gather [hbm4b:s4+s20], $0x80, s16, s20, $0xb8;
	v63 =	vld [tilespmem:$0x0]  }
0x11a: {  	_ =	swait.ge [sflag:s26], $0x2800  }
0x11b: {  	[sflag:s26] =	ssyncset.done $0x0  }
0x11c: {  	[sflag:s26] =	ssyncadd.s32 $0xFFFFD800  }
0x11d: {  	[spmem:s2] =	stream.indirect.scatter.add.f32 [tilespmem:s21], [sflag:$0x2], $0x80, s9, s20, $0xb8;
	v63 =	vld [tilespmem:$0x0]  }
0x11e: {  	_ =	swait.ge [sflag:s31], $0x2800  }
0x11f: {  	[sflag:s31] =	ssyncset.done $0x0  }
0x120: {  	[sflag:s31] =	ssyncadd.s32 $0xFFFFD800  }
0x121: {  	[tilespmem:s29], [sflag:$0x1] =	stream.indirect.gather [hbm4b:s4+s20], $0x80, s10, s20, $0xb8;
	v63 =	vld [tilespmem:$0x0]  }
0x122: {  	_ =	swait.ge [sflag:s26], $0x2800  }
0x123: {  	[sflag:s26] =	ssyncset.done $0x0  }
0x124: {  	[sflag:s26] =	ssyncadd.s32 $0xFFFFD800  }
0x125: {  	[spmem:s2] =	stream.indirect.scatter.add.f32 [tilespmem:s23], [sflag:$0x2], $0x80, s11, s20, $0xb8;
	v63 =	vld [tilespmem:$0x0]  }
0x126: {  	_ =	swait.ge [sflag:s31], $0x2800  }
0x127: {  	[sflag:s31] =	ssyncset.done $0x0  }
0x128: {  	[sflag:s31] =	ssyncadd.s32 $0xFFFFD800  }
0x129: {  	_ =	swait.ge [sflag:s26], $0x2800  }
0x12a: {  	[sflag:s26] =	ssyncset.done $0x0  }
0x12b: {  	[sflag:s26] =	ssyncadd.s32 $0xFFFFD800  }
0x12c: {  	[spmem:s2] =	stream.indirect.scatter.add.f32 [tilespmem:s25], [sflag:$0x2], $0x80, s12, s20, $0xb8;
	v63 =	vld [tilespmem:$0x0]  }
0x12d: {  	_ =	swait.ge [sflag:s31], $0x2800  }
0x12e: {  	[sflag:s31] =	ssyncset.done $0x0  }
0x12f: {  	[sflag:s31] =	ssyncadd.s32 $0xFFFFD800  }
0x130: {  	_ =	swait.ge [sflag:s26], $0x2800  }
0x131: {  	[sflag:s26] =	ssyncset.done $0x0  }
0x132: {  	[sflag:s26] =	ssyncadd.s32 $0xFFFFD800  }
0x133: {  	[spmem:s2] =	stream.indirect.scatter.add.f32 [tilespmem:s29], [sflag:$0x2], $0x80, s13, s20, $0xb8;
	v63 =	vld [tilespmem:$0x0]  }
0x134: {  	_ =	swait.ge [sflag:s31], $0x2800  }
0x135: {  	[sflag:s31] =	ssyncset.done $0x0  }
0x136: {  	[sflag:s31] =	ssyncadd.s32 $0xFFFFD800  }
0x137: {  	_ =	swait.ge [sflag:s31], $0x2800  }
0x138: {  	[sflag:s31] =	ssyncset.done $0x0  }
0x139: {  	s3 =	simm.s32 $0x0;
	s15 =	rddreg [dreg:$0x8];
	[sflag:s31] =	ssyncadd.s32 $0xFFFFD800  }
0x13a: {  	[tilespmem:s3], [sflag:$0x3] =	stream.linear.gather [hbm4b:s15+s3], $0x1000, $0x38;
	v63 =	vld [tilespmem:$0x0]  }
0x13b: {  	_ =	swait.ge [sflag:s18], $0x1000  }
0x13c: {  	[sflag:s18] =	ssyncset.done $0x0  }
0x13d: {  	s16 =	rddreg [dreg:$0x9];
	[sflag:s18] =	ssyncadd.s32 $0xFFFFF000  }
0x13e: {  	[tilespmem:s19], [sflag:$0x3] =	stream.linear.gather [hbm4b:s16+s3], $0x1000, $0x38;
	v63 =	vld [tilespmem:$0x0]  }
0x13f: {  	_ =	swait.ge [sflag:s18], $0x1000  }
0x140: {  	[sflag:s18] =	ssyncset.done $0x0  }
0x141: {  	[sflag:s18] =	ssyncadd.s32 $0xFFFFF000  }
0x142: {  	[tilespmem:s21], [sflag:$0x1] =	stream.indirect.gather [hbm4b:s4+s20], $0x80, s3, s20, $0xb8;
	v63 =	vld [tilespmem:$0x0]  }
0x143: {  	_ = 	snop  }
0x144: {  	[tilespmem:s23], [sflag:$0x1] =	stream.indirect.gather [hbm4b:s4+s20], $0x80, s22, s20, $0xb8;
	v63 =	vld [tilespmem:$0x0]  }
0x145: {  	_ = 	snop  }
0x146: {  	[tilespmem:s25], [sflag:$0x1] =	stream.indirect.gather [hbm4b:s4+s20], $0x80, s24, s20, $0xb8;
	v63 =	vld [tilespmem:$0x0]  }
0x147: {  	_ =	swait.ge [sflag:s26], $0x2800  }
0x148: {  	[sflag:s26] =	ssyncset.done $0x0  }
0x149: {  	[sflag:s26] =	ssyncadd.s32 $0xFFFFD800  }
0x14a: {  	[spmem:s2] =	stream.indirect.scatter.add.f32 [tilespmem:s21], [sflag:$0x2], $0x80, s19, s20, $0xb8;
	v63 =	vld [tilespmem:$0x0]  }
0x14b: {  	_ = 	snop  }
0x14c: {  	[tilespmem:s29], [sflag:$0x1] =	stream.indirect.gather [hbm4b:s4+s20], $0x80, s28, s20, $0xb8;
	v63 =	vld [tilespmem:$0x0]  }
0x14d: {  	_ =	swait.ge [sflag:s26], $0x2800  }
0x14e: {  	[sflag:s26] =	ssyncset.done $0x0  }
0x14f: {  	[sflag:s26] =	ssyncadd.s32 $0xFFFFD800  }
0x150: {  	[spmem:s2] =	stream.indirect.scatter.add.f32 [tilespmem:s23], [sflag:$0x2], $0x80, s30, s20, $0xb8;
	v63 =	vld [tilespmem:$0x0]  }
0x151: {  	_ =	swait.ge [sflag:s31], $0x2800  }
0x152: {  	[sflag:s31] =	ssyncset.done $0x0  }
0x153: {  	[sflag:s31] =	ssyncadd.s32 $0xFFFFD800  }
0x154: {  	[tilespmem:s21], [sflag:$0x1] =	stream.indirect.gather [hbm4b:s4+s20], $0x80, s0, s20, $0xb8;
	v63 =	vld [tilespmem:$0x0]  }
0x155: {  	_ =	swait.ge [sflag:s26], $0x2800  }
0x156: {  	[sflag:s26] =	ssyncset.done $0x0  }
0x157: {  	[sflag:s26] =	ssyncadd.s32 $0xFFFFD800  }
0x158: {  	[spmem:s2] =	stream.indirect.scatter.add.f32 [tilespmem:s25], [sflag:$0x2], $0x80, s1, s20, $0xb8;
	v63 =	vld [tilespmem:$0x0]  }
0x159: {  	_ =	swait.ge [sflag:s31], $0x2800  }
0x15a: {  	[sflag:s31] =	ssyncset.done $0x0  }
0x15b: {  	[sflag:s31] =	ssyncadd.s32 $0xFFFFD800  }
0x15c: {  	[tilespmem:s23], [sflag:$0x1] =	stream.indirect.gather [hbm4b:s4+s20], $0x80, s5, s20, $0xb8;
	v63 =	vld [tilespmem:$0x0]  }
0x15d: {  	_ =	swait.ge [sflag:s26], $0x2800  }
0x15e: {  	[sflag:s26] =	ssyncset.done $0x0  }
0x15f: {  	[sflag:s26] =	ssyncadd.s32 $0xFFFFD800  }
0x160: {  	[spmem:s2] =	stream.indirect.scatter.add.f32 [tilespmem:s29], [sflag:$0x2], $0x80, s7, s20, $0xb8;
	v63 =	vld [tilespmem:$0x0]  }
0x161: {  	_ =	swait.ge [sflag:s31], $0x2800  }
0x162: {  	[sflag:s31] =	ssyncset.done $0x0  }
0x163: {  	[sflag:s31] =	ssyncadd.s32 $0xFFFFD800  }
0x164: {  	[tilespmem:s25], [sflag:$0x1] =	stream.indirect.gather [hbm4b:s4+s20], $0x80, s8, s20, $0xb8;
	v63 =	vld [tilespmem:$0x0]  }
0x165: {  	_ =	swait.ge [sflag:s26], $0x2800  }
0x166: {  	[sflag:s26] =	ssyncset.done $0x0  }
0x167: {  	s16 =	simm.s32 $0x1200;
	[sflag:s26] =	ssyncadd.s32 $0xFFFFD800  }
0x168: {  	[spmem:s2] =	stream.indirect.scatter.add.f32 [tilespmem:s21], [sflag:$0x2], $0x80, s16, s20, $0xb8;
	v63 =	vld [tilespmem:$0x0]  }
0x169: {  	_ =	swait.ge [sflag:s31], $0x2800  }
0x16a: {  	[sflag:s31] =	ssyncset.done $0x0  }
0x16b: {  	s15 =	simm.s32 $0x380;
	[sflag:s31] =	ssyncadd.s32 $0xFFFFD800  }
0x16c: {  	[tilespmem:s29], [sflag:$0x1] =	stream.indirect.gather [hbm4b:s4+s20], $0x80, s15, s20, $0xb8;
	v63 =	vld [tilespmem:$0x0]  }
0x16d: {  	_ =	swait.ge [sflag:s26], $0x2800  }
0x16e: {  	[sflag:s26] =	ssyncset.done $0x0  }
0x16f: {  	s16 =	simm.s32 $0x1280;
	[sflag:s26] =	ssyncadd.s32 $0xFFFFD800  }
0x170: {  	[spmem:s2] =	stream.indirect.scatter.add.f32 [tilespmem:s23], [sflag:$0x2], $0x80, s16, s20, $0xb8;
	v63 =	vld [tilespmem:$0x0]  }
0x171: {  	_ =	swait.ge [sflag:s31], $0x2800  }
0x172: {  	[sflag:s31] =	ssyncset.done $0x0  }
0x173: {  	s15 =	simm.s32 $0x400;
	[sflag:s31] =	ssyncadd.s32 $0xFFFFD800  }
0x174: {  	[tilespmem:s21], [sflag:$0x1] =	stream.indirect.gather [hbm4b:s4+s20], $0x80, s15, s20, $0xb8;
	v63 =	vld [tilespmem:$0x0]  }
0x175: {  	_ =	swait.ge [sflag:s26], $0x2800  }
0x176: {  	[sflag:s26] =	ssyncset.done $0x0  }
0x177: {  	s16 =	simm.s32 $0x1300;
	[sflag:s26] =	ssyncadd.s32 $0xFFFFD800  }
0x178: {  	[spmem:s2] =	stream.indirect.scatter.add.f32 [tilespmem:s25], [sflag:$0x2], $0x80, s16, s20, $0xb8;
	v63 =	vld [tilespmem:$0x0]  }
0x179: {  	_ =	swait.ge [sflag:s31], $0x2800  }
0x17a: {  	[sflag:s31] =	ssyncset.done $0x0  }
0x17b: {  	s15 =	simm.s32 $0x480;
	[sflag:s31] =	ssyncadd.s32 $0xFFFFD800  }
0x17c: {  	[tilespmem:s23], [sflag:$0x1] =	stream.indirect.gather [hbm4b:s4+s20], $0x80, s15, s20, $0xb8;
	v63 =	vld [tilespmem:$0x0]  }
0x17d: {  	_ =	swait.ge [sflag:s26], $0x2800  }
0x17e: {  	[sflag:s26] =	ssyncset.done $0x0  }
0x17f: {  	s16 =	simm.s32 $0x1380;
	[sflag:s26] =	ssyncadd.s32 $0xFFFFD800  }
0x180: {  	[spmem:s2] =	stream.indirect.scatter.add.f32 [tilespmem:s29], [sflag:$0x2], $0x80, s16, s20, $0xb8;
	v63 =	vld [tilespmem:$0x0]  }
0x181: {  	_ =	swait.ge [sflag:s31], $0x2800  }
0x182: {  	[sflag:s31] =	ssyncset.done $0x0  }
0x183: {  	s15 =	simm.s32 $0x800;
	s16 =	simm.s32 $0x500;
	[sflag:s31] =	ssyncadd.s32 $0xFFFFD800  }
.LBB2_6:
0x184: {  	[tilespmem:s25], [sflag:$0x1] =	stream.indirect.gather [hbm4b:s4+s20], $0x80, s16, s20, $0xb8;
	v63 =	vld [tilespmem:$0x0]  }
0x185: {  	s3 =	smov.u32 s15  }
0x186: {  	p0 =	sne.s32 s15, $0x2800;
	s15 =	sadd.s32 $0x800, s15;
	_ =	swait.ge [sflag:s26], $0x2800  }
0x187: {  	s16 =	sshra.s32 s3, $0x2;
	[sflag:s26] =	ssyncset.done $0x0  }
0x188: {  	s3 =	sadd.s32 $0x1200, s16;
	[sflag:s26] =	ssyncadd.s32 $0xFFFFD800  }
0x189: {  	[spmem:s2] =	stream.indirect.scatter.add.f32 [tilespmem:s21], [sflag:$0x2], $0x80, s3, s20, $0xb8;
	v63 =	vld [tilespmem:$0x0]  }
0x18a: {  	_ =	swait.ge [sflag:s31], $0x2800  }
0x18b: {  	[sflag:s31] =	ssyncset.done $0x0  }
0x18c: {  	s3 =	sadd.s32 $0x380, s16;
	[sflag:s31] =	ssyncadd.s32 $0xFFFFD800  }
0x18d: {  	[tilespmem:s29], [sflag:$0x1] =	stream.indirect.gather [hbm4b:s4+s20], $0x80, s3, s20, $0xb8;
	v63 =	vld [tilespmem:$0x0]  }
0x18e: {  	_ =	swait.ge [sflag:s26], $0x2800  }
0x18f: {  	[sflag:s26] =	ssyncset.done $0x0  }
0x190: {  	s3 =	sadd.s32 $0x1280, s16;
	[sflag:s26] =	ssyncadd.s32 $0xFFFFD800  }
0x191: {  	[spmem:s2] =	stream.indirect.scatter.add.f32 [tilespmem:s23], [sflag:$0x2], $0x80, s3, s20, $0xb8;
	v63 =	vld [tilespmem:$0x0]  }
0x192: {  	_ =	swait.ge [sflag:s31], $0x2800  }
0x193: {  	[sflag:s31] =	ssyncset.done $0x0  }
0x194: {  	s3 =	sadd.s32 $0x400, s16;
	[sflag:s31] =	ssyncadd.s32 $0xFFFFD800  }
0x195: {  	[tilespmem:s21], [sflag:$0x1] =	stream.indirect.gather [hbm4b:s4+s20], $0x80, s3, s20, $0xb8;
	v63 =	vld [tilespmem:$0x0]  }
0x196: {  	_ =	swait.ge [sflag:s26], $0x2800  }
0x197: {  	[sflag:s26] =	ssyncset.done $0x0  }
0x198: {  	s3 =	sadd.s32 $0x1300, s16;
	[sflag:s26] =	ssyncadd.s32 $0xFFFFD800  }
0x199: {  	[spmem:s2] =	stream.indirect.scatter.add.f32 [tilespmem:s25], [sflag:$0x2], $0x80, s3, s20, $0xb8;
	v63 =	vld [tilespmem:$0x0]  }
0x19a: {  	_ =	swait.ge [sflag:s31], $0x2800  }
0x19b: {  	[sflag:s31] =	ssyncset.done $0x0  }
0x19c: {  	s3 =	sadd.s32 $0x480, s16;
	[sflag:s31] =	ssyncadd.s32 $0xFFFFD800  }
0x19d: {  	[tilespmem:s23], [sflag:$0x1] =	stream.indirect.gather [hbm4b:s4+s20], $0x80, s3, s20, $0xb8;
	v63 =	vld [tilespmem:$0x0]  }
0x19e: {  	_ =	swait.ge [sflag:s26], $0x2800  }
0x19f: {  	[sflag:s26] =	ssyncset.done $0x0  }
.Ltmp2:
0x1a0: {  	s3 =	sadd.s32 $0x1380, s16;
	[sflag:s26] =	ssyncadd.s32 $0xFFFFD800;
	(pc) =	sbr.rel @p0 .LBB2_6-.Ltmp2, $4  }
0x1a1: {  	[spmem:s2] =	stream.indirect.scatter.add.f32 [tilespmem:s29], [sflag:$0x2], $0x80, s3, s20, $0xb8;
	v63 =	vld [tilespmem:$0x0]  }
0x1a2: {  	_ =	swait.ge [sflag:s31], $0x2800  }
0x1a3: {  	[sflag:s31] =	ssyncset.done $0x0  }
0x1a4: {  	s16 =	sadd.s32 $0x500, s16;
	[sflag:s31] =	ssyncadd.s32 $0xFFFFD800  }
0x1a5: {  	[tilespmem:s25], [sflag:$0x1] =	stream.indirect.gather [hbm4b:s4+s20], $0x80, s16, s20, $0xb8;
	v63 =	vld [tilespmem:$0x0]  }
0x1a6: {  	_ =	swait.ge [sflag:s26], $0x2800  }
0x1a7: {  	[sflag:s26] =	ssyncset.done $0x0  }
0x1a8: {  	[sflag:s26] =	ssyncadd.s32 $0xFFFFD800  }
0x1a9: {  	[spmem:s2] =	stream.indirect.scatter.add.f32 [tilespmem:s21], [sflag:$0x2], $0x80, s9, s20, $0xb8;
	v63 =	vld [tilespmem:$0x0]  }
0x1aa: {  	_ =	swait.ge [sflag:s31], $0x2800  }
0x1ab: {  	[sflag:s31] =	ssyncset.done $0x0  }
0x1ac: {  	[sflag:s31] =	ssyncadd.s32 $0xFFFFD800  }
0x1ad: {  	[tilespmem:s29], [sflag:$0x1] =	stream.indirect.gather [hbm4b:s4+s20], $0x80, s10, s20, $0xb8;
	v63 =	vld [tilespmem:$0x0]  }
0x1ae: {  	_ =	swait.ge [sflag:s26], $0x2800  }
0x1af: {  	[sflag:s26] =	ssyncset.done $0x0  }
0x1b0: {  	[sflag:s26] =	ssyncadd.s32 $0xFFFFD800  }
0x1b1: {  	[spmem:s2] =	stream.indirect.scatter.add.f32 [tilespmem:s23], [sflag:$0x2], $0x80, s11, s20, $0xb8;
	v63 =	vld [tilespmem:$0x0]  }
0x1b2: {  	_ =	swait.ge [sflag:s31], $0x2800  }
0x1b3: {  	[sflag:s31] =	ssyncset.done $0x0  }
0x1b4: {  	[sflag:s31] =	ssyncadd.s32 $0xFFFFD800  }
0x1b5: {  	_ =	swait.ge [sflag:s26], $0x2800  }
0x1b6: {  	[sflag:s26] =	ssyncset.done $0x0  }
0x1b7: {  	[sflag:s26] =	ssyncadd.s32 $0xFFFFD800  }
0x1b8: {  	[spmem:s2] =	stream.indirect.scatter.add.f32 [tilespmem:s25], [sflag:$0x2], $0x80, s12, s20, $0xb8;
	v63 =	vld [tilespmem:$0x0]  }
0x1b9: {  	_ =	swait.ge [sflag:s31], $0x2800  }
0x1ba: {  	[sflag:s31] =	ssyncset.done $0x0  }
0x1bb: {  	[sflag:s31] =	ssyncadd.s32 $0xFFFFD800  }
0x1bc: {  	_ =	swait.ge [sflag:s26], $0x2800  }
0x1bd: {  	[sflag:s26] =	ssyncset.done $0x0  }
0x1be: {  	[sflag:s26] =	ssyncadd.s32 $0xFFFFD800  }
0x1bf: {  	[spmem:s2] =	stream.indirect.scatter.add.f32 [tilespmem:s29], [sflag:$0x2], $0x80, s13, s20, $0xb8;
	v63 =	vld [tilespmem:$0x0]  }
0x1c0: {  	_ =	swait.ge [sflag:s31], $0x2800  }
0x1c1: {  	[sflag:s31] =	ssyncset.done $0x0  }
0x1c2: {  	[sflag:s31] =	ssyncadd.s32 $0xFFFFD800  }
0x1c3: {  	_ =	swait.ge [sflag:s31], $0x2800  }
0x1c4: {  	[sflag:s31] =	ssyncset.done $0x0  }
0x1c5: {  	s3 =	simm.s32 $0x0;
	s15 =	rddreg [dreg:$0xa];
	[sflag:s31] =	ssyncadd.s32 $0xFFFFD800  }
0x1c6: {  	[tilespmem:s3], [sflag:$0x3] =	stream.linear.gather [hbm4b:s15+s3], $0x1000, $0x38;
	v63 =	vld [tilespmem:$0x0]  }
0x1c7: {  	_ =	swait.ge [sflag:s18], $0x1000  }
0x1c8: {  	[sflag:s18] =	ssyncset.done $0x0  }
0x1c9: {  	s16 =	rddreg [dreg:$0xb];
	[sflag:s18] =	ssyncadd.s32 $0xFFFFF000  }
0x1ca: {  	[tilespmem:s19], [sflag:$0x3] =	stream.linear.gather [hbm4b:s16+s3], $0x1000, $0x38;
	v63 =	vld [tilespmem:$0x0]  }
0x1cb: {  	_ =	swait.ge [sflag:s18], $0x1000  }
0x1cc: {  	[sflag:s18] =	ssyncset.done $0x0  }
0x1cd: {  	[sflag:s18] =	ssyncadd.s32 $0xFFFFF000  }
0x1ce: {  	[tilespmem:s21], [sflag:$0x1] =	stream.indirect.gather [hbm4b:s4+s20], $0x80, s3, s20, $0xb8;
	v63 =	vld [tilespmem:$0x0]  }
0x1cf: {  	_ = 	snop  }
0x1d0: {  	[tilespmem:s23], [sflag:$0x1] =	stream.indirect.gather [hbm4b:s4+s20], $0x80, s22, s20, $0xb8;
	v63 =	vld [tilespmem:$0x0]  }
0x1d1: {  	_ = 	snop  }
0x1d2: {  	[tilespmem:s25], [sflag:$0x1] =	stream.indirect.gather [hbm4b:s4+s20], $0x80, s24, s20, $0xb8;
	v63 =	vld [tilespmem:$0x0]  }
0x1d3: {  	_ =	swait.ge [sflag:s26], $0x2800  }
0x1d4: {  	[sflag:s26] =	ssyncset.done $0x0  }
0x1d5: {  	[sflag:s26] =	ssyncadd.s32 $0xFFFFD800  }
0x1d6: {  	[spmem:s2] =	stream.indirect.scatter.add.f32 [tilespmem:s21], [sflag:$0x2], $0x80, s19, s20, $0xb8;
	v63 =	vld [tilespmem:$0x0]  }
0x1d7: {  	_ = 	snop  }
0x1d8: {  	[tilespmem:s29], [sflag:$0x1] =	stream.indirect.gather [hbm4b:s4+s20], $0x80, s28, s20, $0xb8;
	v63 =	vld [tilespmem:$0x0]  }
0x1d9: {  	_ =	swait.ge [sflag:s26], $0x2800  }
0x1da: {  	[sflag:s26] =	ssyncset.done $0x0  }
0x1db: {  	[sflag:s26] =	ssyncadd.s32 $0xFFFFD800  }
0x1dc: {  	[spmem:s2] =	stream.indirect.scatter.add.f32 [tilespmem:s23], [sflag:$0x2], $0x80, s30, s20, $0xb8;
	v63 =	vld [tilespmem:$0x0]  }
0x1dd: {  	_ =	swait.ge [sflag:s31], $0x2800  }
0x1de: {  	[sflag:s31] =	ssyncset.done $0x0  }
0x1df: {  	[sflag:s31] =	ssyncadd.s32 $0xFFFFD800  }
0x1e0: {  	[tilespmem:s21], [sflag:$0x1] =	stream.indirect.gather [hbm4b:s4+s20], $0x80, s0, s20, $0xb8;
	v63 =	vld [tilespmem:$0x0]  }
0x1e1: {  	_ =	swait.ge [sflag:s26], $0x2800  }
0x1e2: {  	[sflag:s26] =	ssyncset.done $0x0  }
0x1e3: {  	[sflag:s26] =	ssyncadd.s32 $0xFFFFD800  }
0x1e4: {  	[spmem:s2] =	stream.indirect.scatter.add.f32 [tilespmem:s25], [sflag:$0x2], $0x80, s1, s20, $0xb8;
	v63 =	vld [tilespmem:$0x0]  }
0x1e5: {  	_ =	swait.ge [sflag:s31], $0x2800  }
0x1e6: {  	[sflag:s31] =	ssyncset.done $0x0  }
0x1e7: {  	[sflag:s31] =	ssyncadd.s32 $0xFFFFD800  }
0x1e8: {  	[tilespmem:s23], [sflag:$0x1] =	stream.indirect.gather [hbm4b:s4+s20], $0x80, s5, s20, $0xb8;
	v63 =	vld [tilespmem:$0x0]  }
0x1e9: {  	_ =	swait.ge [sflag:s26], $0x2800  }
0x1ea: {  	[sflag:s26] =	ssyncset.done $0x0  }
0x1eb: {  	[sflag:s26] =	ssyncadd.s32 $0xFFFFD800  }
0x1ec: {  	[spmem:s2] =	stream.indirect.scatter.add.f32 [tilespmem:s29], [sflag:$0x2], $0x80, s7, s20, $0xb8;
	v63 =	vld [tilespmem:$0x0]  }
0x1ed: {  	_ =	swait.ge [sflag:s31], $0x2800  }
0x1ee: {  	[sflag:s31] =	ssyncset.done $0x0  }
0x1ef: {  	[sflag:s31] =	ssyncadd.s32 $0xFFFFD800  }
0x1f0: {  	[tilespmem:s25], [sflag:$0x1] =	stream.indirect.gather [hbm4b:s4+s20], $0x80, s8, s20, $0xb8;
	v63 =	vld [tilespmem:$0x0]  }
0x1f1: {  	_ =	swait.ge [sflag:s26], $0x2800  }
0x1f2: {  	[sflag:s26] =	ssyncset.done $0x0  }
0x1f3: {  	s16 =	simm.s32 $0x1200;
	[sflag:s26] =	ssyncadd.s32 $0xFFFFD800  }
0x1f4: {  	[spmem:s2] =	stream.indirect.scatter.add.f32 [tilespmem:s21], [sflag:$0x2], $0x80, s16, s20, $0xb8;
	v63 =	vld [tilespmem:$0x0]  }
0x1f5: {  	_ =	swait.ge [sflag:s31], $0x2800  }
0x1f6: {  	[sflag:s31] =	ssyncset.done $0x0  }
0x1f7: {  	s15 =	simm.s32 $0x380;
	[sflag:s31] =	ssyncadd.s32 $0xFFFFD800  }
0x1f8: {  	[tilespmem:s29], [sflag:$0x1] =	stream.indirect.gather [hbm4b:s4+s20], $0x80, s15, s20, $0xb8;
	v63 =	vld [tilespmem:$0x0]  }
0x1f9: {  	_ =	swait.ge [sflag:s26], $0x2800  }
0x1fa: {  	[sflag:s26] =	ssyncset.done $0x0  }
0x1fb: {  	s16 =	simm.s32 $0x1280;
	[sflag:s26] =	ssyncadd.s32 $0xFFFFD800  }
0x1fc: {  	[spmem:s2] =	stream.indirect.scatter.add.f32 [tilespmem:s23], [sflag:$0x2], $0x80, s16, s20, $0xb8;
	v63 =	vld [tilespmem:$0x0]  }
0x1fd: {  	_ =	swait.ge [sflag:s31], $0x2800  }
0x1fe: {  	[sflag:s31] =	ssyncset.done $0x0  }
0x1ff: {  	s15 =	simm.s32 $0x400;
	[sflag:s31] =	ssyncadd.s32 $0xFFFFD800  }
0x200: {  	[tilespmem:s21], [sflag:$0x1] =	stream.indirect.gather [hbm4b:s4+s20], $0x80, s15, s20, $0xb8;
	v63 =	vld [tilespmem:$0x0]  }
0x201: {  	_ =	swait.ge [sflag:s26], $0x2800  }
0x202: {  	[sflag:s26] =	ssyncset.done $0x0  }
0x203: {  	s16 =	simm.s32 $0x1300;
	[sflag:s26] =	ssyncadd.s32 $0xFFFFD800  }
0x204: {  	[spmem:s2] =	stream.indirect.scatter.add.f32 [tilespmem:s25], [sflag:$0x2], $0x80, s16, s20, $0xb8;
	v63 =	vld [tilespmem:$0x0]  }
0x205: {  	_ =	swait.ge [sflag:s31], $0x2800  }
0x206: {  	[sflag:s31] =	ssyncset.done $0x0  }
0x207: {  	s15 =	simm.s32 $0x480;
	[sflag:s31] =	ssyncadd.s32 $0xFFFFD800  }
0x208: {  	[tilespmem:s23], [sflag:$0x1] =	stream.indirect.gather [hbm4b:s4+s20], $0x80, s15, s20, $0xb8;
	v63 =	vld [tilespmem:$0x0]  }
0x209: {  	_ =	swait.ge [sflag:s26], $0x2800  }
0x20a: {  	[sflag:s26] =	ssyncset.done $0x0  }
0x20b: {  	s16 =	simm.s32 $0x1380;
	[sflag:s26] =	ssyncadd.s32 $0xFFFFD800  }
0x20c: {  	[spmem:s2] =	stream.indirect.scatter.add.f32 [tilespmem:s29], [sflag:$0x2], $0x80, s16, s20, $0xb8;
	v63 =	vld [tilespmem:$0x0]  }
0x20d: {  	_ =	swait.ge [sflag:s31], $0x2800  }
0x20e: {  	[sflag:s31] =	ssyncset.done $0x0  }
0x20f: {  	s15 =	simm.s32 $0x800;
	s16 =	simm.s32 $0x500;
	[sflag:s31] =	ssyncadd.s32 $0xFFFFD800  }
.LBB2_8:
0x210: {  	[tilespmem:s25], [sflag:$0x1] =	stream.indirect.gather [hbm4b:s4+s20], $0x80, s16, s20, $0xb8;
	v63 =	vld [tilespmem:$0x0]  }
0x211: {  	s3 =	smov.u32 s15  }
0x212: {  	p0 =	sne.s32 s15, $0x2800;
	s15 =	sadd.s32 $0x800, s15;
	_ =	swait.ge [sflag:s26], $0x2800  }
0x213: {  	s16 =	sshra.s32 s3, $0x2;
	[sflag:s26] =	ssyncset.done $0x0  }
0x214: {  	s3 =	sadd.s32 $0x1200, s16;
	[sflag:s26] =	ssyncadd.s32 $0xFFFFD800  }
0x215: {  	[spmem:s2] =	stream.indirect.scatter.add.f32 [tilespmem:s21], [sflag:$0x2], $0x80, s3, s20, $0xb8;
	v63 =	vld [tilespmem:$0x0]  }
0x216: {  	_ =	swait.ge [sflag:s31], $0x2800  }
0x217: {  	[sflag:s31] =	ssyncset.done $0x0  }
0x218: {  	s3 =	sadd.s32 $0x380, s16;
	[sflag:s31] =	ssyncadd.s32 $0xFFFFD800  }
0x219: {  	[tilespmem:s29], [sflag:$0x1] =	stream.indirect.gather [hbm4b:s4+s20], $0x80, s3, s20, $0xb8;
	v63 =	vld [tilespmem:$0x0]  }
0x21a: {  	_ =	swait.ge [sflag:s26], $0x2800  }
0x21b: {  	[sflag:s26] =	ssyncset.done $0x0  }
0x21c: {  	s3 =	sadd.s32 $0x1280, s16;
	[sflag:s26] =	ssyncadd.s32 $0xFFFFD800  }
0x21d: {  	[spmem:s2] =	stream.indirect.scatter.add.f32 [tilespmem:s23], [sflag:$0x2], $0x80, s3, s20, $0xb8;
	v63 =	vld [tilespmem:$0x0]  }
0x21e: {  	_ =	swait.ge [sflag:s31], $0x2800  }
0x21f: {  	[sflag:s31] =	ssyncset.done $0x0  }
0x220: {  	s3 =	sadd.s32 $0x400, s16;
	[sflag:s31] =	ssyncadd.s32 $0xFFFFD800  }
0x221: {  	[tilespmem:s21], [sflag:$0x1] =	stream.indirect.gather [hbm4b:s4+s20], $0x80, s3, s20, $0xb8;
	v63 =	vld [tilespmem:$0x0]  }
0x222: {  	_ =	swait.ge [sflag:s26], $0x2800  }
0x223: {  	[sflag:s26] =	ssyncset.done $0x0  }
0x224: {  	s3 =	sadd.s32 $0x1300, s16;
	[sflag:s26] =	ssyncadd.s32 $0xFFFFD800  }
0x225: {  	[spmem:s2] =	stream.indirect.scatter.add.f32 [tilespmem:s25], [sflag:$0x2], $0x80, s3, s20, $0xb8;
	v63 =	vld [tilespmem:$0x0]  }
0x226: {  	_ =	swait.ge [sflag:s31], $0x2800  }
0x227: {  	[sflag:s31] =	ssyncset.done $0x0  }
0x228: {  	s3 =	sadd.s32 $0x480, s16;
	[sflag:s31] =	ssyncadd.s32 $0xFFFFD800  }
0x229: {  	[tilespmem:s23], [sflag:$0x1] =	stream.indirect.gather [hbm4b:s4+s20], $0x80, s3, s20, $0xb8;
	v63 =	vld [tilespmem:$0x0]  }
0x22a: {  	_ =	swait.ge [sflag:s26], $0x2800  }
0x22b: {  	[sflag:s26] =	ssyncset.done $0x0  }
.Ltmp3:
0x22c: {  	s3 =	sadd.s32 $0x1380, s16;
	[sflag:s26] =	ssyncadd.s32 $0xFFFFD800;
	(pc) =	sbr.rel @p0 .LBB2_8-.Ltmp3, $4  }
0x22d: {  	[spmem:s2] =	stream.indirect.scatter.add.f32 [tilespmem:s29], [sflag:$0x2], $0x80, s3, s20, $0xb8;
	v63 =	vld [tilespmem:$0x0]  }
0x22e: {  	_ =	swait.ge [sflag:s31], $0x2800  }
0x22f: {  	[sflag:s31] =	ssyncset.done $0x0  }
0x230: {  	s16 =	sadd.s32 $0x500, s16;
	[sflag:s31] =	ssyncadd.s32 $0xFFFFD800  }
0x231: {  	[tilespmem:s25], [sflag:$0x1] =	stream.indirect.gather [hbm4b:s4+s20], $0x80, s16, s20, $0xb8;
	v63 =	vld [tilespmem:$0x0]  }
0x232: {  	_ =	swait.ge [sflag:s26], $0x2800  }
0x233: {  	[sflag:s26] =	ssyncset.done $0x0  }
0x234: {  	[sflag:s26] =	ssyncadd.s32 $0xFFFFD800  }
0x235: {  	[spmem:s2] =	stream.indirect.scatter.add.f32 [tilespmem:s21], [sflag:$0x2], $0x80, s9, s20, $0xb8;
	v63 =	vld [tilespmem:$0x0]  }
0x236: {  	_ =	swait.ge [sflag:s31], $0x2800  }
0x237: {  	[sflag:s31] =	ssyncset.done $0x0  }
0x238: {  	[sflag:s31] =	ssyncadd.s32 $0xFFFFD800  }
0x239: {  	[tilespmem:s29], [sflag:$0x1] =	stream.indirect.gather [hbm4b:s4+s20], $0x80, s10, s20, $0xb8;
	v63 =	vld [tilespmem:$0x0]  }
0x23a: {  	_ =	swait.ge [sflag:s26], $0x2800  }
0x23b: {  	[sflag:s26] =	ssyncset.done $0x0  }
0x23c: {  	[sflag:s26] =	ssyncadd.s32 $0xFFFFD800  }
0x23d: {  	[spmem:s2] =	stream.indirect.scatter.add.f32 [tilespmem:s23], [sflag:$0x2], $0x80, s11, s20, $0xb8;
	v63 =	vld [tilespmem:$0x0]  }
0x23e: {  	_ =	swait.ge [sflag:s31], $0x2800  }
0x23f: {  	[sflag:s31] =	ssyncset.done $0x0  }
0x240: {  	[sflag:s31] =	ssyncadd.s32 $0xFFFFD800  }
0x241: {  	_ =	swait.ge [sflag:s26], $0x2800  }
0x242: {  	[sflag:s26] =	ssyncset.done $0x0  }
0x243: {  	[sflag:s26] =	ssyncadd.s32 $0xFFFFD800  }
0x244: {  	[spmem:s2] =	stream.indirect.scatter.add.f32 [tilespmem:s25], [sflag:$0x2], $0x80, s12, s20, $0xb8;
	v63 =	vld [tilespmem:$0x0]  }
0x245: {  	_ =	swait.ge [sflag:s31], $0x2800  }
0x246: {  	[sflag:s31] =	ssyncset.done $0x0  }
0x247: {  	[sflag:s31] =	ssyncadd.s32 $0xFFFFD800  }
0x248: {  	_ =	swait.ge [sflag:s26], $0x2800  }
0x249: {  	[sflag:s26] =	ssyncset.done $0x0  }
0x24a: {  	[sflag:s26] =	ssyncadd.s32 $0xFFFFD800  }
0x24b: {  	[spmem:s2] =	stream.indirect.scatter.add.f32 [tilespmem:s29], [sflag:$0x2], $0x80, s13, s20, $0xb8;
	v63 =	vld [tilespmem:$0x0]  }
0x24c: {  	_ =	swait.ge [sflag:s31], $0x2800  }
0x24d: {  	[sflag:s31] =	ssyncset.done $0x0  }
0x24e: {  	[sflag:s31] =	ssyncadd.s32 $0xFFFFD800  }
0x24f: {  	_ =	swait.ge [sflag:s31], $0x2800  }
0x250: {  	[sflag:s31] =	ssyncset.done $0x0  }
0x251: {  	[sflag:s31] =	ssyncadd.s32 $0xFFFFD800  }
0x252: {  	[bflag:$0x0] =	sbarrier.arrive $0xFFFF  }
0x253: {  	s3 =	rddreg [dreg:$0xc]  }
0x254: {  	[hbm:s3], [sflag:s6] =	dma.local [spmem:s17], $0x2800  }
0x255: {  	_ =	swait.ge [sflag:s18], $0x2800  }
0x256: {  	s14 =	sadd.s32 $0x1, s14;
	s16 =	rddreg [dreg:$0xd]  }
0x257: {  	p0 =	sne.s32 s14, s16  }
.Ltmp4:
0x258: {  	_ = 	snop;
	(pc) =	sbr.rel @p0 .LBB2_1-.Ltmp4, $3  }
0x259: {  	_ =	sdelay $0x1  }
0x25a: {  	[sflag:s18] =	ssyncset.done $0x0  }
0x25b: {  	[sflag:s18] =	ssyncadd.s32 $0xFFFFD800  }
0x25c: {  	_ =	sfence.sel $0x180000  }
0x25d: {  	[bflag:$0x0] =	sbarrier.arrive $0xFFFF  }
0x25e: {  	_ =	strace $0x9000004D  }
0x25f: {  	s0 =	stileid.u32;
	[bflag:$0x2] =	sbarrier.arrive $0xFFFF  }
0x260: {  	p0 =	sne.s32 s0, $0x0;
	s0 =	rddreg [dreg:$0x2]  }
0x261: {  	s0 =	sadd.s32 @!p0 $0x100000, s0  }
0x262: {  	[sflag:s0] =	ssyncadd.tile.s32 @!p0 $0x1;
	_ =	shalt  }
.Lfunc_end2:
_tile_overlayer_lowered:
.L_overlay_start_2:
0x263: {  	(tag) =	ssettag $0x2  }
0x264: {  	s0 =	rddreg [dreg:$0x0];
	s2 =	stileid.u32  }
0x265: {  	s1 =	rddreg [dreg:$0x1];
	p0 =	sne.s32 s2, $0x0  }
0x266: {  	s3 =	rddreg [dreg:$0x2];
	[bflag:$0x3] =	sbarrier.arrive $0xFFFF;
	s2 =	simm.s32 @!p0 $0x1C03  }
0x267: {  	[timem:s3], [sflag:s2] =	dma.local @!p0 [hbm:s0], s1  }
0x268: {  	s0 =	simm.s32 @!p0 $0x3  }
0x269: {  	_ =	swait.ge @!p0 [sflag:s0], s1  }
0x26a: {  	s1 =	ssub.s32 @!p0 $0x0, s1;
	[sflag:s0] =	ssyncset.done @!p0 $0x0  }
0x26b: {  	[sflag:s0] =	ssyncadd.s32 @!p0 s1  }
0x26c: {  	[bflag:$0x3] =	sbarrier.arrive $0xFFFF  }
0x26d: {  	_ =	shalt  }

// kernel: kernel.8.cloned.1.call-start
scs
__scs_entry_jumppad:
0x0: {  	(pc) =	sbr.rel $0x88, $3  }
0x1: {  	(tag) =	ssettag $0x0;
	lr =	simm.s32 $0x1  }
0x2: {  	[smem:$0x3F99] =	sst lr;
	_ =	strace $0xD0000000  }
0x3: {  	_ = 	snop  }
0x4: {  	_ = 	snop  }
0x5: {  	_ = 	snop  }
0x6: {  	_ = 	snop  }
0x7: {  	_ = 	snop  }
__scs_overlays_trampoline_lowered:
0x8: {  	[smem:$0x3FA8] =	sst s0  }
0x9: {  	[smem:$0x3FA9] =	sst s1  }
0xa: {  	[smem:$0x3FAA] =	sst s2  }
0xb: {  	[smem:$0x3FAB] =	sst s3  }
0xc: {  	[smem:$0x3FAC] =	sst s4  }
0xd: {  	[smem:$0x3FAD] =	sst s5  }
0xe: {  	[smem:$0x3FAE] =	sst s6  }
0xf: {  	[smem:$0x3FAF] =	sst s7  }
0x10: {  	[smem:$0x3FB0] =	sst s8  }
0x11: {  	[smem:$0x3FB1] =	sst s9;
	s0 =	simm.s32 @!p0 $0x0  }
0x12: {  	s1 =	sld [smem:$0x3F97];
	s0 =	simm.s32 @p0 $0x1  }
0x13: {  	[smem:$0x3FB2] =	sst s0;
	s0 =	simm.s32 @!p1 $0x0  }
0x14: {  	s2 =	sld [smem:$0x3F96];
	s0 =	simm.s32 @p1 $0x1  }
0x15: {  	[smem:$0x3FB3] =	sst s0;
	s0 =	simm.s32 @!p2 $0x0  }
0x16: {  	s3 =	sld [smem:$0x3FDB];
	s0 =	simm.s32 @p2 $0x1  }
0x17: {  	s4 =	simm.s32 $0x1BF5;
	[smem:$0x3FB5] =	sst s0  }
0x18: {  	s0 =	sld [smem:$0x3F98];
	_ =	swait.ge [sflag:s4], $0x0  }
0x19: {  	s7 =	sld [smem:$0x3F99]  }
0x1a: {  	s8 =	sadd.s32 $0xFFFFE003, lr  }
0x1b: {  	s9 =	sadd.s32 $0xFFFFFEF7, lr;
	s5 =	simm.s32 $0xFFFFFFFF;
	p2 =	slt.u32 s8, $0xFFFFF086  }
0x1c: {  	p1 =	slt.u32 s9, $0xF7A;
	s5 =	simm.s32 @!p2 $0x0  }
0x1d: {  	s5 =	simm.s32 @p1 $0x1;
	p0 =	seq.s32 s7, s2  }
0x1e: {  	s7 =	smul.u32 @!p0 $0xF7A, s2;
	p2 =	seq.s32 @!p0 s5, $0x0  }
0x1f: {  	s9 =	smul.u32 $0xF7A, s1;
	s8 =	simm.s32 @!p0 $0x1BF5;
	p2 =	por !p2, p0  }
0x20: {  	[sflag:s8] =	ssyncset.s32 @!p0 $0xFFFFF086;
	s6 =	sadd.s32 @!p0 s3, s7;
	s7 =	simm.s32 @!p0 $0x108  }
0x21: {  	s3 =	sadd.s32 s3, s9;
	s6 =	sadd.s32 @!p0 $0x88, s6;
	s7 =	simm.s32 @p2 $0x1082  }
0x22: {  	[simem:s7], [sflag:s8] =	dma.local @!p0 [hbm:s6], $0xF7A  }
0x23: {  	s9 =	sor.u32 $0xD0000000, s2;
	s6 =	simm.s32 $0x108;
	_ =	swait.ge @!p0 [sflag:s8], $0x0  }
0x24: {  	s3 =	sadd.s32 $0x88, s3;
	s6 =	simm.s32 @!p1 $0x1082;
	[sflag:s4] =	ssyncset.s32 $0xFFFFF086  }
0x25: {  	[simem:s6], [sflag:s4] =	dma.local [hbm:s3], $0xF7A  }
0x26: {  	[smem:$0x3F99] =	sst s1;
	(tag) =	ssettag s2;
	_ =	strace s9  }
0x27: {  	s1 =	sld [smem:$0x3FA9]  }
0x28: {  	s2 =	sld [smem:$0x3FAA]  }
0x29: {  	s4 =	sld [smem:$0x3FAC]  }
0x2a: {  	p0 =	seq.s32 s5, $0x0;
	s5 =	sld [smem:$0x3FAD]  }
0x2b: {  	s6 =	sld [smem:$0x3FAE]  }
0x2c: {  	s7 =	sld [smem:$0x3FAF]  }
0x2d: {  	s3 =	simm.s32 $0x108;
	s8 =	sld [smem:$0x3FB0]  }
0x2e: {  	s3 =	simm.s32 @!p0 $0x1082;
	s9 =	sld [smem:$0x3FB1]  }
0x2f: {  	lr =	sadd.s32 s0, s3;
	s0 =	sld [smem:$0x3FA8]  }
0x30: {  	s3 =	sld [smem:$0x3FAB]  }
0x31: {  	[smem:$0x3FB4] =	sst s10  }
0x32: {  	s10 =	sld [smem:$0x3FB2];
	_ =	sdelay $0x3  }
0x33: {  	p0 =	seq.s32 s10, $0x1;
	s10 =	sld [smem:$0x3FB4];
	_ =	sdelay $0x3  }
0x34: {  	[smem:$0x3FB4] =	sst s10  }
0x35: {  	s10 =	sld [smem:$0x3FB3];
	_ =	sdelay $0x3  }
0x36: {  	p1 =	seq.s32 s10, $0x1;
	s10 =	sld [smem:$0x3FB4];
	_ =	sdelay $0x3  }
0x37: {  	[smem:$0x3FB4] =	sst s10  }
0x38: {  	s10 =	sld [smem:$0x3FB5]  }
0x39: {  	_ = 	snop;
	(pc) =	sbr.ind lr, $3  }
0x3a: {  	_ = 	snop  }
0x3b: {  	_ = 	snop  }
0x3c: {  	p2 =	seq.s32 s10, $0x1;
	s10 =	sld [smem:$0x3FB4]  }
0x3d: {  	_ =	shalt  }
0x3e: {  	_ =	shalt  }
0x3f: {  	_ =	shalt  }
0x40: {  	_ =	shalt  }
0x41: {  	_ =	shalt  }
0x42: {  	_ =	shalt  }
0x43: {  	_ =	shalt  }
0x44: {  	_ =	shalt  }
0x45: {  	_ =	shalt  }
0x46: {  	_ =	shalt  }
0x47: {  	_ =	shalt  }
0x48: {  	_ =	shalt  }
0x49: {  	_ =	shalt  }
0x4a: {  	_ =	shalt  }
0x4b: {  	_ =	shalt  }
0x4c: {  	_ =	shalt  }
0x4d: {  	_ =	shalt  }
0x4e: {  	_ =	shalt  }
0x4f: {  	_ =	shalt  }
0x50: {  	_ =	shalt  }
0x51: {  	_ =	shalt  }
0x52: {  	_ =	shalt  }
0x53: {  	_ =	shalt  }
0x54: {  	_ =	shalt  }
0x55: {  	_ =	shalt  }
0x56: {  	_ =	shalt  }
0x57: {  	_ =	shalt  }
0x58: {  	_ =	shalt  }
0x59: {  	_ =	shalt  }
0x5a: {  	_ =	shalt  }
0x5b: {  	_ =	shalt  }
0x5c: {  	_ =	shalt  }
0x5d: {  	_ =	shalt  }
0x5e: {  	_ =	shalt  }
0x5f: {  	_ =	shalt  }
0x60: {  	_ =	shalt  }
0x61: {  	_ =	shalt  }
0x62: {  	_ =	shalt  }
0x63: {  	_ =	shalt  }
0x64: {  	_ =	shalt  }
0x65: {  	_ =	shalt  }
0x66: {  	_ =	shalt  }
0x67: {  	_ =	shalt  }
0x68: {  	_ =	shalt  }
0x69: {  	_ =	shalt  }
0x6a: {  	_ =	shalt  }
0x6b: {  	_ =	shalt  }
0x6c: {  	_ =	shalt  }
0x6d: {  	_ =	shalt  }
0x6e: {  	_ =	shalt  }
0x6f: {  	_ =	shalt  }
0x70: {  	_ =	shalt  }
0x71: {  	_ =	shalt  }
0x72: {  	_ =	shalt  }
0x73: {  	_ =	shalt  }
0x74: {  	_ =	shalt  }
0x75: {  	_ =	shalt  }
0x76: {  	_ =	shalt  }
0x77: {  	_ =	shalt  }
0x78: {  	_ =	shalt  }
0x79: {  	_ =	shalt  }
0x7a: {  	_ =	shalt  }
0x7b: {  	_ =	shalt  }
0x7c: {  	_ =	shalt  }
0x7d: {  	_ =	shalt  }
0x7e: {  	_ =	shalt  }
0x7f: {  	_ =	shalt  }
0x80: {  	_ =	shalt  }
0x81: {  	_ =	shalt  }
0x82: {  	_ =	shalt  }
0x83: {  	_ =	shalt  }
0x84: {  	_ =	shalt  }
0x85: {  	_ =	shalt  }
0x86: {  	_ =	shalt  }
0x87: {  	_ =	shalt  }
.Lfunc_end0:
.L_simem_size_0:
called_computation_lowered:
.L_overlay_start_0:
0x88: {  	s2 =	sld [smem:$0x3FD9]  }
0x89: {  	s3 =	sld [smem:$0x3FFE];
	_ =	sdelay $0x1  }
0x8a: {  	s1 =	srdreg.scid  }
0x8b: {  	s0 =	sand.u32 $0x1, s1  }
0x8c: {  	s17 =	sshll.u32 s0, $0xA;
	s2 =	sadd.s32 s3, s2  }
0x8d: {  	s2 =	sadd.s32 s2, s17  }
0x8e: {  	[smem:$0x3FC0] =	sst s2  }
0x8f: {  	_ = 	snop  }
0x90: {  	s2 =	sld [smem:$0x3FD0];
	(tm) =	ssettm $0x1  }
0x91: {  	s18 =	sld [smem:$0x3FFB];
	_ =	sdelay $0x3  }
0x92: {  	_ =	strace s18  }
0x93: {  	s3 =	sld [smem:$0x3FFC];
	_ =	sdelay $0x3  }
0x94: {  	_ =	strace s3  }
0x95: {  	s3 =	sld [smem:$0x3FFD];
	_ =	sdelay $0x3  }
0x96: {  	_ =	strace s3  }
0x97: {  	_ =	strace $0x8FFFFFFF  }
0x98: {  	s19 =	sld [smem:$0x3FDB];
	_ =	sdelay $0x1  }
0x99: {  	s4 =	simm.s32 $_scs_section_size  }
0x9a: {  	s5 =	simm.s32 $_size__tile_overlayer_lowered;
	s6 =	simm.s32 $_tile_overlayer_lowered  }
0x9b: {  	s22 =	simm.s32 $0x1BFF;
	s21 =	sshll.u32 s6, $0x1;
	s3 =	sadd.s32 s4, s19  }
0x9c: {  	s7 =	simm.s32 $0x0;
	s20 =	sshll.u32 s5, $0x1;
	s5 =	sadd.s32 s21, s3  }
0x9d: {  	[timem:s7], [sflag:s22] =	dma.local [hbm:s5], s20  }
0x9e: {  	_ =	swait.ge [sflag:s22], s20  }
0x9f: {  	s4 =	ssub.s32 $0x0, s20;
	[sflag:s22] =	ssyncset.done $0x0  }
0xa0: {  	[sflag:s22] =	ssyncadd.s32 s4;
	_ =	sdelay $0x1  }
0xa1: {  	s23 =	simm.s32 $0x1B8B  }
0xa2: {  	_ =	swait.ge [sflag:s23], $0x1  }
0xa3: {  	[sflag:s23] =	ssyncset.done $0x0  }
0xa4: {  	s25 =	simm.s32 $0x1B8E;
	s24 =	sld [smem:$0x3FFE];
	[sflag:s23] =	ssyncadd.s32 $0xFFFFFFFF  }
0xa5: {  	s26 =	simm.s32 $execute0_lowered;
	[smem:$0x3FD2] =	sst s25  }
0xa6: {  	s5 =	sshll.u32 s26, $0x1;
	_ =	strace $0x80000046;
	[dreg:$0x1] =	wrdreg $0xFFFFFFFF  }
0xa7: {  	s28 =	simm.s32 $_size_execute0_lowered;
	s3 =	sadd.s32 s3, s5;
	[dreg:$0x0] =	wrdreg $0x0  }
0xa8: {  	s5 =	sshll.u32 s28, $0x1;
	[dreg:$0x2] =	wrdreg s3  }
0xa9: {  	[dreg:$0x3] =	wrdreg s5  }
0xaa: {  	[dreg:$0x4] =	wrdreg $0xC0  }
0xab: {  	_ =	task [dreg:s7], $0x5FFFF  }
0xac: {  	[dreg:$0x1] =	wrdreg $0xFFFFFFFF  }
0xad: {  	[dreg:$0x0] =	wrdreg $0x60  }
0xae: {  	[dreg:$0x2] =	wrdreg s24  }
0xaf: {  	[dreg:$0x3] =	wrdreg s2  }
0xb0: {  	[dreg:$0x4] =	wrdreg $0x10800  }
0xb1: {  	[dreg:$0x5] =	wrdreg $0x9  }
0xb2: {  	_ =	task.clear_ibuf [dreg:s7], $0x6FFFF;
	_ =	strace $0x90000046  }
0xb3: {  	s29 =	simm.s32 $0x9;
	_ =	strace $0x80000048  }
0xb4: {  	_ =	swait.ge [sflag:s29], $0x1  }
0xb5: {  	[sflag:s29] =	ssyncadd.s32 $0xFFFFFFFF  }
0xb6: {  	_ =	strace $0x90000048  }
0xb7: {  	_ =	sfence  }
0xb8: {  	s30 =	sld [smem:$0x0];
	_ =	sdelay $0x2  }
0xb9: {  	s31 =	sshll.u32 s1, $0xD;
	s1 =	sshrl.u32 s1, $0x2  }
0xba: {  	s3 =	sand.u32 $0x4000, s31;
	s1 =	sadd.s32 s1, s30  }
0xbb: {  	s0 =	sor.u32 s3, s0;
	s1 =	sshll.u32 s1, $0x11  }
0xbc: {  	s0 =	sor.u32 s1, s0  }
0xbd: {  	s0 =	sadd.s32 $0x8F2B, s0  }
0xbe: {  	[sflag:s0] =	ssyncadd.remote.s32 $0x1  }
0xbf: {  	_ =	sfence.sel $0xFFFF  }
0xc0: {  	[dreg:$0x0] =	wrdreg $0xFFFFFFFF;
	(pc) =	sbr.abs _section_cstart, $3  }
0xc1: {  	[dreg:$0x1] =	wrdreg $0xFFFFFFFF  }
0xc2: {  	_ =	task.clear_ibuf [dreg:s7], $0x2FFFF;
	_ =	strace $0x9FFFFFFF  }
0xc3: {  	(tm) =	ssettm $0x7FFFFFFF  }
tec
execute0_lowered:
.L_overlay_start_1:
0x0: {  	(tag) =	ssettag $0x1  }
0x1: {  	s6 =	rddreg [dreg:$0x0]  }
0x2: {  	s2 =	rddreg [dreg:$0x1]  }
0x3: {  	s3 =	rddreg [dreg:$0x2]  }
0x4: {  	s0 =	rddreg [dreg:$0x3];
	s5 =	srdreg.scid  }
0x5: {  	s1 =	stileid.u32;
	s4 =	simm.s32 $0x0;
	s15 =	simm.s32 $0x1000  }
0x6: {  	s16 =	simm.s32 $0x50;
	s17 =	simm.s32 $0x1;
	s18 =	simm.s32 $0x0  }
0x7: {  	s7 =	sand.u32 $0x1, s5;
	s8 =	smul.u32 $0x280, s1;
	s9 =	sshll.u32 s1, $0xB  }
0x8: {  	[smem:$0x7FF] =	sst s4;
	s31 =	sshll.u32 s1, $0x6;
	s5 =	sshll.u32 s7, $0xF  }
0x9: {  	s10 =	smul.u32 $0x2800, s7;
	_ =	strace $0x80000047;
	s7 =	ssub.s32 $0x2, s7  }
0xa: {  	s5 =	sor.u32 s9, s5;
	s30 =	sshrl.u32 s7, $0x1;
	s14 =	sadd.s32 s8, s3  }
0xb: {  	s11 =	sadd.s32 s5, s6;
	s29 =	sadd.s32 s8, s10;
	s5 =	sadd.s32 $0x12A00, s6  }
0xc: {  	s13 =	ssub.s32 s7, s30;
	s9 =	sshrl.u32 s29, $0x3;
	s7 =	sadd.s32 $0x2A00, s11  }
0xd: {  	s8 =	sadd.s32 $0x2C00, s11;
	s10 =	sadd.s32 $0x3000, s11;
	s12 =	sadd.s32 s9, s6  }
0xe: {  	s6 =	sor.u32 $0x1C02, s31;
	s9 =	sadd.s32 $0x2E00, s11;
	s11 =	sadd.s32 $0x12C00, s12  }
0xf: {  	s12 =	smax.u32 s13, $0x1;
	s13 =	sshrl.u32 s14, $0x3;
	s14 =	simm.s32 $0x2  }
.LBB2_1:
0x10: {  	[spmem:s13], [sflag:s6] =	dma.local [hbm:s5], $0x50  }
0x11: {  	_ =	swait.ge [sflag:s14], $0x50  }
0x12: {  	[sflag:s14] =	ssyncset.done $0x0  }
0x13: {  	[sflag:s14] =	ssyncadd.s32 $0xFFFFFFB0  }
0x14: {  	[tilespmem:s15], [sflag:$0x2] =	stream.linear.gather [hbm4b:s2+s4], $0x80, $0x38;
	[tilespmem:$0x1300] =	vst v63  }
0x15: {  	_ =	swait.ge [sflag:s14], $0x80  }
0x16: {  	[sflag:s14] =	ssyncset.done $0x0  }
0x17: {  	[sflag:s14] =	ssyncadd.s32 $0xFFFFFF80  }
0x18: {  	[bflag:$0x0] =	sbarrier.arrive $0xFFFF  }
0x19: {  	[tilespmem:s4], [sflag:$0x2] =	stream.linear.gather [hbm4b:s7+s4], $0x1000, $0x38;
	[tilespmem:$0x1300] =	vst v63  }
0x1a: {  	_ =	swait.ge [sflag:s14], $0x1000  }
0x1b: {  	p0 =	por $0x1, $0x1;
	[sflag:s14] =	ssyncset.done $0x0  }
0x1c: {  	s21 =	simm.s32 @!p0 $0x1;
	[sflag:s14] =	ssyncadd.s32 $0xFFFFF000  }
0x1d: {  	[spmem:s3] =	stream.indirect.scatter.add.f32 [tilespmem:s15], [sflag:$0x1], $0x1, s4, s16, $0xb8;
	[tilespmem:$0x1300] =	vst v63  }
0x1e: {  	_ =	swait.ge @!p0 [sflag:s21], $0x50  }
0x1f: {  	s19 =	simm.s32 $0x1;
	s20 =	simm.s32 $0x0;
	[sflag:s21] =	ssyncset.done @!p0 $0x0  }
.LBB2_2:
0x20: {  	[sflag:s21] =	ssyncadd.s32 @!p0 $0xFFFFFFB0  }
0x21: {  	s20 =	sadd.s32 $0x80, s20;
	s21 =	smov.u32 s19;
	s19 =	sadd.s32 $0x1, s19  }
0x22: {  	p1 =	sne.s32 s19, $0x20  }
0x23: {  	[spmem:s3] =	stream.indirect.scatter.add.f32 [tilespmem:s15], [sflag:$0x1], $0x1, s20, s16, $0xb8;
	[tilespmem:$0x1300] =	vst v63  }
.Ltmp0:
0x24: {  	_ = 	snop;
	(pc) =	sbr.rel @p1 .LBB2_2-.Ltmp0, $4  }
0x25: {  	p0 =	slt.u32 s21, $0x8  }
0x26: {  	s21 =	simm.s32 @!p0 $0x1  }
0x27: {  	_ =	swait.ge @!p0 [sflag:s21], $0x50  }
0x28: {  	[sflag:s21] =	ssyncset.done @!p0 $0x0  }
0x29: {  	[sflag:s21] =	ssyncadd.s32 @!p0 $0xFFFFFFB0  }
0x2a: {  	_ =	swait.ge [sflag:s17], $0x50  }
0x2b: {  	[sflag:s17] =	ssyncset.done $0x0  }
0x2c: {  	[sflag:s17] =	ssyncadd.s32 $0xFFFFFFB0  }
0x2d: {  	_ =	swait.ge [sflag:s17], $0x50  }
0x2e: {  	[sflag:s17] =	ssyncset.done $0x0  }
0x2f: {  	[sflag:s17] =	ssyncadd.s32 $0xFFFFFFB0  }
0x30: {  	_ =	swait.ge [sflag:s17], $0x50  }
0x31: {  	[sflag:s17] =	ssyncset.done $0x0  }
0x32: {  	[sflag:s17] =	ssyncadd.s32 $0xFFFFFFB0  }
0x33: {  	_ =	swait.ge [sflag:s17], $0x50  }
0x34: {  	[sflag:s17] =	ssyncset.done $0x0  }
0x35: {  	[sflag:s17] =	ssyncadd.s32 $0xFFFFFFB0  }
0x36: {  	_ =	swait.ge [sflag:s17], $0x50  }
0x37: {  	[sflag:s17] =	ssyncset.done $0x0  }
0x38: {  	[sflag:s17] =	ssyncadd.s32 $0xFFFFFFB0  }
0x39: {  	_ =	swait.ge [sflag:s17], $0x50  }
0x3a: {  	[sflag:s17] =	ssyncset.done $0x0  }
0x3b: {  	[sflag:s17] =	ssyncadd.s32 $0xFFFFFFB0  }
0x3c: {  	_ =	swait.ge [sflag:s17], $0x50  }
0x3d: {  	[sflag:s17] =	ssyncset.done $0x0  }
0x3e: {  	[sflag:s17] =	ssyncadd.s32 $0xFFFFFFB0  }
0x3f: {  	_ =	swait.ge [sflag:s17], $0x50  }
0x40: {  	[sflag:s17] =	ssyncset.done $0x0  }
0x41: {  	s19 =	simm.s32 $0x0;
	[sflag:s17] =	ssyncadd.s32 $0xFFFFFFB0  }
0x42: {  	[tilespmem:s19], [sflag:$0x2] =	stream.linear.gather [hbm4b:s8+s19], $0x1000, $0x38;
	[tilespmem:$0x1300] =	vst v63  }
0x43: {  	_ =	swait.ge [sflag:s14], $0x1000  }
0x44: {  	p0 =	por $0x1, $0x1;
	[sflag:s14] =	ssyncset.done $0x0  }
0x45: {  	s21 =	simm.s32 @!p0 $0x1;
	[sflag:s14] =	ssyncadd.s32 $0xFFFFF000  }
0x46: {  	[spmem:s3] =	stream.indirect.scatter.add.f32 [tilespmem:s15], [sflag:$0x1], $0x1, s19, s16, $0xb8;
	[tilespmem:$0x1300] =	vst v63  }
0x47: {  	_ =	swait.ge @!p0 [sflag:s21], $0x50  }
0x48: {  	s20 =	simm.s32 $0x1;
	[sflag:s21] =	ssyncset.done @!p0 $0x0  }
.LBB2_4:
0x49: {  	[sflag:s21] =	ssyncadd.s32 @!p0 $0xFFFFFFB0  }
0x4a: {  	s19 =	sadd.s32 $0x80, s19;
	s21 =	smov.u32 s20;
	s20 =	sadd.s32 $0x1, s20  }
0x4b: {  	p1 =	sne.s32 s20, $0x20  }
0x4c: {  	[spmem:s3] =	stream.indirect.scatter.add.f32 [tilespmem:s15], [sflag:$0x1], $0x1, s19, s16, $0xb8;
	[tilespmem:$0x1300] =	vst v63  }
.Ltmp1:
0x4d: {  	_ = 	snop;
	(pc) =	sbr.rel @p1 .LBB2_4-.Ltmp1, $4  }
0x4e: {  	p0 =	slt.u32 s21, $0x8  }
0x4f: {  	s21 =	simm.s32 @!p0 $0x1  }
0x50: {  	_ =	swait.ge @!p0 [sflag:s21], $0x50  }
0x51: {  	[sflag:s21] =	ssyncset.done @!p0 $0x0  }
0x52: {  	[sflag:s21] =	ssyncadd.s32 @!p0 $0xFFFFFFB0  }
0x53: {  	_ =	swait.ge [sflag:s17], $0x50  }
0x54: {  	[sflag:s17] =	ssyncset.done $0x0  }
0x55: {  	[sflag:s17] =	ssyncadd.s32 $0xFFFFFFB0  }
0x56: {  	_ =	swait.ge [sflag:s17], $0x50  }
0x57: {  	[sflag:s17] =	ssyncset.done $0x0  }
0x58: {  	[sflag:s17] =	ssyncadd.s32 $0xFFFFFFB0  }
0x59: {  	_ =	swait.ge [sflag:s17], $0x50  }
0x5a: {  	[sflag:s17] =	ssyncset.done $0x0  }
0x5b: {  	[sflag:s17] =	ssyncadd.s32 $0xFFFFFFB0  }
0x5c: {  	_ =	swait.ge [sflag:s17], $0x50  }
0x5d: {  	[sflag:s17] =	ssyncset.done $0x0  }
0x5e: {  	[sflag:s17] =	ssyncadd.s32 $0xFFFFFFB0  }
0x5f: {  	_ =	swait.ge [sflag:s17], $0x50  }
0x60: {  	[sflag:s17] =	ssyncset.done $0x0  }
0x61: {  	[sflag:s17] =	ssyncadd.s32 $0xFFFFFFB0  }
0x62: {  	_ =	swait.ge [sflag:s17], $0x50  }
0x63: {  	[sflag:s17] =	ssyncset.done $0x0  }
0x64: {  	[sflag:s17] =	ssyncadd.s32 $0xFFFFFFB0  }
0x65: {  	_ =	swait.ge [sflag:s17], $0x50  }
0x66: {  	[sflag:s17] =	ssyncset.done $0x0  }
0x67: {  	[sflag:s17] =	ssyncadd.s32 $0xFFFFFFB0  }
0x68: {  	_ =	swait.ge [sflag:s17], $0x50  }
0x69: {  	[sflag:s17] =	ssyncset.done $0x0  }
0x6a: {  	s19 =	simm.s32 $0x0;
	[sflag:s17] =	ssyncadd.s32 $0xFFFFFFB0  }
0x6b: {  	[tilespmem:s19], [sflag:$0x2] =	stream.linear.gather [hbm4b:s9+s19], $0x1000, $0x38;
	[tilespmem:$0x1300] =	vst v63  }
0x6c: {  	_ =	swait.ge [sflag:s14], $0x1000  }
0x6d: {  	p0 =	por $0x1, $0x1;
	[sflag:s14] =	ssyncset.done $0x0  }
0x6e: {  	s21 =	simm.s32 @!p0 $0x1;
	[sflag:s14] =	ssyncadd.s32 $0xFFFFF000  }
0x6f: {  	[spmem:s3] =	stream.indirect.scatter.add.f32 [tilespmem:s15], [sflag:$0x1], $0x1, s19, s16, $0xb8;
	[tilespmem:$0x1300] =	vst v63  }
0x70: {  	_ =	swait.ge @!p0 [sflag:s21], $0x50  }
0x71: {  	s20 =	simm.s32 $0x1;
	[sflag:s21] =	ssyncset.done @!p0 $0x0  }
.LBB2_6:
0x72: {  	[sflag:s21] =	ssyncadd.s32 @!p0 $0xFFFFFFB0  }
0x73: {  	s19 =	sadd.s32 $0x80, s19;
	s21 =	smov.u32 s20;
	s20 =	sadd.s32 $0x1, s20  }
0x74: {  	p1 =	sne.s32 s20, $0x20  }
0x75: {  	[spmem:s3] =	stream.indirect.scatter.add.f32 [tilespmem:s15], [sflag:$0x1], $0x1, s19, s16, $0xb8;
	[tilespmem:$0x1300] =	vst v63  }
.Ltmp2:
0x76: {  	_ = 	snop;
	(pc) =	sbr.rel @p1 .LBB2_6-.Ltmp2, $4  }
0x77: {  	p0 =	slt.u32 s21, $0x8  }
0x78: {  	s21 =	simm.s32 @!p0 $0x1  }
0x79: {  	_ =	swait.ge @!p0 [sflag:s21], $0x50  }
0x7a: {  	[sflag:s21] =	ssyncset.done @!p0 $0x0  }
0x7b: {  	[sflag:s21] =	ssyncadd.s32 @!p0 $0xFFFFFFB0  }
0x7c: {  	_ =	swait.ge [sflag:s17], $0x50  }
0x7d: {  	[sflag:s17] =	ssyncset.done $0x0  }
0x7e: {  	[sflag:s17] =	ssyncadd.s32 $0xFFFFFFB0  }
0x7f: {  	_ =	swait.ge [sflag:s17], $0x50  }
0x80: {  	[sflag:s17] =	ssyncset.done $0x0  }
0x81: {  	[sflag:s17] =	ssyncadd.s32 $0xFFFFFFB0  }
0x82: {  	_ =	swait.ge [sflag:s17], $0x50  }
0x83: {  	[sflag:s17] =	ssyncset.done $0x0  }
0x84: {  	[sflag:s17] =	ssyncadd.s32 $0xFFFFFFB0  }
0x85: {  	_ =	swait.ge [sflag:s17], $0x50  }
0x86: {  	[sflag:s17] =	ssyncset.done $0x0  }
0x87: {  	[sflag:s17] =	ssyncadd.s32 $0xFFFFFFB0  }
0x88: {  	_ =	swait.ge [sflag:s17], $0x50  }
0x89: {  	[sflag:s17] =	ssyncset.done $0x0  }
0x8a: {  	[sflag:s17] =	ssyncadd.s32 $0xFFFFFFB0  }
0x8b: {  	_ =	swait.ge [sflag:s17], $0x50  }
0x8c: {  	[sflag:s17] =	ssyncset.done $0x0  }
0x8d: {  	[sflag:s17] =	ssyncadd.s32 $0xFFFFFFB0  }
0x8e: {  	_ =	swait.ge [sflag:s17], $0x50  }
0x8f: {  	[sflag:s17] =	ssyncset.done $0x0  }
0x90: {  	[sflag:s17] =	ssyncadd.s32 $0xFFFFFFB0  }
0x91: {  	_ =	swait.ge [sflag:s17], $0x50  }
0x92: {  	[sflag:s17] =	ssyncset.done $0x0  }
0x93: {  	s19 =	simm.s32 $0x0;
	[sflag:s17] =	ssyncadd.s32 $0xFFFFFFB0  }
0x94: {  	[tilespmem:s19], [sflag:$0x2] =	stream.linear.gather [hbm4b:s10+s19], $0x1000, $0x38;
	[tilespmem:$0x1300] =	vst v63  }
0x95: {  	_ =	swait.ge [sflag:s14], $0x1000  }
0x96: {  	p0 =	por $0x1, $0x1;
	[sflag:s14] =	ssyncset.done $0x0  }
0x97: {  	s21 =	simm.s32 @!p0 $0x1;
	[sflag:s14] =	ssyncadd.s32 $0xFFFFF000  }
0x98: {  	[spmem:s3] =	stream.indirect.scatter.add.f32 [tilespmem:s15], [sflag:$0x1], $0x1, s19, s16, $0xb8;
	[tilespmem:$0x1300] =	vst v63  }
0x99: {  	_ =	swait.ge @!p0 [sflag:s21], $0x50  }
0x9a: {  	s20 =	simm.s32 $0x1;
	[sflag:s21] =	ssyncset.done @!p0 $0x0  }
.LBB2_8:
0x9b: {  	[sflag:s21] =	ssyncadd.s32 @!p0 $0xFFFFFFB0  }
0x9c: {  	s19 =	sadd.s32 $0x80, s19;
	s21 =	smov.u32 s20;
	s20 =	sadd.s32 $0x1, s20  }
0x9d: {  	p1 =	sne.s32 s20, $0x20  }
0x9e: {  	[spmem:s3] =	stream.indirect.scatter.add.f32 [tilespmem:s15], [sflag:$0x1], $0x1, s19, s16, $0xb8;
	[tilespmem:$0x1300] =	vst v63  }
.Ltmp3:
0x9f: {  	_ = 	snop;
	(pc) =	sbr.rel @p1 .LBB2_8-.Ltmp3, $4  }
0xa0: {  	p0 =	slt.u32 s21, $0x8  }
0xa1: {  	s21 =	simm.s32 @!p0 $0x1  }
0xa2: {  	_ =	swait.ge @!p0 [sflag:s21], $0x50  }
0xa3: {  	[sflag:s21] =	ssyncset.done @!p0 $0x0  }
0xa4: {  	[sflag:s21] =	ssyncadd.s32 @!p0 $0xFFFFFFB0  }
0xa5: {  	_ =	swait.ge [sflag:s17], $0x50  }
0xa6: {  	[sflag:s17] =	ssyncset.done $0x0  }
0xa7: {  	[sflag:s17] =	ssyncadd.s32 $0xFFFFFFB0  }
0xa8: {  	_ =	swait.ge [sflag:s17], $0x50  }
0xa9: {  	[sflag:s17] =	ssyncset.done $0x0  }
0xaa: {  	[sflag:s17] =	ssyncadd.s32 $0xFFFFFFB0  }
0xab: {  	_ =	swait.ge [sflag:s17], $0x50  }
0xac: {  	[sflag:s17] =	ssyncset.done $0x0  }
0xad: {  	[sflag:s17] =	ssyncadd.s32 $0xFFFFFFB0  }
0xae: {  	_ =	swait.ge [sflag:s17], $0x50  }
0xaf: {  	[sflag:s17] =	ssyncset.done $0x0  }
0xb0: {  	[sflag:s17] =	ssyncadd.s32 $0xFFFFFFB0  }
0xb1: {  	_ =	swait.ge [sflag:s17], $0x50  }
0xb2: {  	[sflag:s17] =	ssyncset.done $0x0  }
0xb3: {  	[sflag:s17] =	ssyncadd.s32 $0xFFFFFFB0  }
0xb4: {  	_ =	swait.ge [sflag:s17], $0x50  }
0xb5: {  	[sflag:s17] =	ssyncset.done $0x0  }
0xb6: {  	[sflag:s17] =	ssyncadd.s32 $0xFFFFFFB0  }
0xb7: {  	_ =	swait.ge [sflag:s17], $0x50  }
0xb8: {  	[sflag:s17] =	ssyncset.done $0x0  }
0xb9: {  	[sflag:s17] =	ssyncadd.s32 $0xFFFFFFB0  }
0xba: {  	_ =	swait.ge [sflag:s17], $0x50  }
0xbb: {  	s18 =	sadd.s32 $0x1, s18;
	[sflag:s17] =	ssyncset.done $0x0  }
0xbc: {  	p0 =	sne.s32 s18, s12;
	[sflag:s17] =	ssyncadd.s32 $0xFFFFFFB0  }
.Ltmp4:
0xbd: {  	[bflag:$0x0] =	sbarrier.arrive $0xFFFF;
	(pc) =	sbr.rel @p0 .LBB2_1-.Ltmp4, $4  }
0xbe: {  	[hbm:s11], [sflag:s6] =	dma.local [spmem:s13], $0x50  }
0xbf: {  	_ =	swait.ge [sflag:s14], $0x50  }
0xc0: {  	[sflag:s14] =	ssyncset.done $0x0  }
0xc1: {  	[sflag:s14] =	ssyncadd.s32 $0xFFFFFFB0  }
0xc2: {  	_ =	sfence.sel $0x180000  }
0xc3: {  	[bflag:$0x0] =	sbarrier.arrive $0xFFFF  }
0xc4: {  	p0 =	sne.s32 s1, $0x0;
	_ =	strace $0x90000047  }
0xc5: {  	s0 =	sadd.s32 @!p0 $0x100000, s0;
	[bflag:$0x2] =	sbarrier.arrive $0xFFFF  }
0xc6: {  	[sflag:s0] =	ssyncadd.tile.s32 @!p0 $0x1;
	_ =	shalt  }
.Lfunc_end2:
_tile_overlayer_lowered:
.L_overlay_start_2:
0xc7: {  	(tag) =	ssettag $0x2  }
0xc8: {  	s0 =	rddreg [dreg:$0x0];
	s2 =	stileid.u32  }
0xc9: {  	s1 =	rddreg [dreg:$0x1];
	p0 =	sne.s32 s2, $0x0  }
0xca: {  	s3 =	rddreg [dreg:$0x2];
	[bflag:$0x3] =	sbarrier.arrive $0xFFFF;
	s2 =	simm.s32 @!p0 $0x1C02  }
0xcb: {  	[timem:s3], [sflag:s2] =	dma.local @!p0 [hbm:s0], s1  }
0xcc: {  	s0 =	simm.s32 @!p0 $0x2  }
0xcd: {  	_ =	swait.ge @!p0 [sflag:s0], s1  }
0xce: {  	s1 =	ssub.s32 @!p0 $0x0, s1;
	[sflag:s0] =	ssyncset.done @!p0 $0x0  }
0xcf: {  	[sflag:s0] =	ssyncadd.s32 @!p0 s1  }
0xd0: {  	[bflag:$0x3] =	sbarrier.arrive $0xFFFF  }
0xd1: {  	_ =	shalt  }

</sc_bundles>
